<compile_context>
chip_gen: v7x
topology: tpu7x:2x2x1
jax: 0.10.2.dev20260603
libtpu: 0.0.44.dev20260713+nightly
codegen_flags: <defaults>
</compile_context>

<pallas_src>
import functools

import jax
import jax.numpy as jnp
from jax import lax
from jax.experimental import pallas as pl
from jax.experimental.pallas import tpu as pltpu
from jax.experimental.pallas import tpu_sc as plsc

INT_DIM = 32
EMB_DIM = 128
OUT_DIM = 256
LANES = 16
B = 400
BT = 1024


def _sc_embed(cols, tabs, E):
    info = plsc.get_sparse_core_info()
    nw = info.num_cores * info.num_subcores
    rows_per_w = E // nw
    assert rows_per_w % B == 0
    nblocks = rows_per_w // B
    assert nblocks % 2 == 0
    ngroups = B // LANES

    mesh = plsc.VectorSubcoreMesh(core_axis_name="c", subcore_axis_name="s")

    @functools.partial(
        pl.kernel,
        mesh=mesh,
        out_type=jax.ShapeDtypeStruct((E, OUT_DIM), jnp.float32),
        compiler_params=pltpu.CompilerParams(
            use_tc_tiling_on_sc=False, needs_layout_passes=False
        ),
        scratch_types=[
            [pltpu.VMEM(t.shape, jnp.float32) for t in tabs],
            [pltpu.VMEM((4, B), jnp.float32) for _ in range(2)],
            pltpu.VMEM((4, B), jnp.int32),
            [pltpu.VMEM((B, EMB_DIM), jnp.float32) for _ in range(2)],
            [pltpu.SemaphoreType.DMA for _ in range(2)],
            [pltpu.SemaphoreType.DMA for _ in range(2)],
        ],
    )
    def k(c0, c1, c2, c3, e0, e1, e2, e3, out_hbm,
          tabs_v, efs, idx_v, embs, ssems, wsems):
        cols_hbm = (c0, c1, c2, c3)
        tabs_hbm = (e0, e1, e2, e3)
        wid = lax.axis_index("s") * info.num_cores + lax.axis_index("c")
        w0 = wid * rows_per_w

        for th, tv in zip(tabs_hbm, tabs_v):
            pltpu.sync_copy(th, tv)
        iota = lax.iota(jnp.int32, LANES)
        iota_hi = iota + LANES
        cc = [jnp.full((LANES,), c, jnp.int32) for c in range(4)]

        def fire_stage(blk, s):
            base = w0 + blk * B
            for c in range(4):
                pltpu.async_copy(cols_hbm[c].at[pl.ds(base, B)], efs[s].at[c], ssems[s])

        fire_stage(0, 0)
        fire_stage(1, 1)

        def outer(bb, carry):
            for s in range(2):
                blk = bb * 2 + s
                base = w0 + blk * B

                for c in range(4):
                    pltpu.make_async_copy(
                        cols_hbm[c].at[pl.ds(base, B)], efs[s].at[c], ssems[s]
                    ).wait()

                @pl.when(bb > 0)
                def _drain_write():
                    pltpu.make_async_copy(
                        embs[s], out_hbm.at[pl.ds(base, B), pl.ds(0, EMB_DIM)], wsems[s]
                    ).wait()

                def grp(g, c2):
                    o = g * LANES
                    for c in range(4):
                        idx_v[c, pl.ds(o, LANES)] = efs[s][c, pl.ds(o, LANES)].astype(jnp.int32)
                    for r in range(LANES):
                        row = o + r
                        sel = jnp.full((LANES,), row, jnp.int32)
                        for c in range(4):
                            iv = plsc.load_gather(idx_v, [cc[c], sel])
                            lo = plsc.load_gather(tabs_v[c], [iv, iota])
                            hi = plsc.load_gather(tabs_v[c], [iv, iota_hi])
                            embs[s][row, pl.ds(INT_DIM * c, LANES)] = lo
                            embs[s][row, pl.ds(INT_DIM * c + LANES, LANES)] = hi
                    return c2

                lax.fori_loop(0, ngroups, grp, 0)

                pltpu.async_copy(
                    embs[s], out_hbm.at[pl.ds(base, B), pl.ds(0, EMB_DIM)], wsems[s]
                )

                @pl.when(blk + 2 < nblocks)
                def _prefetch():
                    fire_stage(blk + 2, s)
            return carry

        lax.fori_loop(0, nblocks // 2, outer, 0)

        for s in range(2):
            pltpu.make_async_copy(
                embs[s], out_hbm.at[pl.ds(0, B), pl.ds(0, EMB_DIM)], wsems[s]
            ).wait()

    return k(*cols, *tabs)


def _tc_linear(xall, amt, tim, wa, ba, wt, bt, E):
    def body(x_any, a_ref, t_ref, wa_ref, ba_ref, wt_ref, bt_ref, o_ref):
        o_ref[:, 0:64] = a_ref[:, :] * wa_ref[:, :] + ba_ref[:, :]
        o_ref[:, 64:128] = t_ref[:, :] * wt_ref[:, :] + bt_ref[:, :]

    return pl.pallas_call(
        body,
        grid=(E // BT,),
        in_specs=[
            pl.BlockSpec(memory_space=pl.ANY),
            pl.BlockSpec((BT, 1), lambda i: (i, 0)),
            pl.BlockSpec((BT, 1), lambda i: (i, 0)),
            pl.BlockSpec((1, 64), lambda i: (0, 0)),
            pl.BlockSpec((1, 64), lambda i: (0, 0)),
            pl.BlockSpec((1, 64), lambda i: (0, 0)),
            pl.BlockSpec((1, 64), lambda i: (0, 0)),
        ],
        out_specs=pl.BlockSpec((BT, 128), lambda i: (i, 1)),
        out_shape=jax.ShapeDtypeStruct((E, OUT_DIM), jnp.float32),
        input_output_aliases={0: 0},
    )(xall, amt, tim, wa, ba, wt, bt)


def kernel(edge_feature, emb0, emb1, emb2, emb3, W_amount, b_amount, W_time, b_time):
    E = edge_feature.shape[0]
    colsT = edge_feature.T
    cols = [colsT[i] for i in range(4)]
    x = _sc_embed(cols, (emb0, emb1, emb2, emb3), E)
    return _tc_linear(
        x,
        edge_feature[:, 4:5], edge_feature[:, 5:6],
        W_amount, b_amount.reshape(1, 64),
        W_time, b_time.reshape(1, 64),
        E,
    )

# --- scband reference (transcript-rebuilt; emitter-appended) ---
"""Pipeline reference for scband-transaction-edge-encoder-41068477284883 (READ-ONLY COPY).

The authoritative reference and input builder live on the scoring server;
editing this copy changes nothing except your own understanding.
"""

import jax, jax.numpy as jnp
import numpy as np

E = 640000
VOCABS = [50, 8, 252, 252]
INT_DIM = 32
AMT_DIM = 64
TIME_DIM = 64


def _xavier(key, shape):
    fan_in, fan_out = shape[0], shape[1]
    a = float(np.sqrt(6.0 / (fan_in + fan_out)))
    return jax.random.uniform(key, shape, jnp.float32, -a, a)


def setup_inputs(seed: int = 0) -> dict:
    key = jax.random.key(seed)
    ks = jax.random.split(key, 16)
    # first 4 columns: integer-valued categorical features stored as float (as in the torch batch)
    int_cols = [jax.random.randint(ks[i], (E,), 0, v).astype(jnp.float32) for i, v in enumerate(VOCABS)]
    amount = jax.random.normal(ks[4], (E,), jnp.float32)
    time_f = jax.random.normal(ks[5], (E,), jnp.float32)
    edge_feature = jnp.stack(int_cols + [amount, time_f], axis=1)
    inp = {"edge_feature": edge_feature}
    for i, v in enumerate(VOCABS):
        inp[f"emb{i}"] = _xavier(ks[6 + i], (v, INT_DIM))
    inp["W_amount"] = _xavier(ks[10], (1, AMT_DIM))
    inp["b_amount"] = jnp.zeros((AMT_DIM,), jnp.float32)
    inp["W_time"] = _xavier(ks[11], (1, TIME_DIM))
    inp["b_time"] = jnp.zeros((TIME_DIM,), jnp.float32)
    return inp


def reference(edge_feature, emb0, emb1, emb2, emb3, W_amount, b_amount, W_time, b_time):
    tables = [emb0, emb1, emb2, emb3]
    parts = []
    for i in range(4):
        idx = edge_feature[:, i].astype(jnp.int32)  # batch.edge_feature[:, i].long()
        parts.append(jnp.take(tables[i], idx, axis=0))
    parts.append(edge_feature[:, 4:5] @ W_amount + b_amount)  # linear_amount
    parts.append(edge_feature[:, 5:6] @ W_time + b_time)      # linear_time
    return jnp.concatenate(parts, axis=1)

if __name__ == "__main__":
    import jax
    _d = setup_inputs()
    print(jax.jit(kernel)(*tuple(_d.values())))

</pallas_src>

<mosaic_0001>
#map = affine_map<(d0, d1) -> (0)>
#map1 = affine_map<(d0, d1) -> (0, 0)>
module attributes {stable_mosaic.version = 14 : i64} {
  func.func @k(%arg0: i32, %arg1: i32, %arg2: memref<640000xf32, #tpu.memory_space<hbm>>, %arg3: memref<640000xf32, #tpu.memory_space<hbm>>, %arg4: memref<640000xf32, #tpu.memory_space<hbm>>, %arg5: memref<640000xf32, #tpu.memory_space<hbm>>, %arg6: memref<50x32xf32, #tpu.memory_space<hbm>>, %arg7: memref<8x32xf32, #tpu.memory_space<hbm>>, %arg8: memref<252x32xf32, #tpu.memory_space<hbm>>, %arg9: memref<252x32xf32, #tpu.memory_space<hbm>>, %arg10: memref<640000x256xf32, #tpu.memory_space<hbm>>, %arg11: memref<50x32xf32, #tpu.memory_space<vmem>>, %arg12: memref<8x32xf32, #tpu.memory_space<vmem>>, %arg13: memref<252x32xf32, #tpu.memory_space<vmem>>, %arg14: memref<252x32xf32, #tpu.memory_space<vmem>>, %arg15: memref<4x400xf32, #tpu.memory_space<vmem>>, %arg16: memref<4x400xf32, #tpu.memory_space<vmem>>, %arg17: memref<4x400xi32, #tpu.memory_space<vmem>>, %arg18: memref<400x128xf32, #tpu.memory_space<vmem>>, %arg19: memref<400x128xf32, #tpu.memory_space<vmem>>, %arg20: memref<!tpu.dma_semaphore, #tpu.memory_space<semaphore_mem>>, %arg21: memref<!tpu.dma_semaphore, #tpu.memory_space<semaphore_mem>>, %arg22: memref<!tpu.dma_semaphore, #tpu.memory_space<semaphore_mem>>, %arg23: memref<!tpu.dma_semaphore, #tpu.memory_space<semaphore_mem>>) attributes {dimension_semantics = [#tpu.dimension_semantics<core_parallel>, #tpu.dimension_semantics<subcore_parallel>], iteration_bounds = array<i64: 2, 16>, scalar_prefetch = 0 : i64, scratch_operands = 13 : i64, tpu.core_type = #tpu.core_type<sc_vector_subcore>, window_params = [{transform_indices = #map}, {transform_indices = #map}, {transform_indices = #map}, {transform_indices = #map}, {transform_indices = #map1}, {transform_indices = #map1}, {transform_indices = #map1}, {transform_indices = #map1}, {transform_indices = #map1}]} {
    %mul3A = arith.constant 2 : i32
    %mul3A_0 = arith.muli %arg1, %mul3A : i32
    %add3A = arith.addi %mul3A_0, %arg0 : i32
    %mul3A_1 = arith.constant 20000 : i32
    %mul3A_2 = arith.muli %add3A, %mul3A_1 : i32
    "tpu.region"() ({
      %run_scoped3A = tpu.sem_alloc : memref<!tpu.dma_semaphore, #tpu.memory_space<semaphore_mem>>
      tpu.enqueue_dma source(%arg6 : memref<50x32xf32, #tpu.memory_space<hbm>>) target(%arg11 : memref<50x32xf32, #tpu.memory_space<vmem>>) target_semaphore(%run_scoped3A : memref<!tpu.dma_semaphore, #tpu.memory_space<semaphore_mem>>)
      tpu.wait_dma2 semaphore(%run_scoped3A : memref<!tpu.dma_semaphore, #tpu.memory_space<semaphore_mem>>) src(%arg6 : memref<50x32xf32, #tpu.memory_space<hbm>>) dst(%arg11 : memref<50x32xf32, #tpu.memory_space<vmem>>)
      tpu.yield
    }) : () -> ()
    "tpu.region"() ({
      %run_scoped3A = tpu.sem_alloc : memref<!tpu.dma_semaphore, #tpu.memory_space<semaphore_mem>>
      tpu.enqueue_dma source(%arg7 : memref<8x32xf32, #tpu.memory_space<hbm>>) target(%arg12 : memref<8x32xf32, #tpu.memory_space<vmem>>) target_semaphore(%run_scoped3A : memref<!tpu.dma_semaphore, #tpu.memory_space<semaphore_mem>>)
      tpu.wait_dma2 semaphore(%run_scoped3A : memref<!tpu.dma_semaphore, #tpu.memory_space<semaphore_mem>>) src(%arg7 : memref<8x32xf32, #tpu.memory_space<hbm>>) dst(%arg12 : memref<8x32xf32, #tpu.memory_space<vmem>>)
      tpu.yield
    }) : () -> ()
    "tpu.region"() ({
      %run_scoped3A = tpu.sem_alloc : memref<!tpu.dma_semaphore, #tpu.memory_space<semaphore_mem>>
      tpu.enqueue_dma source(%arg8 : memref<252x32xf32, #tpu.memory_space<hbm>>) target(%arg13 : memref<252x32xf32, #tpu.memory_space<vmem>>) target_semaphore(%run_scoped3A : memref<!tpu.dma_semaphore, #tpu.memory_space<semaphore_mem>>)
      tpu.wait_dma2 semaphore(%run_scoped3A : memref<!tpu.dma_semaphore, #tpu.memory_space<semaphore_mem>>) src(%arg8 : memref<252x32xf32, #tpu.memory_space<hbm>>) dst(%arg13 : memref<252x32xf32, #tpu.memory_space<vmem>>)
      tpu.yield
    }) : () -> ()
    "tpu.region"() ({
      %run_scoped3A = tpu.sem_alloc : memref<!tpu.dma_semaphore, #tpu.memory_space<semaphore_mem>>
      tpu.enqueue_dma source(%arg9 : memref<252x32xf32, #tpu.memory_space<hbm>>) target(%arg14 : memref<252x32xf32, #tpu.memory_space<vmem>>) target_semaphore(%run_scoped3A : memref<!tpu.dma_semaphore, #tpu.memory_space<semaphore_mem>>)
      tpu.wait_dma2 semaphore(%run_scoped3A : memref<!tpu.dma_semaphore, #tpu.memory_space<semaphore_mem>>) src(%arg9 : memref<252x32xf32, #tpu.memory_space<hbm>>) dst(%arg14 : memref<252x32xf32, #tpu.memory_space<vmem>>)
      tpu.yield
    }) : () -> ()
    %iota3A = tpu.iota {dimensions = array<i32: 0>} : vector<16xi32>
    %add3A_3 = arith.constant 16 : i32
    %add3A_4 = vector.broadcast %add3A_3 : i32 to vector<16xi32>
    %add3A_5 = arith.addi %iota3A, %add3A_4 : vector<16xi32>
    %broadcast_in_dim3A = arith.constant 0 : i32
    %broadcast_in_dim3A_6 = vector.broadcast %broadcast_in_dim3A : i32 to vector<16xi32>
    %broadcast_in_dim3A_7 = arith.constant 1 : i32
    %broadcast_in_dim3A_8 = vector.broadcast %broadcast_in_dim3A_7 : i32 to vector<16xi32>
    %broadcast_in_dim3A_9 = arith.constant 2 : i32
    %broadcast_in_dim3A_10 = vector.broadcast %broadcast_in_dim3A_9 : i32 to vector<16xi32>
    %broadcast_in_dim3A_11 = arith.constant 3 : i32
    %broadcast_in_dim3A_12 = vector.broadcast %broadcast_in_dim3A_11 : i32 to vector<16xi32>
    %add3A_13 = arith.constant 0 : i32
    %add3A_14 = arith.addi %mul3A_2, %add3A_13 : i32
    %dma_start3A = arith.constant 0 : i32
    %dma_start3A_15 = arith.constant 0 : i32
    %dma_start3A_16 = tpu.memref_slice %arg15[%dma_start3A, %dma_start3A_15] : memref<4x400xf32, #tpu.memory_space<vmem>> -> memref<1x400xf32, #tpu.memory_space<vmem>>
    %dma_start3A_17 = tpu.memref_squeeze %dma_start3A_16 : memref<1x400xf32, #tpu.memory_space<vmem>> -> memref<400xf32, #tpu.memory_space<vmem>>
    %dma_start3A_18 = tpu.memref_slice %arg2[%add3A_14] : memref<640000xf32, #tpu.memory_space<hbm>> -> memref<400xf32, #tpu.memory_space<hbm>>
    %dma_start3A_19 = arith.constant 0 : i32
    %dma_start3A_20 = tpu.memref_slice %arg15[%dma_start3A, %dma_start3A_19] : memref<4x400xf32, #tpu.memory_space<vmem>> -> memref<1x400xf32, #tpu.memory_space<vmem>>
    %dma_start3A_21 = tpu.memref_squeeze %dma_start3A_20 : memref<1x400xf32, #tpu.memory_space<vmem>> -> memref<400xf32, #tpu.memory_space<vmem>>
    %dma_start3A_22 = tpu.memref_slice %arg2[%add3A_14] : memref<640000xf32, #tpu.memory_space<hbm>> -> memref<400xf32, #tpu.memory_space<hbm>>
    tpu.enqueue_dma source(%dma_start3A_22 : memref<400xf32, #tpu.memory_space<hbm>>) target(%dma_start3A_21 : memref<400xf32, #tpu.memory_space<vmem>>) target_semaphore(%arg20 : memref<!tpu.dma_semaphore, #tpu.memory_space<semaphore_mem>>)
    %dma_start3A_23 = arith.constant 1 : i32
    %dma_start3A_24 = arith.constant 0 : i32
    %dma_start3A_25 = tpu.memref_slice %arg15[%dma_start3A_23, %dma_start3A_24] : memref<4x400xf32, #tpu.memory_space<vmem>> -> memref<1x400xf32, #tpu.memory_space<vmem>>
    %dma_start3A_26 = tpu.memref_squeeze %dma_start3A_25 : memref<1x400xf32, #tpu.memory_space<vmem>> -> memref<400xf32, #tpu.memory_space<vmem>>
    %dma_start3A_27 = tpu.memref_slice %arg3[%add3A_14] : memref<640000xf32, #tpu.memory_space<hbm>> -> memref<400xf32, #tpu.memory_space<hbm>>
    %dma_start3A_28 = arith.constant 0 : i32
    %dma_start3A_29 = tpu.memref_slice %arg15[%dma_start3A_23, %dma_start3A_28] : memref<4x400xf32, #tpu.memory_space<vmem>> -> memref<1x400xf32, #tpu.memory_space<vmem>>
    %dma_start3A_30 = tpu.memref_squeeze %dma_start3A_29 : memref<1x400xf32, #tpu.memory_space<vmem>> -> memref<400xf32, #tpu.memory_space<vmem>>
    %dma_start3A_31 = tpu.memref_slice %arg3[%add3A_14] : memref<640000xf32, #tpu.memory_space<hbm>> -> memref<400xf32, #tpu.memory_space<hbm>>
    tpu.enqueue_dma source(%dma_start3A_31 : memref<400xf32, #tpu.memory_space<hbm>>) target(%dma_start3A_30 : memref<400xf32, #tpu.memory_space<vmem>>) target_semaphore(%arg20 : memref<!tpu.dma_semaphore, #tpu.memory_space<semaphore_mem>>)
    %dma_start3A_32 = arith.constant 2 : i32
    %dma_start3A_33 = arith.constant 0 : i32
    %dma_start3A_34 = tpu.memref_slice %arg15[%dma_start3A_32, %dma_start3A_33] : memref<4x400xf32, #tpu.memory_space<vmem>> -> memref<1x400xf32, #tpu.memory_space<vmem>>
    %dma_start3A_35 = tpu.memref_squeeze %dma_start3A_34 : memref<1x400xf32, #tpu.memory_space<vmem>> -> memref<400xf32, #tpu.memory_space<vmem>>
    %dma_start3A_36 = tpu.memref_slice %arg4[%add3A_14] : memref<640000xf32, #tpu.memory_space<hbm>> -> memref<400xf32, #tpu.memory_space<hbm>>
    %dma_start3A_37 = arith.constant 0 : i32
    %dma_start3A_38 = tpu.memref_slice %arg15[%dma_start3A_32, %dma_start3A_37] : memref<4x400xf32, #tpu.memory_space<vmem>> -> memref<1x400xf32, #tpu.memory_space<vmem>>
    %dma_start3A_39 = tpu.memref_squeeze %dma_start3A_38 : memref<1x400xf32, #tpu.memory_space<vmem>> -> memref<400xf32, #tpu.memory_space<vmem>>
    %dma_start3A_40 = tpu.memref_slice %arg4[%add3A_14] : memref<640000xf32, #tpu.memory_space<hbm>> -> memref<400xf32, #tpu.memory_space<hbm>>
    tpu.enqueue_dma source(%dma_start3A_40 : memref<400xf32, #tpu.memory_space<hbm>>) target(%dma_start3A_39 : memref<400xf32, #tpu.memory_space<vmem>>) target_semaphore(%arg20 : memref<!tpu.dma_semaphore, #tpu.memory_space<semaphore_mem>>)
    %dma_start3A_41 = arith.constant 3 : i32
    %dma_start3A_42 = arith.constant 0 : i32
    %dma_start3A_43 = tpu.memref_slice %arg15[%dma_start3A_41, %dma_start3A_42] : memref<4x400xf32, #tpu.memory_space<vmem>> -> memref<1x400xf32, #tpu.memory_space<vmem>>
    %dma_start3A_44 = tpu.memref_squeeze %dma_start3A_43 : memref<1x400xf32, #tpu.memory_space<vmem>> -> memref<400xf32, #tpu.memory_space<vmem>>
    %dma_start3A_45 = tpu.memref_slice %arg5[%add3A_14] : memref<640000xf32, #tpu.memory_space<hbm>> -> memref<400xf32, #tpu.memory_space<hbm>>
    %dma_start3A_46 = arith.constant 0 : i32
    %dma_start3A_47 = tpu.memref_slice %arg15[%dma_start3A_41, %dma_start3A_46] : memref<4x400xf32, #tpu.memory_space<vmem>> -> memref<1x400xf32, #tpu.memory_space<vmem>>
    %dma_start3A_48 = tpu.memref_squeeze %dma_start3A_47 : memref<1x400xf32, #tpu.memory_space<vmem>> -> memref<400xf32, #tpu.memory_space<vmem>>
    %dma_start3A_49 = tpu.memref_slice %arg5[%add3A_14] : memref<640000xf32, #tpu.memory_space<hbm>> -> memref<400xf32, #tpu.memory_space<hbm>>
    tpu.enqueue_dma source(%dma_start3A_49 : memref<400xf32, #tpu.memory_space<hbm>>) target(%dma_start3A_48 : memref<400xf32, #tpu.memory_space<vmem>>) target_semaphore(%arg20 : memref<!tpu.dma_semaphore, #tpu.memory_space<semaphore_mem>>)
    %add3A_50 = arith.constant 400 : i32
    %add3A_51 = arith.addi %mul3A_2, %add3A_50 : i32
    %dma_start3A_52 = arith.constant 0 : i32
    %dma_start3A_53 = arith.constant 0 : i32
    %dma_start3A_54 = tpu.memref_slice %arg16[%dma_start3A_52, %dma_start3A_53] : memref<4x400xf32, #tpu.memory_space<vmem>> -> memref<1x400xf32, #tpu.memory_space<vmem>>
    %dma_start3A_55 = tpu.memref_squeeze %dma_start3A_54 : memref<1x400xf32, #tpu.memory_space<vmem>> -> memref<400xf32, #tpu.memory_space<vmem>>
    %dma_start3A_56 = tpu.memref_slice %arg2[%add3A_51] : memref<640000xf32, #tpu.memory_space<hbm>> -> memref<400xf32, #tpu.memory_space<hbm>>
    %dma_start3A_57 = arith.constant 0 : i32
    %dma_start3A_58 = tpu.memref_slice %arg16[%dma_start3A_52, %dma_start3A_57] : memref<4x400xf32, #tpu.memory_space<vmem>> -> memref<1x400xf32, #tpu.memory_space<vmem>>
    %dma_start3A_59 = tpu.memref_squeeze %dma_start3A_58 : memref<1x400xf32, #tpu.memory_space<vmem>> -> memref<400xf32, #tpu.memory_space<vmem>>
    %dma_start3A_60 = tpu.memref_slice %arg2[%add3A_51] : memref<640000xf32, #tpu.memory_space<hbm>> -> memref<400xf32, #tpu.memory_space<hbm>>
    tpu.enqueue_dma source(%dma_start3A_60 : memref<400xf32, #tpu.memory_space<hbm>>) target(%dma_start3A_59 : memref<400xf32, #tpu.memory_space<vmem>>) target_semaphore(%arg21 : memref<!tpu.dma_semaphore, #tpu.memory_space<semaphore_mem>>)
    %dma_start3A_61 = arith.constant 1 : i32
    %dma_start3A_62 = arith.constant 0 : i32
    %dma_start3A_63 = tpu.memref_slice %arg16[%dma_start3A_61, %dma_start3A_62] : memref<4x400xf32, #tpu.memory_space<vmem>> -> memref<1x400xf32, #tpu.memory_space<vmem>>
    %dma_start3A_64 = tpu.memref_squeeze %dma_start3A_63 : memref<1x400xf32, #tpu.memory_space<vmem>> -> memref<400xf32, #tpu.memory_space<vmem>>
    %dma_start3A_65 = tpu.memref_slice %arg3[%add3A_51] : memref<640000xf32, #tpu.memory_space<hbm>> -> memref<400xf32, #tpu.memory_space<hbm>>
    %dma_start3A_66 = arith.constant 0 : i32
    %dma_start3A_67 = tpu.memref_slice %arg16[%dma_start3A_61, %dma_start3A_66] : memref<4x400xf32, #tpu.memory_space<vmem>> -> memref<1x400xf32, #tpu.memory_space<vmem>>
    %dma_start3A_68 = tpu.memref_squeeze %dma_start3A_67 : memref<1x400xf32, #tpu.memory_space<vmem>> -> memref<400xf32, #tpu.memory_space<vmem>>
    %dma_start3A_69 = tpu.memref_slice %arg3[%add3A_51] : memref<640000xf32, #tpu.memory_space<hbm>> -> memref<400xf32, #tpu.memory_space<hbm>>
    tpu.enqueue_dma source(%dma_start3A_69 : memref<400xf32, #tpu.memory_space<hbm>>) target(%dma_start3A_68 : memref<400xf32, #tpu.memory_space<vmem>>) target_semaphore(%arg21 : memref<!tpu.dma_semaphore, #tpu.memory_space<semaphore_mem>>)
    %dma_start3A_70 = arith.constant 2 : i32
    %dma_start3A_71 = arith.constant 0 : i32
    %dma_start3A_72 = tpu.memref_slice %arg16[%dma_start3A_70, %dma_start3A_71] : memref<4x400xf32, #tpu.memory_space<vmem>> -> memref<1x400xf32, #tpu.memory_space<vmem>>
    %dma_start3A_73 = tpu.memref_squeeze %dma_start3A_72 : memref<1x400xf32, #tpu.memory_space<vmem>> -> memref<400xf32, #tpu.memory_space<vmem>>
    %dma_start3A_74 = tpu.memref_slice %arg4[%add3A_51] : memref<640000xf32, #tpu.memory_space<hbm>> -> memref<400xf32, #tpu.memory_space<hbm>>
    %dma_start3A_75 = arith.constant 0 : i32
    %dma_start3A_76 = tpu.memref_slice %arg16[%dma_start3A_70, %dma_start3A_75] : memref<4x400xf32, #tpu.memory_space<vmem>> -> memref<1x400xf32, #tpu.memory_space<vmem>>
    %dma_start3A_77 = tpu.memref_squeeze %dma_start3A_76 : memref<1x400xf32, #tpu.memory_space<vmem>> -> memref<400xf32, #tpu.memory_space<vmem>>
    %dma_start3A_78 = tpu.memref_slice %arg4[%add3A_51] : memref<640000xf32, #tpu.memory_space<hbm>> -> memref<400xf32, #tpu.memory_space<hbm>>
    tpu.enqueue_dma source(%dma_start3A_78 : memref<400xf32, #tpu.memory_space<hbm>>) target(%dma_start3A_77 : memref<400xf32, #tpu.memory_space<vmem>>) target_semaphore(%arg21 : memref<!tpu.dma_semaphore, #tpu.memory_space<semaphore_mem>>)
    %dma_start3A_79 = arith.constant 3 : i32
    %dma_start3A_80 = arith.constant 0 : i32
    %dma_start3A_81 = tpu.memref_slice %arg16[%dma_start3A_79, %dma_start3A_80] : memref<4x400xf32, #tpu.memory_space<vmem>> -> memref<1x400xf32, #tpu.memory_space<vmem>>
    %dma_start3A_82 = tpu.memref_squeeze %dma_start3A_81 : memref<1x400xf32, #tpu.memory_space<vmem>> -> memref<400xf32, #tpu.memory_space<vmem>>
    %dma_start3A_83 = tpu.memref_slice %arg5[%add3A_51] : memref<640000xf32, #tpu.memory_space<hbm>> -> memref<400xf32, #tpu.memory_space<hbm>>
    %dma_start3A_84 = arith.constant 0 : i32
    %dma_start3A_85 = tpu.memref_slice %arg16[%dma_start3A_79, %dma_start3A_84] : memref<4x400xf32, #tpu.memory_space<vmem>> -> memref<1x400xf32, #tpu.memory_space<vmem>>
    %dma_start3A_86 = tpu.memref_squeeze %dma_start3A_85 : memref<1x400xf32, #tpu.memory_space<vmem>> -> memref<400xf32, #tpu.memory_space<vmem>>
    %dma_start3A_87 = tpu.memref_slice %arg5[%add3A_51] : memref<640000xf32, #tpu.memory_space<hbm>> -> memref<400xf32, #tpu.memory_space<hbm>>
    tpu.enqueue_dma source(%dma_start3A_87 : memref<400xf32, #tpu.memory_space<hbm>>) target(%dma_start3A_86 : memref<400xf32, #tpu.memory_space<vmem>>) target_semaphore(%arg21 : memref<!tpu.dma_semaphore, #tpu.memory_space<semaphore_mem>>)
    %scan3A = arith.constant 0 : i32
    %scan3A_88 = arith.constant 0 : i32
    %scan3A_89 = arith.constant 25 : i32
    %scan3A_90 = arith.addi %scan3A_88, %scan3A_89 : i32
    %scan3A_91 = arith.constant 1 : i32
    scf.for %scan3A_104 = %scan3A_88 to %scan3A_90 step %scan3A_91  : i32 {
      %mul3A_105 = arith.constant 2 : i32
      %mul3A_106 = arith.muli %scan3A_104, %mul3A_105 : i32
      %add3A_107 = arith.constant 0 : i32
      %add3A_108 = arith.addi %mul3A_106, %add3A_107 : i32
      %mul3A_109 = arith.constant 400 : i32
      %mul3A_110 = arith.muli %add3A_108, %mul3A_109 : i32
      %add3A_111 = arith.addi %mul3A_2, %mul3A_110 : i32
      %dma_wait3A_112 = arith.constant 0 : i32
      %dma_wait3A_113 = arith.constant 0 : i32
      %dma_wait3A_114 = tpu.memref_slice %arg15[%dma_wait3A_112, %dma_wait3A_113] : memref<4x400xf32, #tpu.memory_space<vmem>> -> memref<1x400xf32, #tpu.memory_space<vmem>>
      %dma_wait3A_115 = tpu.memref_squeeze %dma_wait3A_114 : memref<1x400xf32, #tpu.memory_space<vmem>> -> memref<400xf32, #tpu.memory_space<vmem>>
      %dma_wait3A_116 = tpu.memref_slice %arg2[%add3A_111] : memref<640000xf32, #tpu.memory_space<hbm>> -> memref<400xf32, #tpu.memory_space<hbm>>
      %dma_wait3A_117 = arith.constant 0 : i32
      %dma_wait3A_118 = tpu.memref_slice %arg15[%dma_wait3A_112, %dma_wait3A_117] : memref<4x400xf32, #tpu.memory_space<vmem>> -> memref<1x400xf32, #tpu.memory_space<vmem>>
      %dma_wait3A_119 = tpu.memref_squeeze %dma_wait3A_118 : memref<1x400xf32, #tpu.memory_space<vmem>> -> memref<400xf32, #tpu.memory_space<vmem>>
      %dma_wait3A_120 = tpu.memref_slice %arg2[%add3A_111] : memref<640000xf32, #tpu.memory_space<hbm>> -> memref<400xf32, #tpu.memory_space<hbm>>
      tpu.wait_dma2 semaphore(%arg20 : memref<!tpu.dma_semaphore, #tpu.memory_space<semaphore_mem>>) src(%dma_wait3A_120 : memref<400xf32, #tpu.memory_space<hbm>>) dst(%dma_wait3A_119 : memref<400xf32, #tpu.memory_space<vmem>>)
      %dma_wait3A_121 = arith.constant 1 : i32
      %dma_wait3A_122 = arith.constant 0 : i32
      %dma_wait3A_123 = tpu.memref_slice %arg15[%dma_wait3A_121, %dma_wait3A_122] : memref<4x400xf32, #tpu.memory_space<vmem>> -> memref<1x400xf32, #tpu.memory_space<vmem>>
      %dma_wait3A_124 = tpu.memref_squeeze %dma_wait3A_123 : memref<1x400xf32, #tpu.memory_space<vmem>> -> memref<400xf32, #tpu.memory_space<vmem>>
      %dma_wait3A_125 = tpu.memref_slice %arg3[%add3A_111] : memref<640000xf32, #tpu.memory_space<hbm>> -> memref<400xf32, #tpu.memory_space<hbm>>
      %dma_wait3A_126 = arith.constant 0 : i32
      %dma_wait3A_127 = tpu.memref_slice %arg15[%dma_wait3A_121, %dma_wait3A_126] : memref<4x400xf32, #tpu.memory_space<vmem>> -> memref<1x400xf32, #tpu.memory_space<vmem>>
      %dma_wait3A_128 = tpu.memref_squeeze %dma_wait3A_127 : memref<1x400xf32, #tpu.memory_space<vmem>> -> memref<400xf32, #tpu.memory_space<vmem>>
      %dma_wait3A_129 = tpu.memref_slice %arg3[%add3A_111] : memref<640000xf32, #tpu.memory_space<hbm>> -> memref<400xf32, #tpu.memory_space<hbm>>
      tpu.wait_dma2 semaphore(%arg20 : memref<!tpu.dma_semaphore, #tpu.memory_space<semaphore_mem>>) src(%dma_wait3A_129 : memref<400xf32, #tpu.memory_space<hbm>>) dst(%dma_wait3A_128 : memref<400xf32, #tpu.memory_space<vmem>>)
      %dma_wait3A_130 = arith.constant 2 : i32
      %dma_wait3A_131 = arith.constant 0 : i32
      %dma_wait3A_132 = tpu.memref_slice %arg15[%dma_wait3A_130, %dma_wait3A_131] : memref<4x400xf32, #tpu.memory_space<vmem>> -> memref<1x400xf32, #tpu.memory_space<vmem>>
      %dma_wait3A_133 = tpu.memref_squeeze %dma_wait3A_132 : memref<1x400xf32, #tpu.memory_space<vmem>> -> memref<400xf32, #tpu.memory_space<vmem>>
      %dma_wait3A_134 = tpu.memref_slice %arg4[%add3A_111] : memref<640000xf32, #tpu.memory_space<hbm>> -> memref<400xf32, #tpu.memory_space<hbm>>
      %dma_wait3A_135 = arith.constant 0 : i32
      %dma_wait3A_136 = tpu.memref_slice %arg15[%dma_wait3A_130, %dma_wait3A_135] : memref<4x400xf32, #tpu.memory_space<vmem>> -> memref<1x400xf32, #tpu.memory_space<vmem>>
      %dma_wait3A_137 = tpu.memref_squeeze %dma_wait3A_136 : memref<1x400xf32, #tpu.memory_space<vmem>> -> memref<400xf32, #tpu.memory_space<vmem>>
      %dma_wait3A_138 = tpu.memref_slice %arg4[%add3A_111] : memref<640000xf32, #tpu.memory_space<hbm>> -> memref<400xf32, #tpu.memory_space<hbm>>
      tpu.wait_dma2 semaphore(%arg20 : memref<!tpu.dma_semaphore, #tpu.memory_space<semaphore_mem>>) src(%dma_wait3A_138 : memref<400xf32, #tpu.memory_space<hbm>>) dst(%dma_wait3A_137 : memref<400xf32, #tpu.memory_space<vmem>>)
      %dma_wait3A_139 = arith.constant 3 : i32
      %dma_wait3A_140 = arith.constant 0 : i32
      %dma_wait3A_141 = tpu.memref_slice %arg15[%dma_wait3A_139, %dma_wait3A_140] : memref<4x400xf32, #tpu.memory_space<vmem>> -> memref<1x400xf32, #tpu.memory_space<vmem>>
      %dma_wait3A_142 = tpu.memref_squeeze %dma_wait3A_141 : memref<1x400xf32, #tpu.memory_space<vmem>> -> memref<400xf32, #tpu.memory_space<vmem>>
      %dma_wait3A_143 = tpu.memref_slice %arg5[%add3A_111] : memref<640000xf32, #tpu.memory_space<hbm>> -> memref<400xf32, #tpu.memory_space<hbm>>
      %dma_wait3A_144 = arith.constant 0 : i32
      %dma_wait3A_145 = tpu.memref_slice %arg15[%dma_wait3A_139, %dma_wait3A_144] : memref<4x400xf32, #tpu.memory_space<vmem>> -> memref<1x400xf32, #tpu.memory_space<vmem>>
      %dma_wait3A_146 = tpu.memref_squeeze %dma_wait3A_145 : memref<1x400xf32, #tpu.memory_space<vmem>> -> memref<400xf32, #tpu.memory_space<vmem>>
      %dma_wait3A_147 = tpu.memref_slice %arg5[%add3A_111] : memref<640000xf32, #tpu.memory_space<hbm>> -> memref<400xf32, #tpu.memory_space<hbm>>
      tpu.wait_dma2 semaphore(%arg20 : memref<!tpu.dma_semaphore, #tpu.memory_space<semaphore_mem>>) src(%dma_wait3A_147 : memref<400xf32, #tpu.memory_space<hbm>>) dst(%dma_wait3A_146 : memref<400xf32, #tpu.memory_space<vmem>>)
      %gt3A = arith.constant 0 : i32
      %gt3A_148 = arith.cmpi sgt, %scan3A_104, %gt3A : i32
      %convert_element_type3A = arith.extui %gt3A_148 : i1 to i32
      %cond3A = arith.constant 0 : i32
      %cond3A_149 = arith.cmpi ne, %convert_element_type3A, %cond3A : i32
      scf.if %cond3A_149 {
        %dma_wait3A_231 = arith.constant 0 : i32
        %dma_wait3A_232 = tpu.memref_slice %arg10[%add3A_111, %dma_wait3A_231] : memref<640000x256xf32, #tpu.memory_space<hbm>> -> memref<400x128xf32, #tpu.memory_space<hbm>>
        %dma_wait3A_233 = arith.constant 0 : i32
        %dma_wait3A_234 = tpu.memref_slice %arg10[%add3A_111, %dma_wait3A_233] : memref<640000x256xf32, #tpu.memory_space<hbm>> -> memref<400x128xf32, #tpu.memory_space<hbm>>
        tpu.wait_dma2 semaphore(%arg22 : memref<!tpu.dma_semaphore, #tpu.memory_space<semaphore_mem>>) src(%arg18 : memref<400x128xf32, #tpu.memory_space<vmem>>) dst(%dma_wait3A_234 : memref<400x128xf32, #tpu.memory_space<hbm>>)
      } else {
      }
      %scan3A_150 = arith.constant 0 : i32
      %scan3A_151 = arith.constant 0 : i32
      %scan3A_152 = arith.constant 25 : i32
      %scan3A_153 = arith.addi %scan3A_151, %scan3A_152 : i32
      %scan3A_154 = arith.constant 1 : i32
      scf.for %scan3A_231 = %scan3A_151 to %scan3A_153 step %scan3A_154  : i32 {
        %mul3A_232 = arith.constant 16 : i32
        %mul3A_233 = arith.muli %scan3A_231, %mul3A_232 : i32
        %get3A = arith.constant 0 : i32
        %get3A_234 = arith.index_cast %get3A : i32 to index
        %get3A_235 = arith.index_cast %mul3A_233 : i32 to index
        %get3A_236 = tpu.vector_load %arg15[%get3A_234, %get3A_235] {strides = array<i32>} : memref<4x400xf32, #tpu.memory_space<vmem>>, vector<16xf32>,
        %convert_element_type3A_237 = arith.fptosi %get3A_236 : vector<16xf32> to vector<16xi32>
        %swap3A = arith.constant 0 : i32
        %swap3A_238 = arith.index_cast %swap3A : i32 to index
        %swap3A_239 = arith.index_cast %mul3A_233 : i32 to index
        %swap3A_240 = tpu.vector_load %arg17[%swap3A_238, %swap3A_239] {strides = array<i32>} : memref<4x400xi32, #tpu.memory_space<vmem>>, vector<16xi32>,
        tpu.vector_store %arg17[%swap3A_238, %swap3A_239], %convert_element_type3A_237 {strides = array<i32>} : memref<4x400xi32, #tpu.memory_space<vmem>>, vector<16xi32>,
        %get3A_241 = arith.constant 1 : i32
        %get3A_242 = arith.index_cast %get3A_241 : i32 to index
        %get3A_243 = arith.index_cast %mul3A_233 : i32 to index
        %get3A_244 = tpu.vector_load %arg15[%get3A_242, %get3A_243] {strides = array<i32>} : memref<4x400xf32, #tpu.memory_space<vmem>>, vector<16xf32>,
        %convert_element_type3A_245 = arith.fptosi %get3A_244 : vector<16xf32> to vector<16xi32>
        %swap3A_246 = arith.constant 1 : i32
        %swap3A_247 = arith.index_cast %swap3A_246 : i32 to index
        %swap3A_248 = arith.index_cast %mul3A_233 : i32 to index
        %swap3A_249 = tpu.vector_load %arg17[%swap3A_247, %swap3A_248] {strides = array<i32>} : memref<4x400xi32, #tpu.memory_space<vmem>>, vector<16xi32>,
        tpu.vector_store %arg17[%swap3A_247, %swap3A_248], %convert_element_type3A_245 {strides = array<i32>} : memref<4x400xi32, #tpu.memory_space<vmem>>, vector<16xi32>,
        %get3A_250 = arith.constant 2 : i32
        %get3A_251 = arith.index_cast %get3A_250 : i32 to index
        %get3A_252 = arith.index_cast %mul3A_233 : i32 to index
        %get3A_253 = tpu.vector_load %arg15[%get3A_251, %get3A_252] {strides = array<i32>} : memref<4x400xf32, #tpu.memory_space<vmem>>, vector<16xf32>,
        %convert_element_type3A_254 = arith.fptosi %get3A_253 : vector<16xf32> to vector<16xi32>
        %swap3A_255 = arith.constant 2 : i32
        %swap3A_256 = arith.index_cast %swap3A_255 : i32 to index
        %swap3A_257 = arith.index_cast %mul3A_233 : i32 to index
        %swap3A_258 = tpu.vector_load %arg17[%swap3A_256, %swap3A_257] {strides = array<i32>} : memref<4x400xi32, #tpu.memory_space<vmem>>, vector<16xi32>,
        tpu.vector_store %arg17[%swap3A_256, %swap3A_257], %convert_element_type3A_254 {strides = array<i32>} : memref<4x400xi32, #tpu.memory_space<vmem>>, vector<16xi32>,
        %get3A_259 = arith.constant 3 : i32
        %get3A_260 = arith.index_cast %get3A_259 : i32 to index
        %get3A_261 = arith.index_cast %mul3A_233 : i32 to index
        %get3A_262 = tpu.vector_load %arg15[%get3A_260, %get3A_261] {strides = array<i32>} : memref<4x400xf32, #tpu.memory_space<vmem>>, vector<16xf32>,
        %convert_element_type3A_263 = arith.fptosi %get3A_262 : vector<16xf32> to vector<16xi32>
        %swap3A_264 = arith.constant 3 : i32
        %swap3A_265 = arith.index_cast %swap3A_264 : i32 to index
        %swap3A_266 = arith.index_cast %mul3A_233 : i32 to index
        %swap3A_267 = tpu.vector_load %arg17[%swap3A_265, %swap3A_266] {strides = array<i32>} : memref<4x400xi32, #tpu.memory_space<vmem>>, vector<16xi32>,
        tpu.vector_store %arg17[%swap3A_265, %swap3A_266], %convert_element_type3A_263 {strides = array<i32>} : memref<4x400xi32, #tpu.memory_space<vmem>>, vector<16xi32>,
        %add3A_268 = arith.constant 0 : i32
        %add3A_269 = arith.addi %mul3A_233, %add3A_268 : i32
        %broadcast_in_dim3A_270 = vector.broadcast %add3A_269 : i32 to vector<16xi32>
        %gather3A = tpu.vector_load_idx %arg17[%broadcast_in_dim3A_6, %broadcast_in_dim3A_270] : memref<4x400xi32, #tpu.memory_space<vmem>>[vector<16xi32>, vector<16xi32>], vector<16xi32>,
        %gather3A_271 = tpu.vector_load_idx %arg11[%gather3A, %iota3A] : memref<50x32xf32, #tpu.memory_space<vmem>>[vector<16xi32>, vector<16xi32>], vector<16xf32>,
        %gather3A_272 = tpu.vector_load_idx %arg11[%gather3A, %add3A_5] : memref<50x32xf32, #tpu.memory_space<vmem>>[vector<16xi32>, vector<16xi32>], vector<16xf32>,
        %swap3A_273 = arith.index_cast %add3A_269 : i32 to index
        %swap3A_274 = arith.constant 0 : index
        %swap3A_275 = tpu.vector_load %arg18[%swap3A_273, %swap3A_274] {strides = array<i32>} : memref<400x128xf32, #tpu.memory_space<vmem>>, vector<16xf32>,
        tpu.vector_store %arg18[%swap3A_273, %swap3A_274], %gather3A_271 {strides = array<i32>} : memref<400x128xf32, #tpu.memory_space<vmem>>, vector<16xf32>,
        %swap3A_276 = arith.index_cast %add3A_269 : i32 to index
        %swap3A_277 = arith.constant 16 : index
        %swap3A_278 = tpu.vector_load %arg18[%swap3A_276, %swap3A_277] {strides = array<i32>} : memref<400x128xf32, #tpu.memory_space<vmem>>, vector<16xf32>,
        tpu.vector_store %arg18[%swap3A_276, %swap3A_277], %gather3A_272 {strides = array<i32>} : memref<400x128xf32, #tpu.memory_space<vmem>>, vector<16xf32>,
        %gather3A_279 = tpu.vector_load_idx %arg17[%broadcast_in_dim3A_8, %broadcast_in_dim3A_270] : memref<4x400xi32, #tpu.memory_space<vmem>>[vector<16xi32>, vector<16xi32>], vector<16xi32>,
        %gather3A_280 = tpu.vector_load_idx %arg12[%gather3A_279, %iota3A] : memref<8x32xf32, #tpu.memory_space<vmem>>[vector<16xi32>, vector<16xi32>], vector<16xf32>,
        %gather3A_281 = tpu.vector_load_idx %arg12[%gather3A_279, %add3A_5] : memref<8x32xf32, #tpu.memory_space<vmem>>[vector<16xi32>, vector<16xi32>], vector<16xf32>,
        %swap3A_282 = arith.index_cast %add3A_269 : i32 to index
        %swap3A_283 = arith.constant 32 : index
        %swap3A_284 = tpu.vector_load %arg18[%swap3A_282, %swap3A_283] {strides = array<i32>} : memref<400x128xf32, #tpu.memory_space<vmem>>, vector<16xf32>,
        tpu.vector_store %arg18[%swap3A_282, %swap3A_283], %gather3A_280 {strides = array<i32>} : memref<400x128xf32, #tpu.memory_space<vmem>>, vector<16xf32>,
        %swap3A_285 = arith.index_cast %add3A_269 : i32 to index
        %swap3A_286 = arith.constant 48 : index
        %swap3A_287 = tpu.vector_load %arg18[%swap3A_285, %swap3A_286] {strides = array<i32>} : memref<400x128xf32, #tpu.memory_space<vmem>>, vector<16xf32>,
        tpu.vector_store %arg18[%swap3A_285, %swap3A_286], %gather3A_281 {strides = array<i32>} : memref<400x128xf32, #tpu.memory_space<vmem>>, vector<16xf32>,
        %gather3A_288 = tpu.vector_load_idx %arg17[%broadcast_in_dim3A_10, %broadcast_in_dim3A_270] : memref<4x400xi32, #tpu.memory_space<vmem>>[vector<16xi32>, vector<16xi32>], vector<16xi32>,
        %gather3A_289 = tpu.vector_load_idx %arg13[%gather3A_288, %iota3A] : memref<252x32xf32, #tpu.memory_space<vmem>>[vector<16xi32>, vector<16xi32>], vector<16xf32>,
        %gather3A_290 = tpu.vector_load_idx %arg13[%gather3A_288, %add3A_5] : memref<252x32xf32, #tpu.memory_space<vmem>>[vector<16xi32>, vector<16xi32>], vector<16xf32>,
        %swap3A_291 = arith.index_cast %add3A_269 : i32 to index
        %swap3A_292 = arith.constant 64 : index
        %swap3A_293 = tpu.vector_load %arg18[%swap3A_291, %swap3A_292] {strides = array<i32>} : memref<400x128xf32, #tpu.memory_space<vmem>>, vector<16xf32>,
        tpu.vector_store %arg18[%swap3A_291, %swap3A_292], %gather3A_289 {strides = array<i32>} : memref<400x128xf32, #tpu.memory_space<vmem>>, vector<16xf32>,
        %swap3A_294 = arith.index_cast %add3A_269 : i32 to index
        %swap3A_295 = arith.constant 80 : index
        %swap3A_296 = tpu.vector_load %arg18[%swap3A_294, %swap3A_295] {strides = array<i32>} : memref<400x128xf32, #tpu.memory_space<vmem>>, vector<16xf32>,
        tpu.vector_store %arg18[%swap3A_294, %swap3A_295], %gather3A_290 {strides = array<i32>} : memref<400x128xf32, #tpu.memory_space<vmem>>, vector<16xf32>,
        %gather3A_297 = tpu.vector_load_idx %arg17[%broadcast_in_dim3A_12, %broadcast_in_dim3A_270] : memref<4x400xi32, #tpu.memory_space<vmem>>[vector<16xi32>, vector<16xi32>], vector<16xi32>,
        %gather3A_298 = tpu.vector_load_idx %arg14[%gather3A_297, %iota3A] : memref<252x32xf32, #tpu.memory_space<vmem>>[vector<16xi32>, vector<16xi32>], vector<16xf32>,
        %gather3A_299 = tpu.vector_load_idx %arg14[%gather3A_297, %add3A_5] : memref<252x32xf32, #tpu.memory_space<vmem>>[vector<16xi32>, vector<16xi32>], vector<16xf32>,
        %swap3A_300 = arith.index_cast %add3A_269 : i32 to index
        %swap3A_301 = arith.constant 96 : index
        %swap3A_302 = tpu.vector_load %arg18[%swap3A_300, %swap3A_301] {strides = array<i32>} : memref<400x128xf32, #tpu.memory_space<vmem>>, vector<16xf32>,
        tpu.vector_store %arg18[%swap3A_300, %swap3A_301], %gather3A_298 {strides = array<i32>} : memref<400x128xf32, #tpu.memory_space<vmem>>, vector<16xf32>,
        %swap3A_303 = arith.index_cast %add3A_269 : i32 to index
        %swap3A_304 = arith.constant 112 : index
        %swap3A_305 = tpu.vector_load %arg18[%swap3A_303, %swap3A_304] {strides = array<i32>} : memref<400x128xf32, #tpu.memory_space<vmem>>, vector<16xf32>,
        tpu.vector_store %arg18[%swap3A_303, %swap3A_304], %gather3A_299 {strides = array<i32>} : memref<400x128xf32, #tpu.memory_space<vmem>>, vector<16xf32>,
        %add3A_306 = arith.constant 1 : i32
        %add3A_307 = arith.addi %mul3A_233, %add3A_306 : i32
        %broadcast_in_dim3A_308 = vector.broadcast %add3A_307 : i32 to vector<16xi32>
        %gather3A_309 = tpu.vector_load_idx %arg17[%broadcast_in_dim3A_6, %broadcast_in_dim3A_308] : memref<4x400xi32, #tpu.memory_space<vmem>>[vector<16xi32>, vector<16xi32>], vector<16xi32>,
        %gather3A_310 = tpu.vector_load_idx %arg11[%gather3A_309, %iota3A] : memref<50x32xf32, #tpu.memory_space<vmem>>[vector<16xi32>, vector<16xi32>], vector<16xf32>,
        %gather3A_311 = tpu.vector_load_idx %arg11[%gather3A_309, %add3A_5] : memref<50x32xf32, #tpu.memory_space<vmem>>[vector<16xi32>, vector<16xi32>], vector<16xf32>,
        %swap3A_312 = arith.index_cast %add3A_307 : i32 to index
        %swap3A_313 = arith.constant 0 : index
        %swap3A_314 = tpu.vector_load %arg18[%swap3A_312, %swap3A_313] {strides = array<i32>} : memref<400x128xf32, #tpu.memory_space<vmem>>, vector<16xf32>,
        tpu.vector_store %arg18[%swap3A_312, %swap3A_313], %gather3A_310 {strides = array<i32>} : memref<400x128xf32, #tpu.memory_space<vmem>>, vector<16xf32>,
        %swap3A_315 = arith.index_cast %add3A_307 : i32 to index
        %swap3A_316 = arith.constant 16 : index
        %swap3A_317 = tpu.vector_load %arg18[%swap3A_315, %swap3A_316] {strides = array<i32>} : memref<400x128xf32, #tpu.memory_space<vmem>>, vector<16xf32>,
        tpu.vector_store %arg18[%swap3A_315, %swap3A_316], %gather3A_311 {strides = array<i32>} : memref<400x128xf32, #tpu.memory_space<vmem>>, vector<16xf32>,
        %gather3A_318 = tpu.vector_load_idx %arg17[%broadcast_in_dim3A_8, %broadcast_in_dim3A_308] : memref<4x400xi32, #tpu.memory_space<vmem>>[vector<16xi32>, vector<16xi32>], vector<16xi32>,
        %gather3A_319 = tpu.vector_load_idx %arg12[%gather3A_318, %iota3A] : memref<8x32xf32, #tpu.memory_space<vmem>>[vector<16xi32>, vector<16xi32>], vector<16xf32>,
        %gather3A_320 = tpu.vector_load_idx %arg12[%gather3A_318, %add3A_5] : memref<8x32xf32, #tpu.memory_space<vmem>>[vector<16xi32>, vector<16xi32>], vector<16xf32>,
        %swap3A_321 = arith.index_cast %add3A_307 : i32 to index
        %swap3A_322 = arith.constant 32 : index
        %swap3A_323 = tpu.vector_load %arg18[%swap3A_321, %swap3A_322] {strides = array<i32>} : memref<400x128xf32, #tpu.memory_space<vmem>>, vector<16xf32>,
        tpu.vector_store %arg18[%swap3A_321, %swap3A_322], %gather3A_319 {strides = array<i32>} : memref<400x128xf32, #tpu.memory_space<vmem>>, vector<16xf32>,
        %swap3A_324 = arith.index_cast %add3A_307 : i32 to index
        %swap3A_325 = arith.constant 48 : index
        %swap3A_326 = tpu.vector_load %arg18[%swap3A_324, %swap3A_325] {strides = array<i32>} : memref<400x128xf32, #tpu.memory_space<vmem>>, vector<16xf32>,
        tpu.vector_store %arg18[%swap3A_324, %swap3A_325], %gather3A_320 {strides = array<i32>} : memref<400x128xf32, #tpu.memory_space<vmem>>, vector<16xf32>,
        %gather3A_327 = tpu.vector_load_idx %arg17[%broadcast_in_dim3A_10, %broadcast_in_dim3A_308] : memref<4x400xi32, #tpu.memory_space<vmem>>[vector<16xi32>, vector<16xi32>], vector<16xi32>,
        %gather3A_328 = tpu.vector_load_idx %arg13[%gather3A_327, %iota3A] : memref<252x32xf32, #tpu.memory_space<vmem>>[vector<16xi32>, vector<16xi32>], vector<16xf32>,
        %gather3A_329 = tpu.vector_load_idx %arg13[%gather3A_327, %add3A_5] : memref<252x32xf32, #tpu.memory_space<vmem>>[vector<16xi32>, vector<16xi32>], vector<16xf32>,
        %swap3A_330 = arith.index_cast %add3A_307 : i32 to index
        %swap3A_331 = arith.constant 64 : index
        %swap3A_332 = tpu.vector_load %arg18[%swap3A_330, %swap3A_331] {strides = array<i32>} : memref<400x128xf32, #tpu.memory_space<vmem>>, vector<16xf32>,
        tpu.vector_store %arg18[%swap3A_330, %swap3A_331], %gather3A_328 {strides = array<i32>} : memref<400x128xf32, #tpu.memory_space<vmem>>, vector<16xf32>,
        %swap3A_333 = arith.index_cast %add3A_307 : i32 to index
        %swap3A_334 = arith.constant 80 : index
        %swap3A_335 = tpu.vector_load %arg18[%swap3A_333, %swap3A_334] {strides = array<i32>} : memref<400x128xf32, #tpu.memory_space<vmem>>, vector<16xf32>,
        tpu.vector_store %arg18[%swap3A_333, %swap3A_334], %gather3A_329 {strides = array<i32>} : memref<400x128xf32, #tpu.memory_space<vmem>>, vector<16xf32>,
        %gather3A_336 = tpu.vector_load_idx %arg17[%broadcast_in_dim3A_12, %broadcast_in_dim3A_308] : memref<4x400xi32, #tpu.memory_space<vmem>>[vector<16xi32>, vector<16xi32>], vector<16xi32>,
        %gather3A_337 = tpu.vector_load_idx %arg14[%gather3A_336, %iota3A] : memref<252x32xf32, #tpu.memory_space<vmem>>[vector<16xi32>, vector<16xi32>], vector<16xf32>,
        %gather3A_338 = tpu.vector_load_idx %arg14[%gather3A_336, %add3A_5] : memref<252x32xf32, #tpu.memory_space<vmem>>[vector<16xi32>, vector<16xi32>], vector<16xf32>,
        %swap3A_339 = arith.index_cast %add3A_307 : i32 to index
        %swap3A_340 = arith.constant 96 : index
        %swap3A_341 = tpu.vector_load %arg18[%swap3A_339, %swap3A_340] {strides = array<i32>} : memref<400x128xf32, #tpu.memory_space<vmem>>, vector<16xf32>,
        tpu.vector_store %arg18[%swap3A_339, %swap3A_340], %gather3A_337 {strides = array<i32>} : memref<400x128xf32, #tpu.memory_space<vmem>>, vector<16xf32>,
        %swap3A_342 = arith.index_cast %add3A_307 : i32 to index
        %swap3A_343 = arith.constant 112 : index
        %swap3A_344 = tpu.vector_load %arg18[%swap3A_342, %swap3A_343] {strides = array<i32>} : memref<400x128xf32, #tpu.memory_space<vmem>>, vector<16xf32>,
        tpu.vector_store %arg18[%swap3A_342, %swap3A_343], %gather3A_338 {strides = array<i32>} : memref<400x128xf32, #tpu.memory_space<vmem>>, vector<16xf32>,
        %add3A_345 = arith.constant 2 : i32
        %add3A_346 = arith.addi %mul3A_233, %add3A_345 : i32
        %broadcast_in_dim3A_347 = vector.broadcast %add3A_346 : i32 to vector<16xi32>
        %gather3A_348 = tpu.vector_load_idx %arg17[%broadcast_in_dim3A_6, %broadcast_in_dim3A_347] : memref<4x400xi32, #tpu.memory_space<vmem>>[vector<16xi32>, vector<16xi32>], vector<16xi32>,
        %gather3A_349 = tpu.vector_load_idx %arg11[%gather3A_348, %iota3A] : memref<50x32xf32, #tpu.memory_space<vmem>>[vector<16xi32>, vector<16xi32>], vector<16xf32>,
        %gather3A_350 = tpu.vector_load_idx %arg11[%gather3A_348, %add3A_5] : memref<50x32xf32, #tpu.memory_space<vmem>>[vector<16xi32>, vector<16xi32>], vector<16xf32>,
        %swap3A_351 = arith.index_cast %add3A_346 : i32 to index
        %swap3A_352 = arith.constant 0 : index
        %swap3A_353 = tpu.vector_load %arg18[%swap3A_351, %swap3A_352] {strides = array<i32>} : memref<400x128xf32, #tpu.memory_space<vmem>>, vector<16xf32>,
        tpu.vector_store %arg18[%swap3A_351, %swap3A_352], %gather3A_349 {strides = array<i32>} : memref<400x128xf32, #tpu.memory_space<vmem>>, vector<16xf32>,
        %swap3A_354 = arith.index_cast %add3A_346 : i32 to index
        %swap3A_355 = arith.constant 16 : index
        %swap3A_356 = tpu.vector_load %arg18[%swap3A_354, %swap3A_355] {strides = array<i32>} : memref<400x128xf32, #tpu.memory_space<vmem>>, vector<16xf32>,
        tpu.vector_store %arg18[%swap3A_354, %swap3A_355], %gather3A_350 {strides = array<i32>} : memref<400x128xf32, #tpu.memory_space<vmem>>, vector<16xf32>,
        %gather3A_357 = tpu.vector_load_idx %arg17[%broadcast_in_dim3A_8, %broadcast_in_dim3A_347] : memref<4x400xi32, #tpu.memory_space<vmem>>[vector<16xi32>, vector<16xi32>], vector<16xi32>,
        %gather3A_358 = tpu.vector_load_idx %arg12[%gather3A_357, %iota3A] : memref<8x32xf32, #tpu.memory_space<vmem>>[vector<16xi32>, vector<16xi32>], vector<16xf32>,
        %gather3A_359 = tpu.vector_load_idx %arg12[%gather3A_357, %add3A_5] : memref<8x32xf32, #tpu.memory_space<vmem>>[vector<16xi32>, vector<16xi32>], vector<16xf32>,
        %swap3A_360 = arith.index_cast %add3A_346 : i32 to index
        %swap3A_361 = arith.constant 32 : index
        %swap3A_362 = tpu.vector_load %arg18[%swap3A_360, %swap3A_361] {strides = array<i32>} : memref<400x128xf32, #tpu.memory_space<vmem>>, vector<16xf32>,
        tpu.vector_store %arg18[%swap3A_360, %swap3A_361], %gather3A_358 {strides = array<i32>} : memref<400x128xf32, #tpu.memory_space<vmem>>, vector<16xf32>,
        %swap3A_363 = arith.index_cast %add3A_346 : i32 to index
        %swap3A_364 = arith.constant 48 : index
        %swap3A_365 = tpu.vector_load %arg18[%swap3A_363, %swap3A_364] {strides = array<i32>} : memref<400x128xf32, #tpu.memory_space<vmem>>, vector<16xf32>,
        tpu.vector_store %arg18[%swap3A_363, %swap3A_364], %gather3A_359 {strides = array<i32>} : memref<400x128xf32, #tpu.memory_space<vmem>>, vector<16xf32>,
        %gather3A_366 = tpu.vector_load_idx %arg17[%broadcast_in_dim3A_10, %broadcast_in_dim3A_347] : memref<4x400xi32, #tpu.memory_space<vmem>>[vector<16xi32>, vector<16xi32>], vector<16xi32>,
        %gather3A_367 = tpu.vector_load_idx %arg13[%gather3A_366, %iota3A] : memref<252x32xf32, #tpu.memory_space<vmem>>[vector<16xi32>, vector<16xi32>], vector<16xf32>,
        %gather3A_368 = tpu.vector_load_idx %arg13[%gather3A_366, %add3A_5] : memref<252x32xf32, #tpu.memory_space<vmem>>[vector<16xi32>, vector<16xi32>], vector<16xf32>,
        %swap3A_369 = arith.index_cast %add3A_346 : i32 to index
        %swap3A_370 = arith.constant 64 : index
        %swap3A_371 = tpu.vector_load %arg18[%swap3A_369, %swap3A_370] {strides = array<i32>} : memref<400x128xf32, #tpu.memory_space<vmem>>, vector<16xf32>,
        tpu.vector_store %arg18[%swap3A_369, %swap3A_370], %gather3A_367 {strides = array<i32>} : memref<400x128xf32, #tpu.memory_space<vmem>>, vector<16xf32>,
        %swap3A_372 = arith.index_cast %add3A_346 : i32 to index
        %swap3A_373 = arith.constant 80 : index
        %swap3A_374 = tpu.vector_load %arg18[%swap3A_372, %swap3A_373] {strides = array<i32>} : memref<400x128xf32, #tpu.memory_space<vmem>>, vector<16xf32>,
        tpu.vector_store %arg18[%swap3A_372, %swap3A_373], %gather3A_368 {strides = array<i32>} : memref<400x128xf32, #tpu.memory_space<vmem>>, vector<16xf32>,
        %gather3A_375 = tpu.vector_load_idx %arg17[%broadcast_in_dim3A_12, %broadcast_in_dim3A_347] : memref<4x400xi32, #tpu.memory_space<vmem>>[vector<16xi32>, vector<16xi32>], vector<16xi32>,
        %gather3A_376 = tpu.vector_load_idx %arg14[%gather3A_375, %iota3A] : memref<252x32xf32, #tpu.memory_space<vmem>>[vector<16xi32>, vector<16xi32>], vector<16xf32>,
        %gather3A_377 = tpu.vector_load_idx %arg14[%gather3A_375, %add3A_5] : memref<252x32xf32, #tpu.memory_space<vmem>>[vector<16xi32>, vector<16xi32>], vector<16xf32>,
        %swap3A_378 = arith.index_cast %add3A_346 : i32 to index
        %swap3A_379 = arith.constant 96 : index
        %swap3A_380 = tpu.vector_load %arg18[%swap3A_378, %swap3A_379] {strides = array<i32>} : memref<400x128xf32, #tpu.memory_space<vmem>>, vector<16xf32>,
        tpu.vector_store %arg18[%swap3A_378, %swap3A_379], %gather3A_376 {strides = array<i32>} : memref<400x128xf32, #tpu.memory_space<vmem>>, vector<16xf32>,
        %swap3A_381 = arith.index_cast %add3A_346 : i32 to index
        %swap3A_382 = arith.constant 112 : index
        %swap3A_383 = tpu.vector_load %arg18[%swap3A_381, %swap3A_382] {strides = array<i32>} : memref<400x128xf32, #tpu.memory_space<vmem>>, vector<16xf32>,
        tpu.vector_store %arg18[%swap3A_381, %swap3A_382], %gather3A_377 {strides = array<i32>} : memref<400x128xf32, #tpu.memory_space<vmem>>, vector<16xf32>,
        %add3A_384 = arith.constant 3 : i32
        %add3A_385 = arith.addi %mul3A_233, %add3A_384 : i32
        %broadcast_in_dim3A_386 = vector.broadcast %add3A_385 : i32 to vector<16xi32>
        %gather3A_387 = tpu.vector_load_idx %arg17[%broadcast_in_dim3A_6, %broadcast_in_dim3A_386] : memref<4x400xi32, #tpu.memory_space<vmem>>[vector<16xi32>, vector<16xi32>], vector<16xi32>,
        %gather3A_388 = tpu.vector_load_idx %arg11[%gather3A_387, %iota3A] : memref<50x32xf32, #tpu.memory_space<vmem>>[vector<16xi32>, vector<16xi32>], vector<16xf32>,
        %gather3A_389 = tpu.vector_load_idx %arg11[%gather3A_387, %add3A_5] : memref<50x32xf32, #tpu.memory_space<vmem>>[vector<16xi32>, vector<16xi32>], vector<16xf32>,
        %swap3A_390 = arith.index_cast %add3A_385 : i32 to index
        %swap3A_391 = arith.constant 0 : index
        %swap3A_392 = tpu.vector_load %arg18[%swap3A_390, %swap3A_391] {strides = array<i32>} : memref<400x128xf32, #tpu.memory_space<vmem>>, vector<16xf32>,
        tpu.vector_store %arg18[%swap3A_390, %swap3A_391], %gather3A_388 {strides = array<i32>} : memref<400x128xf32, #tpu.memory_space<vmem>>, vector<16xf32>,
        %swap3A_393 = arith.index_cast %add3A_385 : i32 to index
        %swap3A_394 = arith.constant 16 : index
        %swap3A_395 = tpu.vector_load %arg18[%swap3A_393, %swap3A_394] {strides = array<i32>} : memref<400x128xf32, #tpu.memory_space<vmem>>, vector<16xf32>,
        tpu.vector_store %arg18[%swap3A_393, %swap3A_394], %gather3A_389 {strides = array<i32>} : memref<400x128xf32, #tpu.memory_space<vmem>>, vector<16xf32>,
        %gather3A_396 = tpu.vector_load_idx %arg17[%broadcast_in_dim3A_8, %broadcast_in_dim3A_386] : memref<4x400xi32, #tpu.memory_space<vmem>>[vector<16xi32>, vector<16xi32>], vector<16xi32>,
        %gather3A_397 = tpu.vector_load_idx %arg12[%gather3A_396, %iota3A] : memref<8x32xf32, #tpu.memory_space<vmem>>[vector<16xi32>, vector<16xi32>], vector<16xf32>,
        %gather3A_398 = tpu.vector_load_idx %arg12[%gather3A_396, %add3A_5] : memref<8x32xf32, #tpu.memory_space<vmem>>[vector<16xi32>, vector<16xi32>], vector<16xf32>,
        %swap3A_399 = arith.index_cast %add3A_385 : i32 to index
        %swap3A_400 = arith.constant 32 : index
        %swap3A_401 = tpu.vector_load %arg18[%swap3A_399, %swap3A_400] {strides = array<i32>} : memref<400x128xf32, #tpu.memory_space<vmem>>, vector<16xf32>,
        tpu.vector_store %arg18[%swap3A_399, %swap3A_400], %gather3A_397 {strides = array<i32>} : memref<400x128xf32, #tpu.memory_space<vmem>>, vector<16xf32>,
        %swap3A_402 = arith.index_cast %add3A_385 : i32 to index
        %swap3A_403 = arith.constant 48 : index
        %swap3A_404 = tpu.vector_load %arg18[%swap3A_402, %swap3A_403] {strides = array<i32>} : memref<400x128xf32, #tpu.memory_space<vmem>>, vector<16xf32>,
        tpu.vector_store %arg18[%swap3A_402, %swap3A_403], %gather3A_398 {strides = array<i32>} : memref<400x128xf32, #tpu.memory_space<vmem>>, vector<16xf32>,
        %gather3A_405 = tpu.vector_load_idx %arg17[%broadcast_in_dim3A_10, %broadcast_in_dim3A_386] : memref<4x400xi32, #tpu.memory_space<vmem>>[vector<16xi32>, vector<16xi32>], vector<16xi32>,
        %gather3A_406 = tpu.vector_load_idx %arg13[%gather3A_405, %iota3A] : memref<252x32xf32, #tpu.memory_space<vmem>>[vector<16xi32>, vector<16xi32>], vector<16xf32>,
        %gather3A_407 = tpu.vector_load_idx %arg13[%gather3A_405, %add3A_5] : memref<252x32xf32, #tpu.memory_space<vmem>>[vector<16xi32>, vector<16xi32>], vector<16xf32>,
        %swap3A_408 = arith.index_cast %add3A_385 : i32 to index
        %swap3A_409 = arith.constant 64 : index
        %swap3A_410 = tpu.vector_load %arg18[%swap3A_408, %swap3A_409] {strides = array<i32>} : memref<400x128xf32, #tpu.memory_space<vmem>>, vector<16xf32>,
        tpu.vector_store %arg18[%swap3A_408, %swap3A_409], %gather3A_406 {strides = array<i32>} : memref<400x128xf32, #tpu.memory_space<vmem>>, vector<16xf32>,
        %swap3A_411 = arith.index_cast %add3A_385 : i32 to index
        %swap3A_412 = arith.constant 80 : index
        %swap3A_413 = tpu.vector_load %arg18[%swap3A_411, %swap3A_412] {strides = array<i32>} : memref<400x128xf32, #tpu.memory_space<vmem>>, vector<16xf32>,
        tpu.vector_store %arg18[%swap3A_411, %swap3A_412], %gather3A_407 {strides = array<i32>} : memref<400x128xf32, #tpu.memory_space<vmem>>, vector<16xf32>,
        %gather3A_414 = tpu.vector_load_idx %arg17[%broadcast_in_dim3A_12, %broadcast_in_dim3A_386] : memref<4x400xi32, #tpu.memory_space<vmem>>[vector<16xi32>, vector<16xi32>], vector<16xi32>,
        %gather3A_415 = tpu.vector_load_idx %arg14[%gather3A_414, %iota3A] : memref<252x32xf32, #tpu.memory_space<vmem>>[vector<16xi32>, vector<16xi32>], vector<16xf32>,
        %gather3A_416 = tpu.vector_load_idx %arg14[%gather3A_414, %add3A_5] : memref<252x32xf32, #tpu.memory_space<vmem>>[vector<16xi32>, vector<16xi32>], vector<16xf32>,
        %swap3A_417 = arith.index_cast %add3A_385 : i32 to index
        %swap3A_418 = arith.constant 96 : index
        %swap3A_419 = tpu.vector_load %arg18[%swap3A_417, %swap3A_418] {strides = array<i32>} : memref<400x128xf32, #tpu.memory_space<vmem>>, vector<16xf32>,
        tpu.vector_store %arg18[%swap3A_417, %swap3A_418], %gather3A_415 {strides = array<i32>} : memref<400x128xf32, #tpu.memory_space<vmem>>, vector<16xf32>,
        %swap3A_420 = arith.index_cast %add3A_385 : i32 to index
        %swap3A_421 = arith.constant 112 : index
        %swap3A_422 = tpu.vector_load %arg18[%swap3A_420, %swap3A_421] {strides = array<i32>} : memref<400x128xf32, #tpu.memory_space<vmem>>, vector<16xf32>,
        tpu.vector_store %arg18[%swap3A_420, %swap3A_421], %gather3A_416 {strides = array<i32>} : memref<400x128xf32, #tpu.memory_space<vmem>>, vector<16xf32>,
        %add3A_423 = arith.constant 4 : i32
        %add3A_424 = arith.addi %mul3A_233, %add3A_423 : i32
        %broadcast_in_dim3A_425 = vector.broadcast %add3A_424 : i32 to vector<16xi32>
        %gather3A_426 = tpu.vector_load_idx %arg17[%broadcast_in_dim3A_6, %broadcast_in_dim3A_425] : memref<4x400xi32, #tpu.memory_space<vmem>>[vector<16xi32>, vector<16xi32>], vector<16xi32>,
        %gather3A_427 = tpu.vector_load_idx %arg11[%gather3A_426, %iota3A] : memref<50x32xf32, #tpu.memory_space<vmem>>[vector<16xi32>, vector<16xi32>], vector<16xf32>,
        %gather3A_428 = tpu.vector_load_idx %arg11[%gather3A_426, %add3A_5] : memref<50x32xf32, #tpu.memory_space<vmem>>[vector<16xi32>, vector<16xi32>], vector<16xf32>,
        %swap3A_429 = arith.index_cast %add3A_424 : i32 to index
        %swap3A_430 = arith.constant 0 : index
        %swap3A_431 = tpu.vector_load %arg18[%swap3A_429, %swap3A_430] {strides = array<i32>} : memref<400x128xf32, #tpu.memory_space<vmem>>, vector<16xf32>,
        tpu.vector_store %arg18[%swap3A_429, %swap3A_430], %gather3A_427 {strides = array<i32>} : memref<400x128xf32, #tpu.memory_space<vmem>>, vector<16xf32>,
        %swap3A_432 = arith.index_cast %add3A_424 : i32 to index
        %swap3A_433 = arith.constant 16 : index
        %swap3A_434 = tpu.vector_load %arg18[%swap3A_432, %swap3A_433] {strides = array<i32>} : memref<400x128xf32, #tpu.memory_space<vmem>>, vector<16xf32>,
        tpu.vector_store %arg18[%swap3A_432, %swap3A_433], %gather3A_428 {strides = array<i32>} : memref<400x128xf32, #tpu.memory_space<vmem>>, vector<16xf32>,
        %gather3A_435 = tpu.vector_load_idx %arg17[%broadcast_in_dim3A_8, %broadcast_in_dim3A_425] : memref<4x400xi32, #tpu.memory_space<vmem>>[vector<16xi32>, vector<16xi32>], vector<16xi32>,
        %gather3A_436 = tpu.vector_load_idx %arg12[%gather3A_435, %iota3A] : memref<8x32xf32, #tpu.memory_space<vmem>>[vector<16xi32>, vector<16xi32>], vector<16xf32>,
        %gather3A_437 = tpu.vector_load_idx %arg12[%gather3A_435, %add3A_5] : memref<8x32xf32, #tpu.memory_space<vmem>>[vector<16xi32>, vector<16xi32>], vector<16xf32>,
        %swap3A_438 = arith.index_cast %add3A_424 : i32 to index
        %swap3A_439 = arith.constant 32 : index
        %swap3A_440 = tpu.vector_load %arg18[%swap3A_438, %swap3A_439] {strides = array<i32>} : memref<400x128xf32, #tpu.memory_space<vmem>>, vector<16xf32>,
        tpu.vector_store %arg18[%swap3A_438, %swap3A_439], %gather3A_436 {strides = array<i32>} : memref<400x128xf32, #tpu.memory_space<vmem>>, vector<16xf32>,
        %swap3A_441 = arith.index_cast %add3A_424 : i32 to index
        %swap3A_442 = arith.constant 48 : index
        %swap3A_443 = tpu.vector_load %arg18[%swap3A_441, %swap3A_442] {strides = array<i32>} : memref<400x128xf32, #tpu.memory_space<vmem>>, vector<16xf32>,
        tpu.vector_store %arg18[%swap3A_441, %swap3A_442], %gather3A_437 {strides = array<i32>} : memref<400x128xf32, #tpu.memory_space<vmem>>, vector<16xf32>,
        %gather3A_444 = tpu.vector_load_idx %arg17[%broadcast_in_dim3A_10, %broadcast_in_dim3A_425] : memref<4x400xi32, #tpu.memory_space<vmem>>[vector<16xi32>, vector<16xi32>], vector<16xi32>,
        %gather3A_445 = tpu.vector_load_idx %arg13[%gather3A_444, %iota3A] : memref<252x32xf32, #tpu.memory_space<vmem>>[vector<16xi32>, vector<16xi32>], vector<16xf32>,
        %gather3A_446 = tpu.vector_load_idx %arg13[%gather3A_444, %add3A_5] : memref<252x32xf32, #tpu.memory_space<vmem>>[vector<16xi32>, vector<16xi32>], vector<16xf32>,
        %swap3A_447 = arith.index_cast %add3A_424 : i32 to index
        %swap3A_448 = arith.constant 64 : index
        %swap3A_449 = tpu.vector_load %arg18[%swap3A_447, %swap3A_448] {strides = array<i32>} : memref<400x128xf32, #tpu.memory_space<vmem>>, vector<16xf32>,
        tpu.vector_store %arg18[%swap3A_447, %swap3A_448], %gather3A_445 {strides = array<i32>} : memref<400x128xf32, #tpu.memory_space<vmem>>, vector<16xf32>,
        %swap3A_450 = arith.index_cast %add3A_424 : i32 to index
        %swap3A_451 = arith.constant 80 : index
        %swap3A_452 = tpu.vector_load %arg18[%swap3A_450, %swap3A_451] {strides = array<i32>} : memref<400x128xf32, #tpu.memory_space<vmem>>, vector<16xf32>,
        tpu.vector_store %arg18[%swap3A_450, %swap3A_451], %gather3A_446 {strides = array<i32>} : memref<400x128xf32, #tpu.memory_space<vmem>>, vector<16xf32>,
        %gather3A_453 = tpu.vector_load_idx %arg17[%broadcast_in_dim3A_12, %broadcast_in_dim3A_425] : memref<4x400xi32, #tpu.memory_space<vmem>>[vector<16xi32>, vector<16xi32>], vector<16xi32>,
        %gather3A_454 = tpu.vector_load_idx %arg14[%gather3A_453, %iota3A] : memref<252x32xf32, #tpu.memory_space<vmem>>[vector<16xi32>, vector<16xi32>], vector<16xf32>,
        %gather3A_455 = tpu.vector_load_idx %arg14[%gather3A_453, %add3A_5] : memref<252x32xf32, #tpu.memory_space<vmem>>[vector<16xi32>, vector<16xi32>], vector<16xf32>,
        %swap3A_456 = arith.index_cast %add3A_424 : i32 to index
        %swap3A_457 = arith.constant 96 : index
        %swap3A_458 = tpu.vector_load %arg18[%swap3A_456, %swap3A_457] {strides = array<i32>} : memref<400x128xf32, #tpu.memory_space<vmem>>, vector<16xf32>,
        tpu.vector_store %arg18[%swap3A_456, %swap3A_457], %gather3A_454 {strides = array<i32>} : memref<400x128xf32, #tpu.memory_space<vmem>>, vector<16xf32>,
        %swap3A_459 = arith.index_cast %add3A_424 : i32 to index
        %swap3A_460 = arith.constant 112 : index
        %swap3A_461 = tpu.vector_load %arg18[%swap3A_459, %swap3A_460] {strides = array<i32>} : memref<400x128xf32, #tpu.memory_space<vmem>>, vector<16xf32>,
        tpu.vector_store %arg18[%swap3A_459, %swap3A_460], %gather3A_455 {strides = array<i32>} : memref<400x128xf32, #tpu.memory_space<vmem>>, vector<16xf32>,
        %add3A_462 = arith.constant 5 : i32
        %add3A_463 = arith.addi %mul3A_233, %add3A_462 : i32
        %broadcast_in_dim3A_464 = vector.broadcast %add3A_463 : i32 to vector<16xi32>
        %gather3A_465 = tpu.vector_load_idx %arg17[%broadcast_in_dim3A_6, %broadcast_in_dim3A_464] : memref<4x400xi32, #tpu.memory_space<vmem>>[vector<16xi32>, vector<16xi32>], vector<16xi32>,
        %gather3A_466 = tpu.vector_load_idx %arg11[%gather3A_465, %iota3A] : memref<50x32xf32, #tpu.memory_space<vmem>>[vector<16xi32>, vector<16xi32>], vector<16xf32>,
        %gather3A_467 = tpu.vector_load_idx %arg11[%gather3A_465, %add3A_5] : memref<50x32xf32, #tpu.memory_space<vmem>>[vector<16xi32>, vector<16xi32>], vector<16xf32>,
        %swap3A_468 = arith.index_cast %add3A_463 : i32 to index
        %swap3A_469 = arith.constant 0 : index
        %swap3A_470 = tpu.vector_load %arg18[%swap3A_468, %swap3A_469] {strides = array<i32>} : memref<400x128xf32, #tpu.memory_space<vmem>>, vector<16xf32>,
        tpu.vector_store %arg18[%swap3A_468, %swap3A_469], %gather3A_466 {strides = array<i32>} : memref<400x128xf32, #tpu.memory_space<vmem>>, vector<16xf32>,
        %swap3A_471 = arith.index_cast %add3A_463 : i32 to index
        %swap3A_472 = arith.constant 16 : index
        %swap3A_473 = tpu.vector_load %arg18[%swap3A_471, %swap3A_472] {strides = array<i32>} : memref<400x128xf32, #tpu.memory_space<vmem>>, vector<16xf32>,
        tpu.vector_store %arg18[%swap3A_471, %swap3A_472], %gather3A_467 {strides = array<i32>} : memref<400x128xf32, #tpu.memory_space<vmem>>, vector<16xf32>,
        %gather3A_474 = tpu.vector_load_idx %arg17[%broadcast_in_dim3A_8, %broadcast_in_dim3A_464] : memref<4x400xi32, #tpu.memory_space<vmem>>[vector<16xi32>, vector<16xi32>], vector<16xi32>,
        %gather3A_475 = tpu.vector_load_idx %arg12[%gather3A_474, %iota3A] : memref<8x32xf32, #tpu.memory_space<vmem>>[vector<16xi32>, vector<16xi32>], vector<16xf32>,
        %gather3A_476 = tpu.vector_load_idx %arg12[%gather3A_474, %add3A_5] : memref<8x32xf32, #tpu.memory_space<vmem>>[vector<16xi32>, vector<16xi32>], vector<16xf32>,
        %swap3A_477 = arith.index_cast %add3A_463 : i32 to index
        %swap3A_478 = arith.constant 32 : index
        %swap3A_479 = tpu.vector_load %arg18[%swap3A_477, %swap3A_478] {strides = array<i32>} : memref<400x128xf32, #tpu.memory_space<vmem>>, vector<16xf32>,
        tpu.vector_store %arg18[%swap3A_477, %swap3A_478], %gather3A_475 {strides = array<i32>} : memref<400x128xf32, #tpu.memory_space<vmem>>, vector<16xf32>,
        %swap3A_480 = arith.index_cast %add3A_463 : i32 to index
        %swap3A_481 = arith.constant 48 : index
        %swap3A_482 = tpu.vector_load %arg18[%swap3A_480, %swap3A_481] {strides = array<i32>} : memref<400x128xf32, #tpu.memory_space<vmem>>, vector<16xf32>,
        tpu.vector_store %arg18[%swap3A_480, %swap3A_481], %gather3A_476 {strides = array<i32>} : memref<400x128xf32, #tpu.memory_space<vmem>>, vector<16xf32>,
        %gather3A_483 = tpu.vector_load_idx %arg17[%broadcast_in_dim3A_10, %broadcast_in_dim3A_464] : memref<4x400xi32, #tpu.memory_space<vmem>>[vector<16xi32>, vector<16xi32>], vector<16xi32>,
        %gather3A_484 = tpu.vector_load_idx %arg13[%gather3A_483, %iota3A] : memref<252x32xf32, #tpu.memory_space<vmem>>[vector<16xi32>, vector<16xi32>], vector<16xf32>,
        %gather3A_485 = tpu.vector_load_idx %arg13[%gather3A_483, %add3A_5] : memref<252x32xf32, #tpu.memory_space<vmem>>[vector<16xi32>, vector<16xi32>], vector<16xf32>,
        %swap3A_486 = arith.index_cast %add3A_463 : i32 to index
        %swap3A_487 = arith.constant 64 : index
        %swap3A_488 = tpu.vector_load %arg18[%swap3A_486, %swap3A_487] {strides = array<i32>} : memref<400x128xf32, #tpu.memory_space<vmem>>, vector<16xf32>,
        tpu.vector_store %arg18[%swap3A_486, %swap3A_487], %gather3A_484 {strides = array<i32>} : memref<400x128xf32, #tpu.memory_space<vmem>>, vector<16xf32>,
        %swap3A_489 = arith.index_cast %add3A_463 : i32 to index
        %swap3A_490 = arith.constant 80 : index
        %swap3A_491 = tpu.vector_load %arg18[%swap3A_489, %swap3A_490] {strides = array<i32>} : memref<400x128xf32, #tpu.memory_space<vmem>>, vector<16xf32>,
        tpu.vector_store %arg18[%swap3A_489, %swap3A_490], %gather3A_485 {strides = array<i32>} : memref<400x128xf32, #tpu.memory_space<vmem>>, vector<16xf32>,
        %gather3A_492 = tpu.vector_load_idx %arg17[%broadcast_in_dim3A_12, %broadcast_in_dim3A_464] : memref<4x400xi32, #tpu.memory_space<vmem>>[vector<16xi32>, vector<16xi32>], vector<16xi32>,
        %gather3A_493 = tpu.vector_load_idx %arg14[%gather3A_492, %iota3A] : memref<252x32xf32, #tpu.memory_space<vmem>>[vector<16xi32>, vector<16xi32>], vector<16xf32>,
        %gather3A_494 = tpu.vector_load_idx %arg14[%gather3A_492, %add3A_5] : memref<252x32xf32, #tpu.memory_space<vmem>>[vector<16xi32>, vector<16xi32>], vector<16xf32>,
        %swap3A_495 = arith.index_cast %add3A_463 : i32 to index
        %swap3A_496 = arith.constant 96 : index
        %swap3A_497 = tpu.vector_load %arg18[%swap3A_495, %swap3A_496] {strides = array<i32>} : memref<400x128xf32, #tpu.memory_space<vmem>>, vector<16xf32>,
        tpu.vector_store %arg18[%swap3A_495, %swap3A_496], %gather3A_493 {strides = array<i32>} : memref<400x128xf32, #tpu.memory_space<vmem>>, vector<16xf32>,
        %swap3A_498 = arith.index_cast %add3A_463 : i32 to index
        %swap3A_499 = arith.constant 112 : index
        %swap3A_500 = tpu.vector_load %arg18[%swap3A_498, %swap3A_499] {strides = array<i32>} : memref<400x128xf32, #tpu.memory_space<vmem>>, vector<16xf32>,
        tpu.vector_store %arg18[%swap3A_498, %swap3A_499], %gather3A_494 {strides = array<i32>} : memref<400x128xf32, #tpu.memory_space<vmem>>, vector<16xf32>,
        %add3A_501 = arith.constant 6 : i32
        %add3A_502 = arith.addi %mul3A_233, %add3A_501 : i32
        %broadcast_in_dim3A_503 = vector.broadcast %add3A_502 : i32 to vector<16xi32>
        %gather3A_504 = tpu.vector_load_idx %arg17[%broadcast_in_dim3A_6, %broadcast_in_dim3A_503] : memref<4x400xi32, #tpu.memory_space<vmem>>[vector<16xi32>, vector<16xi32>], vector<16xi32>,
        %gather3A_505 = tpu.vector_load_idx %arg11[%gather3A_504, %iota3A] : memref<50x32xf32, #tpu.memory_space<vmem>>[vector<16xi32>, vector<16xi32>], vector<16xf32>,
        %gather3A_506 = tpu.vector_load_idx %arg11[%gather3A_504, %add3A_5] : memref<50x32xf32, #tpu.memory_space<vmem>>[vector<16xi32>, vector<16xi32>], vector<16xf32>,
        %swap3A_507 = arith.index_cast %add3A_502 : i32 to index
        %swap3A_508 = arith.constant 0 : index
        %swap3A_509 = tpu.vector_load %arg18[%swap3A_507, %swap3A_508] {strides = array<i32>} : memref<400x128xf32, #tpu.memory_space<vmem>>, vector<16xf32>,
        tpu.vector_store %arg18[%swap3A_507, %swap3A_508], %gather3A_505 {strides = array<i32>} : memref<400x128xf32, #tpu.memory_space<vmem>>, vector<16xf32>,
        %swap3A_510 = arith.index_cast %add3A_502 : i32 to index
        %swap3A_511 = arith.constant 16 : index
        %swap3A_512 = tpu.vector_load %arg18[%swap3A_510, %swap3A_511] {strides = array<i32>} : memref<400x128xf32, #tpu.memory_space<vmem>>, vector<16xf32>,
        tpu.vector_store %arg18[%swap3A_510, %swap3A_511], %gather3A_506 {strides = array<i32>} : memref<400x128xf32, #tpu.memory_space<vmem>>, vector<16xf32>,
        %gather3A_513 = tpu.vector_load_idx %arg17[%broadcast_in_dim3A_8, %broadcast_in_dim3A_503] : memref<4x400xi32, #tpu.memory_space<vmem>>[vector<16xi32>, vector<16xi32>], vector<16xi32>,
        %gather3A_514 = tpu.vector_load_idx %arg12[%gather3A_513, %iota3A] : memref<8x32xf32, #tpu.memory_space<vmem>>[vector<16xi32>, vector<16xi32>], vector<16xf32>,
        %gather3A_515 = tpu.vector_load_idx %arg12[%gather3A_513, %add3A_5] : memref<8x32xf32, #tpu.memory_space<vmem>>[vector<16xi32>, vector<16xi32>], vector<16xf32>,
        %swap3A_516 = arith.index_cast %add3A_502 : i32 to index
        %swap3A_517 = arith.constant 32 : index
        %swap3A_518 = tpu.vector_load %arg18[%swap3A_516, %swap3A_517] {strides = array<i32>} : memref<400x128xf32, #tpu.memory_space<vmem>>, vector<16xf32>,
        tpu.vector_store %arg18[%swap3A_516, %swap3A_517], %gather3A_514 {strides = array<i32>} : memref<400x128xf32, #tpu.memory_space<vmem>>, vector<16xf32>,
        %swap3A_519 = arith.index_cast %add3A_502 : i32 to index
        %swap3A_520 = arith.constant 48 : index
        %swap3A_521 = tpu.vector_load %arg18[%swap3A_519, %swap3A_520] {strides = array<i32>} : memref<400x128xf32, #tpu.memory_space<vmem>>, vector<16xf32>,
        tpu.vector_store %arg18[%swap3A_519, %swap3A_520], %gather3A_515 {strides = array<i32>} : memref<400x128xf32, #tpu.memory_space<vmem>>, vector<16xf32>,
        %gather3A_522 = tpu.vector_load_idx %arg17[%broadcast_in_dim3A_10, %broadcast_in_dim3A_503] : memref<4x400xi32, #tpu.memory_space<vmem>>[vector<16xi32>, vector<16xi32>], vector<16xi32>,
        %gather3A_523 = tpu.vector_load_idx %arg13[%gather3A_522, %iota3A] : memref<252x32xf32, #tpu.memory_space<vmem>>[vector<16xi32>, vector<16xi32>], vector<16xf32>,
        %gather3A_524 = tpu.vector_load_idx %arg13[%gather3A_522, %add3A_5] : memref<252x32xf32, #tpu.memory_space<vmem>>[vector<16xi32>, vector<16xi32>], vector<16xf32>,
        %swap3A_525 = arith.index_cast %add3A_502 : i32 to index
        %swap3A_526 = arith.constant 64 : index
        %swap3A_527 = tpu.vector_load %arg18[%swap3A_525, %swap3A_526] {strides = array<i32>} : memref<400x128xf32, #tpu.memory_space<vmem>>, vector<16xf32>,
        tpu.vector_store %arg18[%swap3A_525, %swap3A_526], %gather3A_523 {strides = array<i32>} : memref<400x128xf32, #tpu.memory_space<vmem>>, vector<16xf32>,
        %swap3A_528 = arith.index_cast %add3A_502 : i32 to index
        %swap3A_529 = arith.constant 80 : index
        %swap3A_530 = tpu.vector_load %arg18[%swap3A_528, %swap3A_529] {strides = array<i32>} : memref<400x128xf32, #tpu.memory_space<vmem>>, vector<16xf32>,
        tpu.vector_store %arg18[%swap3A_528, %swap3A_529], %gather3A_524 {strides = array<i32>} : memref<400x128xf32, #tpu.memory_space<vmem>>, vector<16xf32>,
        %gather3A_531 = tpu.vector_load_idx %arg17[%broadcast_in_dim3A_12, %broadcast_in_dim3A_503] : memref<4x400xi32, #tpu.memory_space<vmem>>[vector<16xi32>, vector<16xi32>], vector<16xi32>,
        %gather3A_532 = tpu.vector_load_idx %arg14[%gather3A_531, %iota3A] : memref<252x32xf32, #tpu.memory_space<vmem>>[vector<16xi32>, vector<16xi32>], vector<16xf32>,
        %gather3A_533 = tpu.vector_load_idx %arg14[%gather3A_531, %add3A_5] : memref<252x32xf32, #tpu.memory_space<vmem>>[vector<16xi32>, vector<16xi32>], vector<16xf32>,
        %swap3A_534 = arith.index_cast %add3A_502 : i32 to index
        %swap3A_535 = arith.constant 96 : index
        %swap3A_536 = tpu.vector_load %arg18[%swap3A_534, %swap3A_535] {strides = array<i32>} : memref<400x128xf32, #tpu.memory_space<vmem>>, vector<16xf32>,
        tpu.vector_store %arg18[%swap3A_534, %swap3A_535], %gather3A_532 {strides = array<i32>} : memref<400x128xf32, #tpu.memory_space<vmem>>, vector<16xf32>,
        %swap3A_537 = arith.index_cast %add3A_502 : i32 to index
        %swap3A_538 = arith.constant 112 : index
        %swap3A_539 = tpu.vector_load %arg18[%swap3A_537, %swap3A_538] {strides = array<i32>} : memref<400x128xf32, #tpu.memory_space<vmem>>, vector<16xf32>,
        tpu.vector_store %arg18[%swap3A_537, %swap3A_538], %gather3A_533 {strides = array<i32>} : memref<400x128xf32, #tpu.memory_space<vmem>>, vector<16xf32>,
        %add3A_540 = arith.constant 7 : i32
        %add3A_541 = arith.addi %mul3A_233, %add3A_540 : i32
        %broadcast_in_dim3A_542 = vector.broadcast %add3A_541 : i32 to vector<16xi32>
        %gather3A_543 = tpu.vector_load_idx %arg17[%broadcast_in_dim3A_6, %broadcast_in_dim3A_542] : memref<4x400xi32, #tpu.memory_space<vmem>>[vector<16xi32>, vector<16xi32>], vector<16xi32>,
        %gather3A_544 = tpu.vector_load_idx %arg11[%gather3A_543, %iota3A] : memref<50x32xf32, #tpu.memory_space<vmem>>[vector<16xi32>, vector<16xi32>], vector<16xf32>,
        %gather3A_545 = tpu.vector_load_idx %arg11[%gather3A_543, %add3A_5] : memref<50x32xf32, #tpu.memory_space<vmem>>[vector<16xi32>, vector<16xi32>], vector<16xf32>,
        %swap3A_546 = arith.index_cast %add3A_541 : i32 to index
        %swap3A_547 = arith.constant 0 : index
        %swap3A_548 = tpu.vector_load %arg18[%swap3A_546, %swap3A_547] {strides = array<i32>} : memref<400x128xf32, #tpu.memory_space<vmem>>, vector<16xf32>,
        tpu.vector_store %arg18[%swap3A_546, %swap3A_547], %gather3A_544 {strides = array<i32>} : memref<400x128xf32, #tpu.memory_space<vmem>>, vector<16xf32>,
        %swap3A_549 = arith.index_cast %add3A_541 : i32 to index
        %swap3A_550 = arith.constant 16 : index
        %swap3A_551 = tpu.vector_load %arg18[%swap3A_549, %swap3A_550] {strides = array<i32>} : memref<400x128xf32, #tpu.memory_space<vmem>>, vector<16xf32>,
        tpu.vector_store %arg18[%swap3A_549, %swap3A_550], %gather3A_545 {strides = array<i32>} : memref<400x128xf32, #tpu.memory_space<vmem>>, vector<16xf32>,
        %gather3A_552 = tpu.vector_load_idx %arg17[%broadcast_in_dim3A_8, %broadcast_in_dim3A_542] : memref<4x400xi32, #tpu.memory_space<vmem>>[vector<16xi32>, vector<16xi32>], vector<16xi32>,
        %gather3A_553 = tpu.vector_load_idx %arg12[%gather3A_552, %iota3A] : memref<8x32xf32, #tpu.memory_space<vmem>>[vector<16xi32>, vector<16xi32>], vector<16xf32>,
        %gather3A_554 = tpu.vector_load_idx %arg12[%gather3A_552, %add3A_5] : memref<8x32xf32, #tpu.memory_space<vmem>>[vector<16xi32>, vector<16xi32>], vector<16xf32>,
        %swap3A_555 = arith.index_cast %add3A_541 : i32 to index
        %swap3A_556 = arith.constant 32 : index
        %swap3A_557 = tpu.vector_load %arg18[%swap3A_555, %swap3A_556] {strides = array<i32>} : memref<400x128xf32, #tpu.memory_space<vmem>>, vector<16xf32>,
        tpu.vector_store %arg18[%swap3A_555, %swap3A_556], %gather3A_553 {strides = array<i32>} : memref<400x128xf32, #tpu.memory_space<vmem>>, vector<16xf32>,
        %swap3A_558 = arith.index_cast %add3A_541 : i32 to index
        %swap3A_559 = arith.constant 48 : index
        %swap3A_560 = tpu.vector_load %arg18[%swap3A_558, %swap3A_559] {strides = array<i32>} : memref<400x128xf32, #tpu.memory_space<vmem>>, vector<16xf32>,
        tpu.vector_store %arg18[%swap3A_558, %swap3A_559], %gather3A_554 {strides = array<i32>} : memref<400x128xf32, #tpu.memory_space<vmem>>, vector<16xf32>,
        %gather3A_561 = tpu.vector_load_idx %arg17[%broadcast_in_dim3A_10, %broadcast_in_dim3A_542] : memref<4x400xi32, #tpu.memory_space<vmem>>[vector<16xi32>, vector<16xi32>], vector<16xi32>,
        %gather3A_562 = tpu.vector_load_idx %arg13[%gather3A_561, %iota3A] : memref<252x32xf32, #tpu.memory_space<vmem>>[vector<16xi32>, vector<16xi32>], vector<16xf32>,
        %gather3A_563 = tpu.vector_load_idx %arg13[%gather3A_561, %add3A_5] : memref<252x32xf32, #tpu.memory_space<vmem>>[vector<16xi32>, vector<16xi32>], vector<16xf32>,
        %swap3A_564 = arith.index_cast %add3A_541 : i32 to index
        %swap3A_565 = arith.constant 64 : index
        %swap3A_566 = tpu.vector_load %arg18[%swap3A_564, %swap3A_565] {strides = array<i32>} : memref<400x128xf32, #tpu.memory_space<vmem>>, vector<16xf32>,
        tpu.vector_store %arg18[%swap3A_564, %swap3A_565], %gather3A_562 {strides = array<i32>} : memref<400x128xf32, #tpu.memory_space<vmem>>, vector<16xf32>,
        %swap3A_567 = arith.index_cast %add3A_541 : i32 to index
        %swap3A_568 = arith.constant 80 : index
        %swap3A_569 = tpu.vector_load %arg18[%swap3A_567, %swap3A_568] {strides = array<i32>} : memref<400x128xf32, #tpu.memory_space<vmem>>, vector<16xf32>,
        tpu.vector_store %arg18[%swap3A_567, %swap3A_568], %gather3A_563 {strides = array<i32>} : memref<400x128xf32, #tpu.memory_space<vmem>>, vector<16xf32>,
        %gather3A_570 = tpu.vector_load_idx %arg17[%broadcast_in_dim3A_12, %broadcast_in_dim3A_542] : memref<4x400xi32, #tpu.memory_space<vmem>>[vector<16xi32>, vector<16xi32>], vector<16xi32>,
        %gather3A_571 = tpu.vector_load_idx %arg14[%gather3A_570, %iota3A] : memref<252x32xf32, #tpu.memory_space<vmem>>[vector<16xi32>, vector<16xi32>], vector<16xf32>,
        %gather3A_572 = tpu.vector_load_idx %arg14[%gather3A_570, %add3A_5] : memref<252x32xf32, #tpu.memory_space<vmem>>[vector<16xi32>, vector<16xi32>], vector<16xf32>,
        %swap3A_573 = arith.index_cast %add3A_541 : i32 to index
        %swap3A_574 = arith.constant 96 : index
        %swap3A_575 = tpu.vector_load %arg18[%swap3A_573, %swap3A_574] {strides = array<i32>} : memref<400x128xf32, #tpu.memory_space<vmem>>, vector<16xf32>,
        tpu.vector_store %arg18[%swap3A_573, %swap3A_574], %gather3A_571 {strides = array<i32>} : memref<400x128xf32, #tpu.memory_space<vmem>>, vector<16xf32>,
        %swap3A_576 = arith.index_cast %add3A_541 : i32 to index
        %swap3A_577 = arith.constant 112 : index
        %swap3A_578 = tpu.vector_load %arg18[%swap3A_576, %swap3A_577] {strides = array<i32>} : memref<400x128xf32, #tpu.memory_space<vmem>>, vector<16xf32>,
        tpu.vector_store %arg18[%swap3A_576, %swap3A_577], %gather3A_572 {strides = array<i32>} : memref<400x128xf32, #tpu.memory_space<vmem>>, vector<16xf32>,
        %add3A_579 = arith.constant 8 : i32
        %add3A_580 = arith.addi %mul3A_233, %add3A_579 : i32
        %broadcast_in_dim3A_581 = vector.broadcast %add3A_580 : i32 to vector<16xi32>
        %gather3A_582 = tpu.vector_load_idx %arg17[%broadcast_in_dim3A_6, %broadcast_in_dim3A_581] : memref<4x400xi32, #tpu.memory_space<vmem>>[vector<16xi32>, vector<16xi32>], vector<16xi32>,
        %gather3A_583 = tpu.vector_load_idx %arg11[%gather3A_582, %iota3A] : memref<50x32xf32, #tpu.memory_space<vmem>>[vector<16xi32>, vector<16xi32>], vector<16xf32>,
        %gather3A_584 = tpu.vector_load_idx %arg11[%gather3A_582, %add3A_5] : memref<50x32xf32, #tpu.memory_space<vmem>>[vector<16xi32>, vector<16xi32>], vector<16xf32>,
        %swap3A_585 = arith.index_cast %add3A_580 : i32 to index
        %swap3A_586 = arith.constant 0 : index
        %swap3A_587 = tpu.vector_load %arg18[%swap3A_585, %swap3A_586] {strides = array<i32>} : memref<400x128xf32, #tpu.memory_space<vmem>>, vector<16xf32>,
        tpu.vector_store %arg18[%swap3A_585, %swap3A_586], %gather3A_583 {strides = array<i32>} : memref<400x128xf32, #tpu.memory_space<vmem>>, vector<16xf32>,
        %swap3A_588 = arith.index_cast %add3A_580 : i32 to index
        %swap3A_589 = arith.constant 16 : index
        %swap3A_590 = tpu.vector_load %arg18[%swap3A_588, %swap3A_589] {strides = array<i32>} : memref<400x128xf32, #tpu.memory_space<vmem>>, vector<16xf32>,
        tpu.vector_store %arg18[%swap3A_588, %swap3A_589], %gather3A_584 {strides = array<i32>} : memref<400x128xf32, #tpu.memory_space<vmem>>, vector<16xf32>,
        %gather3A_591 = tpu.vector_load_idx %arg17[%broadcast_in_dim3A_8, %broadcast_in_dim3A_581] : memref<4x400xi32, #tpu.memory_space<vmem>>[vector<16xi32>, vector<16xi32>], vector<16xi32>,
        %gather3A_592 = tpu.vector_load_idx %arg12[%gather3A_591, %iota3A] : memref<8x32xf32, #tpu.memory_space<vmem>>[vector<16xi32>, vector<16xi32>], vector<16xf32>,
        %gather3A_593 = tpu.vector_load_idx %arg12[%gather3A_591, %add3A_5] : memref<8x32xf32, #tpu.memory_space<vmem>>[vector<16xi32>, vector<16xi32>], vector<16xf32>,
        %swap3A_594 = arith.index_cast %add3A_580 : i32 to index
        %swap3A_595 = arith.constant 32 : index
        %swap3A_596 = tpu.vector_load %arg18[%swap3A_594, %swap3A_595] {strides = array<i32>} : memref<400x128xf32, #tpu.memory_space<vmem>>, vector<16xf32>,
        tpu.vector_store %arg18[%swap3A_594, %swap3A_595], %gather3A_592 {strides = array<i32>} : memref<400x128xf32, #tpu.memory_space<vmem>>, vector<16xf32>,
        %swap3A_597 = arith.index_cast %add3A_580 : i32 to index
        %swap3A_598 = arith.constant 48 : index
        %swap3A_599 = tpu.vector_load %arg18[%swap3A_597, %swap3A_598] {strides = array<i32>} : memref<400x128xf32, #tpu.memory_space<vmem>>, vector<16xf32>,
        tpu.vector_store %arg18[%swap3A_597, %swap3A_598], %gather3A_593 {strides = array<i32>} : memref<400x128xf32, #tpu.memory_space<vmem>>, vector<16xf32>,
        %gather3A_600 = tpu.vector_load_idx %arg17[%broadcast_in_dim3A_10, %broadcast_in_dim3A_581] : memref<4x400xi32, #tpu.memory_space<vmem>>[vector<16xi32>, vector<16xi32>], vector<16xi32>,
        %gather3A_601 = tpu.vector_load_idx %arg13[%gather3A_600, %iota3A] : memref<252x32xf32, #tpu.memory_space<vmem>>[vector<16xi32>, vector<16xi32>], vector<16xf32>,
        %gather3A_602 = tpu.vector_load_idx %arg13[%gather3A_600, %add3A_5] : memref<252x32xf32, #tpu.memory_space<vmem>>[vector<16xi32>, vector<16xi32>], vector<16xf32>,
        %swap3A_603 = arith.index_cast %add3A_580 : i32 to index
        %swap3A_604 = arith.constant 64 : index
        %swap3A_605 = tpu.vector_load %arg18[%swap3A_603, %swap3A_604] {strides = array<i32>} : memref<400x128xf32, #tpu.memory_space<vmem>>, vector<16xf32>,
        tpu.vector_store %arg18[%swap3A_603, %swap3A_604], %gather3A_601 {strides = array<i32>} : memref<400x128xf32, #tpu.memory_space<vmem>>, vector<16xf32>,
        %swap3A_606 = arith.index_cast %add3A_580 : i32 to index
        %swap3A_607 = arith.constant 80 : index
        %swap3A_608 = tpu.vector_load %arg18[%swap3A_606, %swap3A_607] {strides = array<i32>} : memref<400x128xf32, #tpu.memory_space<vmem>>, vector<16xf32>,
        tpu.vector_store %arg18[%swap3A_606, %swap3A_607], %gather3A_602 {strides = array<i32>} : memref<400x128xf32, #tpu.memory_space<vmem>>, vector<16xf32>,
        %gather3A_609 = tpu.vector_load_idx %arg17[%broadcast_in_dim3A_12, %broadcast_in_dim3A_581] : memref<4x400xi32, #tpu.memory_space<vmem>>[vector<16xi32>, vector<16xi32>], vector<16xi32>,
        %gather3A_610 = tpu.vector_load_idx %arg14[%gather3A_609, %iota3A] : memref<252x32xf32, #tpu.memory_space<vmem>>[vector<16xi32>, vector<16xi32>], vector<16xf32>,
        %gather3A_611 = tpu.vector_load_idx %arg14[%gather3A_609, %add3A_5] : memref<252x32xf32, #tpu.memory_space<vmem>>[vector<16xi32>, vector<16xi32>], vector<16xf32>,
        %swap3A_612 = arith.index_cast %add3A_580 : i32 to index
        %swap3A_613 = arith.constant 96 : index
        %swap3A_614 = tpu.vector_load %arg18[%swap3A_612, %swap3A_613] {strides = array<i32>} : memref<400x128xf32, #tpu.memory_space<vmem>>, vector<16xf32>,
        tpu.vector_store %arg18[%swap3A_612, %swap3A_613], %gather3A_610 {strides = array<i32>} : memref<400x128xf32, #tpu.memory_space<vmem>>, vector<16xf32>,
        %swap3A_615 = arith.index_cast %add3A_580 : i32 to index
        %swap3A_616 = arith.constant 112 : index
        %swap3A_617 = tpu.vector_load %arg18[%swap3A_615, %swap3A_616] {strides = array<i32>} : memref<400x128xf32, #tpu.memory_space<vmem>>, vector<16xf32>,
        tpu.vector_store %arg18[%swap3A_615, %swap3A_616], %gather3A_611 {strides = array<i32>} : memref<400x128xf32, #tpu.memory_space<vmem>>, vector<16xf32>,
        %add3A_618 = arith.constant 9 : i32
        %add3A_619 = arith.addi %mul3A_233, %add3A_618 : i32
        %broadcast_in_dim3A_620 = vector.broadcast %add3A_619 : i32 to vector<16xi32>
        %gather3A_621 = tpu.vector_load_idx %arg17[%broadcast_in_dim3A_6, %broadcast_in_dim3A_620] : memref<4x400xi32, #tpu.memory_space<vmem>>[vector<16xi32>, vector<16xi32>], vector<16xi32>,
        %gather3A_622 = tpu.vector_load_idx %arg11[%gather3A_621, %iota3A] : memref<50x32xf32, #tpu.memory_space<vmem>>[vector<16xi32>, vector<16xi32>], vector<16xf32>,
        %gather3A_623 = tpu.vector_load_idx %arg11[%gather3A_621, %add3A_5] : memref<50x32xf32, #tpu.memory_space<vmem>>[vector<16xi32>, vector<16xi32>], vector<16xf32>,
        %swap3A_624 = arith.index_cast %add3A_619 : i32 to index
        %swap3A_625 = arith.constant 0 : index
        %swap3A_626 = tpu.vector_load %arg18[%swap3A_624, %swap3A_625] {strides = array<i32>} : memref<400x128xf32, #tpu.memory_space<vmem>>, vector<16xf32>,
        tpu.vector_store %arg18[%swap3A_624, %swap3A_625], %gather3A_622 {strides = array<i32>} : memref<400x128xf32, #tpu.memory_space<vmem>>, vector<16xf32>,
        %swap3A_627 = arith.index_cast %add3A_619 : i32 to index
        %swap3A_628 = arith.constant 16 : index
        %swap3A_629 = tpu.vector_load %arg18[%swap3A_627, %swap3A_628] {strides = array<i32>} : memref<400x128xf32, #tpu.memory_space<vmem>>, vector<16xf32>,
        tpu.vector_store %arg18[%swap3A_627, %swap3A_628], %gather3A_623 {strides = array<i32>} : memref<400x128xf32, #tpu.memory_space<vmem>>, vector<16xf32>,
        %gather3A_630 = tpu.vector_load_idx %arg17[%broadcast_in_dim3A_8, %broadcast_in_dim3A_620] : memref<4x400xi32, #tpu.memory_space<vmem>>[vector<16xi32>, vector<16xi32>], vector<16xi32>,
        %gather3A_631 = tpu.vector_load_idx %arg12[%gather3A_630, %iota3A] : memref<8x32xf32, #tpu.memory_space<vmem>>[vector<16xi32>, vector<16xi32>], vector<16xf32>,
        %gather3A_632 = tpu.vector_load_idx %arg12[%gather3A_630, %add3A_5] : memref<8x32xf32, #tpu.memory_space<vmem>>[vector<16xi32>, vector<16xi32>], vector<16xf32>,
        %swap3A_633 = arith.index_cast %add3A_619 : i32 to index
        %swap3A_634 = arith.constant 32 : index
        %swap3A_635 = tpu.vector_load %arg18[%swap3A_633, %swap3A_634] {strides = array<i32>} : memref<400x128xf32, #tpu.memory_space<vmem>>, vector<16xf32>,
        tpu.vector_store %arg18[%swap3A_633, %swap3A_634], %gather3A_631 {strides = array<i32>} : memref<400x128xf32, #tpu.memory_space<vmem>>, vector<16xf32>,
        %swap3A_636 = arith.index_cast %add3A_619 : i32 to index
        %swap3A_637 = arith.constant 48 : index
        %swap3A_638 = tpu.vector_load %arg18[%swap3A_636, %swap3A_637] {strides = array<i32>} : memref<400x128xf32, #tpu.memory_space<vmem>>, vector<16xf32>,
        tpu.vector_store %arg18[%swap3A_636, %swap3A_637], %gather3A_632 {strides = array<i32>} : memref<400x128xf32, #tpu.memory_space<vmem>>, vector<16xf32>,
        %gather3A_639 = tpu.vector_load_idx %arg17[%broadcast_in_dim3A_10, %broadcast_in_dim3A_620] : memref<4x400xi32, #tpu.memory_space<vmem>>[vector<16xi32>, vector<16xi32>], vector<16xi32>,
        %gather3A_640 = tpu.vector_load_idx %arg13[%gather3A_639, %iota3A] : memref<252x32xf32, #tpu.memory_space<vmem>>[vector<16xi32>, vector<16xi32>], vector<16xf32>,
        %gather3A_641 = tpu.vector_load_idx %arg13[%gather3A_639, %add3A_5] : memref<252x32xf32, #tpu.memory_space<vmem>>[vector<16xi32>, vector<16xi32>], vector<16xf32>,
        %swap3A_642 = arith.index_cast %add3A_619 : i32 to index
        %swap3A_643 = arith.constant 64 : index
        %swap3A_644 = tpu.vector_load %arg18[%swap3A_642, %swap3A_643] {strides = array<i32>} : memref<400x128xf32, #tpu.memory_space<vmem>>, vector<16xf32>,
        tpu.vector_store %arg18[%swap3A_642, %swap3A_643], %gather3A_640 {strides = array<i32>} : memref<400x128xf32, #tpu.memory_space<vmem>>, vector<16xf32>,
        %swap3A_645 = arith.index_cast %add3A_619 : i32 to index
        %swap3A_646 = arith.constant 80 : index
        %swap3A_647 = tpu.vector_load %arg18[%swap3A_645, %swap3A_646] {strides = array<i32>} : memref<400x128xf32, #tpu.memory_space<vmem>>, vector<16xf32>,
        tpu.vector_store %arg18[%swap3A_645, %swap3A_646], %gather3A_641 {strides = array<i32>} : memref<400x128xf32, #tpu.memory_space<vmem>>, vector<16xf32>,
        %gather3A_648 = tpu.vector_load_idx %arg17[%broadcast_in_dim3A_12, %broadcast_in_dim3A_620] : memref<4x400xi32, #tpu.memory_space<vmem>>[vector<16xi32>, vector<16xi32>], vector<16xi32>,
        %gather3A_649 = tpu.vector_load_idx %arg14[%gather3A_648, %iota3A] : memref<252x32xf32, #tpu.memory_space<vmem>>[vector<16xi32>, vector<16xi32>], vector<16xf32>,
        %gather3A_650 = tpu.vector_load_idx %arg14[%gather3A_648, %add3A_5] : memref<252x32xf32, #tpu.memory_space<vmem>>[vector<16xi32>, vector<16xi32>], vector<16xf32>,
        %swap3A_651 = arith.index_cast %add3A_619 : i32 to index
        %swap3A_652 = arith.constant 96 : index
        %swap3A_653 = tpu.vector_load %arg18[%swap3A_651, %swap3A_652] {strides = array<i32>} : memref<400x128xf32, #tpu.memory_space<vmem>>, vector<16xf32>,
        tpu.vector_store %arg18[%swap3A_651, %swap3A_652], %gather3A_649 {strides = array<i32>} : memref<400x128xf32, #tpu.memory_space<vmem>>, vector<16xf32>,
        %swap3A_654 = arith.index_cast %add3A_619 : i32 to index
        %swap3A_655 = arith.constant 112 : index
        %swap3A_656 = tpu.vector_load %arg18[%swap3A_654, %swap3A_655] {strides = array<i32>} : memref<400x128xf32, #tpu.memory_space<vmem>>, vector<16xf32>,
        tpu.vector_store %arg18[%swap3A_654, %swap3A_655], %gather3A_650 {strides = array<i32>} : memref<400x128xf32, #tpu.memory_space<vmem>>, vector<16xf32>,
        %add3A_657 = arith.constant 10 : i32
        %add3A_658 = arith.addi %mul3A_233, %add3A_657 : i32
        %broadcast_in_dim3A_659 = vector.broadcast %add3A_658 : i32 to vector<16xi32>
        %gather3A_660 = tpu.vector_load_idx %arg17[%broadcast_in_dim3A_6, %broadcast_in_dim3A_659] : memref<4x400xi32, #tpu.memory_space<vmem>>[vector<16xi32>, vector<16xi32>], vector<16xi32>,
        %gather3A_661 = tpu.vector_load_idx %arg11[%gather3A_660, %iota3A] : memref<50x32xf32, #tpu.memory_space<vmem>>[vector<16xi32>, vector<16xi32>], vector<16xf32>,
        %gather3A_662 = tpu.vector_load_idx %arg11[%gather3A_660, %add3A_5] : memref<50x32xf32, #tpu.memory_space<vmem>>[vector<16xi32>, vector<16xi32>], vector<16xf32>,
        %swap3A_663 = arith.index_cast %add3A_658 : i32 to index
        %swap3A_664 = arith.constant 0 : index
        %swap3A_665 = tpu.vector_load %arg18[%swap3A_663, %swap3A_664] {strides = array<i32>} : memref<400x128xf32, #tpu.memory_space<vmem>>, vector<16xf32>,
        tpu.vector_store %arg18[%swap3A_663, %swap3A_664], %gather3A_661 {strides = array<i32>} : memref<400x128xf32, #tpu.memory_space<vmem>>, vector<16xf32>,
        %swap3A_666 = arith.index_cast %add3A_658 : i32 to index
        %swap3A_667 = arith.constant 16 : index
        %swap3A_668 = tpu.vector_load %arg18[%swap3A_666, %swap3A_667] {strides = array<i32>} : memref<400x128xf32, #tpu.memory_space<vmem>>, vector<16xf32>,
        tpu.vector_store %arg18[%swap3A_666, %swap3A_667], %gather3A_662 {strides = array<i32>} : memref<400x128xf32, #tpu.memory_space<vmem>>, vector<16xf32>,
        %gather3A_669 = tpu.vector_load_idx %arg17[%broadcast_in_dim3A_8, %broadcast_in_dim3A_659] : memref<4x400xi32, #tpu.memory_space<vmem>>[vector<16xi32>, vector<16xi32>], vector<16xi32>,
        %gather3A_670 = tpu.vector_load_idx %arg12[%gather3A_669, %iota3A] : memref<8x32xf32, #tpu.memory_space<vmem>>[vector<16xi32>, vector<16xi32>], vector<16xf32>,
        %gather3A_671 = tpu.vector_load_idx %arg12[%gather3A_669, %add3A_5] : memref<8x32xf32, #tpu.memory_space<vmem>>[vector<16xi32>, vector<16xi32>], vector<16xf32>,
        %swap3A_672 = arith.index_cast %add3A_658 : i32 to index
        %swap3A_673 = arith.constant 32 : index
        %swap3A_674 = tpu.vector_load %arg18[%swap3A_672, %swap3A_673] {strides = array<i32>} : memref<400x128xf32, #tpu.memory_space<vmem>>, vector<16xf32>,
        tpu.vector_store %arg18[%swap3A_672, %swap3A_673], %gather3A_670 {strides = array<i32>} : memref<400x128xf32, #tpu.memory_space<vmem>>, vector<16xf32>,
        %swap3A_675 = arith.index_cast %add3A_658 : i32 to index
        %swap3A_676 = arith.constant 48 : index
        %swap3A_677 = tpu.vector_load %arg18[%swap3A_675, %swap3A_676] {strides = array<i32>} : memref<400x128xf32, #tpu.memory_space<vmem>>, vector<16xf32>,
        tpu.vector_store %arg18[%swap3A_675, %swap3A_676], %gather3A_671 {strides = array<i32>} : memref<400x128xf32, #tpu.memory_space<vmem>>, vector<16xf32>,
        %gather3A_678 = tpu.vector_load_idx %arg17[%broadcast_in_dim3A_10, %broadcast_in_dim3A_659] : memref<4x400xi32, #tpu.memory_space<vmem>>[vector<16xi32>, vector<16xi32>], vector<16xi32>,
        %gather3A_679 = tpu.vector_load_idx %arg13[%gather3A_678, %iota3A] : memref<252x32xf32, #tpu.memory_space<vmem>>[vector<16xi32>, vector<16xi32>], vector<16xf32>,
        %gather3A_680 = tpu.vector_load_idx %arg13[%gather3A_678, %add3A_5] : memref<252x32xf32, #tpu.memory_space<vmem>>[vector<16xi32>, vector<16xi32>], vector<16xf32>,
        %swap3A_681 = arith.index_cast %add3A_658 : i32 to index
        %swap3A_682 = arith.constant 64 : index
        %swap3A_683 = tpu.vector_load %arg18[%swap3A_681, %swap3A_682] {strides = array<i32>} : memref<400x128xf32, #tpu.memory_space<vmem>>, vector<16xf32>,
        tpu.vector_store %arg18[%swap3A_681, %swap3A_682], %gather3A_679 {strides = array<i32>} : memref<400x128xf32, #tpu.memory_space<vmem>>, vector<16xf32>,
        %swap3A_684 = arith.index_cast %add3A_658 : i32 to index
        %swap3A_685 = arith.constant 80 : index
        %swap3A_686 = tpu.vector_load %arg18[%swap3A_684, %swap3A_685] {strides = array<i32>} : memref<400x128xf32, #tpu.memory_space<vmem>>, vector<16xf32>,
        tpu.vector_store %arg18[%swap3A_684, %swap3A_685], %gather3A_680 {strides = array<i32>} : memref<400x128xf32, #tpu.memory_space<vmem>>, vector<16xf32>,
        %gather3A_687 = tpu.vector_load_idx %arg17[%broadcast_in_dim3A_12, %broadcast_in_dim3A_659] : memref<4x400xi32, #tpu.memory_space<vmem>>[vector<16xi32>, vector<16xi32>], vector<16xi32>,
        %gather3A_688 = tpu.vector_load_idx %arg14[%gather3A_687, %iota3A] : memref<252x32xf32, #tpu.memory_space<vmem>>[vector<16xi32>, vector<16xi32>], vector<16xf32>,
        %gather3A_689 = tpu.vector_load_idx %arg14[%gather3A_687, %add3A_5] : memref<252x32xf32, #tpu.memory_space<vmem>>[vector<16xi32>, vector<16xi32>], vector<16xf32>,
        %swap3A_690 = arith.index_cast %add3A_658 : i32 to index
        %swap3A_691 = arith.constant 96 : index
        %swap3A_692 = tpu.vector_load %arg18[%swap3A_690, %swap3A_691] {strides = array<i32>} : memref<400x128xf32, #tpu.memory_space<vmem>>, vector<16xf32>,
        tpu.vector_store %arg18[%swap3A_690, %swap3A_691], %gather3A_688 {strides = array<i32>} : memref<400x128xf32, #tpu.memory_space<vmem>>, vector<16xf32>,
        %swap3A_693 = arith.index_cast %add3A_658 : i32 to index
        %swap3A_694 = arith.constant 112 : index
        %swap3A_695 = tpu.vector_load %arg18[%swap3A_693, %swap3A_694] {strides = array<i32>} : memref<400x128xf32, #tpu.memory_space<vmem>>, vector<16xf32>,
        tpu.vector_store %arg18[%swap3A_693, %swap3A_694], %gather3A_689 {strides = array<i32>} : memref<400x128xf32, #tpu.memory_space<vmem>>, vector<16xf32>,
        %add3A_696 = arith.constant 11 : i32
        %add3A_697 = arith.addi %mul3A_233, %add3A_696 : i32
        %broadcast_in_dim3A_698 = vector.broadcast %add3A_697 : i32 to vector<16xi32>
        %gather3A_699 = tpu.vector_load_idx %arg17[%broadcast_in_dim3A_6, %broadcast_in_dim3A_698] : memref<4x400xi32, #tpu.memory_space<vmem>>[vector<16xi32>, vector<16xi32>], vector<16xi32>,
        %gather3A_700 = tpu.vector_load_idx %arg11[%gather3A_699, %iota3A] : memref<50x32xf32, #tpu.memory_space<vmem>>[vector<16xi32>, vector<16xi32>], vector<16xf32>,
        %gather3A_701 = tpu.vector_load_idx %arg11[%gather3A_699, %add3A_5] : memref<50x32xf32, #tpu.memory_space<vmem>>[vector<16xi32>, vector<16xi32>], vector<16xf32>,
        %swap3A_702 = arith.index_cast %add3A_697 : i32 to index
        %swap3A_703 = arith.constant 0 : index
        %swap3A_704 = tpu.vector_load %arg18[%swap3A_702, %swap3A_703] {strides = array<i32>} : memref<400x128xf32, #tpu.memory_space<vmem>>, vector<16xf32>,
        tpu.vector_store %arg18[%swap3A_702, %swap3A_703], %gather3A_700 {strides = array<i32>} : memref<400x128xf32, #tpu.memory_space<vmem>>, vector<16xf32>,
        %swap3A_705 = arith.index_cast %add3A_697 : i32 to index
        %swap3A_706 = arith.constant 16 : index
        %swap3A_707 = tpu.vector_load %arg18[%swap3A_705, %swap3A_706] {strides = array<i32>} : memref<400x128xf32, #tpu.memory_space<vmem>>, vector<16xf32>,
        tpu.vector_store %arg18[%swap3A_705, %swap3A_706], %gather3A_701 {strides = array<i32>} : memref<400x128xf32, #tpu.memory_space<vmem>>, vector<16xf32>,
        %gather3A_708 = tpu.vector_load_idx %arg17[%broadcast_in_dim3A_8, %broadcast_in_dim3A_698] : memref<4x400xi32, #tpu.memory_space<vmem>>[vector<16xi32>, vector<16xi32>], vector<16xi32>,
        %gather3A_709 = tpu.vector_load_idx %arg12[%gather3A_708, %iota3A] : memref<8x32xf32, #tpu.memory_space<vmem>>[vector<16xi32>, vector<16xi32>], vector<16xf32>,
        %gather3A_710 = tpu.vector_load_idx %arg12[%gather3A_708, %add3A_5] : memref<8x32xf32, #tpu.memory_space<vmem>>[vector<16xi32>, vector<16xi32>], vector<16xf32>,
        %swap3A_711 = arith.index_cast %add3A_697 : i32 to index
        %swap3A_712 = arith.constant 32 : index
        %swap3A_713 = tpu.vector_load %arg18[%swap3A_711, %swap3A_712] {strides = array<i32>} : memref<400x128xf32, #tpu.memory_space<vmem>>, vector<16xf32>,
        tpu.vector_store %arg18[%swap3A_711, %swap3A_712], %gather3A_709 {strides = array<i32>} : memref<400x128xf32, #tpu.memory_space<vmem>>, vector<16xf32>,
        %swap3A_714 = arith.index_cast %add3A_697 : i32 to index
        %swap3A_715 = arith.constant 48 : index
        %swap3A_716 = tpu.vector_load %arg18[%swap3A_714, %swap3A_715] {strides = array<i32>} : memref<400x128xf32, #tpu.memory_space<vmem>>, vector<16xf32>,
        tpu.vector_store %arg18[%swap3A_714, %swap3A_715], %gather3A_710 {strides = array<i32>} : memref<400x128xf32, #tpu.memory_space<vmem>>, vector<16xf32>,
        %gather3A_717 = tpu.vector_load_idx %arg17[%broadcast_in_dim3A_10, %broadcast_in_dim3A_698] : memref<4x400xi32, #tpu.memory_space<vmem>>[vector<16xi32>, vector<16xi32>], vector<16xi32>,
        %gather3A_718 = tpu.vector_load_idx %arg13[%gather3A_717, %iota3A] : memref<252x32xf32, #tpu.memory_space<vmem>>[vector<16xi32>, vector<16xi32>], vector<16xf32>,
        %gather3A_719 = tpu.vector_load_idx %arg13[%gather3A_717, %add3A_5] : memref<252x32xf32, #tpu.memory_space<vmem>>[vector<16xi32>, vector<16xi32>], vector<16xf32>,
        %swap3A_720 = arith.index_cast %add3A_697 : i32 to index
        %swap3A_721 = arith.constant 64 : index
        %swap3A_722 = tpu.vector_load %arg18[%swap3A_720, %swap3A_721] {strides = array<i32>} : memref<400x128xf32, #tpu.memory_space<vmem>>, vector<16xf32>,
        tpu.vector_store %arg18[%swap3A_720, %swap3A_721], %gather3A_718 {strides = array<i32>} : memref<400x128xf32, #tpu.memory_space<vmem>>, vector<16xf32>,
        %swap3A_723 = arith.index_cast %add3A_697 : i32 to index
        %swap3A_724 = arith.constant 80 : index
        %swap3A_725 = tpu.vector_load %arg18[%swap3A_723, %swap3A_724] {strides = array<i32>} : memref<400x128xf32, #tpu.memory_space<vmem>>, vector<16xf32>,
        tpu.vector_store %arg18[%swap3A_723, %swap3A_724], %gather3A_719 {strides = array<i32>} : memref<400x128xf32, #tpu.memory_space<vmem>>, vector<16xf32>,
        %gather3A_726 = tpu.vector_load_idx %arg17[%broadcast_in_dim3A_12, %broadcast_in_dim3A_698] : memref<4x400xi32, #tpu.memory_space<vmem>>[vector<16xi32>, vector<16xi32>], vector<16xi32>,
        %gather3A_727 = tpu.vector_load_idx %arg14[%gather3A_726, %iota3A] : memref<252x32xf32, #tpu.memory_space<vmem>>[vector<16xi32>, vector<16xi32>], vector<16xf32>,
        %gather3A_728 = tpu.vector_load_idx %arg14[%gather3A_726, %add3A_5] : memref<252x32xf32, #tpu.memory_space<vmem>>[vector<16xi32>, vector<16xi32>], vector<16xf32>,
        %swap3A_729 = arith.index_cast %add3A_697 : i32 to index
        %swap3A_730 = arith.constant 96 : index
        %swap3A_731 = tpu.vector_load %arg18[%swap3A_729, %swap3A_730] {strides = array<i32>} : memref<400x128xf32, #tpu.memory_space<vmem>>, vector<16xf32>,
        tpu.vector_store %arg18[%swap3A_729, %swap3A_730], %gather3A_727 {strides = array<i32>} : memref<400x128xf32, #tpu.memory_space<vmem>>, vector<16xf32>,
        %swap3A_732 = arith.index_cast %add3A_697 : i32 to index
        %swap3A_733 = arith.constant 112 : index
        %swap3A_734 = tpu.vector_load %arg18[%swap3A_732, %swap3A_733] {strides = array<i32>} : memref<400x128xf32, #tpu.memory_space<vmem>>, vector<16xf32>,
        tpu.vector_store %arg18[%swap3A_732, %swap3A_733], %gather3A_728 {strides = array<i32>} : memref<400x128xf32, #tpu.memory_space<vmem>>, vector<16xf32>,
        %add3A_735 = arith.constant 12 : i32
        %add3A_736 = arith.addi %mul3A_233, %add3A_735 : i32
        %broadcast_in_dim3A_737 = vector.broadcast %add3A_736 : i32 to vector<16xi32>
        %gather3A_738 = tpu.vector_load_idx %arg17[%broadcast_in_dim3A_6, %broadcast_in_dim3A_737] : memref<4x400xi32, #tpu.memory_space<vmem>>[vector<16xi32>, vector<16xi32>], vector<16xi32>,
        %gather3A_739 = tpu.vector_load_idx %arg11[%gather3A_738, %iota3A] : memref<50x32xf32, #tpu.memory_space<vmem>>[vector<16xi32>, vector<16xi32>], vector<16xf32>,
        %gather3A_740 = tpu.vector_load_idx %arg11[%gather3A_738, %add3A_5] : memref<50x32xf32, #tpu.memory_space<vmem>>[vector<16xi32>, vector<16xi32>], vector<16xf32>,
        %swap3A_741 = arith.index_cast %add3A_736 : i32 to index
        %swap3A_742 = arith.constant 0 : index
        %swap3A_743 = tpu.vector_load %arg18[%swap3A_741, %swap3A_742] {strides = array<i32>} : memref<400x128xf32, #tpu.memory_space<vmem>>, vector<16xf32>,
        tpu.vector_store %arg18[%swap3A_741, %swap3A_742], %gather3A_739 {strides = array<i32>} : memref<400x128xf32, #tpu.memory_space<vmem>>, vector<16xf32>,
        %swap3A_744 = arith.index_cast %add3A_736 : i32 to index
        %swap3A_745 = arith.constant 16 : index
        %swap3A_746 = tpu.vector_load %arg18[%swap3A_744, %swap3A_745] {strides = array<i32>} : memref<400x128xf32, #tpu.memory_space<vmem>>, vector<16xf32>,
        tpu.vector_store %arg18[%swap3A_744, %swap3A_745], %gather3A_740 {strides = array<i32>} : memref<400x128xf32, #tpu.memory_space<vmem>>, vector<16xf32>,
        %gather3A_747 = tpu.vector_load_idx %arg17[%broadcast_in_dim3A_8, %broadcast_in_dim3A_737] : memref<4x400xi32, #tpu.memory_space<vmem>>[vector<16xi32>, vector<16xi32>], vector<16xi32>,
        %gather3A_748 = tpu.vector_load_idx %arg12[%gather3A_747, %iota3A] : memref<8x32xf32, #tpu.memory_space<vmem>>[vector<16xi32>, vector<16xi32>], vector<16xf32>,
        %gather3A_749 = tpu.vector_load_idx %arg12[%gather3A_747, %add3A_5] : memref<8x32xf32, #tpu.memory_space<vmem>>[vector<16xi32>, vector<16xi32>], vector<16xf32>,
        %swap3A_750 = arith.index_cast %add3A_736 : i32 to index
        %swap3A_751 = arith.constant 32 : index
        %swap3A_752 = tpu.vector_load %arg18[%swap3A_750, %swap3A_751] {strides = array<i32>} : memref<400x128xf32, #tpu.memory_space<vmem>>, vector<16xf32>,
        tpu.vector_store %arg18[%swap3A_750, %swap3A_751], %gather3A_748 {strides = array<i32>} : memref<400x128xf32, #tpu.memory_space<vmem>>, vector<16xf32>,
        %swap3A_753 = arith.index_cast %add3A_736 : i32 to index
        %swap3A_754 = arith.constant 48 : index
        %swap3A_755 = tpu.vector_load %arg18[%swap3A_753, %swap3A_754] {strides = array<i32>} : memref<400x128xf32, #tpu.memory_space<vmem>>, vector<16xf32>,
        tpu.vector_store %arg18[%swap3A_753, %swap3A_754], %gather3A_749 {strides = array<i32>} : memref<400x128xf32, #tpu.memory_space<vmem>>, vector<16xf32>,
        %gather3A_756 = tpu.vector_load_idx %arg17[%broadcast_in_dim3A_10, %broadcast_in_dim3A_737] : memref<4x400xi32, #tpu.memory_space<vmem>>[vector<16xi32>, vector<16xi32>], vector<16xi32>,
        %gather3A_757 = tpu.vector_load_idx %arg13[%gather3A_756, %iota3A] : memref<252x32xf32, #tpu.memory_space<vmem>>[vector<16xi32>, vector<16xi32>], vector<16xf32>,
        %gather3A_758 = tpu.vector_load_idx %arg13[%gather3A_756, %add3A_5] : memref<252x32xf32, #tpu.memory_space<vmem>>[vector<16xi32>, vector<16xi32>], vector<16xf32>,
        %swap3A_759 = arith.index_cast %add3A_736 : i32 to index
        %swap3A_760 = arith.constant 64 : index
        %swap3A_761 = tpu.vector_load %arg18[%swap3A_759, %swap3A_760] {strides = array<i32>} : memref<400x128xf32, #tpu.memory_space<vmem>>, vector<16xf32>,
        tpu.vector_store %arg18[%swap3A_759, %swap3A_760], %gather3A_757 {strides = array<i32>} : memref<400x128xf32, #tpu.memory_space<vmem>>, vector<16xf32>,
        %swap3A_762 = arith.index_cast %add3A_736 : i32 to index
        %swap3A_763 = arith.constant 80 : index
        %swap3A_764 = tpu.vector_load %arg18[%swap3A_762, %swap3A_763] {strides = array<i32>} : memref<400x128xf32, #tpu.memory_space<vmem>>, vector<16xf32>,
        tpu.vector_store %arg18[%swap3A_762, %swap3A_763], %gather3A_758 {strides = array<i32>} : memref<400x128xf32, #tpu.memory_space<vmem>>, vector<16xf32>,
        %gather3A_765 = tpu.vector_load_idx %arg17[%broadcast_in_dim3A_12, %broadcast_in_dim3A_737] : memref<4x400xi32, #tpu.memory_space<vmem>>[vector<16xi32>, vector<16xi32>], vector<16xi32>,
        %gather3A_766 = tpu.vector_load_idx %arg14[%gather3A_765, %iota3A] : memref<252x32xf32, #tpu.memory_space<vmem>>[vector<16xi32>, vector<16xi32>], vector<16xf32>,
        %gather3A_767 = tpu.vector_load_idx %arg14[%gather3A_765, %add3A_5] : memref<252x32xf32, #tpu.memory_space<vmem>>[vector<16xi32>, vector<16xi32>], vector<16xf32>,
        %swap3A_768 = arith.index_cast %add3A_736 : i32 to index
        %swap3A_769 = arith.constant 96 : index
        %swap3A_770 = tpu.vector_load %arg18[%swap3A_768, %swap3A_769] {strides = array<i32>} : memref<400x128xf32, #tpu.memory_space<vmem>>, vector<16xf32>,
        tpu.vector_store %arg18[%swap3A_768, %swap3A_769], %gather3A_766 {strides = array<i32>} : memref<400x128xf32, #tpu.memory_space<vmem>>, vector<16xf32>,
        %swap3A_771 = arith.index_cast %add3A_736 : i32 to index
        %swap3A_772 = arith.constant 112 : index
        %swap3A_773 = tpu.vector_load %arg18[%swap3A_771, %swap3A_772] {strides = array<i32>} : memref<400x128xf32, #tpu.memory_space<vmem>>, vector<16xf32>,
        tpu.vector_store %arg18[%swap3A_771, %swap3A_772], %gather3A_767 {strides = array<i32>} : memref<400x128xf32, #tpu.memory_space<vmem>>, vector<16xf32>,
        %add3A_774 = arith.constant 13 : i32
        %add3A_775 = arith.addi %mul3A_233, %add3A_774 : i32
        %broadcast_in_dim3A_776 = vector.broadcast %add3A_775 : i32 to vector<16xi32>
        %gather3A_777 = tpu.vector_load_idx %arg17[%broadcast_in_dim3A_6, %broadcast_in_dim3A_776] : memref<4x400xi32, #tpu.memory_space<vmem>>[vector<16xi32>, vector<16xi32>], vector<16xi32>,
        %gather3A_778 = tpu.vector_load_idx %arg11[%gather3A_777, %iota3A] : memref<50x32xf32, #tpu.memory_space<vmem>>[vector<16xi32>, vector<16xi32>], vector<16xf32>,
        %gather3A_779 = tpu.vector_load_idx %arg11[%gather3A_777, %add3A_5] : memref<50x32xf32, #tpu.memory_space<vmem>>[vector<16xi32>, vector<16xi32>], vector<16xf32>,
        %swap3A_780 = arith.index_cast %add3A_775 : i32 to index
        %swap3A_781 = arith.constant 0 : index
        %swap3A_782 = tpu.vector_load %arg18[%swap3A_780, %swap3A_781] {strides = array<i32>} : memref<400x128xf32, #tpu.memory_space<vmem>>, vector<16xf32>,
        tpu.vector_store %arg18[%swap3A_780, %swap3A_781], %gather3A_778 {strides = array<i32>} : memref<400x128xf32, #tpu.memory_space<vmem>>, vector<16xf32>,
        %swap3A_783 = arith.index_cast %add3A_775 : i32 to index
        %swap3A_784 = arith.constant 16 : index
        %swap3A_785 = tpu.vector_load %arg18[%swap3A_783, %swap3A_784] {strides = array<i32>} : memref<400x128xf32, #tpu.memory_space<vmem>>, vector<16xf32>,
        tpu.vector_store %arg18[%swap3A_783, %swap3A_784], %gather3A_779 {strides = array<i32>} : memref<400x128xf32, #tpu.memory_space<vmem>>, vector<16xf32>,
        %gather3A_786 = tpu.vector_load_idx %arg17[%broadcast_in_dim3A_8, %broadcast_in_dim3A_776] : memref<4x400xi32, #tpu.memory_space<vmem>>[vector<16xi32>, vector<16xi32>], vector<16xi32>,
        %gather3A_787 = tpu.vector_load_idx %arg12[%gather3A_786, %iota3A] : memref<8x32xf32, #tpu.memory_space<vmem>>[vector<16xi32>, vector<16xi32>], vector<16xf32>,
        %gather3A_788 = tpu.vector_load_idx %arg12[%gather3A_786, %add3A_5] : memref<8x32xf32, #tpu.memory_space<vmem>>[vector<16xi32>, vector<16xi32>], vector<16xf32>,
        %swap3A_789 = arith.index_cast %add3A_775 : i32 to index
        %swap3A_790 = arith.constant 32 : index
        %swap3A_791 = tpu.vector_load %arg18[%swap3A_789, %swap3A_790] {strides = array<i32>} : memref<400x128xf32, #tpu.memory_space<vmem>>, vector<16xf32>,
        tpu.vector_store %arg18[%swap3A_789, %swap3A_790], %gather3A_787 {strides = array<i32>} : memref<400x128xf32, #tpu.memory_space<vmem>>, vector<16xf32>,
        %swap3A_792 = arith.index_cast %add3A_775 : i32 to index
        %swap3A_793 = arith.constant 48 : index
        %swap3A_794 = tpu.vector_load %arg18[%swap3A_792, %swap3A_793] {strides = array<i32>} : memref<400x128xf32, #tpu.memory_space<vmem>>, vector<16xf32>,
        tpu.vector_store %arg18[%swap3A_792, %swap3A_793], %gather3A_788 {strides = array<i32>} : memref<400x128xf32, #tpu.memory_space<vmem>>, vector<16xf32>,
        %gather3A_795 = tpu.vector_load_idx %arg17[%broadcast_in_dim3A_10, %broadcast_in_dim3A_776] : memref<4x400xi32, #tpu.memory_space<vmem>>[vector<16xi32>, vector<16xi32>], vector<16xi32>,
        %gather3A_796 = tpu.vector_load_idx %arg13[%gather3A_795, %iota3A] : memref<252x32xf32, #tpu.memory_space<vmem>>[vector<16xi32>, vector<16xi32>], vector<16xf32>,
        %gather3A_797 = tpu.vector_load_idx %arg13[%gather3A_795, %add3A_5] : memref<252x32xf32, #tpu.memory_space<vmem>>[vector<16xi32>, vector<16xi32>], vector<16xf32>,
        %swap3A_798 = arith.index_cast %add3A_775 : i32 to index
        %swap3A_799 = arith.constant 64 : index
        %swap3A_800 = tpu.vector_load %arg18[%swap3A_798, %swap3A_799] {strides = array<i32>} : memref<400x128xf32, #tpu.memory_space<vmem>>, vector<16xf32>,
        tpu.vector_store %arg18[%swap3A_798, %swap3A_799], %gather3A_796 {strides = array<i32>} : memref<400x128xf32, #tpu.memory_space<vmem>>, vector<16xf32>,
        %swap3A_801 = arith.index_cast %add3A_775 : i32 to index
        %swap3A_802 = arith.constant 80 : index
        %swap3A_803 = tpu.vector_load %arg18[%swap3A_801, %swap3A_802] {strides = array<i32>} : memref<400x128xf32, #tpu.memory_space<vmem>>, vector<16xf32>,
        tpu.vector_store %arg18[%swap3A_801, %swap3A_802], %gather3A_797 {strides = array<i32>} : memref<400x128xf32, #tpu.memory_space<vmem>>, vector<16xf32>,
        %gather3A_804 = tpu.vector_load_idx %arg17[%broadcast_in_dim3A_12, %broadcast_in_dim3A_776] : memref<4x400xi32, #tpu.memory_space<vmem>>[vector<16xi32>, vector<16xi32>], vector<16xi32>,
        %gather3A_805 = tpu.vector_load_idx %arg14[%gather3A_804, %iota3A] : memref<252x32xf32, #tpu.memory_space<vmem>>[vector<16xi32>, vector<16xi32>], vector<16xf32>,
        %gather3A_806 = tpu.vector_load_idx %arg14[%gather3A_804, %add3A_5] : memref<252x32xf32, #tpu.memory_space<vmem>>[vector<16xi32>, vector<16xi32>], vector<16xf32>,
        %swap3A_807 = arith.index_cast %add3A_775 : i32 to index
        %swap3A_808 = arith.constant 96 : index
        %swap3A_809 = tpu.vector_load %arg18[%swap3A_807, %swap3A_808] {strides = array<i32>} : memref<400x128xf32, #tpu.memory_space<vmem>>, vector<16xf32>,
        tpu.vector_store %arg18[%swap3A_807, %swap3A_808], %gather3A_805 {strides = array<i32>} : memref<400x128xf32, #tpu.memory_space<vmem>>, vector<16xf32>,
        %swap3A_810 = arith.index_cast %add3A_775 : i32 to index
        %swap3A_811 = arith.constant 112 : index
        %swap3A_812 = tpu.vector_load %arg18[%swap3A_810, %swap3A_811] {strides = array<i32>} : memref<400x128xf32, #tpu.memory_space<vmem>>, vector<16xf32>,
        tpu.vector_store %arg18[%swap3A_810, %swap3A_811], %gather3A_806 {strides = array<i32>} : memref<400x128xf32, #tpu.memory_space<vmem>>, vector<16xf32>,
        %add3A_813 = arith.constant 14 : i32
        %add3A_814 = arith.addi %mul3A_233, %add3A_813 : i32
        %broadcast_in_dim3A_815 = vector.broadcast %add3A_814 : i32 to vector<16xi32>
        %gather3A_816 = tpu.vector_load_idx %arg17[%broadcast_in_dim3A_6, %broadcast_in_dim3A_815] : memref<4x400xi32, #tpu.memory_space<vmem>>[vector<16xi32>, vector<16xi32>], vector<16xi32>,
        %gather3A_817 = tpu.vector_load_idx %arg11[%gather3A_816, %iota3A] : memref<50x32xf32, #tpu.memory_space<vmem>>[vector<16xi32>, vector<16xi32>], vector<16xf32>,
        %gather3A_818 = tpu.vector_load_idx %arg11[%gather3A_816, %add3A_5] : memref<50x32xf32, #tpu.memory_space<vmem>>[vector<16xi32>, vector<16xi32>], vector<16xf32>,
        %swap3A_819 = arith.index_cast %add3A_814 : i32 to index
        %swap3A_820 = arith.constant 0 : index
        %swap3A_821 = tpu.vector_load %arg18[%swap3A_819, %swap3A_820] {strides = array<i32>} : memref<400x128xf32, #tpu.memory_space<vmem>>, vector<16xf32>,
        tpu.vector_store %arg18[%swap3A_819, %swap3A_820], %gather3A_817 {strides = array<i32>} : memref<400x128xf32, #tpu.memory_space<vmem>>, vector<16xf32>,
        %swap3A_822 = arith.index_cast %add3A_814 : i32 to index
        %swap3A_823 = arith.constant 16 : index
        %swap3A_824 = tpu.vector_load %arg18[%swap3A_822, %swap3A_823] {strides = array<i32>} : memref<400x128xf32, #tpu.memory_space<vmem>>, vector<16xf32>,
        tpu.vector_store %arg18[%swap3A_822, %swap3A_823], %gather3A_818 {strides = array<i32>} : memref<400x128xf32, #tpu.memory_space<vmem>>, vector<16xf32>,
        %gather3A_825 = tpu.vector_load_idx %arg17[%broadcast_in_dim3A_8, %broadcast_in_dim3A_815] : memref<4x400xi32, #tpu.memory_space<vmem>>[vector<16xi32>, vector<16xi32>], vector<16xi32>,
        %gather3A_826 = tpu.vector_load_idx %arg12[%gather3A_825, %iota3A] : memref<8x32xf32, #tpu.memory_space<vmem>>[vector<16xi32>, vector<16xi32>], vector<16xf32>,
        %gather3A_827 = tpu.vector_load_idx %arg12[%gather3A_825, %add3A_5] : memref<8x32xf32, #tpu.memory_space<vmem>>[vector<16xi32>, vector<16xi32>], vector<16xf32>,
        %swap3A_828 = arith.index_cast %add3A_814 : i32 to index
        %swap3A_829 = arith.constant 32 : index
        %swap3A_830 = tpu.vector_load %arg18[%swap3A_828, %swap3A_829] {strides = array<i32>} : memref<400x128xf32, #tpu.memory_space<vmem>>, vector<16xf32>,
        tpu.vector_store %arg18[%swap3A_828, %swap3A_829], %gather3A_826 {strides = array<i32>} : memref<400x128xf32, #tpu.memory_space<vmem>>, vector<16xf32>,
        %swap3A_831 = arith.index_cast %add3A_814 : i32 to index
        %swap3A_832 = arith.constant 48 : index
        %swap3A_833 = tpu.vector_load %arg18[%swap3A_831, %swap3A_832] {strides = array<i32>} : memref<400x128xf32, #tpu.memory_space<vmem>>, vector<16xf32>,
        tpu.vector_store %arg18[%swap3A_831, %swap3A_832], %gather3A_827 {strides = array<i32>} : memref<400x128xf32, #tpu.memory_space<vmem>>, vector<16xf32>,
        %gather3A_834 = tpu.vector_load_idx %arg17[%broadcast_in_dim3A_10, %broadcast_in_dim3A_815] : memref<4x400xi32, #tpu.memory_space<vmem>>[vector<16xi32>, vector<16xi32>], vector<16xi32>,
        %gather3A_835 = tpu.vector_load_idx %arg13[%gather3A_834, %iota3A] : memref<252x32xf32, #tpu.memory_space<vmem>>[vector<16xi32>, vector<16xi32>], vector<16xf32>,
        %gather3A_836 = tpu.vector_load_idx %arg13[%gather3A_834, %add3A_5] : memref<252x32xf32, #tpu.memory_space<vmem>>[vector<16xi32>, vector<16xi32>], vector<16xf32>,
        %swap3A_837 = arith.index_cast %add3A_814 : i32 to index
        %swap3A_838 = arith.constant 64 : index
        %swap3A_839 = tpu.vector_load %arg18[%swap3A_837, %swap3A_838] {strides = array<i32>} : memref<400x128xf32, #tpu.memory_space<vmem>>, vector<16xf32>,
        tpu.vector_store %arg18[%swap3A_837, %swap3A_838], %gather3A_835 {strides = array<i32>} : memref<400x128xf32, #tpu.memory_space<vmem>>, vector<16xf32>,
        %swap3A_840 = arith.index_cast %add3A_814 : i32 to index
        %swap3A_841 = arith.constant 80 : index
        %swap3A_842 = tpu.vector_load %arg18[%swap3A_840, %swap3A_841] {strides = array<i32>} : memref<400x128xf32, #tpu.memory_space<vmem>>, vector<16xf32>,
        tpu.vector_store %arg18[%swap3A_840, %swap3A_841], %gather3A_836 {strides = array<i32>} : memref<400x128xf32, #tpu.memory_space<vmem>>, vector<16xf32>,
        %gather3A_843 = tpu.vector_load_idx %arg17[%broadcast_in_dim3A_12, %broadcast_in_dim3A_815] : memref<4x400xi32, #tpu.memory_space<vmem>>[vector<16xi32>, vector<16xi32>], vector<16xi32>,
        %gather3A_844 = tpu.vector_load_idx %arg14[%gather3A_843, %iota3A] : memref<252x32xf32, #tpu.memory_space<vmem>>[vector<16xi32>, vector<16xi32>], vector<16xf32>,
        %gather3A_845 = tpu.vector_load_idx %arg14[%gather3A_843, %add3A_5] : memref<252x32xf32, #tpu.memory_space<vmem>>[vector<16xi32>, vector<16xi32>], vector<16xf32>,
        %swap3A_846 = arith.index_cast %add3A_814 : i32 to index
        %swap3A_847 = arith.constant 96 : index
        %swap3A_848 = tpu.vector_load %arg18[%swap3A_846, %swap3A_847] {strides = array<i32>} : memref<400x128xf32, #tpu.memory_space<vmem>>, vector<16xf32>,
        tpu.vector_store %arg18[%swap3A_846, %swap3A_847], %gather3A_844 {strides = array<i32>} : memref<400x128xf32, #tpu.memory_space<vmem>>, vector<16xf32>,
        %swap3A_849 = arith.index_cast %add3A_814 : i32 to index
        %swap3A_850 = arith.constant 112 : index
        %swap3A_851 = tpu.vector_load %arg18[%swap3A_849, %swap3A_850] {strides = array<i32>} : memref<400x128xf32, #tpu.memory_space<vmem>>, vector<16xf32>,
        tpu.vector_store %arg18[%swap3A_849, %swap3A_850], %gather3A_845 {strides = array<i32>} : memref<400x128xf32, #tpu.memory_space<vmem>>, vector<16xf32>,
        %add3A_852 = arith.constant 15 : i32
        %add3A_853 = arith.addi %mul3A_233, %add3A_852 : i32
        %broadcast_in_dim3A_854 = vector.broadcast %add3A_853 : i32 to vector<16xi32>
        %gather3A_855 = tpu.vector_load_idx %arg17[%broadcast_in_dim3A_6, %broadcast_in_dim3A_854] : memref<4x400xi32, #tpu.memory_space<vmem>>[vector<16xi32>, vector<16xi32>], vector<16xi32>,
        %gather3A_856 = tpu.vector_load_idx %arg11[%gather3A_855, %iota3A] : memref<50x32xf32, #tpu.memory_space<vmem>>[vector<16xi32>, vector<16xi32>], vector<16xf32>,
        %gather3A_857 = tpu.vector_load_idx %arg11[%gather3A_855, %add3A_5] : memref<50x32xf32, #tpu.memory_space<vmem>>[vector<16xi32>, vector<16xi32>], vector<16xf32>,
        %swap3A_858 = arith.index_cast %add3A_853 : i32 to index
        %swap3A_859 = arith.constant 0 : index
        %swap3A_860 = tpu.vector_load %arg18[%swap3A_858, %swap3A_859] {strides = array<i32>} : memref<400x128xf32, #tpu.memory_space<vmem>>, vector<16xf32>,
        tpu.vector_store %arg18[%swap3A_858, %swap3A_859], %gather3A_856 {strides = array<i32>} : memref<400x128xf32, #tpu.memory_space<vmem>>, vector<16xf32>,
        %swap3A_861 = arith.index_cast %add3A_853 : i32 to index
        %swap3A_862 = arith.constant 16 : index
        %swap3A_863 = tpu.vector_load %arg18[%swap3A_861, %swap3A_862] {strides = array<i32>} : memref<400x128xf32, #tpu.memory_space<vmem>>, vector<16xf32>,
        tpu.vector_store %arg18[%swap3A_861, %swap3A_862], %gather3A_857 {strides = array<i32>} : memref<400x128xf32, #tpu.memory_space<vmem>>, vector<16xf32>,
        %gather3A_864 = tpu.vector_load_idx %arg17[%broadcast_in_dim3A_8, %broadcast_in_dim3A_854] : memref<4x400xi32, #tpu.memory_space<vmem>>[vector<16xi32>, vector<16xi32>], vector<16xi32>,
        %gather3A_865 = tpu.vector_load_idx %arg12[%gather3A_864, %iota3A] : memref<8x32xf32, #tpu.memory_space<vmem>>[vector<16xi32>, vector<16xi32>], vector<16xf32>,
        %gather3A_866 = tpu.vector_load_idx %arg12[%gather3A_864, %add3A_5] : memref<8x32xf32, #tpu.memory_space<vmem>>[vector<16xi32>, vector<16xi32>], vector<16xf32>,
        %swap3A_867 = arith.index_cast %add3A_853 : i32 to index
        %swap3A_868 = arith.constant 32 : index
        %swap3A_869 = tpu.vector_load %arg18[%swap3A_867, %swap3A_868] {strides = array<i32>} : memref<400x128xf32, #tpu.memory_space<vmem>>, vector<16xf32>,
        tpu.vector_store %arg18[%swap3A_867, %swap3A_868], %gather3A_865 {strides = array<i32>} : memref<400x128xf32, #tpu.memory_space<vmem>>, vector<16xf32>,
        %swap3A_870 = arith.index_cast %add3A_853 : i32 to index
        %swap3A_871 = arith.constant 48 : index
        %swap3A_872 = tpu.vector_load %arg18[%swap3A_870, %swap3A_871] {strides = array<i32>} : memref<400x128xf32, #tpu.memory_space<vmem>>, vector<16xf32>,
        tpu.vector_store %arg18[%swap3A_870, %swap3A_871], %gather3A_866 {strides = array<i32>} : memref<400x128xf32, #tpu.memory_space<vmem>>, vector<16xf32>,
        %gather3A_873 = tpu.vector_load_idx %arg17[%broadcast_in_dim3A_10, %broadcast_in_dim3A_854] : memref<4x400xi32, #tpu.memory_space<vmem>>[vector<16xi32>, vector<16xi32>], vector<16xi32>,
        %gather3A_874 = tpu.vector_load_idx %arg13[%gather3A_873, %iota3A] : memref<252x32xf32, #tpu.memory_space<vmem>>[vector<16xi32>, vector<16xi32>], vector<16xf32>,
        %gather3A_875 = tpu.vector_load_idx %arg13[%gather3A_873, %add3A_5] : memref<252x32xf32, #tpu.memory_space<vmem>>[vector<16xi32>, vector<16xi32>], vector<16xf32>,
        %swap3A_876 = arith.index_cast %add3A_853 : i32 to index
        %swap3A_877 = arith.constant 64 : index
        %swap3A_878 = tpu.vector_load %arg18[%swap3A_876, %swap3A_877] {strides = array<i32>} : memref<400x128xf32, #tpu.memory_space<vmem>>, vector<16xf32>,
        tpu.vector_store %arg18[%swap3A_876, %swap3A_877], %gather3A_874 {strides = array<i32>} : memref<400x128xf32, #tpu.memory_space<vmem>>, vector<16xf32>,
        %swap3A_879 = arith.index_cast %add3A_853 : i32 to index
        %swap3A_880 = arith.constant 80 : index
        %swap3A_881 = tpu.vector_load %arg18[%swap3A_879, %swap3A_880] {strides = array<i32>} : memref<400x128xf32, #tpu.memory_space<vmem>>, vector<16xf32>,
        tpu.vector_store %arg18[%swap3A_879, %swap3A_880], %gather3A_875 {strides = array<i32>} : memref<400x128xf32, #tpu.memory_space<vmem>>, vector<16xf32>,
        %gather3A_882 = tpu.vector_load_idx %arg17[%broadcast_in_dim3A_12, %broadcast_in_dim3A_854] : memref<4x400xi32, #tpu.memory_space<vmem>>[vector<16xi32>, vector<16xi32>], vector<16xi32>,
        %gather3A_883 = tpu.vector_load_idx %arg14[%gather3A_882, %iota3A] : memref<252x32xf32, #tpu.memory_space<vmem>>[vector<16xi32>, vector<16xi32>], vector<16xf32>,
        %gather3A_884 = tpu.vector_load_idx %arg14[%gather3A_882, %add3A_5] : memref<252x32xf32, #tpu.memory_space<vmem>>[vector<16xi32>, vector<16xi32>], vector<16xf32>,
        %swap3A_885 = arith.index_cast %add3A_853 : i32 to index
        %swap3A_886 = arith.constant 96 : index
        %swap3A_887 = tpu.vector_load %arg18[%swap3A_885, %swap3A_886] {strides = array<i32>} : memref<400x128xf32, #tpu.memory_space<vmem>>, vector<16xf32>,
        tpu.vector_store %arg18[%swap3A_885, %swap3A_886], %gather3A_883 {strides = array<i32>} : memref<400x128xf32, #tpu.memory_space<vmem>>, vector<16xf32>,
        %swap3A_888 = arith.index_cast %add3A_853 : i32 to index
        %swap3A_889 = arith.constant 112 : index
        %swap3A_890 = tpu.vector_load %arg18[%swap3A_888, %swap3A_889] {strides = array<i32>} : memref<400x128xf32, #tpu.memory_space<vmem>>, vector<16xf32>,
        tpu.vector_store %arg18[%swap3A_888, %swap3A_889], %gather3A_884 {strides = array<i32>} : memref<400x128xf32, #tpu.memory_space<vmem>>, vector<16xf32>,
      }
      %scan3A_155 = arith.constant 25 : i32
      %dma_start3A_156 = arith.constant 0 : i32
      %dma_start3A_157 = tpu.memref_slice %arg10[%add3A_111, %dma_start3A_156] : memref<640000x256xf32, #tpu.memory_space<hbm>> -> memref<400x128xf32, #tpu.memory_space<hbm>>
      %dma_start3A_158 = arith.constant 0 : i32
      %dma_start3A_159 = tpu.memref_slice %arg10[%add3A_111, %dma_start3A_158] : memref<640000x256xf32, #tpu.memory_space<hbm>> -> memref<400x128xf32, #tpu.memory_space<hbm>>
      tpu.enqueue_dma source(%arg18 : memref<400x128xf32, #tpu.memory_space<vmem>>) target(%dma_start3A_159 : memref<400x128xf32, #tpu.memory_space<hbm>>) target_semaphore(%arg22 : memref<!tpu.dma_semaphore, #tpu.memory_space<semaphore_mem>>)
      %add3A_160 = arith.constant 2 : i32
      %add3A_161 = arith.addi %add3A_108, %add3A_160 : i32
      %lt3A = arith.constant 50 : i32
      %lt3A_162 = arith.cmpi slt, %add3A_161, %lt3A : i32
      %convert_element_type3A_163 = arith.extui %lt3A_162 : i1 to i32
      %cond3A_164 = arith.constant 0 : i32
      %cond3A_165 = arith.cmpi ne, %convert_element_type3A_163, %cond3A_164 : i32
      scf.if %cond3A_165 {
        %add3A_231 = arith.constant 2 : i32
        %add3A_232 = arith.addi %add3A_108, %add3A_231 : i32
        %mul3A_233 = arith.constant 400 : i32
        %mul3A_234 = arith.muli %add3A_232, %mul3A_233 : i32
        %add3A_235 = arith.addi %mul3A_2, %mul3A_234 : i32
        %dma_start3A_236 = arith.constant 0 : i32
        %dma_start3A_237 = arith.constant 0 : i32
        %dma_start3A_238 = tpu.memref_slice %arg15[%dma_start3A_236, %dma_start3A_237] : memref<4x400xf32, #tpu.memory_space<vmem>> -> memref<1x400xf32, #tpu.memory_space<vmem>>
        %dma_start3A_239 = tpu.memref_squeeze %dma_start3A_238 : memref<1x400xf32, #tpu.memory_space<vmem>> -> memref<400xf32, #tpu.memory_space<vmem>>
        %dma_start3A_240 = tpu.memref_slice %arg2[%add3A_235] : memref<640000xf32, #tpu.memory_space<hbm>> -> memref<400xf32, #tpu.memory_space<hbm>>
        %dma_start3A_241 = arith.constant 0 : i32
        %dma_start3A_242 = tpu.memref_slice %arg15[%dma_start3A_236, %dma_start3A_241] : memref<4x400xf32, #tpu.memory_space<vmem>> -> memref<1x400xf32, #tpu.memory_space<vmem>>
        %dma_start3A_243 = tpu.memref_squeeze %dma_start3A_242 : memref<1x400xf32, #tpu.memory_space<vmem>> -> memref<400xf32, #tpu.memory_space<vmem>>
        %dma_start3A_244 = tpu.memref_slice %arg2[%add3A_235] : memref<640000xf32, #tpu.memory_space<hbm>> -> memref<400xf32, #tpu.memory_space<hbm>>
        tpu.enqueue_dma source(%dma_start3A_244 : memref<400xf32, #tpu.memory_space<hbm>>) target(%dma_start3A_243 : memref<400xf32, #tpu.memory_space<vmem>>) target_semaphore(%arg20 : memref<!tpu.dma_semaphore, #tpu.memory_space<semaphore_mem>>)
        %dma_start3A_245 = arith.constant 1 : i32
        %dma_start3A_246 = arith.constant 0 : i32
        %dma_start3A_247 = tpu.memref_slice %arg15[%dma_start3A_245, %dma_start3A_246] : memref<4x400xf32, #tpu.memory_space<vmem>> -> memref<1x400xf32, #tpu.memory_space<vmem>>
        %dma_start3A_248 = tpu.memref_squeeze %dma_start3A_247 : memref<1x400xf32, #tpu.memory_space<vmem>> -> memref<400xf32, #tpu.memory_space<vmem>>
        %dma_start3A_249 = tpu.memref_slice %arg3[%add3A_235] : memref<640000xf32, #tpu.memory_space<hbm>> -> memref<400xf32, #tpu.memory_space<hbm>>
        %dma_start3A_250 = arith.constant 0 : i32
        %dma_start3A_251 = tpu.memref_slice %arg15[%dma_start3A_245, %dma_start3A_250] : memref<4x400xf32, #tpu.memory_space<vmem>> -> memref<1x400xf32, #tpu.memory_space<vmem>>
        %dma_start3A_252 = tpu.memref_squeeze %dma_start3A_251 : memref<1x400xf32, #tpu.memory_space<vmem>> -> memref<400xf32, #tpu.memory_space<vmem>>
        %dma_start3A_253 = tpu.memref_slice %arg3[%add3A_235] : memref<640000xf32, #tpu.memory_space<hbm>> -> memref<400xf32, #tpu.memory_space<hbm>>
        tpu.enqueue_dma source(%dma_start3A_253 : memref<400xf32, #tpu.memory_space<hbm>>) target(%dma_start3A_252 : memref<400xf32, #tpu.memory_space<vmem>>) target_semaphore(%arg20 : memref<!tpu.dma_semaphore, #tpu.memory_space<semaphore_mem>>)
        %dma_start3A_254 = arith.constant 2 : i32
        %dma_start3A_255 = arith.constant 0 : i32
        %dma_start3A_256 = tpu.memref_slice %arg15[%dma_start3A_254, %dma_start3A_255] : memref<4x400xf32, #tpu.memory_space<vmem>> -> memref<1x400xf32, #tpu.memory_space<vmem>>
        %dma_start3A_257 = tpu.memref_squeeze %dma_start3A_256 : memref<1x400xf32, #tpu.memory_space<vmem>> -> memref<400xf32, #tpu.memory_space<vmem>>
        %dma_start3A_258 = tpu.memref_slice %arg4[%add3A_235] : memref<640000xf32, #tpu.memory_space<hbm>> -> memref<400xf32, #tpu.memory_space<hbm>>
        %dma_start3A_259 = arith.constant 0 : i32
        %dma_start3A_260 = tpu.memref_slice %arg15[%dma_start3A_254, %dma_start3A_259] : memref<4x400xf32, #tpu.memory_space<vmem>> -> memref<1x400xf32, #tpu.memory_space<vmem>>
        %dma_start3A_261 = tpu.memref_squeeze %dma_start3A_260 : memref<1x400xf32, #tpu.memory_space<vmem>> -> memref<400xf32, #tpu.memory_space<vmem>>
        %dma_start3A_262 = tpu.memref_slice %arg4[%add3A_235] : memref<640000xf32, #tpu.memory_space<hbm>> -> memref<400xf32, #tpu.memory_space<hbm>>
        tpu.enqueue_dma source(%dma_start3A_262 : memref<400xf32, #tpu.memory_space<hbm>>) target(%dma_start3A_261 : memref<400xf32, #tpu.memory_space<vmem>>) target_semaphore(%arg20 : memref<!tpu.dma_semaphore, #tpu.memory_space<semaphore_mem>>)
        %dma_start3A_263 = arith.constant 3 : i32
        %dma_start3A_264 = arith.constant 0 : i32
        %dma_start3A_265 = tpu.memref_slice %arg15[%dma_start3A_263, %dma_start3A_264] : memref<4x400xf32, #tpu.memory_space<vmem>> -> memref<1x400xf32, #tpu.memory_space<vmem>>
        %dma_start3A_266 = tpu.memref_squeeze %dma_start3A_265 : memref<1x400xf32, #tpu.memory_space<vmem>> -> memref<400xf32, #tpu.memory_space<vmem>>
        %dma_start3A_267 = tpu.memref_slice %arg5[%add3A_235] : memref<640000xf32, #tpu.memory_space<hbm>> -> memref<400xf32, #tpu.memory_space<hbm>>
        %dma_start3A_268 = arith.constant 0 : i32
        %dma_start3A_269 = tpu.memref_slice %arg15[%dma_start3A_263, %dma_start3A_268] : memref<4x400xf32, #tpu.memory_space<vmem>> -> memref<1x400xf32, #tpu.memory_space<vmem>>
        %dma_start3A_270 = tpu.memref_squeeze %dma_start3A_269 : memref<1x400xf32, #tpu.memory_space<vmem>> -> memref<400xf32, #tpu.memory_space<vmem>>
        %dma_start3A_271 = tpu.memref_slice %arg5[%add3A_235] : memref<640000xf32, #tpu.memory_space<hbm>> -> memref<400xf32, #tpu.memory_space<hbm>>
        tpu.enqueue_dma source(%dma_start3A_271 : memref<400xf32, #tpu.memory_space<hbm>>) target(%dma_start3A_270 : memref<400xf32, #tpu.memory_space<vmem>>) target_semaphore(%arg20 : memref<!tpu.dma_semaphore, #tpu.memory_space<semaphore_mem>>)
      } else {
      }
      %mul3A_166 = arith.constant 2 : i32
      %mul3A_167 = arith.muli %scan3A_104, %mul3A_166 : i32
      %add3A_168 = arith.constant 1 : i32
      %add3A_169 = arith.addi %mul3A_167, %add3A_168 : i32
      %mul3A_170 = arith.constant 400 : i32
      %mul3A_171 = arith.muli %add3A_169, %mul3A_170 : i32
      %add3A_172 = arith.addi %mul3A_2, %mul3A_171 : i32
      %dma_wait3A_173 = arith.constant 0 : i32
      %dma_wait3A_174 = arith.constant 0 : i32
      %dma_wait3A_175 = tpu.memref_slice %arg16[%dma_wait3A_173, %dma_wait3A_174] : memref<4x400xf32, #tpu.memory_space<vmem>> -> memref<1x400xf32, #tpu.memory_space<vmem>>
      %dma_wait3A_176 = tpu.memref_squeeze %dma_wait3A_175 : memref<1x400xf32, #tpu.memory_space<vmem>> -> memref<400xf32, #tpu.memory_space<vmem>>
      %dma_wait3A_177 = tpu.memref_slice %arg2[%add3A_172] : memref<640000xf32, #tpu.memory_space<hbm>> -> memref<400xf32, #tpu.memory_space<hbm>>
      %dma_wait3A_178 = arith.constant 0 : i32
      %dma_wait3A_179 = tpu.memref_slice %arg16[%dma_wait3A_173, %dma_wait3A_178] : memref<4x400xf32, #tpu.memory_space<vmem>> -> memref<1x400xf32, #tpu.memory_space<vmem>>
      %dma_wait3A_180 = tpu.memref_squeeze %dma_wait3A_179 : memref<1x400xf32, #tpu.memory_space<vmem>> -> memref<400xf32, #tpu.memory_space<vmem>>
      %dma_wait3A_181 = tpu.memref_slice %arg2[%add3A_172] : memref<640000xf32, #tpu.memory_space<hbm>> -> memref<400xf32, #tpu.memory_space<hbm>>
      tpu.wait_dma2 semaphore(%arg21 : memref<!tpu.dma_semaphore, #tpu.memory_space<semaphore_mem>>) src(%dma_wait3A_181 : memref<400xf32, #tpu.memory_space<hbm>>) dst(%dma_wait3A_180 : memref<400xf32, #tpu.memory_space<vmem>>)
      %dma_wait3A_182 = arith.constant 1 : i32
      %dma_wait3A_183 = arith.constant 0 : i32
      %dma_wait3A_184 = tpu.memref_slice %arg16[%dma_wait3A_182, %dma_wait3A_183] : memref<4x400xf32, #tpu.memory_space<vmem>> -> memref<1x400xf32, #tpu.memory_space<vmem>>
      %dma_wait3A_185 = tpu.memref_squeeze %dma_wait3A_184 : memref<1x400xf32, #tpu.memory_space<vmem>> -> memref<400xf32, #tpu.memory_space<vmem>>
      %dma_wait3A_186 = tpu.memref_slice %arg3[%add3A_172] : memref<640000xf32, #tpu.memory_space<hbm>> -> memref<400xf32, #tpu.memory_space<hbm>>
      %dma_wait3A_187 = arith.constant 0 : i32
      %dma_wait3A_188 = tpu.memref_slice %arg16[%dma_wait3A_182, %dma_wait3A_187] : memref<4x400xf32, #tpu.memory_space<vmem>> -> memref<1x400xf32, #tpu.memory_space<vmem>>
      %dma_wait3A_189 = tpu.memref_squeeze %dma_wait3A_188 : memref<1x400xf32, #tpu.memory_space<vmem>> -> memref<400xf32, #tpu.memory_space<vmem>>
      %dma_wait3A_190 = tpu.memref_slice %arg3[%add3A_172] : memref<640000xf32, #tpu.memory_space<hbm>> -> memref<400xf32, #tpu.memory_space<hbm>>
      tpu.wait_dma2 semaphore(%arg21 : memref<!tpu.dma_semaphore, #tpu.memory_space<semaphore_mem>>) src(%dma_wait3A_190 : memref<400xf32, #tpu.memory_space<hbm>>) dst(%dma_wait3A_189 : memref<400xf32, #tpu.memory_space<vmem>>)
      %dma_wait3A_191 = arith.constant 2 : i32
      %dma_wait3A_192 = arith.constant 0 : i32
      %dma_wait3A_193 = tpu.memref_slice %arg16[%dma_wait3A_191, %dma_wait3A_192] : memref<4x400xf32, #tpu.memory_space<vmem>> -> memref<1x400xf32, #tpu.memory_space<vmem>>
      %dma_wait3A_194 = tpu.memref_squeeze %dma_wait3A_193 : memref<1x400xf32, #tpu.memory_space<vmem>> -> memref<400xf32, #tpu.memory_space<vmem>>
      %dma_wait3A_195 = tpu.memref_slice %arg4[%add3A_172] : memref<640000xf32, #tpu.memory_space<hbm>> -> memref<400xf32, #tpu.memory_space<hbm>>
      %dma_wait3A_196 = arith.constant 0 : i32
      %dma_wait3A_197 = tpu.memref_slice %arg16[%dma_wait3A_191, %dma_wait3A_196] : memref<4x400xf32, #tpu.memory_space<vmem>> -> memref<1x400xf32, #tpu.memory_space<vmem>>
      %dma_wait3A_198 = tpu.memref_squeeze %dma_wait3A_197 : memref<1x400xf32, #tpu.memory_space<vmem>> -> memref<400xf32, #tpu.memory_space<vmem>>
      %dma_wait3A_199 = tpu.memref_slice %arg4[%add3A_172] : memref<640000xf32, #tpu.memory_space<hbm>> -> memref<400xf32, #tpu.memory_space<hbm>>
      tpu.wait_dma2 semaphore(%arg21 : memref<!tpu.dma_semaphore, #tpu.memory_space<semaphore_mem>>) src(%dma_wait3A_199 : memref<400xf32, #tpu.memory_space<hbm>>) dst(%dma_wait3A_198 : memref<400xf32, #tpu.memory_space<vmem>>)
      %dma_wait3A_200 = arith.constant 3 : i32
      %dma_wait3A_201 = arith.constant 0 : i32
      %dma_wait3A_202 = tpu.memref_slice %arg16[%dma_wait3A_200, %dma_wait3A_201] : memref<4x400xf32, #tpu.memory_space<vmem>> -> memref<1x400xf32, #tpu.memory_space<vmem>>
      %dma_wait3A_203 = tpu.memref_squeeze %dma_wait3A_202 : memref<1x400xf32, #tpu.memory_space<vmem>> -> memref<400xf32, #tpu.memory_space<vmem>>
      %dma_wait3A_204 = tpu.memref_slice %arg5[%add3A_172] : memref<640000xf32, #tpu.memory_space<hbm>> -> memref<400xf32, #tpu.memory_space<hbm>>
      %dma_wait3A_205 = arith.constant 0 : i32
      %dma_wait3A_206 = tpu.memref_slice %arg16[%dma_wait3A_200, %dma_wait3A_205] : memref<4x400xf32, #tpu.memory_space<vmem>> -> memref<1x400xf32, #tpu.memory_space<vmem>>
      %dma_wait3A_207 = tpu.memref_squeeze %dma_wait3A_206 : memref<1x400xf32, #tpu.memory_space<vmem>> -> memref<400xf32, #tpu.memory_space<vmem>>
      %dma_wait3A_208 = tpu.memref_slice %arg5[%add3A_172] : memref<640000xf32, #tpu.memory_space<hbm>> -> memref<400xf32, #tpu.memory_space<hbm>>
      tpu.wait_dma2 semaphore(%arg21 : memref<!tpu.dma_semaphore, #tpu.memory_space<semaphore_mem>>) src(%dma_wait3A_208 : memref<400xf32, #tpu.memory_space<hbm>>) dst(%dma_wait3A_207 : memref<400xf32, #tpu.memory_space<vmem>>)
      %gt3A_209 = arith.constant 0 : i32
      %gt3A_210 = arith.cmpi sgt, %scan3A_104, %gt3A_209 : i32
      %convert_element_type3A_211 = arith.extui %gt3A_210 : i1 to i32
      %cond3A_212 = arith.constant 0 : i32
      %cond3A_213 = arith.cmpi ne, %convert_element_type3A_211, %cond3A_212 : i32
      scf.if %cond3A_213 {
        %dma_wait3A_231 = arith.constant 0 : i32
        %dma_wait3A_232 = tpu.memref_slice %arg10[%add3A_172, %dma_wait3A_231] : memref<640000x256xf32, #tpu.memory_space<hbm>> -> memref<400x128xf32, #tpu.memory_space<hbm>>
        %dma_wait3A_233 = arith.constant 0 : i32
        %dma_wait3A_234 = tpu.memref_slice %arg10[%add3A_172, %dma_wait3A_233] : memref<640000x256xf32, #tpu.memory_space<hbm>> -> memref<400x128xf32, #tpu.memory_space<hbm>>
        tpu.wait_dma2 semaphore(%arg23 : memref<!tpu.dma_semaphore, #tpu.memory_space<semaphore_mem>>) src(%arg19 : memref<400x128xf32, #tpu.memory_space<vmem>>) dst(%dma_wait3A_234 : memref<400x128xf32, #tpu.memory_space<hbm>>)
      } else {
      }
      %scan3A_214 = arith.constant 0 : i32
      %scan3A_215 = arith.constant 0 : i32
      %scan3A_216 = arith.constant 25 : i32
      %scan3A_217 = arith.addi %scan3A_215, %scan3A_216 : i32
      %scan3A_218 = arith.constant 1 : i32
      scf.for %scan3A_231 = %scan3A_215 to %scan3A_217 step %scan3A_218  : i32 {
        %mul3A_232 = arith.constant 16 : i32
        %mul3A_233 = arith.muli %scan3A_231, %mul3A_232 : i32
        %get3A = arith.constant 0 : i32
        %get3A_234 = arith.index_cast %get3A : i32 to index
        %get3A_235 = arith.index_cast %mul3A_233 : i32 to index
        %get3A_236 = tpu.vector_load %arg16[%get3A_234, %get3A_235] {strides = array<i32>} : memref<4x400xf32, #tpu.memory_space<vmem>>, vector<16xf32>,
        %convert_element_type3A_237 = arith.fptosi %get3A_236 : vector<16xf32> to vector<16xi32>
        %swap3A = arith.constant 0 : i32
        %swap3A_238 = arith.index_cast %swap3A : i32 to index
        %swap3A_239 = arith.index_cast %mul3A_233 : i32 to index
        %swap3A_240 = tpu.vector_load %arg17[%swap3A_238, %swap3A_239] {strides = array<i32>} : memref<4x400xi32, #tpu.memory_space<vmem>>, vector<16xi32>,
        tpu.vector_store %arg17[%swap3A_238, %swap3A_239], %convert_element_type3A_237 {strides = array<i32>} : memref<4x400xi32, #tpu.memory_space<vmem>>, vector<16xi32>,
        %get3A_241 = arith.constant 1 : i32
        %get3A_242 = arith.index_cast %get3A_241 : i32 to index
        %get3A_243 = arith.index_cast %mul3A_233 : i32 to index
        %get3A_244 = tpu.vector_load %arg16[%get3A_242, %get3A_243] {strides = array<i32>} : memref<4x400xf32, #tpu.memory_space<vmem>>, vector<16xf32>,
        %convert_element_type3A_245 = arith.fptosi %get3A_244 : vector<16xf32> to vector<16xi32>
        %swap3A_246 = arith.constant 1 : i32
        %swap3A_247 = arith.index_cast %swap3A_246 : i32 to index
        %swap3A_248 = arith.index_cast %mul3A_233 : i32 to index
        %swap3A_249 = tpu.vector_load %arg17[%swap3A_247, %swap3A_248] {strides = array<i32>} : memref<4x400xi32, #tpu.memory_space<vmem>>, vector<16xi32>,
        tpu.vector_store %arg17[%swap3A_247, %swap3A_248], %convert_element_type3A_245 {strides = array<i32>} : memref<4x400xi32, #tpu.memory_space<vmem>>, vector<16xi32>,
        %get3A_250 = arith.constant 2 : i32
        %get3A_251 = arith.index_cast %get3A_250 : i32 to index
        %get3A_252 = arith.index_cast %mul3A_233 : i32 to index
        %get3A_253 = tpu.vector_load %arg16[%get3A_251, %get3A_252] {strides = array<i32>} : memref<4x400xf32, #tpu.memory_space<vmem>>, vector<16xf32>,
        %convert_element_type3A_254 = arith.fptosi %get3A_253 : vector<16xf32> to vector<16xi32>
        %swap3A_255 = arith.constant 2 : i32
        %swap3A_256 = arith.index_cast %swap3A_255 : i32 to index
        %swap3A_257 = arith.index_cast %mul3A_233 : i32 to index
        %swap3A_258 = tpu.vector_load %arg17[%swap3A_256, %swap3A_257] {strides = array<i32>} : memref<4x400xi32, #tpu.memory_space<vmem>>, vector<16xi32>,
        tpu.vector_store %arg17[%swap3A_256, %swap3A_257], %convert_element_type3A_254 {strides = array<i32>} : memref<4x400xi32, #tpu.memory_space<vmem>>, vector<16xi32>,
        %get3A_259 = arith.constant 3 : i32
        %get3A_260 = arith.index_cast %get3A_259 : i32 to index
        %get3A_261 = arith.index_cast %mul3A_233 : i32 to index
        %get3A_262 = tpu.vector_load %arg16[%get3A_260, %get3A_261] {strides = array<i32>} : memref<4x400xf32, #tpu.memory_space<vmem>>, vector<16xf32>,
        %convert_element_type3A_263 = arith.fptosi %get3A_262 : vector<16xf32> to vector<16xi32>
        %swap3A_264 = arith.constant 3 : i32
        %swap3A_265 = arith.index_cast %swap3A_264 : i32 to index
        %swap3A_266 = arith.index_cast %mul3A_233 : i32 to index
        %swap3A_267 = tpu.vector_load %arg17[%swap3A_265, %swap3A_266] {strides = array<i32>} : memref<4x400xi32, #tpu.memory_space<vmem>>, vector<16xi32>,
        tpu.vector_store %arg17[%swap3A_265, %swap3A_266], %convert_element_type3A_263 {strides = array<i32>} : memref<4x400xi32, #tpu.memory_space<vmem>>, vector<16xi32>,
        %add3A_268 = arith.constant 0 : i32
        %add3A_269 = arith.addi %mul3A_233, %add3A_268 : i32
        %broadcast_in_dim3A_270 = vector.broadcast %add3A_269 : i32 to vector<16xi32>
        %gather3A = tpu.vector_load_idx %arg17[%broadcast_in_dim3A_6, %broadcast_in_dim3A_270] : memref<4x400xi32, #tpu.memory_space<vmem>>[vector<16xi32>, vector<16xi32>], vector<16xi32>,
        %gather3A_271 = tpu.vector_load_idx %arg11[%gather3A, %iota3A] : memref<50x32xf32, #tpu.memory_space<vmem>>[vector<16xi32>, vector<16xi32>], vector<16xf32>,
        %gather3A_272 = tpu.vector_load_idx %arg11[%gather3A, %add3A_5] : memref<50x32xf32, #tpu.memory_space<vmem>>[vector<16xi32>, vector<16xi32>], vector<16xf32>,
        %swap3A_273 = arith.index_cast %add3A_269 : i32 to index
        %swap3A_274 = arith.constant 0 : index
        %swap3A_275 = tpu.vector_load %arg19[%swap3A_273, %swap3A_274] {strides = array<i32>} : memref<400x128xf32, #tpu.memory_space<vmem>>, vector<16xf32>,
        tpu.vector_store %arg19[%swap3A_273, %swap3A_274], %gather3A_271 {strides = array<i32>} : memref<400x128xf32, #tpu.memory_space<vmem>>, vector<16xf32>,
        %swap3A_276 = arith.index_cast %add3A_269 : i32 to index
        %swap3A_277 = arith.constant 16 : index
        %swap3A_278 = tpu.vector_load %arg19[%swap3A_276, %swap3A_277] {strides = array<i32>} : memref<400x128xf32, #tpu.memory_space<vmem>>, vector<16xf32>,
        tpu.vector_store %arg19[%swap3A_276, %swap3A_277], %gather3A_272 {strides = array<i32>} : memref<400x128xf32, #tpu.memory_space<vmem>>, vector<16xf32>,
        %gather3A_279 = tpu.vector_load_idx %arg17[%broadcast_in_dim3A_8, %broadcast_in_dim3A_270] : memref<4x400xi32, #tpu.memory_space<vmem>>[vector<16xi32>, vector<16xi32>], vector<16xi32>,
        %gather3A_280 = tpu.vector_load_idx %arg12[%gather3A_279, %iota3A] : memref<8x32xf32, #tpu.memory_space<vmem>>[vector<16xi32>, vector<16xi32>], vector<16xf32>,
        %gather3A_281 = tpu.vector_load_idx %arg12[%gather3A_279, %add3A_5] : memref<8x32xf32, #tpu.memory_space<vmem>>[vector<16xi32>, vector<16xi32>], vector<16xf32>,
        %swap3A_282 = arith.index_cast %add3A_269 : i32 to index
        %swap3A_283 = arith.constant 32 : index
        %swap3A_284 = tpu.vector_load %arg19[%swap3A_282, %swap3A_283] {strides = array<i32>} : memref<400x128xf32, #tpu.memory_space<vmem>>, vector<16xf32>,
        tpu.vector_store %arg19[%swap3A_282, %swap3A_283], %gather3A_280 {strides = array<i32>} : memref<400x128xf32, #tpu.memory_space<vmem>>, vector<16xf32>,
        %swap3A_285 = arith.index_cast %add3A_269 : i32 to index
        %swap3A_286 = arith.constant 48 : index
        %swap3A_287 = tpu.vector_load %arg19[%swap3A_285, %swap3A_286] {strides = array<i32>} : memref<400x128xf32, #tpu.memory_space<vmem>>, vector<16xf32>,
        tpu.vector_store %arg19[%swap3A_285, %swap3A_286], %gather3A_281 {strides = array<i32>} : memref<400x128xf32, #tpu.memory_space<vmem>>, vector<16xf32>,
        %gather3A_288 = tpu.vector_load_idx %arg17[%broadcast_in_dim3A_10, %broadcast_in_dim3A_270] : memref<4x400xi32, #tpu.memory_space<vmem>>[vector<16xi32>, vector<16xi32>], vector<16xi32>,
        %gather3A_289 = tpu.vector_load_idx %arg13[%gather3A_288, %iota3A] : memref<252x32xf32, #tpu.memory_space<vmem>>[vector<16xi32>, vector<16xi32>], vector<16xf32>,
        %gather3A_290 = tpu.vector_load_idx %arg13[%gather3A_288, %add3A_5] : memref<252x32xf32, #tpu.memory_space<vmem>>[vector<16xi32>, vector<16xi32>], vector<16xf32>,
        %swap3A_291 = arith.index_cast %add3A_269 : i32 to index
        %swap3A_292 = arith.constant 64 : index
        %swap3A_293 = tpu.vector_load %arg19[%swap3A_291, %swap3A_292] {strides = array<i32>} : memref<400x128xf32, #tpu.memory_space<vmem>>, vector<16xf32>,
        tpu.vector_store %arg19[%swap3A_291, %swap3A_292], %gather3A_289 {strides = array<i32>} : memref<400x128xf32, #tpu.memory_space<vmem>>, vector<16xf32>,
        %swap3A_294 = arith.index_cast %add3A_269 : i32 to index
        %swap3A_295 = arith.constant 80 : index
        %swap3A_296 = tpu.vector_load %arg19[%swap3A_294, %swap3A_295] {strides = array<i32>} : memref<400x128xf32, #tpu.memory_space<vmem>>, vector<16xf32>,
        tpu.vector_store %arg19[%swap3A_294, %swap3A_295], %gather3A_290 {strides = array<i32>} : memref<400x128xf32, #tpu.memory_space<vmem>>, vector<16xf32>,
        %gather3A_297 = tpu.vector_load_idx %arg17[%broadcast_in_dim3A_12, %broadcast_in_dim3A_270] : memref<4x400xi32, #tpu.memory_space<vmem>>[vector<16xi32>, vector<16xi32>], vector<16xi32>,
        %gather3A_298 = tpu.vector_load_idx %arg14[%gather3A_297, %iota3A] : memref<252x32xf32, #tpu.memory_space<vmem>>[vector<16xi32>, vector<16xi32>], vector<16xf32>,
        %gather3A_299 = tpu.vector_load_idx %arg14[%gather3A_297, %add3A_5] : memref<252x32xf32, #tpu.memory_space<vmem>>[vector<16xi32>, vector<16xi32>], vector<16xf32>,
        %swap3A_300 = arith.index_cast %add3A_269 : i32 to index
        %swap3A_301 = arith.constant 96 : index
        %swap3A_302 = tpu.vector_load %arg19[%swap3A_300, %swap3A_301] {strides = array<i32>} : memref<400x128xf32, #tpu.memory_space<vmem>>, vector<16xf32>,
        tpu.vector_store %arg19[%swap3A_300, %swap3A_301], %gather3A_298 {strides = array<i32>} : memref<400x128xf32, #tpu.memory_space<vmem>>, vector<16xf32>,
        %swap3A_303 = arith.index_cast %add3A_269 : i32 to index
        %swap3A_304 = arith.constant 112 : index
        %swap3A_305 = tpu.vector_load %arg19[%swap3A_303, %swap3A_304] {strides = array<i32>} : memref<400x128xf32, #tpu.memory_space<vmem>>, vector<16xf32>,
        tpu.vector_store %arg19[%swap3A_303, %swap3A_304], %gather3A_299 {strides = array<i32>} : memref<400x128xf32, #tpu.memory_space<vmem>>, vector<16xf32>,
        %add3A_306 = arith.constant 1 : i32
        %add3A_307 = arith.addi %mul3A_233, %add3A_306 : i32
        %broadcast_in_dim3A_308 = vector.broadcast %add3A_307 : i32 to vector<16xi32>
        %gather3A_309 = tpu.vector_load_idx %arg17[%broadcast_in_dim3A_6, %broadcast_in_dim3A_308] : memref<4x400xi32, #tpu.memory_space<vmem>>[vector<16xi32>, vector<16xi32>], vector<16xi32>,
        %gather3A_310 = tpu.vector_load_idx %arg11[%gather3A_309, %iota3A] : memref<50x32xf32, #tpu.memory_space<vmem>>[vector<16xi32>, vector<16xi32>], vector<16xf32>,
        %gather3A_311 = tpu.vector_load_idx %arg11[%gather3A_309, %add3A_5] : memref<50x32xf32, #tpu.memory_space<vmem>>[vector<16xi32>, vector<16xi32>], vector<16xf32>,
        %swap3A_312 = arith.index_cast %add3A_307 : i32 to index
        %swap3A_313 = arith.constant 0 : index
        %swap3A_314 = tpu.vector_load %arg19[%swap3A_312, %swap3A_313] {strides = array<i32>} : memref<400x128xf32, #tpu.memory_space<vmem>>, vector<16xf32>,
        tpu.vector_store %arg19[%swap3A_312, %swap3A_313], %gather3A_310 {strides = array<i32>} : memref<400x128xf32, #tpu.memory_space<vmem>>, vector<16xf32>,
        %swap3A_315 = arith.index_cast %add3A_307 : i32 to index
        %swap3A_316 = arith.constant 16 : index
        %swap3A_317 = tpu.vector_load %arg19[%swap3A_315, %swap3A_316] {strides = array<i32>} : memref<400x128xf32, #tpu.memory_space<vmem>>, vector<16xf32>,
        tpu.vector_store %arg19[%swap3A_315, %swap3A_316], %gather3A_311 {strides = array<i32>} : memref<400x128xf32, #tpu.memory_space<vmem>>, vector<16xf32>,
        %gather3A_318 = tpu.vector_load_idx %arg17[%broadcast_in_dim3A_8, %broadcast_in_dim3A_308] : memref<4x400xi32, #tpu.memory_space<vmem>>[vector<16xi32>, vector<16xi32>], vector<16xi32>,
        %gather3A_319 = tpu.vector_load_idx %arg12[%gather3A_318, %iota3A] : memref<8x32xf32, #tpu.memory_space<vmem>>[vector<16xi32>, vector<16xi32>], vector<16xf32>,
        %gather3A_320 = tpu.vector_load_idx %arg12[%gather3A_318, %add3A_5] : memref<8x32xf32, #tpu.memory_space<vmem>>[vector<16xi32>, vector<16xi32>], vector<16xf32>,
        %swap3A_321 = arith.index_cast %add3A_307 : i32 to index
        %swap3A_322 = arith.constant 32 : index
        %swap3A_323 = tpu.vector_load %arg19[%swap3A_321, %swap3A_322] {strides = array<i32>} : memref<400x128xf32, #tpu.memory_space<vmem>>, vector<16xf32>,
        tpu.vector_store %arg19[%swap3A_321, %swap3A_322], %gather3A_319 {strides = array<i32>} : memref<400x128xf32, #tpu.memory_space<vmem>>, vector<16xf32>,
        %swap3A_324 = arith.index_cast %add3A_307 : i32 to index
        %swap3A_325 = arith.constant 48 : index
        %swap3A_326 = tpu.vector_load %arg19[%swap3A_324, %swap3A_325] {strides = array<i32>} : memref<400x128xf32, #tpu.memory_space<vmem>>, vector<16xf32>,
        tpu.vector_store %arg19[%swap3A_324, %swap3A_325], %gather3A_320 {strides = array<i32>} : memref<400x128xf32, #tpu.memory_space<vmem>>, vector<16xf32>,
        %gather3A_327 = tpu.vector_load_idx %arg17[%broadcast_in_dim3A_10, %broadcast_in_dim3A_308] : memref<4x400xi32, #tpu.memory_space<vmem>>[vector<16xi32>, vector<16xi32>], vector<16xi32>,
        %gather3A_328 = tpu.vector_load_idx %arg13[%gather3A_327, %iota3A] : memref<252x32xf32, #tpu.memory_space<vmem>>[vector<16xi32>, vector<16xi32>], vector<16xf32>,
        %gather3A_329 = tpu.vector_load_idx %arg13[%gather3A_327, %add3A_5] : memref<252x32xf32, #tpu.memory_space<vmem>>[vector<16xi32>, vector<16xi32>], vector<16xf32>,
        %swap3A_330 = arith.index_cast %add3A_307 : i32 to index
        %swap3A_331 = arith.constant 64 : index
        %swap3A_332 = tpu.vector_load %arg19[%swap3A_330, %swap3A_331] {strides = array<i32>} : memref<400x128xf32, #tpu.memory_space<vmem>>, vector<16xf32>,
        tpu.vector_store %arg19[%swap3A_330, %swap3A_331], %gather3A_328 {strides = array<i32>} : memref<400x128xf32, #tpu.memory_space<vmem>>, vector<16xf32>,
        %swap3A_333 = arith.index_cast %add3A_307 : i32 to index
        %swap3A_334 = arith.constant 80 : index
        %swap3A_335 = tpu.vector_load %arg19[%swap3A_333, %swap3A_334] {strides = array<i32>} : memref<400x128xf32, #tpu.memory_space<vmem>>, vector<16xf32>,
        tpu.vector_store %arg19[%swap3A_333, %swap3A_334], %gather3A_329 {strides = array<i32>} : memref<400x128xf32, #tpu.memory_space<vmem>>, vector<16xf32>,
        %gather3A_336 = tpu.vector_load_idx %arg17[%broadcast_in_dim3A_12, %broadcast_in_dim3A_308] : memref<4x400xi32, #tpu.memory_space<vmem>>[vector<16xi32>, vector<16xi32>], vector<16xi32>,
        %gather3A_337 = tpu.vector_load_idx %arg14[%gather3A_336, %iota3A] : memref<252x32xf32, #tpu.memory_space<vmem>>[vector<16xi32>, vector<16xi32>], vector<16xf32>,
        %gather3A_338 = tpu.vector_load_idx %arg14[%gather3A_336, %add3A_5] : memref<252x32xf32, #tpu.memory_space<vmem>>[vector<16xi32>, vector<16xi32>], vector<16xf32>,
        %swap3A_339 = arith.index_cast %add3A_307 : i32 to index
        %swap3A_340 = arith.constant 96 : index
        %swap3A_341 = tpu.vector_load %arg19[%swap3A_339, %swap3A_340] {strides = array<i32>} : memref<400x128xf32, #tpu.memory_space<vmem>>, vector<16xf32>,
        tpu.vector_store %arg19[%swap3A_339, %swap3A_340], %gather3A_337 {strides = array<i32>} : memref<400x128xf32, #tpu.memory_space<vmem>>, vector<16xf32>,
        %swap3A_342 = arith.index_cast %add3A_307 : i32 to index
        %swap3A_343 = arith.constant 112 : index
        %swap3A_344 = tpu.vector_load %arg19[%swap3A_342, %swap3A_343] {strides = array<i32>} : memref<400x128xf32, #tpu.memory_space<vmem>>, vector<16xf32>,
        tpu.vector_store %arg19[%swap3A_342, %swap3A_343], %gather3A_338 {strides = array<i32>} : memref<400x128xf32, #tpu.memory_space<vmem>>, vector<16xf32>,
        %add3A_345 = arith.constant 2 : i32
        %add3A_346 = arith.addi %mul3A_233, %add3A_345 : i32
        %broadcast_in_dim3A_347 = vector.broadcast %add3A_346 : i32 to vector<16xi32>
        %gather3A_348 = tpu.vector_load_idx %arg17[%broadcast_in_dim3A_6, %broadcast_in_dim3A_347] : memref<4x400xi32, #tpu.memory_space<vmem>>[vector<16xi32>, vector<16xi32>], vector<16xi32>,
        %gather3A_349 = tpu.vector_load_idx %arg11[%gather3A_348, %iota3A] : memref<50x32xf32, #tpu.memory_space<vmem>>[vector<16xi32>, vector<16xi32>], vector<16xf32>,
        %gather3A_350 = tpu.vector_load_idx %arg11[%gather3A_348, %add3A_5] : memref<50x32xf32, #tpu.memory_space<vmem>>[vector<16xi32>, vector<16xi32>], vector<16xf32>,
        %swap3A_351 = arith.index_cast %add3A_346 : i32 to index
        %swap3A_352 = arith.constant 0 : index
        %swap3A_353 = tpu.vector_load %arg19[%swap3A_351, %swap3A_352] {strides = array<i32>} : memref<400x128xf32, #tpu.memory_space<vmem>>, vector<16xf32>,
        tpu.vector_store %arg19[%swap3A_351, %swap3A_352], %gather3A_349 {strides = array<i32>} : memref<400x128xf32, #tpu.memory_space<vmem>>, vector<16xf32>,
        %swap3A_354 = arith.index_cast %add3A_346 : i32 to index
        %swap3A_355 = arith.constant 16 : index
        %swap3A_356 = tpu.vector_load %arg19[%swap3A_354, %swap3A_355] {strides = array<i32>} : memref<400x128xf32, #tpu.memory_space<vmem>>, vector<16xf32>,
        tpu.vector_store %arg19[%swap3A_354, %swap3A_355], %gather3A_350 {strides = array<i32>} : memref<400x128xf32, #tpu.memory_space<vmem>>, vector<16xf32>,
        %gather3A_357 = tpu.vector_load_idx %arg17[%broadcast_in_dim3A_8, %broadcast_in_dim3A_347] : memref<4x400xi32, #tpu.memory_space<vmem>>[vector<16xi32>, vector<16xi32>], vector<16xi32>,
        %gather3A_358 = tpu.vector_load_idx %arg12[%gather3A_357, %iota3A] : memref<8x32xf32, #tpu.memory_space<vmem>>[vector<16xi32>, vector<16xi32>], vector<16xf32>,
        %gather3A_359 = tpu.vector_load_idx %arg12[%gather3A_357, %add3A_5] : memref<8x32xf32, #tpu.memory_space<vmem>>[vector<16xi32>, vector<16xi32>], vector<16xf32>,
        %swap3A_360 = arith.index_cast %add3A_346 : i32 to index
        %swap3A_361 = arith.constant 32 : index
        %swap3A_362 = tpu.vector_load %arg19[%swap3A_360, %swap3A_361] {strides = array<i32>} : memref<400x128xf32, #tpu.memory_space<vmem>>, vector<16xf32>,
        tpu.vector_store %arg19[%swap3A_360, %swap3A_361], %gather3A_358 {strides = array<i32>} : memref<400x128xf32, #tpu.memory_space<vmem>>, vector<16xf32>,
        %swap3A_363 = arith.index_cast %add3A_346 : i32 to index
        %swap3A_364 = arith.constant 48 : index
        %swap3A_365 = tpu.vector_load %arg19[%swap3A_363, %swap3A_364] {strides = array<i32>} : memref<400x128xf32, #tpu.memory_space<vmem>>, vector<16xf32>,
        tpu.vector_store %arg19[%swap3A_363, %swap3A_364], %gather3A_359 {strides = array<i32>} : memref<400x128xf32, #tpu.memory_space<vmem>>, vector<16xf32>,
        %gather3A_366 = tpu.vector_load_idx %arg17[%broadcast_in_dim3A_10, %broadcast_in_dim3A_347] : memref<4x400xi32, #tpu.memory_space<vmem>>[vector<16xi32>, vector<16xi32>], vector<16xi32>,
        %gather3A_367 = tpu.vector_load_idx %arg13[%gather3A_366, %iota3A] : memref<252x32xf32, #tpu.memory_space<vmem>>[vector<16xi32>, vector<16xi32>], vector<16xf32>,
        %gather3A_368 = tpu.vector_load_idx %arg13[%gather3A_366, %add3A_5] : memref<252x32xf32, #tpu.memory_space<vmem>>[vector<16xi32>, vector<16xi32>], vector<16xf32>,
        %swap3A_369 = arith.index_cast %add3A_346 : i32 to index
        %swap3A_370 = arith.constant 64 : index
        %swap3A_371 = tpu.vector_load %arg19[%swap3A_369, %swap3A_370] {strides = array<i32>} : memref<400x128xf32, #tpu.memory_space<vmem>>, vector<16xf32>,
        tpu.vector_store %arg19[%swap3A_369, %swap3A_370], %gather3A_367 {strides = array<i32>} : memref<400x128xf32, #tpu.memory_space<vmem>>, vector<16xf32>,
        %swap3A_372 = arith.index_cast %add3A_346 : i32 to index
        %swap3A_373 = arith.constant 80 : index
        %swap3A_374 = tpu.vector_load %arg19[%swap3A_372, %swap3A_373] {strides = array<i32>} : memref<400x128xf32, #tpu.memory_space<vmem>>, vector<16xf32>,
        tpu.vector_store %arg19[%swap3A_372, %swap3A_373], %gather3A_368 {strides = array<i32>} : memref<400x128xf32, #tpu.memory_space<vmem>>, vector<16xf32>,
        %gather3A_375 = tpu.vector_load_idx %arg17[%broadcast_in_dim3A_12, %broadcast_in_dim3A_347] : memref<4x400xi32, #tpu.memory_space<vmem>>[vector<16xi32>, vector<16xi32>], vector<16xi32>,
        %gather3A_376 = tpu.vector_load_idx %arg14[%gather3A_375, %iota3A] : memref<252x32xf32, #tpu.memory_space<vmem>>[vector<16xi32>, vector<16xi32>], vector<16xf32>,
        %gather3A_377 = tpu.vector_load_idx %arg14[%gather3A_375, %add3A_5] : memref<252x32xf32, #tpu.memory_space<vmem>>[vector<16xi32>, vector<16xi32>], vector<16xf32>,
        %swap3A_378 = arith.index_cast %add3A_346 : i32 to index
        %swap3A_379 = arith.constant 96 : index
        %swap3A_380 = tpu.vector_load %arg19[%swap3A_378, %swap3A_379] {strides = array<i32>} : memref<400x128xf32, #tpu.memory_space<vmem>>, vector<16xf32>,
        tpu.vector_store %arg19[%swap3A_378, %swap3A_379], %gather3A_376 {strides = array<i32>} : memref<400x128xf32, #tpu.memory_space<vmem>>, vector<16xf32>,
        %swap3A_381 = arith.index_cast %add3A_346 : i32 to index
        %swap3A_382 = arith.constant 112 : index
        %swap3A_383 = tpu.vector_load %arg19[%swap3A_381, %swap3A_382] {strides = array<i32>} : memref<400x128xf32, #tpu.memory_space<vmem>>, vector<16xf32>,
        tpu.vector_store %arg19[%swap3A_381, %swap3A_382], %gather3A_377 {strides = array<i32>} : memref<400x128xf32, #tpu.memory_space<vmem>>, vector<16xf32>,
        %add3A_384 = arith.constant 3 : i32
        %add3A_385 = arith.addi %mul3A_233, %add3A_384 : i32
        %broadcast_in_dim3A_386 = vector.broadcast %add3A_385 : i32 to vector<16xi32>
        %gather3A_387 = tpu.vector_load_idx %arg17[%broadcast_in_dim3A_6, %broadcast_in_dim3A_386] : memref<4x400xi32, #tpu.memory_space<vmem>>[vector<16xi32>, vector<16xi32>], vector<16xi32>,
        %gather3A_388 = tpu.vector_load_idx %arg11[%gather3A_387, %iota3A] : memref<50x32xf32, #tpu.memory_space<vmem>>[vector<16xi32>, vector<16xi32>], vector<16xf32>,
        %gather3A_389 = tpu.vector_load_idx %arg11[%gather3A_387, %add3A_5] : memref<50x32xf32, #tpu.memory_space<vmem>>[vector<16xi32>, vector<16xi32>], vector<16xf32>,
        %swap3A_390 = arith.index_cast %add3A_385 : i32 to index
        %swap3A_391 = arith.constant 0 : index
        %swap3A_392 = tpu.vector_load %arg19[%swap3A_390, %swap3A_391] {strides = array<i32>} : memref<400x128xf32, #tpu.memory_space<vmem>>, vector<16xf32>,
        tpu.vector_store %arg19[%swap3A_390, %swap3A_391], %gather3A_388 {strides = array<i32>} : memref<400x128xf32, #tpu.memory_space<vmem>>, vector<16xf32>,
        %swap3A_393 = arith.index_cast %add3A_385 : i32 to index
        %swap3A_394 = arith.constant 16 : index
        %swap3A_395 = tpu.vector_load %arg19[%swap3A_393, %swap3A_394] {strides = array<i32>} : memref<400x128xf32, #tpu.memory_space<vmem>>, vector<16xf32>,
        tpu.vector_store %arg19[%swap3A_393, %swap3A_394], %gather3A_389 {strides = array<i32>} : memref<400x128xf32, #tpu.memory_space<vmem>>, vector<16xf32>,
        %gather3A_396 = tpu.vector_load_idx %arg17[%broadcast_in_dim3A_8, %broadcast_in_dim3A_386] : memref<4x400xi32, #tpu.memory_space<vmem>>[vector<16xi32>, vector<16xi32>], vector<16xi32>,
        %gather3A_397 = tpu.vector_load_idx %arg12[%gather3A_396, %iota3A] : memref<8x32xf32, #tpu.memory_space<vmem>>[vector<16xi32>, vector<16xi32>], vector<16xf32>,
        %gather3A_398 = tpu.vector_load_idx %arg12[%gather3A_396, %add3A_5] : memref<8x32xf32, #tpu.memory_space<vmem>>[vector<16xi32>, vector<16xi32>], vector<16xf32>,
        %swap3A_399 = arith.index_cast %add3A_385 : i32 to index
        %swap3A_400 = arith.constant 32 : index
        %swap3A_401 = tpu.vector_load %arg19[%swap3A_399, %swap3A_400] {strides = array<i32>} : memref<400x128xf32, #tpu.memory_space<vmem>>, vector<16xf32>,
        tpu.vector_store %arg19[%swap3A_399, %swap3A_400], %gather3A_397 {strides = array<i32>} : memref<400x128xf32, #tpu.memory_space<vmem>>, vector<16xf32>,
        %swap3A_402 = arith.index_cast %add3A_385 : i32 to index
        %swap3A_403 = arith.constant 48 : index
        %swap3A_404 = tpu.vector_load %arg19[%swap3A_402, %swap3A_403] {strides = array<i32>} : memref<400x128xf32, #tpu.memory_space<vmem>>, vector<16xf32>,
        tpu.vector_store %arg19[%swap3A_402, %swap3A_403], %gather3A_398 {strides = array<i32>} : memref<400x128xf32, #tpu.memory_space<vmem>>, vector<16xf32>,
        %gather3A_405 = tpu.vector_load_idx %arg17[%broadcast_in_dim3A_10, %broadcast_in_dim3A_386] : memref<4x400xi32, #tpu.memory_space<vmem>>[vector<16xi32>, vector<16xi32>], vector<16xi32>,
        %gather3A_406 = tpu.vector_load_idx %arg13[%gather3A_405, %iota3A] : memref<252x32xf32, #tpu.memory_space<vmem>>[vector<16xi32>, vector<16xi32>], vector<16xf32>,
        %gather3A_407 = tpu.vector_load_idx %arg13[%gather3A_405, %add3A_5] : memref<252x32xf32, #tpu.memory_space<vmem>>[vector<16xi32>, vector<16xi32>], vector<16xf32>,
        %swap3A_408 = arith.index_cast %add3A_385 : i32 to index
        %swap3A_409 = arith.constant 64 : index
        %swap3A_410 = tpu.vector_load %arg19[%swap3A_408, %swap3A_409] {strides = array<i32>} : memref<400x128xf32, #tpu.memory_space<vmem>>, vector<16xf32>,
        tpu.vector_store %arg19[%swap3A_408, %swap3A_409], %gather3A_406 {strides = array<i32>} : memref<400x128xf32, #tpu.memory_space<vmem>>, vector<16xf32>,
        %swap3A_411 = arith.index_cast %add3A_385 : i32 to index
        %swap3A_412 = arith.constant 80 : index
        %swap3A_413 = tpu.vector_load %arg19[%swap3A_411, %swap3A_412] {strides = array<i32>} : memref<400x128xf32, #tpu.memory_space<vmem>>, vector<16xf32>,
        tpu.vector_store %arg19[%swap3A_411, %swap3A_412], %gather3A_407 {strides = array<i32>} : memref<400x128xf32, #tpu.memory_space<vmem>>, vector<16xf32>,
        %gather3A_414 = tpu.vector_load_idx %arg17[%broadcast_in_dim3A_12, %broadcast_in_dim3A_386] : memref<4x400xi32, #tpu.memory_space<vmem>>[vector<16xi32>, vector<16xi32>], vector<16xi32>,
        %gather3A_415 = tpu.vector_load_idx %arg14[%gather3A_414, %iota3A] : memref<252x32xf32, #tpu.memory_space<vmem>>[vector<16xi32>, vector<16xi32>], vector<16xf32>,
        %gather3A_416 = tpu.vector_load_idx %arg14[%gather3A_414, %add3A_5] : memref<252x32xf32, #tpu.memory_space<vmem>>[vector<16xi32>, vector<16xi32>], vector<16xf32>,
        %swap3A_417 = arith.index_cast %add3A_385 : i32 to index
        %swap3A_418 = arith.constant 96 : index
        %swap3A_419 = tpu.vector_load %arg19[%swap3A_417, %swap3A_418] {strides = array<i32>} : memref<400x128xf32, #tpu.memory_space<vmem>>, vector<16xf32>,
        tpu.vector_store %arg19[%swap3A_417, %swap3A_418], %gather3A_415 {strides = array<i32>} : memref<400x128xf32, #tpu.memory_space<vmem>>, vector<16xf32>,
        %swap3A_420 = arith.index_cast %add3A_385 : i32 to index
        %swap3A_421 = arith.constant 112 : index
        %swap3A_422 = tpu.vector_load %arg19[%swap3A_420, %swap3A_421] {strides = array<i32>} : memref<400x128xf32, #tpu.memory_space<vmem>>, vector<16xf32>,
        tpu.vector_store %arg19[%swap3A_420, %swap3A_421], %gather3A_416 {strides = array<i32>} : memref<400x128xf32, #tpu.memory_space<vmem>>, vector<16xf32>,
        %add3A_423 = arith.constant 4 : i32
        %add3A_424 = arith.addi %mul3A_233, %add3A_423 : i32
        %broadcast_in_dim3A_425 = vector.broadcast %add3A_424 : i32 to vector<16xi32>
        %gather3A_426 = tpu.vector_load_idx %arg17[%broadcast_in_dim3A_6, %broadcast_in_dim3A_425] : memref<4x400xi32, #tpu.memory_space<vmem>>[vector<16xi32>, vector<16xi32>], vector<16xi32>,
        %gather3A_427 = tpu.vector_load_idx %arg11[%gather3A_426, %iota3A] : memref<50x32xf32, #tpu.memory_space<vmem>>[vector<16xi32>, vector<16xi32>], vector<16xf32>,
        %gather3A_428 = tpu.vector_load_idx %arg11[%gather3A_426, %add3A_5] : memref<50x32xf32, #tpu.memory_space<vmem>>[vector<16xi32>, vector<16xi32>], vector<16xf32>,
        %swap3A_429 = arith.index_cast %add3A_424 : i32 to index
        %swap3A_430 = arith.constant 0 : index
        %swap3A_431 = tpu.vector_load %arg19[%swap3A_429, %swap3A_430] {strides = array<i32>} : memref<400x128xf32, #tpu.memory_space<vmem>>, vector<16xf32>,
        tpu.vector_store %arg19[%swap3A_429, %swap3A_430], %gather3A_427 {strides = array<i32>} : memref<400x128xf32, #tpu.memory_space<vmem>>, vector<16xf32>,
        %swap3A_432 = arith.index_cast %add3A_424 : i32 to index
        %swap3A_433 = arith.constant 16 : index
        %swap3A_434 = tpu.vector_load %arg19[%swap3A_432, %swap3A_433] {strides = array<i32>} : memref<400x128xf32, #tpu.memory_space<vmem>>, vector<16xf32>,
        tpu.vector_store %arg19[%swap3A_432, %swap3A_433], %gather3A_428 {strides = array<i32>} : memref<400x128xf32, #tpu.memory_space<vmem>>, vector<16xf32>,
        %gather3A_435 = tpu.vector_load_idx %arg17[%broadcast_in_dim3A_8, %broadcast_in_dim3A_425] : memref<4x400xi32, #tpu.memory_space<vmem>>[vector<16xi32>, vector<16xi32>], vector<16xi32>,
        %gather3A_436 = tpu.vector_load_idx %arg12[%gather3A_435, %iota3A] : memref<8x32xf32, #tpu.memory_space<vmem>>[vector<16xi32>, vector<16xi32>], vector<16xf32>,
        %gather3A_437 = tpu.vector_load_idx %arg12[%gather3A_435, %add3A_5] : memref<8x32xf32, #tpu.memory_space<vmem>>[vector<16xi32>, vector<16xi32>], vector<16xf32>,
        %swap3A_438 = arith.index_cast %add3A_424 : i32 to index
        %swap3A_439 = arith.constant 32 : index
        %swap3A_440 = tpu.vector_load %arg19[%swap3A_438, %swap3A_439] {strides = array<i32>} : memref<400x128xf32, #tpu.memory_space<vmem>>, vector<16xf32>,
        tpu.vector_store %arg19[%swap3A_438, %swap3A_439], %gather3A_436 {strides = array<i32>} : memref<400x128xf32, #tpu.memory_space<vmem>>, vector<16xf32>,
        %swap3A_441 = arith.index_cast %add3A_424 : i32 to index
        %swap3A_442 = arith.constant 48 : index
        %swap3A_443 = tpu.vector_load %arg19[%swap3A_441, %swap3A_442] {strides = array<i32>} : memref<400x128xf32, #tpu.memory_space<vmem>>, vector<16xf32>,
        tpu.vector_store %arg19[%swap3A_441, %swap3A_442], %gather3A_437 {strides = array<i32>} : memref<400x128xf32, #tpu.memory_space<vmem>>, vector<16xf32>,
        %gather3A_444 = tpu.vector_load_idx %arg17[%broadcast_in_dim3A_10, %broadcast_in_dim3A_425] : memref<4x400xi32, #tpu.memory_space<vmem>>[vector<16xi32>, vector<16xi32>], vector<16xi32>,
        %gather3A_445 = tpu.vector_load_idx %arg13[%gather3A_444, %iota3A] : memref<252x32xf32, #tpu.memory_space<vmem>>[vector<16xi32>, vector<16xi32>], vector<16xf32>,
        %gather3A_446 = tpu.vector_load_idx %arg13[%gather3A_444, %add3A_5] : memref<252x32xf32, #tpu.memory_space<vmem>>[vector<16xi32>, vector<16xi32>], vector<16xf32>,
        %swap3A_447 = arith.index_cast %add3A_424 : i32 to index
        %swap3A_448 = arith.constant 64 : index
        %swap3A_449 = tpu.vector_load %arg19[%swap3A_447, %swap3A_448] {strides = array<i32>} : memref<400x128xf32, #tpu.memory_space<vmem>>, vector<16xf32>,
        tpu.vector_store %arg19[%swap3A_447, %swap3A_448], %gather3A_445 {strides = array<i32>} : memref<400x128xf32, #tpu.memory_space<vmem>>, vector<16xf32>,
        %swap3A_450 = arith.index_cast %add3A_424 : i32 to index
        %swap3A_451 = arith.constant 80 : index
        %swap3A_452 = tpu.vector_load %arg19[%swap3A_450, %swap3A_451] {strides = array<i32>} : memref<400x128xf32, #tpu.memory_space<vmem>>, vector<16xf32>,
        tpu.vector_store %arg19[%swap3A_450, %swap3A_451], %gather3A_446 {strides = array<i32>} : memref<400x128xf32, #tpu.memory_space<vmem>>, vector<16xf32>,
        %gather3A_453 = tpu.vector_load_idx %arg17[%broadcast_in_dim3A_12, %broadcast_in_dim3A_425] : memref<4x400xi32, #tpu.memory_space<vmem>>[vector<16xi32>, vector<16xi32>], vector<16xi32>,
        %gather3A_454 = tpu.vector_load_idx %arg14[%gather3A_453, %iota3A] : memref<252x32xf32, #tpu.memory_space<vmem>>[vector<16xi32>, vector<16xi32>], vector<16xf32>,
        %gather3A_455 = tpu.vector_load_idx %arg14[%gather3A_453, %add3A_5] : memref<252x32xf32, #tpu.memory_space<vmem>>[vector<16xi32>, vector<16xi32>], vector<16xf32>,
        %swap3A_456 = arith.index_cast %add3A_424 : i32 to index
        %swap3A_457 = arith.constant 96 : index
        %swap3A_458 = tpu.vector_load %arg19[%swap3A_456, %swap3A_457] {strides = array<i32>} : memref<400x128xf32, #tpu.memory_space<vmem>>, vector<16xf32>,
        tpu.vector_store %arg19[%swap3A_456, %swap3A_457], %gather3A_454 {strides = array<i32>} : memref<400x128xf32, #tpu.memory_space<vmem>>, vector<16xf32>,
        %swap3A_459 = arith.index_cast %add3A_424 : i32 to index
        %swap3A_460 = arith.constant 112 : index
        %swap3A_461 = tpu.vector_load %arg19[%swap3A_459, %swap3A_460] {strides = array<i32>} : memref<400x128xf32, #tpu.memory_space<vmem>>, vector<16xf32>,
        tpu.vector_store %arg19[%swap3A_459, %swap3A_460], %gather3A_455 {strides = array<i32>} : memref<400x128xf32, #tpu.memory_space<vmem>>, vector<16xf32>,
        %add3A_462 = arith.constant 5 : i32
        %add3A_463 = arith.addi %mul3A_233, %add3A_462 : i32
        %broadcast_in_dim3A_464 = vector.broadcast %add3A_463 : i32 to vector<16xi32>
        %gather3A_465 = tpu.vector_load_idx %arg17[%broadcast_in_dim3A_6, %broadcast_in_dim3A_464] : memref<4x400xi32, #tpu.memory_space<vmem>>[vector<16xi32>, vector<16xi32>], vector<16xi32>,
        %gather3A_466 = tpu.vector_load_idx %arg11[%gather3A_465, %iota3A] : memref<50x32xf32, #tpu.memory_space<vmem>>[vector<16xi32>, vector<16xi32>], vector<16xf32>,
        %gather3A_467 = tpu.vector_load_idx %arg11[%gather3A_465, %add3A_5] : memref<50x32xf32, #tpu.memory_space<vmem>>[vector<16xi32>, vector<16xi32>], vector<16xf32>,
        %swap3A_468 = arith.index_cast %add3A_463 : i32 to index
        %swap3A_469 = arith.constant 0 : index
        %swap3A_470 = tpu.vector_load %arg19[%swap3A_468, %swap3A_469] {strides = array<i32>} : memref<400x128xf32, #tpu.memory_space<vmem>>, vector<16xf32>,
        tpu.vector_store %arg19[%swap3A_468, %swap3A_469], %gather3A_466 {strides = array<i32>} : memref<400x128xf32, #tpu.memory_space<vmem>>, vector<16xf32>,
        %swap3A_471 = arith.index_cast %add3A_463 : i32 to index
        %swap3A_472 = arith.constant 16 : index
        %swap3A_473 = tpu.vector_load %arg19[%swap3A_471, %swap3A_472] {strides = array<i32>} : memref<400x128xf32, #tpu.memory_space<vmem>>, vector<16xf32>,
        tpu.vector_store %arg19[%swap3A_471, %swap3A_472], %gather3A_467 {strides = array<i32>} : memref<400x128xf32, #tpu.memory_space<vmem>>, vector<16xf32>,
        %gather3A_474 = tpu.vector_load_idx %arg17[%broadcast_in_dim3A_8, %broadcast_in_dim3A_464] : memref<4x400xi32, #tpu.memory_space<vmem>>[vector<16xi32>, vector<16xi32>], vector<16xi32>,
        %gather3A_475 = tpu.vector_load_idx %arg12[%gather3A_474, %iota3A] : memref<8x32xf32, #tpu.memory_space<vmem>>[vector<16xi32>, vector<16xi32>], vector<16xf32>,
        %gather3A_476 = tpu.vector_load_idx %arg12[%gather3A_474, %add3A_5] : memref<8x32xf32, #tpu.memory_space<vmem>>[vector<16xi32>, vector<16xi32>], vector<16xf32>,
        %swap3A_477 = arith.index_cast %add3A_463 : i32 to index
        %swap3A_478 = arith.constant 32 : index
        %swap3A_479 = tpu.vector_load %arg19[%swap3A_477, %swap3A_478] {strides = array<i32>} : memref<400x128xf32, #tpu.memory_space<vmem>>, vector<16xf32>,
        tpu.vector_store %arg19[%swap3A_477, %swap3A_478], %gather3A_475 {strides = array<i32>} : memref<400x128xf32, #tpu.memory_space<vmem>>, vector<16xf32>,
        %swap3A_480 = arith.index_cast %add3A_463 : i32 to index
        %swap3A_481 = arith.constant 48 : index
        %swap3A_482 = tpu.vector_load %arg19[%swap3A_480, %swap3A_481] {strides = array<i32>} : memref<400x128xf32, #tpu.memory_space<vmem>>, vector<16xf32>,
        tpu.vector_store %arg19[%swap3A_480, %swap3A_481], %gather3A_476 {strides = array<i32>} : memref<400x128xf32, #tpu.memory_space<vmem>>, vector<16xf32>,
        %gather3A_483 = tpu.vector_load_idx %arg17[%broadcast_in_dim3A_10, %broadcast_in_dim3A_464] : memref<4x400xi32, #tpu.memory_space<vmem>>[vector<16xi32>, vector<16xi32>], vector<16xi32>,
        %gather3A_484 = tpu.vector_load_idx %arg13[%gather3A_483, %iota3A] : memref<252x32xf32, #tpu.memory_space<vmem>>[vector<16xi32>, vector<16xi32>], vector<16xf32>,
        %gather3A_485 = tpu.vector_load_idx %arg13[%gather3A_483, %add3A_5] : memref<252x32xf32, #tpu.memory_space<vmem>>[vector<16xi32>, vector<16xi32>], vector<16xf32>,
        %swap3A_486 = arith.index_cast %add3A_463 : i32 to index
        %swap3A_487 = arith.constant 64 : index
        %swap3A_488 = tpu.vector_load %arg19[%swap3A_486, %swap3A_487] {strides = array<i32>} : memref<400x128xf32, #tpu.memory_space<vmem>>, vector<16xf32>,
        tpu.vector_store %arg19[%swap3A_486, %swap3A_487], %gather3A_484 {strides = array<i32>} : memref<400x128xf32, #tpu.memory_space<vmem>>, vector<16xf32>,
        %swap3A_489 = arith.index_cast %add3A_463 : i32 to index
        %swap3A_490 = arith.constant 80 : index
        %swap3A_491 = tpu.vector_load %arg19[%swap3A_489, %swap3A_490] {strides = array<i32>} : memref<400x128xf32, #tpu.memory_space<vmem>>, vector<16xf32>,
        tpu.vector_store %arg19[%swap3A_489, %swap3A_490], %gather3A_485 {strides = array<i32>} : memref<400x128xf32, #tpu.memory_space<vmem>>, vector<16xf32>,
        %gather3A_492 = tpu.vector_load_idx %arg17[%broadcast_in_dim3A_12, %broadcast_in_dim3A_464] : memref<4x400xi32, #tpu.memory_space<vmem>>[vector<16xi32>, vector<16xi32>], vector<16xi32>,
        %gather3A_493 = tpu.vector_load_idx %arg14[%gather3A_492, %iota3A] : memref<252x32xf32, #tpu.memory_space<vmem>>[vector<16xi32>, vector<16xi32>], vector<16xf32>,
        %gather3A_494 = tpu.vector_load_idx %arg14[%gather3A_492, %add3A_5] : memref<252x32xf32, #tpu.memory_space<vmem>>[vector<16xi32>, vector<16xi32>], vector<16xf32>,
        %swap3A_495 = arith.index_cast %add3A_463 : i32 to index
        %swap3A_496 = arith.constant 96 : index
        %swap3A_497 = tpu.vector_load %arg19[%swap3A_495, %swap3A_496] {strides = array<i32>} : memref<400x128xf32, #tpu.memory_space<vmem>>, vector<16xf32>,
        tpu.vector_store %arg19[%swap3A_495, %swap3A_496], %gather3A_493 {strides = array<i32>} : memref<400x128xf32, #tpu.memory_space<vmem>>, vector<16xf32>,
        %swap3A_498 = arith.index_cast %add3A_463 : i32 to index
        %swap3A_499 = arith.constant 112 : index
        %swap3A_500 = tpu.vector_load %arg19[%swap3A_498, %swap3A_499] {strides = array<i32>} : memref<400x128xf32, #tpu.memory_space<vmem>>, vector<16xf32>,
        tpu.vector_store %arg19[%swap3A_498, %swap3A_499], %gather3A_494 {strides = array<i32>} : memref<400x128xf32, #tpu.memory_space<vmem>>, vector<16xf32>,
        %add3A_501 = arith.constant 6 : i32
        %add3A_502 = arith.addi %mul3A_233, %add3A_501 : i32
        %broadcast_in_dim3A_503 = vector.broadcast %add3A_502 : i32 to vector<16xi32>
        %gather3A_504 = tpu.vector_load_idx %arg17[%broadcast_in_dim3A_6, %broadcast_in_dim3A_503] : memref<4x400xi32, #tpu.memory_space<vmem>>[vector<16xi32>, vector<16xi32>], vector<16xi32>,
        %gather3A_505 = tpu.vector_load_idx %arg11[%gather3A_504, %iota3A] : memref<50x32xf32, #tpu.memory_space<vmem>>[vector<16xi32>, vector<16xi32>], vector<16xf32>,
        %gather3A_506 = tpu.vector_load_idx %arg11[%gather3A_504, %add3A_5] : memref<50x32xf32, #tpu.memory_space<vmem>>[vector<16xi32>, vector<16xi32>], vector<16xf32>,
        %swap3A_507 = arith.index_cast %add3A_502 : i32 to index
        %swap3A_508 = arith.constant 0 : index
        %swap3A_509 = tpu.vector_load %arg19[%swap3A_507, %swap3A_508] {strides = array<i32>} : memref<400x128xf32, #tpu.memory_space<vmem>>, vector<16xf32>,
        tpu.vector_store %arg19[%swap3A_507, %swap3A_508], %gather3A_505 {strides = array<i32>} : memref<400x128xf32, #tpu.memory_space<vmem>>, vector<16xf32>,
        %swap3A_510 = arith.index_cast %add3A_502 : i32 to index
        %swap3A_511 = arith.constant 16 : index
        %swap3A_512 = tpu.vector_load %arg19[%swap3A_510, %swap3A_511] {strides = array<i32>} : memref<400x128xf32, #tpu.memory_space<vmem>>, vector<16xf32>,
        tpu.vector_store %arg19[%swap3A_510, %swap3A_511], %gather3A_506 {strides = array<i32>} : memref<400x128xf32, #tpu.memory_space<vmem>>, vector<16xf32>,
        %gather3A_513 = tpu.vector_load_idx %arg17[%broadcast_in_dim3A_8, %broadcast_in_dim3A_503] : memref<4x400xi32, #tpu.memory_space<vmem>>[vector<16xi32>, vector<16xi32>], vector<16xi32>,
        %gather3A_514 = tpu.vector_load_idx %arg12[%gather3A_513, %iota3A] : memref<8x32xf32, #tpu.memory_space<vmem>>[vector<16xi32>, vector<16xi32>], vector<16xf32>,
        %gather3A_515 = tpu.vector_load_idx %arg12[%gather3A_513, %add3A_5] : memref<8x32xf32, #tpu.memory_space<vmem>>[vector<16xi32>, vector<16xi32>], vector<16xf32>,
        %swap3A_516 = arith.index_cast %add3A_502 : i32 to index
        %swap3A_517 = arith.constant 32 : index
        %swap3A_518 = tpu.vector_load %arg19[%swap3A_516, %swap3A_517] {strides = array<i32>} : memref<400x128xf32, #tpu.memory_space<vmem>>, vector<16xf32>,
        tpu.vector_store %arg19[%swap3A_516, %swap3A_517], %gather3A_514 {strides = array<i32>} : memref<400x128xf32, #tpu.memory_space<vmem>>, vector<16xf32>,
        %swap3A_519 = arith.index_cast %add3A_502 : i32 to index
        %swap3A_520 = arith.constant 48 : index
        %swap3A_521 = tpu.vector_load %arg19[%swap3A_519, %swap3A_520] {strides = array<i32>} : memref<400x128xf32, #tpu.memory_space<vmem>>, vector<16xf32>,
        tpu.vector_store %arg19[%swap3A_519, %swap3A_520], %gather3A_515 {strides = array<i32>} : memref<400x128xf32, #tpu.memory_space<vmem>>, vector<16xf32>,
        %gather3A_522 = tpu.vector_load_idx %arg17[%broadcast_in_dim3A_10, %broadcast_in_dim3A_503] : memref<4x400xi32, #tpu.memory_space<vmem>>[vector<16xi32>, vector<16xi32>], vector<16xi32>,
        %gather3A_523 = tpu.vector_load_idx %arg13[%gather3A_522, %iota3A] : memref<252x32xf32, #tpu.memory_space<vmem>>[vector<16xi32>, vector<16xi32>], vector<16xf32>,
        %gather3A_524 = tpu.vector_load_idx %arg13[%gather3A_522, %add3A_5] : memref<252x32xf32, #tpu.memory_space<vmem>>[vector<16xi32>, vector<16xi32>], vector<16xf32>,
        %swap3A_525 = arith.index_cast %add3A_502 : i32 to index
        %swap3A_526 = arith.constant 64 : index
        %swap3A_527 = tpu.vector_load %arg19[%swap3A_525, %swap3A_526] {strides = array<i32>} : memref<400x128xf32, #tpu.memory_space<vmem>>, vector<16xf32>,
        tpu.vector_store %arg19[%swap3A_525, %swap3A_526], %gather3A_523 {strides = array<i32>} : memref<400x128xf32, #tpu.memory_space<vmem>>, vector<16xf32>,
        %swap3A_528 = arith.index_cast %add3A_502 : i32 to index
        %swap3A_529 = arith.constant 80 : index
        %swap3A_530 = tpu.vector_load %arg19[%swap3A_528, %swap3A_529] {strides = array<i32>} : memref<400x128xf32, #tpu.memory_space<vmem>>, vector<16xf32>,
        tpu.vector_store %arg19[%swap3A_528, %swap3A_529], %gather3A_524 {strides = array<i32>} : memref<400x128xf32, #tpu.memory_space<vmem>>, vector<16xf32>,
        %gather3A_531 = tpu.vector_load_idx %arg17[%broadcast_in_dim3A_12, %broadcast_in_dim3A_503] : memref<4x400xi32, #tpu.memory_space<vmem>>[vector<16xi32>, vector<16xi32>], vector<16xi32>,
        %gather3A_532 = tpu.vector_load_idx %arg14[%gather3A_531, %iota3A] : memref<252x32xf32, #tpu.memory_space<vmem>>[vector<16xi32>, vector<16xi32>], vector<16xf32>,
        %gather3A_533 = tpu.vector_load_idx %arg14[%gather3A_531, %add3A_5] : memref<252x32xf32, #tpu.memory_space<vmem>>[vector<16xi32>, vector<16xi32>], vector<16xf32>,
        %swap3A_534 = arith.index_cast %add3A_502 : i32 to index
        %swap3A_535 = arith.constant 96 : index
        %swap3A_536 = tpu.vector_load %arg19[%swap3A_534, %swap3A_535] {strides = array<i32>} : memref<400x128xf32, #tpu.memory_space<vmem>>, vector<16xf32>,
        tpu.vector_store %arg19[%swap3A_534, %swap3A_535], %gather3A_532 {strides = array<i32>} : memref<400x128xf32, #tpu.memory_space<vmem>>, vector<16xf32>,
        %swap3A_537 = arith.index_cast %add3A_502 : i32 to index
        %swap3A_538 = arith.constant 112 : index
        %swap3A_539 = tpu.vector_load %arg19[%swap3A_537, %swap3A_538] {strides = array<i32>} : memref<400x128xf32, #tpu.memory_space<vmem>>, vector<16xf32>,
        tpu.vector_store %arg19[%swap3A_537, %swap3A_538], %gather3A_533 {strides = array<i32>} : memref<400x128xf32, #tpu.memory_space<vmem>>, vector<16xf32>,
        %add3A_540 = arith.constant 7 : i32
        %add3A_541 = arith.addi %mul3A_233, %add3A_540 : i32
        %broadcast_in_dim3A_542 = vector.broadcast %add3A_541 : i32 to vector<16xi32>
        %gather3A_543 = tpu.vector_load_idx %arg17[%broadcast_in_dim3A_6, %broadcast_in_dim3A_542] : memref<4x400xi32, #tpu.memory_space<vmem>>[vector<16xi32>, vector<16xi32>], vector<16xi32>,
        %gather3A_544 = tpu.vector_load_idx %arg11[%gather3A_543, %iota3A] : memref<50x32xf32, #tpu.memory_space<vmem>>[vector<16xi32>, vector<16xi32>], vector<16xf32>,
        %gather3A_545 = tpu.vector_load_idx %arg11[%gather3A_543, %add3A_5] : memref<50x32xf32, #tpu.memory_space<vmem>>[vector<16xi32>, vector<16xi32>], vector<16xf32>,
        %swap3A_546 = arith.index_cast %add3A_541 : i32 to index
        %swap3A_547 = arith.constant 0 : index
        %swap3A_548 = tpu.vector_load %arg19[%swap3A_546, %swap3A_547] {strides = array<i32>} : memref<400x128xf32, #tpu.memory_space<vmem>>, vector<16xf32>,
        tpu.vector_store %arg19[%swap3A_546, %swap3A_547], %gather3A_544 {strides = array<i32>} : memref<400x128xf32, #tpu.memory_space<vmem>>, vector<16xf32>,
        %swap3A_549 = arith.index_cast %add3A_541 : i32 to index
        %swap3A_550 = arith.constant 16 : index
        %swap3A_551 = tpu.vector_load %arg19[%swap3A_549, %swap3A_550] {strides = array<i32>} : memref<400x128xf32, #tpu.memory_space<vmem>>, vector<16xf32>,
        tpu.vector_store %arg19[%swap3A_549, %swap3A_550], %gather3A_545 {strides = array<i32>} : memref<400x128xf32, #tpu.memory_space<vmem>>, vector<16xf32>,
        %gather3A_552 = tpu.vector_load_idx %arg17[%broadcast_in_dim3A_8, %broadcast_in_dim3A_542] : memref<4x400xi32, #tpu.memory_space<vmem>>[vector<16xi32>, vector<16xi32>], vector<16xi32>,
        %gather3A_553 = tpu.vector_load_idx %arg12[%gather3A_552, %iota3A] : memref<8x32xf32, #tpu.memory_space<vmem>>[vector<16xi32>, vector<16xi32>], vector<16xf32>,
        %gather3A_554 = tpu.vector_load_idx %arg12[%gather3A_552, %add3A_5] : memref<8x32xf32, #tpu.memory_space<vmem>>[vector<16xi32>, vector<16xi32>], vector<16xf32>,
        %swap3A_555 = arith.index_cast %add3A_541 : i32 to index
        %swap3A_556 = arith.constant 32 : index
        %swap3A_557 = tpu.vector_load %arg19[%swap3A_555, %swap3A_556] {strides = array<i32>} : memref<400x128xf32, #tpu.memory_space<vmem>>, vector<16xf32>,
        tpu.vector_store %arg19[%swap3A_555, %swap3A_556], %gather3A_553 {strides = array<i32>} : memref<400x128xf32, #tpu.memory_space<vmem>>, vector<16xf32>,
        %swap3A_558 = arith.index_cast %add3A_541 : i32 to index
        %swap3A_559 = arith.constant 48 : index
        %swap3A_560 = tpu.vector_load %arg19[%swap3A_558, %swap3A_559] {strides = array<i32>} : memref<400x128xf32, #tpu.memory_space<vmem>>, vector<16xf32>,
        tpu.vector_store %arg19[%swap3A_558, %swap3A_559], %gather3A_554 {strides = array<i32>} : memref<400x128xf32, #tpu.memory_space<vmem>>, vector<16xf32>,
        %gather3A_561 = tpu.vector_load_idx %arg17[%broadcast_in_dim3A_10, %broadcast_in_dim3A_542] : memref<4x400xi32, #tpu.memory_space<vmem>>[vector<16xi32>, vector<16xi32>], vector<16xi32>,
        %gather3A_562 = tpu.vector_load_idx %arg13[%gather3A_561, %iota3A] : memref<252x32xf32, #tpu.memory_space<vmem>>[vector<16xi32>, vector<16xi32>], vector<16xf32>,
        %gather3A_563 = tpu.vector_load_idx %arg13[%gather3A_561, %add3A_5] : memref<252x32xf32, #tpu.memory_space<vmem>>[vector<16xi32>, vector<16xi32>], vector<16xf32>,
        %swap3A_564 = arith.index_cast %add3A_541 : i32 to index
        %swap3A_565 = arith.constant 64 : index
        %swap3A_566 = tpu.vector_load %arg19[%swap3A_564, %swap3A_565] {strides = array<i32>} : memref<400x128xf32, #tpu.memory_space<vmem>>, vector<16xf32>,
        tpu.vector_store %arg19[%swap3A_564, %swap3A_565], %gather3A_562 {strides = array<i32>} : memref<400x128xf32, #tpu.memory_space<vmem>>, vector<16xf32>,
        %swap3A_567 = arith.index_cast %add3A_541 : i32 to index
        %swap3A_568 = arith.constant 80 : index
        %swap3A_569 = tpu.vector_load %arg19[%swap3A_567, %swap3A_568] {strides = array<i32>} : memref<400x128xf32, #tpu.memory_space<vmem>>, vector<16xf32>,
        tpu.vector_store %arg19[%swap3A_567, %swap3A_568], %gather3A_563 {strides = array<i32>} : memref<400x128xf32, #tpu.memory_space<vmem>>, vector<16xf32>,
        %gather3A_570 = tpu.vector_load_idx %arg17[%broadcast_in_dim3A_12, %broadcast_in_dim3A_542] : memref<4x400xi32, #tpu.memory_space<vmem>>[vector<16xi32>, vector<16xi32>], vector<16xi32>,
        %gather3A_571 = tpu.vector_load_idx %arg14[%gather3A_570, %iota3A] : memref<252x32xf32, #tpu.memory_space<vmem>>[vector<16xi32>, vector<16xi32>], vector<16xf32>,
        %gather3A_572 = tpu.vector_load_idx %arg14[%gather3A_570, %add3A_5] : memref<252x32xf32, #tpu.memory_space<vmem>>[vector<16xi32>, vector<16xi32>], vector<16xf32>,
        %swap3A_573 = arith.index_cast %add3A_541 : i32 to index
        %swap3A_574 = arith.constant 96 : index
        %swap3A_575 = tpu.vector_load %arg19[%swap3A_573, %swap3A_574] {strides = array<i32>} : memref<400x128xf32, #tpu.memory_space<vmem>>, vector<16xf32>,
        tpu.vector_store %arg19[%swap3A_573, %swap3A_574], %gather3A_571 {strides = array<i32>} : memref<400x128xf32, #tpu.memory_space<vmem>>, vector<16xf32>,
        %swap3A_576 = arith.index_cast %add3A_541 : i32 to index
        %swap3A_577 = arith.constant 112 : index
        %swap3A_578 = tpu.vector_load %arg19[%swap3A_576, %swap3A_577] {strides = array<i32>} : memref<400x128xf32, #tpu.memory_space<vmem>>, vector<16xf32>,
        tpu.vector_store %arg19[%swap3A_576, %swap3A_577], %gather3A_572 {strides = array<i32>} : memref<400x128xf32, #tpu.memory_space<vmem>>, vector<16xf32>,
        %add3A_579 = arith.constant 8 : i32
        %add3A_580 = arith.addi %mul3A_233, %add3A_579 : i32
        %broadcast_in_dim3A_581 = vector.broadcast %add3A_580 : i32 to vector<16xi32>
        %gather3A_582 = tpu.vector_load_idx %arg17[%broadcast_in_dim3A_6, %broadcast_in_dim3A_581] : memref<4x400xi32, #tpu.memory_space<vmem>>[vector<16xi32>, vector<16xi32>], vector<16xi32>,
        %gather3A_583 = tpu.vector_load_idx %arg11[%gather3A_582, %iota3A] : memref<50x32xf32, #tpu.memory_space<vmem>>[vector<16xi32>, vector<16xi32>], vector<16xf32>,
        %gather3A_584 = tpu.vector_load_idx %arg11[%gather3A_582, %add3A_5] : memref<50x32xf32, #tpu.memory_space<vmem>>[vector<16xi32>, vector<16xi32>], vector<16xf32>,
        %swap3A_585 = arith.index_cast %add3A_580 : i32 to index
        %swap3A_586 = arith.constant 0 : index
        %swap3A_587 = tpu.vector_load %arg19[%swap3A_585, %swap3A_586] {strides = array<i32>} : memref<400x128xf32, #tpu.memory_space<vmem>>, vector<16xf32>,
        tpu.vector_store %arg19[%swap3A_585, %swap3A_586], %gather3A_583 {strides = array<i32>} : memref<400x128xf32, #tpu.memory_space<vmem>>, vector<16xf32>,
        %swap3A_588 = arith.index_cast %add3A_580 : i32 to index
        %swap3A_589 = arith.constant 16 : index
        %swap3A_590 = tpu.vector_load %arg19[%swap3A_588, %swap3A_589] {strides = array<i32>} : memref<400x128xf32, #tpu.memory_space<vmem>>, vector<16xf32>,
        tpu.vector_store %arg19[%swap3A_588, %swap3A_589], %gather3A_584 {strides = array<i32>} : memref<400x128xf32, #tpu.memory_space<vmem>>, vector<16xf32>,
        %gather3A_591 = tpu.vector_load_idx %arg17[%broadcast_in_dim3A_8, %broadcast_in_dim3A_581] : memref<4x400xi32, #tpu.memory_space<vmem>>[vector<16xi32>, vector<16xi32>], vector<16xi32>,
        %gather3A_592 = tpu.vector_load_idx %arg12[%gather3A_591, %iota3A] : memref<8x32xf32, #tpu.memory_space<vmem>>[vector<16xi32>, vector<16xi32>], vector<16xf32>,
        %gather3A_593 = tpu.vector_load_idx %arg12[%gather3A_591, %add3A_5] : memref<8x32xf32, #tpu.memory_space<vmem>>[vector<16xi32>, vector<16xi32>], vector<16xf32>,
        %swap3A_594 = arith.index_cast %add3A_580 : i32 to index
        %swap3A_595 = arith.constant 32 : index
        %swap3A_596 = tpu.vector_load %arg19[%swap3A_594, %swap3A_595] {strides = array<i32>} : memref<400x128xf32, #tpu.memory_space<vmem>>, vector<16xf32>,
        tpu.vector_store %arg19[%swap3A_594, %swap3A_595], %gather3A_592 {strides = array<i32>} : memref<400x128xf32, #tpu.memory_space<vmem>>, vector<16xf32>,
        %swap3A_597 = arith.index_cast %add3A_580 : i32 to index
        %swap3A_598 = arith.constant 48 : index
        %swap3A_599 = tpu.vector_load %arg19[%swap3A_597, %swap3A_598] {strides = array<i32>} : memref<400x128xf32, #tpu.memory_space<vmem>>, vector<16xf32>,
        tpu.vector_store %arg19[%swap3A_597, %swap3A_598], %gather3A_593 {strides = array<i32>} : memref<400x128xf32, #tpu.memory_space<vmem>>, vector<16xf32>,
        %gather3A_600 = tpu.vector_load_idx %arg17[%broadcast_in_dim3A_10, %broadcast_in_dim3A_581] : memref<4x400xi32, #tpu.memory_space<vmem>>[vector<16xi32>, vector<16xi32>], vector<16xi32>,
        %gather3A_601 = tpu.vector_load_idx %arg13[%gather3A_600, %iota3A] : memref<252x32xf32, #tpu.memory_space<vmem>>[vector<16xi32>, vector<16xi32>], vector<16xf32>,
        %gather3A_602 = tpu.vector_load_idx %arg13[%gather3A_600, %add3A_5] : memref<252x32xf32, #tpu.memory_space<vmem>>[vector<16xi32>, vector<16xi32>], vector<16xf32>,
        %swap3A_603 = arith.index_cast %add3A_580 : i32 to index
        %swap3A_604 = arith.constant 64 : index
        %swap3A_605 = tpu.vector_load %arg19[%swap3A_603, %swap3A_604] {strides = array<i32>} : memref<400x128xf32, #tpu.memory_space<vmem>>, vector<16xf32>,
        tpu.vector_store %arg19[%swap3A_603, %swap3A_604], %gather3A_601 {strides = array<i32>} : memref<400x128xf32, #tpu.memory_space<vmem>>, vector<16xf32>,
        %swap3A_606 = arith.index_cast %add3A_580 : i32 to index
        %swap3A_607 = arith.constant 80 : index
        %swap3A_608 = tpu.vector_load %arg19[%swap3A_606, %swap3A_607] {strides = array<i32>} : memref<400x128xf32, #tpu.memory_space<vmem>>, vector<16xf32>,
        tpu.vector_store %arg19[%swap3A_606, %swap3A_607], %gather3A_602 {strides = array<i32>} : memref<400x128xf32, #tpu.memory_space<vmem>>, vector<16xf32>,
        %gather3A_609 = tpu.vector_load_idx %arg17[%broadcast_in_dim3A_12, %broadcast_in_dim3A_581] : memref<4x400xi32, #tpu.memory_space<vmem>>[vector<16xi32>, vector<16xi32>], vector<16xi32>,
        %gather3A_610 = tpu.vector_load_idx %arg14[%gather3A_609, %iota3A] : memref<252x32xf32, #tpu.memory_space<vmem>>[vector<16xi32>, vector<16xi32>], vector<16xf32>,
        %gather3A_611 = tpu.vector_load_idx %arg14[%gather3A_609, %add3A_5] : memref<252x32xf32, #tpu.memory_space<vmem>>[vector<16xi32>, vector<16xi32>], vector<16xf32>,
        %swap3A_612 = arith.index_cast %add3A_580 : i32 to index
        %swap3A_613 = arith.constant 96 : index
        %swap3A_614 = tpu.vector_load %arg19[%swap3A_612, %swap3A_613] {strides = array<i32>} : memref<400x128xf32, #tpu.memory_space<vmem>>, vector<16xf32>,
        tpu.vector_store %arg19[%swap3A_612, %swap3A_613], %gather3A_610 {strides = array<i32>} : memref<400x128xf32, #tpu.memory_space<vmem>>, vector<16xf32>,
        %swap3A_615 = arith.index_cast %add3A_580 : i32 to index
        %swap3A_616 = arith.constant 112 : index
        %swap3A_617 = tpu.vector_load %arg19[%swap3A_615, %swap3A_616] {strides = array<i32>} : memref<400x128xf32, #tpu.memory_space<vmem>>, vector<16xf32>,
        tpu.vector_store %arg19[%swap3A_615, %swap3A_616], %gather3A_611 {strides = array<i32>} : memref<400x128xf32, #tpu.memory_space<vmem>>, vector<16xf32>,
        %add3A_618 = arith.constant 9 : i32
        %add3A_619 = arith.addi %mul3A_233, %add3A_618 : i32
        %broadcast_in_dim3A_620 = vector.broadcast %add3A_619 : i32 to vector<16xi32>
        %gather3A_621 = tpu.vector_load_idx %arg17[%broadcast_in_dim3A_6, %broadcast_in_dim3A_620] : memref<4x400xi32, #tpu.memory_space<vmem>>[vector<16xi32>, vector<16xi32>], vector<16xi32>,
        %gather3A_622 = tpu.vector_load_idx %arg11[%gather3A_621, %iota3A] : memref<50x32xf32, #tpu.memory_space<vmem>>[vector<16xi32>, vector<16xi32>], vector<16xf32>,
        %gather3A_623 = tpu.vector_load_idx %arg11[%gather3A_621, %add3A_5] : memref<50x32xf32, #tpu.memory_space<vmem>>[vector<16xi32>, vector<16xi32>], vector<16xf32>,
        %swap3A_624 = arith.index_cast %add3A_619 : i32 to index
        %swap3A_625 = arith.constant 0 : index
        %swap3A_626 = tpu.vector_load %arg19[%swap3A_624, %swap3A_625] {strides = array<i32>} : memref<400x128xf32, #tpu.memory_space<vmem>>, vector<16xf32>,
        tpu.vector_store %arg19[%swap3A_624, %swap3A_625], %gather3A_622 {strides = array<i32>} : memref<400x128xf32, #tpu.memory_space<vmem>>, vector<16xf32>,
        %swap3A_627 = arith.index_cast %add3A_619 : i32 to index
        %swap3A_628 = arith.constant 16 : index
        %swap3A_629 = tpu.vector_load %arg19[%swap3A_627, %swap3A_628] {strides = array<i32>} : memref<400x128xf32, #tpu.memory_space<vmem>>, vector<16xf32>,
        tpu.vector_store %arg19[%swap3A_627, %swap3A_628], %gather3A_623 {strides = array<i32>} : memref<400x128xf32, #tpu.memory_space<vmem>>, vector<16xf32>,
        %gather3A_630 = tpu.vector_load_idx %arg17[%broadcast_in_dim3A_8, %broadcast_in_dim3A_620] : memref<4x400xi32, #tpu.memory_space<vmem>>[vector<16xi32>, vector<16xi32>], vector<16xi32>,
        %gather3A_631 = tpu.vector_load_idx %arg12[%gather3A_630, %iota3A] : memref<8x32xf32, #tpu.memory_space<vmem>>[vector<16xi32>, vector<16xi32>], vector<16xf32>,
        %gather3A_632 = tpu.vector_load_idx %arg12[%gather3A_630, %add3A_5] : memref<8x32xf32, #tpu.memory_space<vmem>>[vector<16xi32>, vector<16xi32>], vector<16xf32>,
        %swap3A_633 = arith.index_cast %add3A_619 : i32 to index
        %swap3A_634 = arith.constant 32 : index
        %swap3A_635 = tpu.vector_load %arg19[%swap3A_633, %swap3A_634] {strides = array<i32>} : memref<400x128xf32, #tpu.memory_space<vmem>>, vector<16xf32>,
        tpu.vector_store %arg19[%swap3A_633, %swap3A_634], %gather3A_631 {strides = array<i32>} : memref<400x128xf32, #tpu.memory_space<vmem>>, vector<16xf32>,
        %swap3A_636 = arith.index_cast %add3A_619 : i32 to index
        %swap3A_637 = arith.constant 48 : index
        %swap3A_638 = tpu.vector_load %arg19[%swap3A_636, %swap3A_637] {strides = array<i32>} : memref<400x128xf32, #tpu.memory_space<vmem>>, vector<16xf32>,
        tpu.vector_store %arg19[%swap3A_636, %swap3A_637], %gather3A_632 {strides = array<i32>} : memref<400x128xf32, #tpu.memory_space<vmem>>, vector<16xf32>,
        %gather3A_639 = tpu.vector_load_idx %arg17[%broadcast_in_dim3A_10, %broadcast_in_dim3A_620] : memref<4x400xi32, #tpu.memory_space<vmem>>[vector<16xi32>, vector<16xi32>], vector<16xi32>,
        %gather3A_640 = tpu.vector_load_idx %arg13[%gather3A_639, %iota3A] : memref<252x32xf32, #tpu.memory_space<vmem>>[vector<16xi32>, vector<16xi32>], vector<16xf32>,
        %gather3A_641 = tpu.vector_load_idx %arg13[%gather3A_639, %add3A_5] : memref<252x32xf32, #tpu.memory_space<vmem>>[vector<16xi32>, vector<16xi32>], vector<16xf32>,
        %swap3A_642 = arith.index_cast %add3A_619 : i32 to index
        %swap3A_643 = arith.constant 64 : index
        %swap3A_644 = tpu.vector_load %arg19[%swap3A_642, %swap3A_643] {strides = array<i32>} : memref<400x128xf32, #tpu.memory_space<vmem>>, vector<16xf32>,
        tpu.vector_store %arg19[%swap3A_642, %swap3A_643], %gather3A_640 {strides = array<i32>} : memref<400x128xf32, #tpu.memory_space<vmem>>, vector<16xf32>,
        %swap3A_645 = arith.index_cast %add3A_619 : i32 to index
        %swap3A_646 = arith.constant 80 : index
        %swap3A_647 = tpu.vector_load %arg19[%swap3A_645, %swap3A_646] {strides = array<i32>} : memref<400x128xf32, #tpu.memory_space<vmem>>, vector<16xf32>,
        tpu.vector_store %arg19[%swap3A_645, %swap3A_646], %gather3A_641 {strides = array<i32>} : memref<400x128xf32, #tpu.memory_space<vmem>>, vector<16xf32>,
        %gather3A_648 = tpu.vector_load_idx %arg17[%broadcast_in_dim3A_12, %broadcast_in_dim3A_620] : memref<4x400xi32, #tpu.memory_space<vmem>>[vector<16xi32>, vector<16xi32>], vector<16xi32>,
        %gather3A_649 = tpu.vector_load_idx %arg14[%gather3A_648, %iota3A] : memref<252x32xf32, #tpu.memory_space<vmem>>[vector<16xi32>, vector<16xi32>], vector<16xf32>,
        %gather3A_650 = tpu.vector_load_idx %arg14[%gather3A_648, %add3A_5] : memref<252x32xf32, #tpu.memory_space<vmem>>[vector<16xi32>, vector<16xi32>], vector<16xf32>,
        %swap3A_651 = arith.index_cast %add3A_619 : i32 to index
        %swap3A_652 = arith.constant 96 : index
        %swap3A_653 = tpu.vector_load %arg19[%swap3A_651, %swap3A_652] {strides = array<i32>} : memref<400x128xf32, #tpu.memory_space<vmem>>, vector<16xf32>,
        tpu.vector_store %arg19[%swap3A_651, %swap3A_652], %gather3A_649 {strides = array<i32>} : memref<400x128xf32, #tpu.memory_space<vmem>>, vector<16xf32>,
        %swap3A_654 = arith.index_cast %add3A_619 : i32 to index
        %swap3A_655 = arith.constant 112 : index
        %swap3A_656 = tpu.vector_load %arg19[%swap3A_654, %swap3A_655] {strides = array<i32>} : memref<400x128xf32, #tpu.memory_space<vmem>>, vector<16xf32>,
        tpu.vector_store %arg19[%swap3A_654, %swap3A_655], %gather3A_650 {strides = array<i32>} : memref<400x128xf32, #tpu.memory_space<vmem>>, vector<16xf32>,
        %add3A_657 = arith.constant 10 : i32
        %add3A_658 = arith.addi %mul3A_233, %add3A_657 : i32
        %broadcast_in_dim3A_659 = vector.broadcast %add3A_658 : i32 to vector<16xi32>
        %gather3A_660 = tpu.vector_load_idx %arg17[%broadcast_in_dim3A_6, %broadcast_in_dim3A_659] : memref<4x400xi32, #tpu.memory_space<vmem>>[vector<16xi32>, vector<16xi32>], vector<16xi32>,
        %gather3A_661 = tpu.vector_load_idx %arg11[%gather3A_660, %iota3A] : memref<50x32xf32, #tpu.memory_space<vmem>>[vector<16xi32>, vector<16xi32>], vector<16xf32>,
        %gather3A_662 = tpu.vector_load_idx %arg11[%gather3A_660, %add3A_5] : memref<50x32xf32, #tpu.memory_space<vmem>>[vector<16xi32>, vector<16xi32>], vector<16xf32>,
        %swap3A_663 = arith.index_cast %add3A_658 : i32 to index
        %swap3A_664 = arith.constant 0 : index
        %swap3A_665 = tpu.vector_load %arg19[%swap3A_663, %swap3A_664] {strides = array<i32>} : memref<400x128xf32, #tpu.memory_space<vmem>>, vector<16xf32>,
        tpu.vector_store %arg19[%swap3A_663, %swap3A_664], %gather3A_661 {strides = array<i32>} : memref<400x128xf32, #tpu.memory_space<vmem>>, vector<16xf32>,
        %swap3A_666 = arith.index_cast %add3A_658 : i32 to index
        %swap3A_667 = arith.constant 16 : index
        %swap3A_668 = tpu.vector_load %arg19[%swap3A_666, %swap3A_667] {strides = array<i32>} : memref<400x128xf32, #tpu.memory_space<vmem>>, vector<16xf32>,
        tpu.vector_store %arg19[%swap3A_666, %swap3A_667], %gather3A_662 {strides = array<i32>} : memref<400x128xf32, #tpu.memory_space<vmem>>, vector<16xf32>,
        %gather3A_669 = tpu.vector_load_idx %arg17[%broadcast_in_dim3A_8, %broadcast_in_dim3A_659] : memref<4x400xi32, #tpu.memory_space<vmem>>[vector<16xi32>, vector<16xi32>], vector<16xi32>,
        %gather3A_670 = tpu.vector_load_idx %arg12[%gather3A_669, %iota3A] : memref<8x32xf32, #tpu.memory_space<vmem>>[vector<16xi32>, vector<16xi32>], vector<16xf32>,
        %gather3A_671 = tpu.vector_load_idx %arg12[%gather3A_669, %add3A_5] : memref<8x32xf32, #tpu.memory_space<vmem>>[vector<16xi32>, vector<16xi32>], vector<16xf32>,
        %swap3A_672 = arith.index_cast %add3A_658 : i32 to index
        %swap3A_673 = arith.constant 32 : index
        %swap3A_674 = tpu.vector_load %arg19[%swap3A_672, %swap3A_673] {strides = array<i32>} : memref<400x128xf32, #tpu.memory_space<vmem>>, vector<16xf32>,
        tpu.vector_store %arg19[%swap3A_672, %swap3A_673], %gather3A_670 {strides = array<i32>} : memref<400x128xf32, #tpu.memory_space<vmem>>, vector<16xf32>,
        %swap3A_675 = arith.index_cast %add3A_658 : i32 to index
        %swap3A_676 = arith.constant 48 : index
        %swap3A_677 = tpu.vector_load %arg19[%swap3A_675, %swap3A_676] {strides = array<i32>} : memref<400x128xf32, #tpu.memory_space<vmem>>, vector<16xf32>,
        tpu.vector_store %arg19[%swap3A_675, %swap3A_676], %gather3A_671 {strides = array<i32>} : memref<400x128xf32, #tpu.memory_space<vmem>>, vector<16xf32>,
        %gather3A_678 = tpu.vector_load_idx %arg17[%broadcast_in_dim3A_10, %broadcast_in_dim3A_659] : memref<4x400xi32, #tpu.memory_space<vmem>>[vector<16xi32>, vector<16xi32>], vector<16xi32>,
        %gather3A_679 = tpu.vector_load_idx %arg13[%gather3A_678, %iota3A] : memref<252x32xf32, #tpu.memory_space<vmem>>[vector<16xi32>, vector<16xi32>], vector<16xf32>,
        %gather3A_680 = tpu.vector_load_idx %arg13[%gather3A_678, %add3A_5] : memref<252x32xf32, #tpu.memory_space<vmem>>[vector<16xi32>, vector<16xi32>], vector<16xf32>,
        %swap3A_681 = arith.index_cast %add3A_658 : i32 to index
        %swap3A_682 = arith.constant 64 : index
        %swap3A_683 = tpu.vector_load %arg19[%swap3A_681, %swap3A_682] {strides = array<i32>} : memref<400x128xf32, #tpu.memory_space<vmem>>, vector<16xf32>,
        tpu.vector_store %arg19[%swap3A_681, %swap3A_682], %gather3A_679 {strides = array<i32>} : memref<400x128xf32, #tpu.memory_space<vmem>>, vector<16xf32>,
        %swap3A_684 = arith.index_cast %add3A_658 : i32 to index
        %swap3A_685 = arith.constant 80 : index
        %swap3A_686 = tpu.vector_load %arg19[%swap3A_684, %swap3A_685] {strides = array<i32>} : memref<400x128xf32, #tpu.memory_space<vmem>>, vector<16xf32>,
        tpu.vector_store %arg19[%swap3A_684, %swap3A_685], %gather3A_680 {strides = array<i32>} : memref<400x128xf32, #tpu.memory_space<vmem>>, vector<16xf32>,
        %gather3A_687 = tpu.vector_load_idx %arg17[%broadcast_in_dim3A_12, %broadcast_in_dim3A_659] : memref<4x400xi32, #tpu.memory_space<vmem>>[vector<16xi32>, vector<16xi32>], vector<16xi32>,
        %gather3A_688 = tpu.vector_load_idx %arg14[%gather3A_687, %iota3A] : memref<252x32xf32, #tpu.memory_space<vmem>>[vector<16xi32>, vector<16xi32>], vector<16xf32>,
        %gather3A_689 = tpu.vector_load_idx %arg14[%gather3A_687, %add3A_5] : memref<252x32xf32, #tpu.memory_space<vmem>>[vector<16xi32>, vector<16xi32>], vector<16xf32>,
        %swap3A_690 = arith.index_cast %add3A_658 : i32 to index
        %swap3A_691 = arith.constant 96 : index
        %swap3A_692 = tpu.vector_load %arg19[%swap3A_690, %swap3A_691] {strides = array<i32>} : memref<400x128xf32, #tpu.memory_space<vmem>>, vector<16xf32>,
        tpu.vector_store %arg19[%swap3A_690, %swap3A_691], %gather3A_688 {strides = array<i32>} : memref<400x128xf32, #tpu.memory_space<vmem>>, vector<16xf32>,
        %swap3A_693 = arith.index_cast %add3A_658 : i32 to index
        %swap3A_694 = arith.constant 112 : index
        %swap3A_695 = tpu.vector_load %arg19[%swap3A_693, %swap3A_694] {strides = array<i32>} : memref<400x128xf32, #tpu.memory_space<vmem>>, vector<16xf32>,
        tpu.vector_store %arg19[%swap3A_693, %swap3A_694], %gather3A_689 {strides = array<i32>} : memref<400x128xf32, #tpu.memory_space<vmem>>, vector<16xf32>,
        %add3A_696 = arith.constant 11 : i32
        %add3A_697 = arith.addi %mul3A_233, %add3A_696 : i32
        %broadcast_in_dim3A_698 = vector.broadcast %add3A_697 : i32 to vector<16xi32>
        %gather3A_699 = tpu.vector_load_idx %arg17[%broadcast_in_dim3A_6, %broadcast_in_dim3A_698] : memref<4x400xi32, #tpu.memory_space<vmem>>[vector<16xi32>, vector<16xi32>], vector<16xi32>,
        %gather3A_700 = tpu.vector_load_idx %arg11[%gather3A_699, %iota3A] : memref<50x32xf32, #tpu.memory_space<vmem>>[vector<16xi32>, vector<16xi32>], vector<16xf32>,
        %gather3A_701 = tpu.vector_load_idx %arg11[%gather3A_699, %add3A_5] : memref<50x32xf32, #tpu.memory_space<vmem>>[vector<16xi32>, vector<16xi32>], vector<16xf32>,
        %swap3A_702 = arith.index_cast %add3A_697 : i32 to index
        %swap3A_703 = arith.constant 0 : index
        %swap3A_704 = tpu.vector_load %arg19[%swap3A_702, %swap3A_703] {strides = array<i32>} : memref<400x128xf32, #tpu.memory_space<vmem>>, vector<16xf32>,
        tpu.vector_store %arg19[%swap3A_702, %swap3A_703], %gather3A_700 {strides = array<i32>} : memref<400x128xf32, #tpu.memory_space<vmem>>, vector<16xf32>,
        %swap3A_705 = arith.index_cast %add3A_697 : i32 to index
        %swap3A_706 = arith.constant 16 : index
        %swap3A_707 = tpu.vector_load %arg19[%swap3A_705, %swap3A_706] {strides = array<i32>} : memref<400x128xf32, #tpu.memory_space<vmem>>, vector<16xf32>,
        tpu.vector_store %arg19[%swap3A_705, %swap3A_706], %gather3A_701 {strides = array<i32>} : memref<400x128xf32, #tpu.memory_space<vmem>>, vector<16xf32>,
        %gather3A_708 = tpu.vector_load_idx %arg17[%broadcast_in_dim3A_8, %broadcast_in_dim3A_698] : memref<4x400xi32, #tpu.memory_space<vmem>>[vector<16xi32>, vector<16xi32>], vector<16xi32>,
        %gather3A_709 = tpu.vector_load_idx %arg12[%gather3A_708, %iota3A] : memref<8x32xf32, #tpu.memory_space<vmem>>[vector<16xi32>, vector<16xi32>], vector<16xf32>,
        %gather3A_710 = tpu.vector_load_idx %arg12[%gather3A_708, %add3A_5] : memref<8x32xf32, #tpu.memory_space<vmem>>[vector<16xi32>, vector<16xi32>], vector<16xf32>,
        %swap3A_711 = arith.index_cast %add3A_697 : i32 to index
        %swap3A_712 = arith.constant 32 : index
        %swap3A_713 = tpu.vector_load %arg19[%swap3A_711, %swap3A_712] {strides = array<i32>} : memref<400x128xf32, #tpu.memory_space<vmem>>, vector<16xf32>,
        tpu.vector_store %arg19[%swap3A_711, %swap3A_712], %gather3A_709 {strides = array<i32>} : memref<400x128xf32, #tpu.memory_space<vmem>>, vector<16xf32>,
        %swap3A_714 = arith.index_cast %add3A_697 : i32 to index
        %swap3A_715 = arith.constant 48 : index
        %swap3A_716 = tpu.vector_load %arg19[%swap3A_714, %swap3A_715] {strides = array<i32>} : memref<400x128xf32, #tpu.memory_space<vmem>>, vector<16xf32>,
        tpu.vector_store %arg19[%swap3A_714, %swap3A_715], %gather3A_710 {strides = array<i32>} : memref<400x128xf32, #tpu.memory_space<vmem>>, vector<16xf32>,
        %gather3A_717 = tpu.vector_load_idx %arg17[%broadcast_in_dim3A_10, %broadcast_in_dim3A_698] : memref<4x400xi32, #tpu.memory_space<vmem>>[vector<16xi32>, vector<16xi32>], vector<16xi32>,
        %gather3A_718 = tpu.vector_load_idx %arg13[%gather3A_717, %iota3A] : memref<252x32xf32, #tpu.memory_space<vmem>>[vector<16xi32>, vector<16xi32>], vector<16xf32>,
        %gather3A_719 = tpu.vector_load_idx %arg13[%gather3A_717, %add3A_5] : memref<252x32xf32, #tpu.memory_space<vmem>>[vector<16xi32>, vector<16xi32>], vector<16xf32>,
        %swap3A_720 = arith.index_cast %add3A_697 : i32 to index
        %swap3A_721 = arith.constant 64 : index
        %swap3A_722 = tpu.vector_load %arg19[%swap3A_720, %swap3A_721] {strides = array<i32>} : memref<400x128xf32, #tpu.memory_space<vmem>>, vector<16xf32>,
        tpu.vector_store %arg19[%swap3A_720, %swap3A_721], %gather3A_718 {strides = array<i32>} : memref<400x128xf32, #tpu.memory_space<vmem>>, vector<16xf32>,
        %swap3A_723 = arith.index_cast %add3A_697 : i32 to index
        %swap3A_724 = arith.constant 80 : index
        %swap3A_725 = tpu.vector_load %arg19[%swap3A_723, %swap3A_724] {strides = array<i32>} : memref<400x128xf32, #tpu.memory_space<vmem>>, vector<16xf32>,
        tpu.vector_store %arg19[%swap3A_723, %swap3A_724], %gather3A_719 {strides = array<i32>} : memref<400x128xf32, #tpu.memory_space<vmem>>, vector<16xf32>,
        %gather3A_726 = tpu.vector_load_idx %arg17[%broadcast_in_dim3A_12, %broadcast_in_dim3A_698] : memref<4x400xi32, #tpu.memory_space<vmem>>[vector<16xi32>, vector<16xi32>], vector<16xi32>,
        %gather3A_727 = tpu.vector_load_idx %arg14[%gather3A_726, %iota3A] : memref<252x32xf32, #tpu.memory_space<vmem>>[vector<16xi32>, vector<16xi32>], vector<16xf32>,
        %gather3A_728 = tpu.vector_load_idx %arg14[%gather3A_726, %add3A_5] : memref<252x32xf32, #tpu.memory_space<vmem>>[vector<16xi32>, vector<16xi32>], vector<16xf32>,
        %swap3A_729 = arith.index_cast %add3A_697 : i32 to index
        %swap3A_730 = arith.constant 96 : index
        %swap3A_731 = tpu.vector_load %arg19[%swap3A_729, %swap3A_730] {strides = array<i32>} : memref<400x128xf32, #tpu.memory_space<vmem>>, vector<16xf32>,
        tpu.vector_store %arg19[%swap3A_729, %swap3A_730], %gather3A_727 {strides = array<i32>} : memref<400x128xf32, #tpu.memory_space<vmem>>, vector<16xf32>,
        %swap3A_732 = arith.index_cast %add3A_697 : i32 to index
        %swap3A_733 = arith.constant 112 : index
        %swap3A_734 = tpu.vector_load %arg19[%swap3A_732, %swap3A_733] {strides = array<i32>} : memref<400x128xf32, #tpu.memory_space<vmem>>, vector<16xf32>,
        tpu.vector_store %arg19[%swap3A_732, %swap3A_733], %gather3A_728 {strides = array<i32>} : memref<400x128xf32, #tpu.memory_space<vmem>>, vector<16xf32>,
        %add3A_735 = arith.constant 12 : i32
        %add3A_736 = arith.addi %mul3A_233, %add3A_735 : i32
        %broadcast_in_dim3A_737 = vector.broadcast %add3A_736 : i32 to vector<16xi32>
        %gather3A_738 = tpu.vector_load_idx %arg17[%broadcast_in_dim3A_6, %broadcast_in_dim3A_737] : memref<4x400xi32, #tpu.memory_space<vmem>>[vector<16xi32>, vector<16xi32>], vector<16xi32>,
        %gather3A_739 = tpu.vector_load_idx %arg11[%gather3A_738, %iota3A] : memref<50x32xf32, #tpu.memory_space<vmem>>[vector<16xi32>, vector<16xi32>], vector<16xf32>,
        %gather3A_740 = tpu.vector_load_idx %arg11[%gather3A_738, %add3A_5] : memref<50x32xf32, #tpu.memory_space<vmem>>[vector<16xi32>, vector<16xi32>], vector<16xf32>,
        %swap3A_741 = arith.index_cast %add3A_736 : i32 to index
        %swap3A_742 = arith.constant 0 : index
        %swap3A_743 = tpu.vector_load %arg19[%swap3A_741, %swap3A_742] {strides = array<i32>} : memref<400x128xf32, #tpu.memory_space<vmem>>, vector<16xf32>,
        tpu.vector_store %arg19[%swap3A_741, %swap3A_742], %gather3A_739 {strides = array<i32>} : memref<400x128xf32, #tpu.memory_space<vmem>>, vector<16xf32>,
        %swap3A_744 = arith.index_cast %add3A_736 : i32 to index
        %swap3A_745 = arith.constant 16 : index
        %swap3A_746 = tpu.vector_load %arg19[%swap3A_744, %swap3A_745] {strides = array<i32>} : memref<400x128xf32, #tpu.memory_space<vmem>>, vector<16xf32>,
        tpu.vector_store %arg19[%swap3A_744, %swap3A_745], %gather3A_740 {strides = array<i32>} : memref<400x128xf32, #tpu.memory_space<vmem>>, vector<16xf32>,
        %gather3A_747 = tpu.vector_load_idx %arg17[%broadcast_in_dim3A_8, %broadcast_in_dim3A_737] : memref<4x400xi32, #tpu.memory_space<vmem>>[vector<16xi32>, vector<16xi32>], vector<16xi32>,
        %gather3A_748 = tpu.vector_load_idx %arg12[%gather3A_747, %iota3A] : memref<8x32xf32, #tpu.memory_space<vmem>>[vector<16xi32>, vector<16xi32>], vector<16xf32>,
        %gather3A_749 = tpu.vector_load_idx %arg12[%gather3A_747, %add3A_5] : memref<8x32xf32, #tpu.memory_space<vmem>>[vector<16xi32>, vector<16xi32>], vector<16xf32>,
        %swap3A_750 = arith.index_cast %add3A_736 : i32 to index
        %swap3A_751 = arith.constant 32 : index
        %swap3A_752 = tpu.vector_load %arg19[%swap3A_750, %swap3A_751] {strides = array<i32>} : memref<400x128xf32, #tpu.memory_space<vmem>>, vector<16xf32>,
        tpu.vector_store %arg19[%swap3A_750, %swap3A_751], %gather3A_748 {strides = array<i32>} : memref<400x128xf32, #tpu.memory_space<vmem>>, vector<16xf32>,
        %swap3A_753 = arith.index_cast %add3A_736 : i32 to index
        %swap3A_754 = arith.constant 48 : index
        %swap3A_755 = tpu.vector_load %arg19[%swap3A_753, %swap3A_754] {strides = array<i32>} : memref<400x128xf32, #tpu.memory_space<vmem>>, vector<16xf32>,
        tpu.vector_store %arg19[%swap3A_753, %swap3A_754], %gather3A_749 {strides = array<i32>} : memref<400x128xf32, #tpu.memory_space<vmem>>, vector<16xf32>,
        %gather3A_756 = tpu.vector_load_idx %arg17[%broadcast_in_dim3A_10, %broadcast_in_dim3A_737] : memref<4x400xi32, #tpu.memory_space<vmem>>[vector<16xi32>, vector<16xi32>], vector<16xi32>,
        %gather3A_757 = tpu.vector_load_idx %arg13[%gather3A_756, %iota3A] : memref<252x32xf32, #tpu.memory_space<vmem>>[vector<16xi32>, vector<16xi32>], vector<16xf32>,
        %gather3A_758 = tpu.vector_load_idx %arg13[%gather3A_756, %add3A_5] : memref<252x32xf32, #tpu.memory_space<vmem>>[vector<16xi32>, vector<16xi32>], vector<16xf32>,
        %swap3A_759 = arith.index_cast %add3A_736 : i32 to index
        %swap3A_760 = arith.constant 64 : index
        %swap3A_761 = tpu.vector_load %arg19[%swap3A_759, %swap3A_760] {strides = array<i32>} : memref<400x128xf32, #tpu.memory_space<vmem>>, vector<16xf32>,
        tpu.vector_store %arg19[%swap3A_759, %swap3A_760], %gather3A_757 {strides = array<i32>} : memref<400x128xf32, #tpu.memory_space<vmem>>, vector<16xf32>,
        %swap3A_762 = arith.index_cast %add3A_736 : i32 to index
        %swap3A_763 = arith.constant 80 : index
        %swap3A_764 = tpu.vector_load %arg19[%swap3A_762, %swap3A_763] {strides = array<i32>} : memref<400x128xf32, #tpu.memory_space<vmem>>, vector<16xf32>,
        tpu.vector_store %arg19[%swap3A_762, %swap3A_763], %gather3A_758 {strides = array<i32>} : memref<400x128xf32, #tpu.memory_space<vmem>>, vector<16xf32>,
        %gather3A_765 = tpu.vector_load_idx %arg17[%broadcast_in_dim3A_12, %broadcast_in_dim3A_737] : memref<4x400xi32, #tpu.memory_space<vmem>>[vector<16xi32>, vector<16xi32>], vector<16xi32>,
        %gather3A_766 = tpu.vector_load_idx %arg14[%gather3A_765, %iota3A] : memref<252x32xf32, #tpu.memory_space<vmem>>[vector<16xi32>, vector<16xi32>], vector<16xf32>,
        %gather3A_767 = tpu.vector_load_idx %arg14[%gather3A_765, %add3A_5] : memref<252x32xf32, #tpu.memory_space<vmem>>[vector<16xi32>, vector<16xi32>], vector<16xf32>,
        %swap3A_768 = arith.index_cast %add3A_736 : i32 to index
        %swap3A_769 = arith.constant 96 : index
        %swap3A_770 = tpu.vector_load %arg19[%swap3A_768, %swap3A_769] {strides = array<i32>} : memref<400x128xf32, #tpu.memory_space<vmem>>, vector<16xf32>,
        tpu.vector_store %arg19[%swap3A_768, %swap3A_769], %gather3A_766 {strides = array<i32>} : memref<400x128xf32, #tpu.memory_space<vmem>>, vector<16xf32>,
        %swap3A_771 = arith.index_cast %add3A_736 : i32 to index
        %swap3A_772 = arith.constant 112 : index
        %swap3A_773 = tpu.vector_load %arg19[%swap3A_771, %swap3A_772] {strides = array<i32>} : memref<400x128xf32, #tpu.memory_space<vmem>>, vector<16xf32>,
        tpu.vector_store %arg19[%swap3A_771, %swap3A_772], %gather3A_767 {strides = array<i32>} : memref<400x128xf32, #tpu.memory_space<vmem>>, vector<16xf32>,
        %add3A_774 = arith.constant 13 : i32
        %add3A_775 = arith.addi %mul3A_233, %add3A_774 : i32
        %broadcast_in_dim3A_776 = vector.broadcast %add3A_775 : i32 to vector<16xi32>
        %gather3A_777 = tpu.vector_load_idx %arg17[%broadcast_in_dim3A_6, %broadcast_in_dim3A_776] : memref<4x400xi32, #tpu.memory_space<vmem>>[vector<16xi32>, vector<16xi32>], vector<16xi32>,
        %gather3A_778 = tpu.vector_load_idx %arg11[%gather3A_777, %iota3A] : memref<50x32xf32, #tpu.memory_space<vmem>>[vector<16xi32>, vector<16xi32>], vector<16xf32>,
        %gather3A_779 = tpu.vector_load_idx %arg11[%gather3A_777, %add3A_5] : memref<50x32xf32, #tpu.memory_space<vmem>>[vector<16xi32>, vector<16xi32>], vector<16xf32>,
        %swap3A_780 = arith.index_cast %add3A_775 : i32 to index
        %swap3A_781 = arith.constant 0 : index
        %swap3A_782 = tpu.vector_load %arg19[%swap3A_780, %swap3A_781] {strides = array<i32>} : memref<400x128xf32, #tpu.memory_space<vmem>>, vector<16xf32>,
        tpu.vector_store %arg19[%swap3A_780, %swap3A_781], %gather3A_778 {strides = array<i32>} : memref<400x128xf32, #tpu.memory_space<vmem>>, vector<16xf32>,
        %swap3A_783 = arith.index_cast %add3A_775 : i32 to index
        %swap3A_784 = arith.constant 16 : index
        %swap3A_785 = tpu.vector_load %arg19[%swap3A_783, %swap3A_784] {strides = array<i32>} : memref<400x128xf32, #tpu.memory_space<vmem>>, vector<16xf32>,
        tpu.vector_store %arg19[%swap3A_783, %swap3A_784], %gather3A_779 {strides = array<i32>} : memref<400x128xf32, #tpu.memory_space<vmem>>, vector<16xf32>,
        %gather3A_786 = tpu.vector_load_idx %arg17[%broadcast_in_dim3A_8, %broadcast_in_dim3A_776] : memref<4x400xi32, #tpu.memory_space<vmem>>[vector<16xi32>, vector<16xi32>], vector<16xi32>,
        %gather3A_787 = tpu.vector_load_idx %arg12[%gather3A_786, %iota3A] : memref<8x32xf32, #tpu.memory_space<vmem>>[vector<16xi32>, vector<16xi32>], vector<16xf32>,
        %gather3A_788 = tpu.vector_load_idx %arg12[%gather3A_786, %add3A_5] : memref<8x32xf32, #tpu.memory_space<vmem>>[vector<16xi32>, vector<16xi32>], vector<16xf32>,
        %swap3A_789 = arith.index_cast %add3A_775 : i32 to index
        %swap3A_790 = arith.constant 32 : index
        %swap3A_791 = tpu.vector_load %arg19[%swap3A_789, %swap3A_790] {strides = array<i32>} : memref<400x128xf32, #tpu.memory_space<vmem>>, vector<16xf32>,
        tpu.vector_store %arg19[%swap3A_789, %swap3A_790], %gather3A_787 {strides = array<i32>} : memref<400x128xf32, #tpu.memory_space<vmem>>, vector<16xf32>,
        %swap3A_792 = arith.index_cast %add3A_775 : i32 to index
        %swap3A_793 = arith.constant 48 : index
        %swap3A_794 = tpu.vector_load %arg19[%swap3A_792, %swap3A_793] {strides = array<i32>} : memref<400x128xf32, #tpu.memory_space<vmem>>, vector<16xf32>,
        tpu.vector_store %arg19[%swap3A_792, %swap3A_793], %gather3A_788 {strides = array<i32>} : memref<400x128xf32, #tpu.memory_space<vmem>>, vector<16xf32>,
        %gather3A_795 = tpu.vector_load_idx %arg17[%broadcast_in_dim3A_10, %broadcast_in_dim3A_776] : memref<4x400xi32, #tpu.memory_space<vmem>>[vector<16xi32>, vector<16xi32>], vector<16xi32>,
        %gather3A_796 = tpu.vector_load_idx %arg13[%gather3A_795, %iota3A] : memref<252x32xf32, #tpu.memory_space<vmem>>[vector<16xi32>, vector<16xi32>], vector<16xf32>,
        %gather3A_797 = tpu.vector_load_idx %arg13[%gather3A_795, %add3A_5] : memref<252x32xf32, #tpu.memory_space<vmem>>[vector<16xi32>, vector<16xi32>], vector<16xf32>,
        %swap3A_798 = arith.index_cast %add3A_775 : i32 to index
        %swap3A_799 = arith.constant 64 : index
        %swap3A_800 = tpu.vector_load %arg19[%swap3A_798, %swap3A_799] {strides = array<i32>} : memref<400x128xf32, #tpu.memory_space<vmem>>, vector<16xf32>,
        tpu.vector_store %arg19[%swap3A_798, %swap3A_799], %gather3A_796 {strides = array<i32>} : memref<400x128xf32, #tpu.memory_space<vmem>>, vector<16xf32>,
        %swap3A_801 = arith.index_cast %add3A_775 : i32 to index
        %swap3A_802 = arith.constant 80 : index
        %swap3A_803 = tpu.vector_load %arg19[%swap3A_801, %swap3A_802] {strides = array<i32>} : memref<400x128xf32, #tpu.memory_space<vmem>>, vector<16xf32>,
        tpu.vector_store %arg19[%swap3A_801, %swap3A_802], %gather3A_797 {strides = array<i32>} : memref<400x128xf32, #tpu.memory_space<vmem>>, vector<16xf32>,
        %gather3A_804 = tpu.vector_load_idx %arg17[%broadcast_in_dim3A_12, %broadcast_in_dim3A_776] : memref<4x400xi32, #tpu.memory_space<vmem>>[vector<16xi32>, vector<16xi32>], vector<16xi32>,
        %gather3A_805 = tpu.vector_load_idx %arg14[%gather3A_804, %iota3A] : memref<252x32xf32, #tpu.memory_space<vmem>>[vector<16xi32>, vector<16xi32>], vector<16xf32>,
        %gather3A_806 = tpu.vector_load_idx %arg14[%gather3A_804, %add3A_5] : memref<252x32xf32, #tpu.memory_space<vmem>>[vector<16xi32>, vector<16xi32>], vector<16xf32>,
        %swap3A_807 = arith.index_cast %add3A_775 : i32 to index
        %swap3A_808 = arith.constant 96 : index
        %swap3A_809 = tpu.vector_load %arg19[%swap3A_807, %swap3A_808] {strides = array<i32>} : memref<400x128xf32, #tpu.memory_space<vmem>>, vector<16xf32>,
        tpu.vector_store %arg19[%swap3A_807, %swap3A_808], %gather3A_805 {strides = array<i32>} : memref<400x128xf32, #tpu.memory_space<vmem>>, vector<16xf32>,
        %swap3A_810 = arith.index_cast %add3A_775 : i32 to index
        %swap3A_811 = arith.constant 112 : index
        %swap3A_812 = tpu.vector_load %arg19[%swap3A_810, %swap3A_811] {strides = array<i32>} : memref<400x128xf32, #tpu.memory_space<vmem>>, vector<16xf32>,
        tpu.vector_store %arg19[%swap3A_810, %swap3A_811], %gather3A_806 {strides = array<i32>} : memref<400x128xf32, #tpu.memory_space<vmem>>, vector<16xf32>,
        %add3A_813 = arith.constant 14 : i32
        %add3A_814 = arith.addi %mul3A_233, %add3A_813 : i32
        %broadcast_in_dim3A_815 = vector.broadcast %add3A_814 : i32 to vector<16xi32>
        %gather3A_816 = tpu.vector_load_idx %arg17[%broadcast_in_dim3A_6, %broadcast_in_dim3A_815] : memref<4x400xi32, #tpu.memory_space<vmem>>[vector<16xi32>, vector<16xi32>], vector<16xi32>,
        %gather3A_817 = tpu.vector_load_idx %arg11[%gather3A_816, %iota3A] : memref<50x32xf32, #tpu.memory_space<vmem>>[vector<16xi32>, vector<16xi32>], vector<16xf32>,
        %gather3A_818 = tpu.vector_load_idx %arg11[%gather3A_816, %add3A_5] : memref<50x32xf32, #tpu.memory_space<vmem>>[vector<16xi32>, vector<16xi32>], vector<16xf32>,
        %swap3A_819 = arith.index_cast %add3A_814 : i32 to index
        %swap3A_820 = arith.constant 0 : index
        %swap3A_821 = tpu.vector_load %arg19[%swap3A_819, %swap3A_820] {strides = array<i32>} : memref<400x128xf32, #tpu.memory_space<vmem>>, vector<16xf32>,
        tpu.vector_store %arg19[%swap3A_819, %swap3A_820], %gather3A_817 {strides = array<i32>} : memref<400x128xf32, #tpu.memory_space<vmem>>, vector<16xf32>,
        %swap3A_822 = arith.index_cast %add3A_814 : i32 to index
        %swap3A_823 = arith.constant 16 : index
        %swap3A_824 = tpu.vector_load %arg19[%swap3A_822, %swap3A_823] {strides = array<i32>} : memref<400x128xf32, #tpu.memory_space<vmem>>, vector<16xf32>,
        tpu.vector_store %arg19[%swap3A_822, %swap3A_823], %gather3A_818 {strides = array<i32>} : memref<400x128xf32, #tpu.memory_space<vmem>>, vector<16xf32>,
        %gather3A_825 = tpu.vector_load_idx %arg17[%broadcast_in_dim3A_8, %broadcast_in_dim3A_815] : memref<4x400xi32, #tpu.memory_space<vmem>>[vector<16xi32>, vector<16xi32>], vector<16xi32>,
        %gather3A_826 = tpu.vector_load_idx %arg12[%gather3A_825, %iota3A] : memref<8x32xf32, #tpu.memory_space<vmem>>[vector<16xi32>, vector<16xi32>], vector<16xf32>,
        %gather3A_827 = tpu.vector_load_idx %arg12[%gather3A_825, %add3A_5] : memref<8x32xf32, #tpu.memory_space<vmem>>[vector<16xi32>, vector<16xi32>], vector<16xf32>,
        %swap3A_828 = arith.index_cast %add3A_814 : i32 to index
        %swap3A_829 = arith.constant 32 : index
        %swap3A_830 = tpu.vector_load %arg19[%swap3A_828, %swap3A_829] {strides = array<i32>} : memref<400x128xf32, #tpu.memory_space<vmem>>, vector<16xf32>,
        tpu.vector_store %arg19[%swap3A_828, %swap3A_829], %gather3A_826 {strides = array<i32>} : memref<400x128xf32, #tpu.memory_space<vmem>>, vector<16xf32>,
        %swap3A_831 = arith.index_cast %add3A_814 : i32 to index
        %swap3A_832 = arith.constant 48 : index
        %swap3A_833 = tpu.vector_load %arg19[%swap3A_831, %swap3A_832] {strides = array<i32>} : memref<400x128xf32, #tpu.memory_space<vmem>>, vector<16xf32>,
        tpu.vector_store %arg19[%swap3A_831, %swap3A_832], %gather3A_827 {strides = array<i32>} : memref<400x128xf32, #tpu.memory_space<vmem>>, vector<16xf32>,
        %gather3A_834 = tpu.vector_load_idx %arg17[%broadcast_in_dim3A_10, %broadcast_in_dim3A_815] : memref<4x400xi32, #tpu.memory_space<vmem>>[vector<16xi32>, vector<16xi32>], vector<16xi32>,
        %gather3A_835 = tpu.vector_load_idx %arg13[%gather3A_834, %iota3A] : memref<252x32xf32, #tpu.memory_space<vmem>>[vector<16xi32>, vector<16xi32>], vector<16xf32>,
        %gather3A_836 = tpu.vector_load_idx %arg13[%gather3A_834, %add3A_5] : memref<252x32xf32, #tpu.memory_space<vmem>>[vector<16xi32>, vector<16xi32>], vector<16xf32>,
        %swap3A_837 = arith.index_cast %add3A_814 : i32 to index
        %swap3A_838 = arith.constant 64 : index
        %swap3A_839 = tpu.vector_load %arg19[%swap3A_837, %swap3A_838] {strides = array<i32>} : memref<400x128xf32, #tpu.memory_space<vmem>>, vector<16xf32>,
        tpu.vector_store %arg19[%swap3A_837, %swap3A_838], %gather3A_835 {strides = array<i32>} : memref<400x128xf32, #tpu.memory_space<vmem>>, vector<16xf32>,
        %swap3A_840 = arith.index_cast %add3A_814 : i32 to index
        %swap3A_841 = arith.constant 80 : index
        %swap3A_842 = tpu.vector_load %arg19[%swap3A_840, %swap3A_841] {strides = array<i32>} : memref<400x128xf32, #tpu.memory_space<vmem>>, vector<16xf32>,
        tpu.vector_store %arg19[%swap3A_840, %swap3A_841], %gather3A_836 {strides = array<i32>} : memref<400x128xf32, #tpu.memory_space<vmem>>, vector<16xf32>,
        %gather3A_843 = tpu.vector_load_idx %arg17[%broadcast_in_dim3A_12, %broadcast_in_dim3A_815] : memref<4x400xi32, #tpu.memory_space<vmem>>[vector<16xi32>, vector<16xi32>], vector<16xi32>,
        %gather3A_844 = tpu.vector_load_idx %arg14[%gather3A_843, %iota3A] : memref<252x32xf32, #tpu.memory_space<vmem>>[vector<16xi32>, vector<16xi32>], vector<16xf32>,
        %gather3A_845 = tpu.vector_load_idx %arg14[%gather3A_843, %add3A_5] : memref<252x32xf32, #tpu.memory_space<vmem>>[vector<16xi32>, vector<16xi32>], vector<16xf32>,
        %swap3A_846 = arith.index_cast %add3A_814 : i32 to index
        %swap3A_847 = arith.constant 96 : index
        %swap3A_848 = tpu.vector_load %arg19[%swap3A_846, %swap3A_847] {strides = array<i32>} : memref<400x128xf32, #tpu.memory_space<vmem>>, vector<16xf32>,
        tpu.vector_store %arg19[%swap3A_846, %swap3A_847], %gather3A_844 {strides = array<i32>} : memref<400x128xf32, #tpu.memory_space<vmem>>, vector<16xf32>,
        %swap3A_849 = arith.index_cast %add3A_814 : i32 to index
        %swap3A_850 = arith.constant 112 : index
        %swap3A_851 = tpu.vector_load %arg19[%swap3A_849, %swap3A_850] {strides = array<i32>} : memref<400x128xf32, #tpu.memory_space<vmem>>, vector<16xf32>,
        tpu.vector_store %arg19[%swap3A_849, %swap3A_850], %gather3A_845 {strides = array<i32>} : memref<400x128xf32, #tpu.memory_space<vmem>>, vector<16xf32>,
        %add3A_852 = arith.constant 15 : i32
        %add3A_853 = arith.addi %mul3A_233, %add3A_852 : i32
        %broadcast_in_dim3A_854 = vector.broadcast %add3A_853 : i32 to vector<16xi32>
        %gather3A_855 = tpu.vector_load_idx %arg17[%broadcast_in_dim3A_6, %broadcast_in_dim3A_854] : memref<4x400xi32, #tpu.memory_space<vmem>>[vector<16xi32>, vector<16xi32>], vector<16xi32>,
        %gather3A_856 = tpu.vector_load_idx %arg11[%gather3A_855, %iota3A] : memref<50x32xf32, #tpu.memory_space<vmem>>[vector<16xi32>, vector<16xi32>], vector<16xf32>,
        %gather3A_857 = tpu.vector_load_idx %arg11[%gather3A_855, %add3A_5] : memref<50x32xf32, #tpu.memory_space<vmem>>[vector<16xi32>, vector<16xi32>], vector<16xf32>,
        %swap3A_858 = arith.index_cast %add3A_853 : i32 to index
        %swap3A_859 = arith.constant 0 : index
        %swap3A_860 = tpu.vector_load %arg19[%swap3A_858, %swap3A_859] {strides = array<i32>} : memref<400x128xf32, #tpu.memory_space<vmem>>, vector<16xf32>,
        tpu.vector_store %arg19[%swap3A_858, %swap3A_859], %gather3A_856 {strides = array<i32>} : memref<400x128xf32, #tpu.memory_space<vmem>>, vector<16xf32>,
        %swap3A_861 = arith.index_cast %add3A_853 : i32 to index
        %swap3A_862 = arith.constant 16 : index
        %swap3A_863 = tpu.vector_load %arg19[%swap3A_861, %swap3A_862] {strides = array<i32>} : memref<400x128xf32, #tpu.memory_space<vmem>>, vector<16xf32>,
        tpu.vector_store %arg19[%swap3A_861, %swap3A_862], %gather3A_857 {strides = array<i32>} : memref<400x128xf32, #tpu.memory_space<vmem>>, vector<16xf32>,
        %gather3A_864 = tpu.vector_load_idx %arg17[%broadcast_in_dim3A_8, %broadcast_in_dim3A_854] : memref<4x400xi32, #tpu.memory_space<vmem>>[vector<16xi32>, vector<16xi32>], vector<16xi32>,
        %gather3A_865 = tpu.vector_load_idx %arg12[%gather3A_864, %iota3A] : memref<8x32xf32, #tpu.memory_space<vmem>>[vector<16xi32>, vector<16xi32>], vector<16xf32>,
        %gather3A_866 = tpu.vector_load_idx %arg12[%gather3A_864, %add3A_5] : memref<8x32xf32, #tpu.memory_space<vmem>>[vector<16xi32>, vector<16xi32>], vector<16xf32>,
        %swap3A_867 = arith.index_cast %add3A_853 : i32 to index
        %swap3A_868 = arith.constant 32 : index
        %swap3A_869 = tpu.vector_load %arg19[%swap3A_867, %swap3A_868] {strides = array<i32>} : memref<400x128xf32, #tpu.memory_space<vmem>>, vector<16xf32>,
        tpu.vector_store %arg19[%swap3A_867, %swap3A_868], %gather3A_865 {strides = array<i32>} : memref<400x128xf32, #tpu.memory_space<vmem>>, vector<16xf32>,
        %swap3A_870 = arith.index_cast %add3A_853 : i32 to index
        %swap3A_871 = arith.constant 48 : index
        %swap3A_872 = tpu.vector_load %arg19[%swap3A_870, %swap3A_871] {strides = array<i32>} : memref<400x128xf32, #tpu.memory_space<vmem>>, vector<16xf32>,
        tpu.vector_store %arg19[%swap3A_870, %swap3A_871], %gather3A_866 {strides = array<i32>} : memref<400x128xf32, #tpu.memory_space<vmem>>, vector<16xf32>,
        %gather3A_873 = tpu.vector_load_idx %arg17[%broadcast_in_dim3A_10, %broadcast_in_dim3A_854] : memref<4x400xi32, #tpu.memory_space<vmem>>[vector<16xi32>, vector<16xi32>], vector<16xi32>,
        %gather3A_874 = tpu.vector_load_idx %arg13[%gather3A_873, %iota3A] : memref<252x32xf32, #tpu.memory_space<vmem>>[vector<16xi32>, vector<16xi32>], vector<16xf32>,
        %gather3A_875 = tpu.vector_load_idx %arg13[%gather3A_873, %add3A_5] : memref<252x32xf32, #tpu.memory_space<vmem>>[vector<16xi32>, vector<16xi32>], vector<16xf32>,
        %swap3A_876 = arith.index_cast %add3A_853 : i32 to index
        %swap3A_877 = arith.constant 64 : index
        %swap3A_878 = tpu.vector_load %arg19[%swap3A_876, %swap3A_877] {strides = array<i32>} : memref<400x128xf32, #tpu.memory_space<vmem>>, vector<16xf32>,
        tpu.vector_store %arg19[%swap3A_876, %swap3A_877], %gather3A_874 {strides = array<i32>} : memref<400x128xf32, #tpu.memory_space<vmem>>, vector<16xf32>,
        %swap3A_879 = arith.index_cast %add3A_853 : i32 to index
        %swap3A_880 = arith.constant 80 : index
        %swap3A_881 = tpu.vector_load %arg19[%swap3A_879, %swap3A_880] {strides = array<i32>} : memref<400x128xf32, #tpu.memory_space<vmem>>, vector<16xf32>,
        tpu.vector_store %arg19[%swap3A_879, %swap3A_880], %gather3A_875 {strides = array<i32>} : memref<400x128xf32, #tpu.memory_space<vmem>>, vector<16xf32>,
        %gather3A_882 = tpu.vector_load_idx %arg17[%broadcast_in_dim3A_12, %broadcast_in_dim3A_854] : memref<4x400xi32, #tpu.memory_space<vmem>>[vector<16xi32>, vector<16xi32>], vector<16xi32>,
        %gather3A_883 = tpu.vector_load_idx %arg14[%gather3A_882, %iota3A] : memref<252x32xf32, #tpu.memory_space<vmem>>[vector<16xi32>, vector<16xi32>], vector<16xf32>,
        %gather3A_884 = tpu.vector_load_idx %arg14[%gather3A_882, %add3A_5] : memref<252x32xf32, #tpu.memory_space<vmem>>[vector<16xi32>, vector<16xi32>], vector<16xf32>,
        %swap3A_885 = arith.index_cast %add3A_853 : i32 to index
        %swap3A_886 = arith.constant 96 : index
        %swap3A_887 = tpu.vector_load %arg19[%swap3A_885, %swap3A_886] {strides = array<i32>} : memref<400x128xf32, #tpu.memory_space<vmem>>, vector<16xf32>,
        tpu.vector_store %arg19[%swap3A_885, %swap3A_886], %gather3A_883 {strides = array<i32>} : memref<400x128xf32, #tpu.memory_space<vmem>>, vector<16xf32>,
        %swap3A_888 = arith.index_cast %add3A_853 : i32 to index
        %swap3A_889 = arith.constant 112 : index
        %swap3A_890 = tpu.vector_load %arg19[%swap3A_888, %swap3A_889] {strides = array<i32>} : memref<400x128xf32, #tpu.memory_space<vmem>>, vector<16xf32>,
        tpu.vector_store %arg19[%swap3A_888, %swap3A_889], %gather3A_884 {strides = array<i32>} : memref<400x128xf32, #tpu.memory_space<vmem>>, vector<16xf32>,
      }
      %scan3A_219 = arith.constant 25 : i32
      %dma_start3A_220 = arith.constant 0 : i32
      %dma_start3A_221 = tpu.memref_slice %arg10[%add3A_172, %dma_start3A_220] : memref<640000x256xf32, #tpu.memory_space<hbm>> -> memref<400x128xf32, #tpu.memory_space<hbm>>
      %dma_start3A_222 = arith.constant 0 : i32
      %dma_start3A_223 = tpu.memref_slice %arg10[%add3A_172, %dma_start3A_222] : memref<640000x256xf32, #tpu.memory_space<hbm>> -> memref<400x128xf32, #tpu.memory_space<hbm>>
      tpu.enqueue_dma source(%arg19 : memref<400x128xf32, #tpu.memory_space<vmem>>) target(%dma_start3A_223 : memref<400x128xf32, #tpu.memory_space<hbm>>) target_semaphore(%arg23 : memref<!tpu.dma_semaphore, #tpu.memory_space<semaphore_mem>>)
      %add3A_224 = arith.constant 2 : i32
      %add3A_225 = arith.addi %add3A_169, %add3A_224 : i32
      %lt3A_226 = arith.constant 50 : i32
      %lt3A_227 = arith.cmpi slt, %add3A_225, %lt3A_226 : i32
      %convert_element_type3A_228 = arith.extui %lt3A_227 : i1 to i32
      %cond3A_229 = arith.constant 0 : i32
      %cond3A_230 = arith.cmpi ne, %convert_element_type3A_228, %cond3A_229 : i32
      scf.if %cond3A_230 {
        %add3A_231 = arith.constant 2 : i32
        %add3A_232 = arith.addi %add3A_169, %add3A_231 : i32
        %mul3A_233 = arith.constant 400 : i32
        %mul3A_234 = arith.muli %add3A_232, %mul3A_233 : i32
        %add3A_235 = arith.addi %mul3A_2, %mul3A_234 : i32
        %dma_start3A_236 = arith.constant 0 : i32
        %dma_start3A_237 = arith.constant 0 : i32
        %dma_start3A_238 = tpu.memref_slice %arg16[%dma_start3A_236, %dma_start3A_237] : memref<4x400xf32, #tpu.memory_space<vmem>> -> memref<1x400xf32, #tpu.memory_space<vmem>>
        %dma_start3A_239 = tpu.memref_squeeze %dma_start3A_238 : memref<1x400xf32, #tpu.memory_space<vmem>> -> memref<400xf32, #tpu.memory_space<vmem>>
        %dma_start3A_240 = tpu.memref_slice %arg2[%add3A_235] : memref<640000xf32, #tpu.memory_space<hbm>> -> memref<400xf32, #tpu.memory_space<hbm>>
        %dma_start3A_241 = arith.constant 0 : i32
        %dma_start3A_242 = tpu.memref_slice %arg16[%dma_start3A_236, %dma_start3A_241] : memref<4x400xf32, #tpu.memory_space<vmem>> -> memref<1x400xf32, #tpu.memory_space<vmem>>
        %dma_start3A_243 = tpu.memref_squeeze %dma_start3A_242 : memref<1x400xf32, #tpu.memory_space<vmem>> -> memref<400xf32, #tpu.memory_space<vmem>>
        %dma_start3A_244 = tpu.memref_slice %arg2[%add3A_235] : memref<640000xf32, #tpu.memory_space<hbm>> -> memref<400xf32, #tpu.memory_space<hbm>>
        tpu.enqueue_dma source(%dma_start3A_244 : memref<400xf32, #tpu.memory_space<hbm>>) target(%dma_start3A_243 : memref<400xf32, #tpu.memory_space<vmem>>) target_semaphore(%arg21 : memref<!tpu.dma_semaphore, #tpu.memory_space<semaphore_mem>>)
        %dma_start3A_245 = arith.constant 1 : i32
        %dma_start3A_246 = arith.constant 0 : i32
        %dma_start3A_247 = tpu.memref_slice %arg16[%dma_start3A_245, %dma_start3A_246] : memref<4x400xf32, #tpu.memory_space<vmem>> -> memref<1x400xf32, #tpu.memory_space<vmem>>
        %dma_start3A_248 = tpu.memref_squeeze %dma_start3A_247 : memref<1x400xf32, #tpu.memory_space<vmem>> -> memref<400xf32, #tpu.memory_space<vmem>>
        %dma_start3A_249 = tpu.memref_slice %arg3[%add3A_235] : memref<640000xf32, #tpu.memory_space<hbm>> -> memref<400xf32, #tpu.memory_space<hbm>>
        %dma_start3A_250 = arith.constant 0 : i32
        %dma_start3A_251 = tpu.memref_slice %arg16[%dma_start3A_245, %dma_start3A_250] : memref<4x400xf32, #tpu.memory_space<vmem>> -> memref<1x400xf32, #tpu.memory_space<vmem>>
        %dma_start3A_252 = tpu.memref_squeeze %dma_start3A_251 : memref<1x400xf32, #tpu.memory_space<vmem>> -> memref<400xf32, #tpu.memory_space<vmem>>
        %dma_start3A_253 = tpu.memref_slice %arg3[%add3A_235] : memref<640000xf32, #tpu.memory_space<hbm>> -> memref<400xf32, #tpu.memory_space<hbm>>
        tpu.enqueue_dma source(%dma_start3A_253 : memref<400xf32, #tpu.memory_space<hbm>>) target(%dma_start3A_252 : memref<400xf32, #tpu.memory_space<vmem>>) target_semaphore(%arg21 : memref<!tpu.dma_semaphore, #tpu.memory_space<semaphore_mem>>)
        %dma_start3A_254 = arith.constant 2 : i32
        %dma_start3A_255 = arith.constant 0 : i32
        %dma_start3A_256 = tpu.memref_slice %arg16[%dma_start3A_254, %dma_start3A_255] : memref<4x400xf32, #tpu.memory_space<vmem>> -> memref<1x400xf32, #tpu.memory_space<vmem>>
        %dma_start3A_257 = tpu.memref_squeeze %dma_start3A_256 : memref<1x400xf32, #tpu.memory_space<vmem>> -> memref<400xf32, #tpu.memory_space<vmem>>
        %dma_start3A_258 = tpu.memref_slice %arg4[%add3A_235] : memref<640000xf32, #tpu.memory_space<hbm>> -> memref<400xf32, #tpu.memory_space<hbm>>
        %dma_start3A_259 = arith.constant 0 : i32
        %dma_start3A_260 = tpu.memref_slice %arg16[%dma_start3A_254, %dma_start3A_259] : memref<4x400xf32, #tpu.memory_space<vmem>> -> memref<1x400xf32, #tpu.memory_space<vmem>>
        %dma_start3A_261 = tpu.memref_squeeze %dma_start3A_260 : memref<1x400xf32, #tpu.memory_space<vmem>> -> memref<400xf32, #tpu.memory_space<vmem>>
        %dma_start3A_262 = tpu.memref_slice %arg4[%add3A_235] : memref<640000xf32, #tpu.memory_space<hbm>> -> memref<400xf32, #tpu.memory_space<hbm>>
        tpu.enqueue_dma source(%dma_start3A_262 : memref<400xf32, #tpu.memory_space<hbm>>) target(%dma_start3A_261 : memref<400xf32, #tpu.memory_space<vmem>>) target_semaphore(%arg21 : memref<!tpu.dma_semaphore, #tpu.memory_space<semaphore_mem>>)
        %dma_start3A_263 = arith.constant 3 : i32
        %dma_start3A_264 = arith.constant 0 : i32
        %dma_start3A_265 = tpu.memref_slice %arg16[%dma_start3A_263, %dma_start3A_264] : memref<4x400xf32, #tpu.memory_space<vmem>> -> memref<1x400xf32, #tpu.memory_space<vmem>>
        %dma_start3A_266 = tpu.memref_squeeze %dma_start3A_265 : memref<1x400xf32, #tpu.memory_space<vmem>> -> memref<400xf32, #tpu.memory_space<vmem>>
        %dma_start3A_267 = tpu.memref_slice %arg5[%add3A_235] : memref<640000xf32, #tpu.memory_space<hbm>> -> memref<400xf32, #tpu.memory_space<hbm>>
        %dma_start3A_268 = arith.constant 0 : i32
        %dma_start3A_269 = tpu.memref_slice %arg16[%dma_start3A_263, %dma_start3A_268] : memref<4x400xf32, #tpu.memory_space<vmem>> -> memref<1x400xf32, #tpu.memory_space<vmem>>
        %dma_start3A_270 = tpu.memref_squeeze %dma_start3A_269 : memref<1x400xf32, #tpu.memory_space<vmem>> -> memref<400xf32, #tpu.memory_space<vmem>>
        %dma_start3A_271 = tpu.memref_slice %arg5[%add3A_235] : memref<640000xf32, #tpu.memory_space<hbm>> -> memref<400xf32, #tpu.memory_space<hbm>>
        tpu.enqueue_dma source(%dma_start3A_271 : memref<400xf32, #tpu.memory_space<hbm>>) target(%dma_start3A_270 : memref<400xf32, #tpu.memory_space<vmem>>) target_semaphore(%arg21 : memref<!tpu.dma_semaphore, #tpu.memory_space<semaphore_mem>>)
      } else {
      }
    }
    %scan3A_92 = arith.constant 25 : i32
    %dma_wait3A = arith.constant 0 : i32
    %dma_wait3A_93 = arith.constant 0 : i32
    %dma_wait3A_94 = tpu.memref_slice %arg10[%dma_wait3A, %dma_wait3A_93] : memref<640000x256xf32, #tpu.memory_space<hbm>> -> memref<400x128xf32, #tpu.memory_space<hbm>>
    %dma_wait3A_95 = arith.constant 0 : i32
    %dma_wait3A_96 = arith.constant 0 : i32
    %dma_wait3A_97 = tpu.memref_slice %arg10[%dma_wait3A_95, %dma_wait3A_96] : memref<640000x256xf32, #tpu.memory_space<hbm>> -> memref<400x128xf32, #tpu.memory_space<hbm>>
    tpu.wait_dma2 semaphore(%arg22 : memref<!tpu.dma_semaphore, #tpu.memory_space<semaphore_mem>>) src(%arg18 : memref<400x128xf32, #tpu.memory_space<vmem>>) dst(%dma_wait3A_97 : memref<400x128xf32, #tpu.memory_space<hbm>>)
    %dma_wait3A_98 = arith.constant 0 : i32
    %dma_wait3A_99 = arith.constant 0 : i32
    %dma_wait3A_100 = tpu.memref_slice %arg10[%dma_wait3A_98, %dma_wait3A_99] : memref<640000x256xf32, #tpu.memory_space<hbm>> -> memref<400x128xf32, #tpu.memory_space<hbm>>
    %dma_wait3A_101 = arith.constant 0 : i32
    %dma_wait3A_102 = arith.constant 0 : i32
    %dma_wait3A_103 = tpu.memref_slice %arg10[%dma_wait3A_101, %dma_wait3A_102] : memref<640000x256xf32, #tpu.memory_space<hbm>> -> memref<400x128xf32, #tpu.memory_space<hbm>>
    tpu.wait_dma2 semaphore(%arg23 : memref<!tpu.dma_semaphore, #tpu.memory_space<semaphore_mem>>) src(%arg19 : memref<400x128xf32, #tpu.memory_space<vmem>>) dst(%dma_wait3A_103 : memref<400x128xf32, #tpu.memory_space<hbm>>)
    return
  }
}

module attributes {stable_mosaic.version = 14 : i64} {
  func.func @body(%arg0: i32, %arg1: memref<640000x256xf32, #tpu.memory_space<any>>, %arg2: memref<1024x1xf32, #tpu.memory_space<vmem>>, %arg3: memref<1024x1xf32, #tpu.memory_space<vmem>>, %arg4: memref<1x64xf32, #tpu.memory_space<vmem>>, %arg5: memref<1x64xf32, #tpu.memory_space<vmem>>, %arg6: memref<1x64xf32, #tpu.memory_space<vmem>>, %arg7: memref<1x64xf32, #tpu.memory_space<vmem>>, %arg8: memref<1024x128xf32, #tpu.memory_space<vmem>>) attributes {dimension_semantics = [#tpu.dimension_semantics<arbitrary>], iteration_bounds = array<i64: 625>, scalar_prefetch = 0 : i64, scratch_operands = 0 : i64, tpu.core_type = #tpu.core_type<tc>, window_params = [{}, {transform_indices = @transform_1, window_bounds = array<i64: 1024, 1>}, {transform_indices = @transform_2, window_bounds = array<i64: 1024, 1>}, {pipeline_mode = #tpu.pipeline_mode<synchronous>, transform_indices = @transform_3, window_bounds = array<i64: 1, 64>}, {pipeline_mode = #tpu.pipeline_mode<synchronous>, transform_indices = @transform_4, window_bounds = array<i64: 1, 64>}, {pipeline_mode = #tpu.pipeline_mode<synchronous>, transform_indices = @transform_5, window_bounds = array<i64: 1, 64>}, {pipeline_mode = #tpu.pipeline_mode<synchronous>, transform_indices = @transform_6, window_bounds = array<i64: 1, 64>}, {transform_indices = @transform_7, window_bounds = array<i64: 1024, 128>}]} {
    %get3A = arith.constant 0 : index
    %get3A_0 = arith.constant 0 : index
    %get3A_1 = vector.load %arg2[%get3A, %get3A_0] : memref<1024x1xf32, #tpu.memory_space<vmem>>, vector<1024x1xf32>
    %get3A_2 = arith.constant 0 : index
    %get3A_3 = arith.constant 0 : index
    %get3A_4 = vector.load %arg4[%get3A_2, %get3A_3] : memref<1x64xf32, #tpu.memory_space<vmem>>, vector<1x64xf32>
    %mul3A = vector.broadcast %get3A_1 : vector<1024x1xf32> to vector<1024x64xf32>
    %mul3A_5 = vector.broadcast %get3A_4 : vector<1x64xf32> to vector<1024x64xf32>
    %mul3A_6 = arith.mulf %mul3A, %mul3A_5 : vector<1024x64xf32>
    %get3A_7 = arith.constant 0 : index
    %get3A_8 = arith.constant 0 : index
    %get3A_9 = vector.load %arg5[%get3A_7, %get3A_8] : memref<1x64xf32, #tpu.memory_space<vmem>>, vector<1x64xf32>
    %add3A = vector.broadcast %get3A_9 : vector<1x64xf32> to vector<1024x64xf32>
    %add3A_10 = arith.addf %mul3A_6, %add3A : vector<1024x64xf32>
    %swap3A = arith.constant 0 : index
    %swap3A_11 = arith.constant 0 : index
    %swap3A_12 = vector.load %arg8[%swap3A, %swap3A_11] : memref<1024x128xf32, #tpu.memory_space<vmem>>, vector<1024x64xf32>
    tpu.vector_store %arg8[%swap3A, %swap3A_11], %add3A_10 {strides = array<i32>} : memref<1024x128xf32, #tpu.memory_space<vmem>>, vector<1024x64xf32>,
    %get3A_13 = arith.constant 0 : index
    %get3A_14 = arith.constant 0 : index
    %get3A_15 = vector.load %arg3[%get3A_13, %get3A_14] : memref<1024x1xf32, #tpu.memory_space<vmem>>, vector<1024x1xf32>
    %get3A_16 = arith.constant 0 : index
    %get3A_17 = arith.constant 0 : index
    %get3A_18 = vector.load %arg6[%get3A_16, %get3A_17] : memref<1x64xf32, #tpu.memory_space<vmem>>, vector<1x64xf32>
    %mul3A_19 = vector.broadcast %get3A_15 : vector<1024x1xf32> to vector<1024x64xf32>
    %mul3A_20 = vector.broadcast %get3A_18 : vector<1x64xf32> to vector<1024x64xf32>
    %mul3A_21 = arith.mulf %mul3A_19, %mul3A_20 : vector<1024x64xf32>
    %get3A_22 = arith.constant 0 : index
    %get3A_23 = arith.constant 0 : index
    %get3A_24 = vector.load %arg7[%get3A_22, %get3A_23] : memref<1x64xf32, #tpu.memory_space<vmem>>, vector<1x64xf32>
    %add3A_25 = vector.broadcast %get3A_24 : vector<1x64xf32> to vector<1024x64xf32>
    %add3A_26 = arith.addf %mul3A_21, %add3A_25 : vector<1024x64xf32>
    %swap3A_27 = arith.constant 0 : index
    %swap3A_28 = arith.constant 64 : index
    %swap3A_29 = vector.load %arg8[%swap3A_27, %swap3A_28] : memref<1024x128xf32, #tpu.memory_space<vmem>>, vector<1024x64xf32>
    tpu.vector_store %arg8[%swap3A_27, %swap3A_28], %add3A_26 {strides = array<i32>} : memref<1024x128xf32, #tpu.memory_space<vmem>>, vector<1024x64xf32>,
    return
  }
  func.func @transform_1(%arg0: i32) -> (i32, i32) {
    %c0_i32 = arith.constant 0 : i32
    %c0_i32_0 = arith.constant 0 : i32
    return %arg0, %c0_i32 : i32, i32
  }
  func.func @transform_2(%arg0: i32) -> (i32, i32) {
    %c0_i32 = arith.constant 0 : i32
    %c0_i32_0 = arith.constant 0 : i32
    return %arg0, %c0_i32 : i32, i32
  }
  func.func @transform_3(%arg0: i32) -> (i32, i32) {
    %c0_i32 = arith.constant 0 : i32
    %c0_i32_0 = arith.constant 0 : i32
    %c0_i32_1 = arith.constant 0 : i32
    return %c0_i32, %c0_i32_0 : i32, i32
  }
  func.func @transform_4(%arg0: i32) -> (i32, i32) {
    %c0_i32 = arith.constant 0 : i32
    %c0_i32_0 = arith.constant 0 : i32
    %c0_i32_1 = arith.constant 0 : i32
    return %c0_i32, %c0_i32_0 : i32, i32
  }
  func.func @transform_5(%arg0: i32) -> (i32, i32) {
    %c0_i32 = arith.constant 0 : i32
    %c0_i32_0 = arith.constant 0 : i32
    %c0_i32_1 = arith.constant 0 : i32
    return %c0_i32, %c0_i32_0 : i32, i32
  }
  func.func @transform_6(%arg0: i32) -> (i32, i32) {
    %c0_i32 = arith.constant 0 : i32
    %c0_i32_0 = arith.constant 0 : i32
    %c0_i32_1 = arith.constant 0 : i32
    return %c0_i32, %c0_i32_0 : i32, i32
  }
  func.func @transform_7(%arg0: i32) -> (i32, i32) {
    %c1_i32 = arith.constant 1 : i32
    %c0_i32 = arith.constant 0 : i32
    return %arg0, %c1_i32 : i32, i32
  }
}

</mosaic_0001>

<sc_bundles>
// kernel: kernel.4.cloned.1.call-start
scs
__scs_entry_jumppad:
0x0: {  	(pc) =	sbr.rel $0x88, $3  }
0x1: {  	(tag) =	ssettag $0x0;
	lr =	simm.s32 $0x1  }
0x2: {  	[smem:$0x3F98] =	sst lr;
	_ =	strace $0xD0000000  }
0x3: {  	_ = 	snop  }
0x4: {  	_ = 	snop  }
0x5: {  	_ = 	snop  }
0x6: {  	_ = 	snop  }
0x7: {  	_ = 	snop  }
__scs_overlays_trampoline_lowered:
0x8: {  	[smem:$0x3FA7] =	sst s0  }
0x9: {  	[smem:$0x3FA8] =	sst s1  }
0xa: {  	[smem:$0x3FA9] =	sst s2  }
0xb: {  	[smem:$0x3FAA] =	sst s3  }
0xc: {  	[smem:$0x3FAB] =	sst s4  }
0xd: {  	[smem:$0x3FAC] =	sst s5  }
0xe: {  	[smem:$0x3FAD] =	sst s6  }
0xf: {  	[smem:$0x3FAE] =	sst s7  }
0x10: {  	[smem:$0x3FAF] =	sst s8  }
0x11: {  	[smem:$0x3FB0] =	sst s9;
	s0 =	simm.s32 @!p0 $0x0  }
0x12: {  	s1 =	sld [smem:$0x3F96];
	s0 =	simm.s32 @p0 $0x1  }
0x13: {  	[smem:$0x3FB1] =	sst s0;
	s0 =	simm.s32 @!p1 $0x0  }
0x14: {  	s2 =	sld [smem:$0x3F95];
	s0 =	simm.s32 @p1 $0x1  }
0x15: {  	[smem:$0x3FB2] =	sst s0;
	s0 =	simm.s32 @!p2 $0x0  }
0x16: {  	s3 =	sld [smem:$0x3FDB];
	s0 =	simm.s32 @p2 $0x1  }
0x17: {  	s4 =	simm.s32 $0x1BF5;
	[smem:$0x3FB4] =	sst s0  }
0x18: {  	s0 =	sld [smem:$0x3F97];
	_ =	swait.ge [sflag:s4], $0x0  }
0x19: {  	s7 =	sld [smem:$0x3F98]  }
0x1a: {  	s8 =	sadd.s32 $0xFFFFE003, lr  }
0x1b: {  	s9 =	sadd.s32 $0xFFFFFEF7, lr;
	s5 =	simm.s32 $0xFFFFFFFF;
	p2 =	slt.u32 s8, $0xFFFFF086  }
0x1c: {  	p1 =	slt.u32 s9, $0xF7A;
	s5 =	simm.s32 @!p2 $0x0  }
0x1d: {  	s5 =	simm.s32 @p1 $0x1;
	p0 =	seq.s32 s7, s2  }
0x1e: {  	s7 =	smul.u32 @!p0 $0xF7A, s2;
	p2 =	seq.s32 @!p0 s5, $0x0  }
0x1f: {  	s9 =	smul.u32 $0xF7A, s1;
	s8 =	simm.s32 @!p0 $0x1BF5;
	p2 =	por !p2, p0  }
0x20: {  	[sflag:s8] =	ssyncset.s32 @!p0 $0xFFFFF086;
	s6 =	sadd.s32 @!p0 s3, s7;
	s7 =	simm.s32 @!p0 $0x108  }
0x21: {  	s3 =	sadd.s32 s3, s9;
	s6 =	sadd.s32 @!p0 $0x88, s6;
	s7 =	simm.s32 @p2 $0x1082  }
0x22: {  	[simem:s7], [sflag:s8] =	dma.local @!p0 [hbm:s6], $0xF7A  }
0x23: {  	s9 =	sor.u32 $0xD0000000, s2;
	s6 =	simm.s32 $0x108;
	_ =	swait.ge @!p0 [sflag:s8], $0x0  }
0x24: {  	s3 =	sadd.s32 $0x88, s3;
	s6 =	simm.s32 @!p1 $0x1082;
	[sflag:s4] =	ssyncset.s32 $0xFFFFF086  }
0x25: {  	[simem:s6], [sflag:s4] =	dma.local [hbm:s3], $0xF7A  }
0x26: {  	[smem:$0x3F98] =	sst s1;
	(tag) =	ssettag s2;
	_ =	strace s9  }
0x27: {  	s1 =	sld [smem:$0x3FA8]  }
0x28: {  	s2 =	sld [smem:$0x3FA9]  }
0x29: {  	s4 =	sld [smem:$0x3FAB]  }
0x2a: {  	p0 =	seq.s32 s5, $0x0;
	s5 =	sld [smem:$0x3FAC]  }
0x2b: {  	s6 =	sld [smem:$0x3FAD]  }
0x2c: {  	s7 =	sld [smem:$0x3FAE]  }
0x2d: {  	s3 =	simm.s32 $0x108;
	s8 =	sld [smem:$0x3FAF]  }
0x2e: {  	s3 =	simm.s32 @!p0 $0x1082;
	s9 =	sld [smem:$0x3FB0]  }
0x2f: {  	lr =	sadd.s32 s0, s3;
	s0 =	sld [smem:$0x3FA7]  }
0x30: {  	s3 =	sld [smem:$0x3FAA]  }
0x31: {  	[smem:$0x3FB3] =	sst s10  }
0x32: {  	s10 =	sld [smem:$0x3FB1];
	_ =	sdelay $0x3  }
0x33: {  	p0 =	seq.s32 s10, $0x1;
	s10 =	sld [smem:$0x3FB3];
	_ =	sdelay $0x3  }
0x34: {  	[smem:$0x3FB3] =	sst s10  }
0x35: {  	s10 =	sld [smem:$0x3FB2];
	_ =	sdelay $0x3  }
0x36: {  	p1 =	seq.s32 s10, $0x1;
	s10 =	sld [smem:$0x3FB3];
	_ =	sdelay $0x3  }
0x37: {  	[smem:$0x3FB3] =	sst s10  }
0x38: {  	s10 =	sld [smem:$0x3FB4]  }
0x39: {  	_ = 	snop;
	(pc) =	sbr.ind lr, $3  }
0x3a: {  	_ = 	snop  }
0x3b: {  	_ = 	snop  }
0x3c: {  	p2 =	seq.s32 s10, $0x1;
	s10 =	sld [smem:$0x3FB3]  }
0x3d: {  	_ =	shalt  }
0x3e: {  	_ =	shalt  }
0x3f: {  	_ =	shalt  }
0x40: {  	_ =	shalt  }
0x41: {  	_ =	shalt  }
0x42: {  	_ =	shalt  }
0x43: {  	_ =	shalt  }
0x44: {  	_ =	shalt  }
0x45: {  	_ =	shalt  }
0x46: {  	_ =	shalt  }
0x47: {  	_ =	shalt  }
0x48: {  	_ =	shalt  }
0x49: {  	_ =	shalt  }
0x4a: {  	_ =	shalt  }
0x4b: {  	_ =	shalt  }
0x4c: {  	_ =	shalt  }
0x4d: {  	_ =	shalt  }
0x4e: {  	_ =	shalt  }
0x4f: {  	_ =	shalt  }
0x50: {  	_ =	shalt  }
0x51: {  	_ =	shalt  }
0x52: {  	_ =	shalt  }
0x53: {  	_ =	shalt  }
0x54: {  	_ =	shalt  }
0x55: {  	_ =	shalt  }
0x56: {  	_ =	shalt  }
0x57: {  	_ =	shalt  }
0x58: {  	_ =	shalt  }
0x59: {  	_ =	shalt  }
0x5a: {  	_ =	shalt  }
0x5b: {  	_ =	shalt  }
0x5c: {  	_ =	shalt  }
0x5d: {  	_ =	shalt  }
0x5e: {  	_ =	shalt  }
0x5f: {  	_ =	shalt  }
0x60: {  	_ =	shalt  }
0x61: {  	_ =	shalt  }
0x62: {  	_ =	shalt  }
0x63: {  	_ =	shalt  }
0x64: {  	_ =	shalt  }
0x65: {  	_ =	shalt  }
0x66: {  	_ =	shalt  }
0x67: {  	_ =	shalt  }
0x68: {  	_ =	shalt  }
0x69: {  	_ =	shalt  }
0x6a: {  	_ =	shalt  }
0x6b: {  	_ =	shalt  }
0x6c: {  	_ =	shalt  }
0x6d: {  	_ =	shalt  }
0x6e: {  	_ =	shalt  }
0x6f: {  	_ =	shalt  }
0x70: {  	_ =	shalt  }
0x71: {  	_ =	shalt  }
0x72: {  	_ =	shalt  }
0x73: {  	_ =	shalt  }
0x74: {  	_ =	shalt  }
0x75: {  	_ =	shalt  }
0x76: {  	_ =	shalt  }
0x77: {  	_ =	shalt  }
0x78: {  	_ =	shalt  }
0x79: {  	_ =	shalt  }
0x7a: {  	_ =	shalt  }
0x7b: {  	_ =	shalt  }
0x7c: {  	_ =	shalt  }
0x7d: {  	_ =	shalt  }
0x7e: {  	_ =	shalt  }
0x7f: {  	_ =	shalt  }
0x80: {  	_ =	shalt  }
0x81: {  	_ =	shalt  }
0x82: {  	_ =	shalt  }
0x83: {  	_ =	shalt  }
0x84: {  	_ =	shalt  }
0x85: {  	_ =	shalt  }
0x86: {  	_ =	shalt  }
0x87: {  	_ =	shalt  }
.Lfunc_end0:
.L_simem_size_0:
called_computation_lowered:
.L_overlay_start_0:
0x88: {  	s2 =	sld [smem:$0x3FD9]  }
0x89: {  	s3 =	sld [smem:$0x3FFE];
	_ =	sdelay $0x1  }
0x8a: {  	s1 =	srdreg.scid  }
0x8b: {  	s0 =	sand.u32 $0x1, s1  }
0x8c: {  	s17 =	sshll.u32 s0, $0xA;
	s2 =	sadd.s32 s3, s2  }
0x8d: {  	s2 =	sadd.s32 s2, s17  }
0x8e: {  	[smem:$0x3FBF] =	sst s2  }
0x8f: {  	_ = 	snop  }
0x90: {  	s2 =	sld [smem:$0x3FD0];
	(tm) =	ssettm $0x1  }
0x91: {  	s18 =	sld [smem:$0x3FFB];
	_ =	sdelay $0x3  }
0x92: {  	_ =	strace s18  }
0x93: {  	s3 =	sld [smem:$0x3FFC];
	_ =	sdelay $0x3  }
0x94: {  	_ =	strace s3  }
0x95: {  	s3 =	sld [smem:$0x3FFD];
	_ =	sdelay $0x3  }
0x96: {  	_ =	strace s3  }
0x97: {  	_ =	strace $0x8FFFFFFF  }
0x98: {  	s19 =	sld [smem:$0x3FDB];
	_ =	sdelay $0x1  }
0x99: {  	s4 =	simm.s32 $_scs_section_size  }
0x9a: {  	s5 =	simm.s32 $_size__tile_overlayer_lowered;
	s6 =	simm.s32 $_tile_overlayer_lowered  }
0x9b: {  	s22 =	simm.s32 $0x1BFF;
	s21 =	sshll.u32 s6, $0x1;
	s3 =	sadd.s32 s4, s19  }
0x9c: {  	s7 =	simm.s32 $0x0;
	s20 =	sshll.u32 s5, $0x1;
	s5 =	sadd.s32 s21, s3  }
0x9d: {  	[timem:s7], [sflag:s22] =	dma.local [hbm:s5], s20  }
0x9e: {  	_ =	swait.ge [sflag:s22], s20  }
0x9f: {  	s4 =	ssub.s32 $0x0, s20;
	[sflag:s22] =	ssyncset.done $0x0  }
0xa0: {  	[sflag:s22] =	ssyncadd.s32 s4;
	_ =	sdelay $0x1  }
0xa1: {  	s23 =	simm.s32 $0x1B8B  }
0xa2: {  	_ =	swait.ge [sflag:s23], $0x1  }
0xa3: {  	[sflag:s23] =	ssyncset.done $0x0  }
0xa4: {  	s25 =	simm.s32 $0x1B8E;
	s24 =	sld [smem:$0x3FFE];
	[sflag:s23] =	ssyncadd.s32 $0xFFFFFFFF  }
0xa5: {  	s26 =	simm.s32 $execute0_lowered;
	[smem:$0x3FD2] =	sst s25  }
0xa6: {  	s5 =	sshll.u32 s26, $0x1;
	_ =	strace $0x80000046;
	[dreg:$0x1] =	wrdreg $0xFFFFFFFF  }
0xa7: {  	s28 =	simm.s32 $_size_execute0_lowered;
	s3 =	sadd.s32 s3, s5;
	[dreg:$0x0] =	wrdreg $0x0  }
0xa8: {  	s5 =	sshll.u32 s28, $0x1;
	[dreg:$0x2] =	wrdreg s3  }
0xa9: {  	[dreg:$0x3] =	wrdreg s5  }
0xaa: {  	[dreg:$0x4] =	wrdreg $0xC0  }
0xab: {  	_ =	task [dreg:s7], $0x5FFFF  }
0xac: {  	[dreg:$0x1] =	wrdreg $0xFFFFFFFF  }
0xad: {  	[dreg:$0x0] =	wrdreg $0x60  }
0xae: {  	[dreg:$0x2] =	wrdreg s24  }
0xaf: {  	[dreg:$0x3] =	wrdreg s2  }
0xb0: {  	[dreg:$0x4] =	wrdreg $0x9  }
0xb1: {  	_ =	task.clear_ibuf [dreg:s7], $0x5FFFF;
	_ =	strace $0x90000046  }
0xb2: {  	s29 =	simm.s32 $0x9;
	_ =	strace $0x80000048  }
0xb3: {  	_ =	swait.ge [sflag:s29], $0x1  }
0xb4: {  	[sflag:s29] =	ssyncadd.s32 $0xFFFFFFFF  }
0xb5: {  	_ =	strace $0x90000048  }
0xb6: {  	_ =	sfence  }
0xb7: {  	s30 =	sld [smem:$0x0];
	_ =	sdelay $0x2  }
0xb8: {  	s31 =	sshll.u32 s1, $0xD;
	s1 =	sshrl.u32 s1, $0x2  }
0xb9: {  	s3 =	sand.u32 $0x4000, s31;
	s1 =	sadd.s32 s1, s30  }
0xba: {  	s0 =	sor.u32 s3, s0;
	s1 =	sshll.u32 s1, $0x11  }
0xbb: {  	s0 =	sor.u32 s1, s0  }
0xbc: {  	s0 =	sadd.s32 $0x8F2B, s0  }
0xbd: {  	[sflag:s0] =	ssyncadd.remote.s32 $0x1  }
0xbe: {  	_ =	sfence.sel $0xFFFF  }
0xbf: {  	[dreg:$0x0] =	wrdreg $0xFFFFFFFF;
	(pc) =	sbr.abs _section_cstart, $3  }
0xc0: {  	[dreg:$0x1] =	wrdreg $0xFFFFFFFF  }
0xc1: {  	_ =	task.clear_ibuf [dreg:s7], $0x2FFFF;
	_ =	strace $0x9FFFFFFF  }
0xc2: {  	(tm) =	ssettm $0x7FFFFFFF  }
0xc3: {  	_ =	shalt  }
tec
execute0_lowered:
.L_overlay_start_1:
0x0: {  	(tag) =	ssettag $0x1  }
0x1: {  	s0 =	rddreg [dreg:$0x0]  }
0x2: {  	s1 =	rddreg [dreg:$0x1];
	s3 =	simm.s32 $0x0;
	s2 =	srdreg.scid  }
0x3: {  	s5 =	stileid.u32;
	s28 =	simm.s32 $0x740;
	s29 =	simm.s32 $0x26C0  }
0x4: {  	s31 =	simm.s32 $0x4E10;
	s10 =	simm.s32 $0x80;
	s11 =	simm.s32 $0x100  }
0x5: {  	s13 =	simm.s32 $0x5900;
	s15 =	simm.s32 $0x2;
	[smem:$0x7FF] =	sst s3  }
0x6: {  	s4 =	sadd.s32 $0x29000, s0;
	s2 =	sand.u32 $0x1, s2;
	s7 =	sshll.u32 s5, $0x1  }
0x7: {  	s5 =	sadd.s32 $0x15600, s0;
	s6 =	sadd.s32 $0x1C00, s0;
	s8 =	sadd.s32 $0x1200, s0  }
0x8: {  	s16 =	sadd.s32 $0x1000, s0;
	s17 =	sadd.s32 $0x1400, s0;
	s18 =	sadd.s32 $0x1800, s0  }
0x9: {  	s12 =	sadd.s32 $0x3CA00, s0;
	_ =	strace $0x80000047;
	[dreg:$0x3] =	wrdreg s8  }
0xa: {  	s7 =	sor.u32 s2, s7;
	[dreg:$0x4] =	wrdreg s16;
	s2 =	ssub.s32 $0x2, s2  }
0xb: {  	[dreg:$0x5] =	wrdreg s17;
	s9 =	smul.u32 $0x4E20, s7;
	s19 =	sshrl.u32 s2, $0x1  }
0xc: {  	[dreg:$0x6] =	wrdreg s18;
	s8 =	simm.s32 $0x52C0;
	s0 =	ssub.s32 s2, s19  }
0xd: {  	s16 =	simm.s32 $0x12100;
	s20 =	sshrl.u32 s9, $0x3;
	s0 =	smax.u32 s0, $0x1  }
0xe: {  	s19 =	simm.s32 $0x0;
	s21 =	sadd.s32 s4, s20;
	[dreg:$0xf] =	wrdreg s0  }
0xf: {  	s14 =	sadd.s32 $0x190, s9;
	s22 =	sadd.s32 s5, s20;
	[dreg:$0x7] =	wrdreg s21  }
0x10: {  	s23 =	sadd.s32 s6, s20;
	s24 =	sshrl.u32 s14, $0x3;
	[dreg:$0x8] =	wrdreg s22  }
0x11: {  	s7 =	sadd.s32 s1, s20;
	s0 =	simm.s32 $0x4FA0;
	[dreg:$0x9] =	wrdreg s23  }
.Ltmp0:
0x12: {  	[dreg:$0xa] =	wrdreg s7;
	s25 =	sadd.s32 s4, s24;
	(pc) =	sbr.rel .LBB2_1-.Ltmp0, $4  }
0x13: {  	s26 =	sadd.s32 s5, s24;
	s30 =	sadd.s32 s6, s24;
	[dreg:$0xb] =	wrdreg s25  }
0x14: {  	s2 =	sadd.s32 s1, s24;
	s22 =	sadd.s32 $0x320, s9;
	[dreg:$0xc] =	wrdreg s26  }
0x15: {  	v1 =	vimm.s32 $0x0;
	vm0 =	vcmask $0x300;
	v0 =	vlaneseq.u32;
	s23 =	sadd.s32 $0x4B0, s9;
	s7 =	simm.s32 $0x1;
	[dreg:$0xd] =	wrdreg s30  }
0x16: {  	v1 =	vsel vm0, $0x3, v1;
	v2 =	vor.u32 $0x10, v0;
	[dreg:$0xe] =	wrdreg s2;
	s26 =	simm.s32 $0x640;
	s2 =	simm.s32 $0x5130  }
.LBB2_8:
0x17: {  	s17 =	simm.s32 $0x3  }
0x18: {  	_ =	swait.ge [sflag:s17], $0xC800  }
0x19: {  	[sflag:s17] =	ssyncset.done $0x0  }
0x1a: {  	s18 =	simm.s32 $0x4;
	[sflag:s17] =	ssyncadd.s32 $0xFFFF3800  }
0x1b: {  	_ =	swait.ge [sflag:s18], $0xC800  }
0x1c: {  	s19 =	rddreg [dreg:$0x10]  }
0x1d: {  	s30 =	rddreg [dreg:$0xf];
	s19 =	sadd.s32 $0x1, s19  }
0x1e: {  	p0 =	sne.s32 s19, s30  }
.Ltmp1:
0x1f: {  	_ = 	snop;
	(pc) =	sbr.rel @!p0 .LBB2_9-.Ltmp1, $3  }
0x20: {  	_ =	sdelay $0x1  }
0x21: {  	[sflag:s18] =	ssyncset.done $0x0  }
0x22: {  	[sflag:s18] =	ssyncadd.s32 $0xFFFF3800  }
.LBB2_1:
0x23: {  	[dreg:$0x10] =	wrdreg s19  }
0x24: {  	s17 =	rddreg [dreg:$0x3];
	s18 =	simm.s32 $0x5  }
0x25: {  	[tilespmem:s3], [sflag:$0x5] =	stream.linear.gather [hbm4b:s17+s3], $0x640, $0x38;
	[tilespmem:$0x1E900] =	vst v63  }
0x26: {  	_ =	swait.ge [sflag:s18], $0x640  }
0x27: {  	[sflag:s18] =	ssyncset.done $0x0  }
0x28: {  	s24 =	rddreg [dreg:$0x4];
	[sflag:s18] =	ssyncadd.s32 $0xFFFFF9C0  }
0x29: {  	[tilespmem:s26], [sflag:$0x5] =	stream.linear.gather [hbm4b:s24+s3], $0x100, $0x38;
	[tilespmem:$0x1E900] =	vst v63  }
0x2a: {  	_ =	swait.ge [sflag:s18], $0x100  }
0x2b: {  	[sflag:s18] =	ssyncset.done $0x0  }
0x2c: {  	s25 =	rddreg [dreg:$0x5];
	[sflag:s18] =	ssyncadd.s32 $0xFFFFFF00  }
0x2d: {  	[tilespmem:s28], [sflag:$0x5] =	stream.linear.gather [hbm4b:s25+s3], $0x1F80, $0x38;
	[tilespmem:$0x1E900] =	vst v63  }
0x2e: {  	_ =	swait.ge [sflag:s18], $0x1F80  }
0x2f: {  	[sflag:s18] =	ssyncset.done $0x0  }
0x30: {  	s30 =	rddreg [dreg:$0x6];
	[sflag:s18] =	ssyncadd.s32 $0xFFFFE080  }
0x31: {  	[tilespmem:s29], [sflag:$0x5] =	stream.linear.gather [hbm4b:s30+s3], $0x1F80, $0x38;
	[tilespmem:$0x1E900] =	vst v63  }
0x32: {  	_ =	swait.ge [sflag:s18], $0x1F80  }
0x33: {  	[sflag:s18] =	ssyncset.done $0x0  }
0x34: {  	s20 =	simm.s32 $0x4640;
	s19 =	rddreg [dreg:$0x7];
	[sflag:s18] =	ssyncadd.s32 $0xFFFFE080  }
0x35: {  	[tilespmem:s20], [sflag:$0x1] =	stream.linear.gather [hbm4b:s19+s3], $0x190, $0x38;
	[tilespmem:$0x1E900] =	vst v63  }
0x36: {  	s24 =	simm.s32 $0x47D0;
	s21 =	rddreg [dreg:$0x8]  }
0x37: {  	[tilespmem:s24], [sflag:$0x1] =	stream.linear.gather [hbm4b:s21+s3], $0x190, $0x38;
	[tilespmem:$0x1E900] =	vst v63  }
0x38: {  	s30 =	simm.s32 $0x4960;
	s25 =	rddreg [dreg:$0x9]  }
0x39: {  	[tilespmem:s30], [sflag:$0x1] =	stream.linear.gather [hbm4b:s25+s3], $0x190, $0x38;
	[tilespmem:$0x1E900] =	vst v63  }
0x3a: {  	s18 =	rddreg [dreg:$0xa];
	s19 =	simm.s32 $0x4AF0  }
0x3b: {  	[tilespmem:s19], [sflag:$0x1] =	stream.linear.gather [hbm4b:s18+s3], $0x190, $0x38;
	[tilespmem:$0x1E900] =	vst v63  }
0x3c: {  	s20 =	rddreg [dreg:$0xb];
	s21 =	simm.s32 $0x4C80  }
0x3d: {  	[tilespmem:s21], [sflag:$0x2] =	stream.linear.gather [hbm4b:s20+s3], $0x190, $0x38;
	[tilespmem:$0x1E900] =	vst v63  }
0x3e: {  	s24 =	rddreg [dreg:$0xc]  }
0x3f: {  	[tilespmem:s31], [sflag:$0x2] =	stream.linear.gather [hbm4b:s24+s3], $0x190, $0x38;
	[tilespmem:$0x1E900] =	vst v63  }
0x40: {  	s25 =	rddreg [dreg:$0xd]  }
0x41: {  	[tilespmem:s0], [sflag:$0x2] =	stream.linear.gather [hbm4b:s25+s3], $0x190, $0x38;
	[tilespmem:$0x1E900] =	vst v63  }
0x42: {  	s30 =	rddreg [dreg:$0xe];
	s20 =	simm.s32 $0x0  }
0x43: {  	[tilespmem:s2], [sflag:$0x2] =	stream.linear.gather [hbm4b:s30+s3], $0x190, $0x38;
	[tilespmem:$0x1E900] =	vst v63  }
.LBB2_2:
0x44: {  	_ =	swait.ge [sflag:s7], $0x190  }
0x45: {  	[sflag:s7] =	ssyncset.done $0x0  }
0x46: {  	[sflag:s7] =	ssyncadd.s32 $0xFFFFFE70  }
0x47: {  	_ =	swait.ge [sflag:s7], $0x190  }
0x48: {  	[sflag:s7] =	ssyncset.done $0x0  }
0x49: {  	[sflag:s7] =	ssyncadd.s32 $0xFFFFFE70  }
0x4a: {  	_ =	swait.ge [sflag:s7], $0x190  }
0x4b: {  	[sflag:s7] =	ssyncset.done $0x0  }
0x4c: {  	[sflag:s7] =	ssyncadd.s32 $0xFFFFFE70  }
0x4d: {  	_ =	swait.ge [sflag:s7], $0x190  }
0x4e: {  	p0 =	seq.s32 s20, $0x0;
	[sflag:s7] =	ssyncset.done $0x0  }
0x4f: {  	s17 =	simm.s32 @!p0 $0x3;
	[sflag:s7] =	ssyncadd.s32 $0xFFFFFE70  }
0x50: {  	s21 =	smul.u32 $0x320, s20;
	s18 =	simm.s32 $0x55E0;
	_ =	swait.ge @!p0 [sflag:s17], $0xC800  }
0x51: {  	s25 =	simm.s32 $0x4960;
	s19 =	simm.s32 $0x5D00;
	[sflag:s17] =	ssyncset.done @!p0 $0x0  }
0x52: {  	s24 =	sadd.s32 s9, s21;
	[sflag:s17] =	ssyncadd.s32 @!p0 $0xFFFF3800;
	s17 =	simm.s32 $0xF  }
.LBB2_3:
0x53: {  	v3 =	vld [tilespmem:s25+$0xFFFFFCE0];
	_ =	sdelay $0x4  }
0x54: {  	v3 =	vtrunc.f32 v3  }
0x55: {  	v3 =	vcvt.f32.s32 v3;
	_ =	sdelay $0x1  }
0x56: {  	[tilespmem:s18+$0xFFFFFCE0] =	vst v3  }
0x57: {  	v3 =	vld [tilespmem:s25+$0xFFFFFE70];
	_ =	sdelay $0x4  }
0x58: {  	v3 =	vtrunc.f32 v3  }
0x59: {  	v3 =	vcvt.f32.s32 v3;
	_ =	sdelay $0x1  }
0x5a: {  	[tilespmem:s18+$0xFFFFFE70] =	vst v3  }
0x5b: {  	v3 =	vld [tilespmem:s25+$0x0];
	_ =	sdelay $0x4  }
0x5c: {  	v3 =	vtrunc.f32 v3  }
0x5d: {  	v3 =	vcvt.f32.s32 v3;
	_ =	sdelay $0x1  }
0x5e: {  	s30 =	sadd.s32 $0xFFFFFFF1, s17;
	[tilespmem:s18+$0x0] =	vst v3  }
0x5f: {  	v4 =	vmov s30;
	v3 =	vld [tilespmem:s25+$0x190]  }
0x60: {  	v4 =	vshrl.u32 v4, $0x3  }
0x61: {  	v4 =	vshll.u32 v4, v1  }
0x62: {  	v4 =	vbroadcast v4, $0x0;
	_ =	sdelay $0x1  }
0x63: {  	v3 =	vtrunc.f32 v3  }
0x64: {  	v3 =	vcvt.f32.s32 v3;
	_ =	sdelay $0x1  }
0x65: {  	[tilespmem:s18+$0x190] =	vst v3  }
0x66: {  	v3 =	vld.idx.msk [tilespmem:v4+s8+$0x0], $0xffff;
	_ =	sdelay $0x4  }
0x67: {  	v3 =	vshll.u32 v3, $0x5  }
0x68: {  	v5 =	vor.u32 v0, v3  }
0x69: {  	v3 =	vor.u32 v2, v3;
	_ =	sdelay $0x3  }
0x6a: {  	v5 =	vld.idx.msk [tilespmem:v5+s3+$0x0], $0xffff  }
0x6b: {  	v3 =	vld.idx.msk [tilespmem:v3+s3+$0x0], $0xffff  }
0x6c: {  	v6 =	vadd.s32 $0x190, v4;
	_ =	sdelay $0x2  }
0x6d: {  	[tilespmem:s19+$0xFFFFFC00] =	vst v5  }
0x6e: {  	[tilespmem:s19+$0xFFFFFC10] =	vst v3  }
0x6f: {  	v3 =	vld.idx.msk [tilespmem:v6+s8+$0x0], $0xffff;
	_ =	sdelay $0x4  }
0x70: {  	v3 =	vshll.u32 v3, $0x5  }
0x71: {  	v53 =	vor.u32 v0, v3  }
0x72: {  	v3 =	vor.u32 v2, v3;
	_ =	sdelay $0x3  }
0x73: {  	v5 =	vld.idx.msk [tilespmem:v53+s26+$0x0], $0xffff  }
0x74: {  	v3 =	vld.idx.msk [tilespmem:v3+s26+$0x0], $0xffff  }
0x75: {  	v54 =	vadd.s32 $0x320, v4;
	_ =	sdelay $0x2  }
0x76: {  	[tilespmem:s19+$0xFFFFFC20] =	vst v5  }
0x77: {  	[tilespmem:s19+$0xFFFFFC30] =	vst v3  }
0x78: {  	v3 =	vld.idx.msk [tilespmem:v54+s8+$0x0], $0xffff;
	_ =	sdelay $0x4  }
0x79: {  	v3 =	vshll.u32 v3, $0x5  }
0x7a: {  	v55 =	vor.u32 v0, v3  }
0x7b: {  	v3 =	vor.u32 v2, v3;
	_ =	sdelay $0x3  }
0x7c: {  	v5 =	vld.idx.msk [tilespmem:v55+s28+$0x0], $0xffff  }
0x7d: {  	v3 =	vld.idx.msk [tilespmem:v3+s28+$0x0], $0xffff  }
0x7e: {  	v4 =	vadd.s32 $0x4B0, v4;
	_ =	sdelay $0x2  }
0x7f: {  	[tilespmem:s19+$0xFFFFFC40] =	vst v5  }
0x80: {  	[tilespmem:s19+$0xFFFFFC50] =	vst v3  }
0x81: {  	v3 =	vld.idx.msk [tilespmem:v4+s8+$0x0], $0xffff;
	_ =	sdelay $0x4  }
0x82: {  	v3 =	vshll.u32 v3, $0x5  }
0x83: {  	v56 =	vor.u32 v0, v3  }
0x84: {  	s30 =	sadd.s32 $0xFFFFFFF2, s17;
	v3 =	vor.u32 v2, v3  }
0x85: {  	v57 =	vmov s30  }
0x86: {  	v5 =	vshrl.u32 v57, $0x3  }
0x87: {  	v5 =	vshll.u32 v5, v1  }
0x88: {  	v5 =	vbroadcast v5, $0x0;
	v4 =	vld.idx.msk [tilespmem:v56+s29+$0x0], $0xffff  }
0x89: {  	v3 =	vld.idx.msk [tilespmem:v3+s29+$0x0], $0xffff  }
0x8a: {  	v58 =	vor.u32 $0x1, v5;
	_ =	sdelay $0x2  }
0x8b: {  	[tilespmem:s19+$0xFFFFFC60] =	vst v4  }
0x8c: {  	[tilespmem:s19+$0xFFFFFC70] =	vst v3  }
0x8d: {  	v3 =	vld.idx.msk [tilespmem:v58+s8+$0x0], $0xffff;
	_ =	sdelay $0x4  }
0x8e: {  	v3 =	vshll.u32 v3, $0x5  }
0x8f: {  	v59 =	vor.u32 v0, v3  }
0x90: {  	v3 =	vor.u32 v2, v3;
	_ =	sdelay $0x3  }
0x91: {  	v4 =	vld.idx.msk [tilespmem:v59+s3+$0x0], $0xffff  }
0x92: {  	v3 =	vld.idx.msk [tilespmem:v3+s3+$0x0], $0xffff  }
0x93: {  	v60 =	vadd.s32 $0x191, v5;
	_ =	sdelay $0x2  }
0x94: {  	[tilespmem:s19+$0xFFFFFC80] =	vst v4  }
0x95: {  	[tilespmem:s19+$0xFFFFFC90] =	vst v3  }
0x96: {  	v3 =	vld.idx.msk [tilespmem:v60+s8+$0x0], $0xffff;
	_ =	sdelay $0x4  }
0x97: {  	v3 =	vshll.u32 v3, $0x5  }
0x98: {  	v61 =	vor.u32 v0, v3  }
0x99: {  	v3 =	vor.u32 v2, v3;
	_ =	sdelay $0x3  }
0x9a: {  	v4 =	vld.idx.msk [tilespmem:v61+s26+$0x0], $0xffff  }
0x9b: {  	v3 =	vld.idx.msk [tilespmem:v3+s26+$0x0], $0xffff  }
0x9c: {  	v62 =	vadd.s32 $0x321, v5;
	_ =	sdelay $0x2  }
0x9d: {  	[tilespmem:s19+$0xFFFFFCA0] =	vst v4  }
0x9e: {  	[tilespmem:s19+$0xFFFFFCB0] =	vst v3  }
0x9f: {  	v3 =	vld.idx.msk [tilespmem:v62+s8+$0x0], $0xffff;
	_ =	sdelay $0x4  }
0xa0: {  	v3 =	vshll.u32 v3, $0x5  }
0xa1: {  	v63 =	vor.u32 v0, v3  }
0xa2: {  	v3 =	vor.u32 v2, v3;
	_ =	sdelay $0x3  }
0xa3: {  	v4 =	vld.idx.msk [tilespmem:v63+s28+$0x0], $0xffff  }
0xa4: {  	v3 =	vld.idx.msk [tilespmem:v3+s28+$0x0], $0xffff  }
0xa5: {  	v5 =	vadd.s32 $0x4B1, v5;
	_ =	sdelay $0x2  }
0xa6: {  	[tilespmem:s19+$0xFFFFFCC0] =	vst v4  }
0xa7: {  	[tilespmem:s19+$0xFFFFFCD0] =	vst v3  }
0xa8: {  	v3 =	vld.idx.msk [tilespmem:v5+s8+$0x0], $0xffff;
	_ =	sdelay $0x4  }
0xa9: {  	v3 =	vshll.u32 v3, $0x5  }
0xaa: {  	v8 =	vor.u32 v0, v3  }
0xab: {  	s30 =	sadd.s32 $0xFFFFFFF3, s17;
	v3 =	vor.u32 v2, v3  }
0xac: {  	v9 =	vmov s30  }
0xad: {  	v5 =	vshrl.u32 v9, $0x3  }
0xae: {  	v5 =	vshll.u32 v5, v1  }
0xaf: {  	v5 =	vbroadcast v5, $0x0;
	v4 =	vld.idx.msk [tilespmem:v8+s29+$0x0], $0xffff  }
0xb0: {  	v3 =	vld.idx.msk [tilespmem:v3+s29+$0x0], $0xffff  }
0xb1: {  	v10 =	vor.u32 $0x2, v5;
	_ =	sdelay $0x2  }
0xb2: {  	[tilespmem:s19+$0xFFFFFCE0] =	vst v4  }
0xb3: {  	[tilespmem:s19+$0xFFFFFCF0] =	vst v3  }
0xb4: {  	v3 =	vld.idx.msk [tilespmem:v10+s8+$0x0], $0xffff;
	_ =	sdelay $0x4  }
0xb5: {  	v3 =	vshll.u32 v3, $0x5  }
0xb6: {  	v11 =	vor.u32 v0, v3  }
0xb7: {  	v3 =	vor.u32 v2, v3;
	_ =	sdelay $0x3  }
0xb8: {  	v4 =	vld.idx.msk [tilespmem:v11+s3+$0x0], $0xffff  }
0xb9: {  	v3 =	vld.idx.msk [tilespmem:v3+s3+$0x0], $0xffff  }
0xba: {  	v12 =	vadd.s32 $0x192, v5;
	_ =	sdelay $0x2  }
0xbb: {  	[tilespmem:s19+$0xFFFFFD00] =	vst v4  }
0xbc: {  	[tilespmem:s19+$0xFFFFFD10] =	vst v3  }
0xbd: {  	v3 =	vld.idx.msk [tilespmem:v12+s8+$0x0], $0xffff;
	_ =	sdelay $0x4  }
0xbe: {  	v3 =	vshll.u32 v3, $0x5  }
0xbf: {  	v13 =	vor.u32 v0, v3  }
0xc0: {  	v3 =	vor.u32 v2, v3;
	_ =	sdelay $0x3  }
0xc1: {  	v4 =	vld.idx.msk [tilespmem:v13+s26+$0x0], $0xffff  }
0xc2: {  	v3 =	vld.idx.msk [tilespmem:v3+s26+$0x0], $0xffff  }
0xc3: {  	v14 =	vadd.s32 $0x322, v5;
	_ =	sdelay $0x2  }
0xc4: {  	[tilespmem:s19+$0xFFFFFD20] =	vst v4  }
0xc5: {  	[tilespmem:s19+$0xFFFFFD30] =	vst v3  }
0xc6: {  	v3 =	vld.idx.msk [tilespmem:v14+s8+$0x0], $0xffff;
	_ =	sdelay $0x4  }
0xc7: {  	v3 =	vshll.u32 v3, $0x5  }
0xc8: {  	v15 =	vor.u32 v0, v3  }
0xc9: {  	v3 =	vor.u32 v2, v3;
	_ =	sdelay $0x3  }
0xca: {  	v4 =	vld.idx.msk [tilespmem:v15+s28+$0x0], $0xffff  }
0xcb: {  	v3 =	vld.idx.msk [tilespmem:v3+s28+$0x0], $0xffff  }
0xcc: {  	v5 =	vadd.s32 $0x4B2, v5;
	_ =	sdelay $0x2  }
0xcd: {  	[tilespmem:s19+$0xFFFFFD40] =	vst v4  }
0xce: {  	[tilespmem:s19+$0xFFFFFD50] =	vst v3  }
0xcf: {  	v3 =	vld.idx.msk [tilespmem:v5+s8+$0x0], $0xffff;
	_ =	sdelay $0x4  }
0xd0: {  	v3 =	vshll.u32 v3, $0x5  }
0xd1: {  	v16 =	vor.u32 v0, v3  }
0xd2: {  	s30 =	sadd.s32 $0xFFFFFFF4, s17;
	v3 =	vor.u32 v2, v3  }
0xd3: {  	v17 =	vmov s30  }
0xd4: {  	v5 =	vshrl.u32 v17, $0x3  }
0xd5: {  	v5 =	vshll.u32 v5, v1  }
0xd6: {  	v5 =	vbroadcast v5, $0x0;
	v4 =	vld.idx.msk [tilespmem:v16+s29+$0x0], $0xffff  }
0xd7: {  	v3 =	vld.idx.msk [tilespmem:v3+s29+$0x0], $0xffff  }
0xd8: {  	v18 =	vor.u32 $0x3, v5;
	_ =	sdelay $0x2  }
0xd9: {  	[tilespmem:s19+$0xFFFFFD60] =	vst v4  }
0xda: {  	[tilespmem:s19+$0xFFFFFD70] =	vst v3  }
0xdb: {  	v3 =	vld.idx.msk [tilespmem:v18+s8+$0x0], $0xffff;
	_ =	sdelay $0x4  }
0xdc: {  	v3 =	vshll.u32 v3, $0x5  }
0xdd: {  	v19 =	vor.u32 v0, v3  }
0xde: {  	v3 =	vor.u32 v2, v3;
	_ =	sdelay $0x3  }
0xdf: {  	v4 =	vld.idx.msk [tilespmem:v19+s3+$0x0], $0xffff  }
0xe0: {  	v3 =	vld.idx.msk [tilespmem:v3+s3+$0x0], $0xffff  }
0xe1: {  	v20 =	vadd.s32 $0x193, v5;
	_ =	sdelay $0x2  }
0xe2: {  	[tilespmem:s19+$0xFFFFFD80] =	vst v4  }
0xe3: {  	[tilespmem:s19+$0xFFFFFD90] =	vst v3  }
0xe4: {  	v3 =	vld.idx.msk [tilespmem:v20+s8+$0x0], $0xffff;
	_ =	sdelay $0x4  }
0xe5: {  	v3 =	vshll.u32 v3, $0x5  }
0xe6: {  	v21 =	vor.u32 v0, v3  }
0xe7: {  	v3 =	vor.u32 v2, v3;
	_ =	sdelay $0x3  }
0xe8: {  	v4 =	vld.idx.msk [tilespmem:v21+s26+$0x0], $0xffff  }
0xe9: {  	v3 =	vld.idx.msk [tilespmem:v3+s26+$0x0], $0xffff  }
0xea: {  	v22 =	vadd.s32 $0x323, v5;
	_ =	sdelay $0x2  }
0xeb: {  	[tilespmem:s19+$0xFFFFFDA0] =	vst v4  }
0xec: {  	[tilespmem:s19+$0xFFFFFDB0] =	vst v3  }
0xed: {  	v3 =	vld.idx.msk [tilespmem:v22+s8+$0x0], $0xffff;
	_ =	sdelay $0x4  }
0xee: {  	v3 =	vshll.u32 v3, $0x5  }
0xef: {  	v23 =	vor.u32 v0, v3  }
0xf0: {  	v3 =	vor.u32 v2, v3;
	_ =	sdelay $0x3  }
0xf1: {  	v4 =	vld.idx.msk [tilespmem:v23+s28+$0x0], $0xffff  }
0xf2: {  	v3 =	vld.idx.msk [tilespmem:v3+s28+$0x0], $0xffff  }
0xf3: {  	v5 =	vadd.s32 $0x4B3, v5;
	_ =	sdelay $0x2  }
0xf4: {  	[tilespmem:s19+$0xFFFFFDC0] =	vst v4  }
0xf5: {  	[tilespmem:s19+$0xFFFFFDD0] =	vst v3  }
0xf6: {  	v3 =	vld.idx.msk [tilespmem:v5+s8+$0x0], $0xffff;
	_ =	sdelay $0x4  }
0xf7: {  	v3 =	vshll.u32 v3, $0x5  }
0xf8: {  	v24 =	vor.u32 v0, v3  }
0xf9: {  	s30 =	sadd.s32 $0xFFFFFFF5, s17;
	v3 =	vor.u32 v2, v3  }
0xfa: {  	v25 =	vmov s30  }
0xfb: {  	v5 =	vshrl.u32 v25, $0x3  }
0xfc: {  	v5 =	vshll.u32 v5, v1  }
0xfd: {  	v5 =	vbroadcast v5, $0x0;
	v4 =	vld.idx.msk [tilespmem:v24+s29+$0x0], $0xffff  }
0xfe: {  	v3 =	vld.idx.msk [tilespmem:v3+s29+$0x0], $0xffff  }
0xff: {  	v26 =	vor.u32 $0x4, v5;
	_ =	sdelay $0x2  }
0x100: {  	[tilespmem:s19+$0xFFFFFDE0] =	vst v4  }
0x101: {  	[tilespmem:s19+$0xFFFFFDF0] =	vst v3  }
0x102: {  	v3 =	vld.idx.msk [tilespmem:v26+s8+$0x0], $0xffff;
	_ =	sdelay $0x4  }
0x103: {  	v3 =	vshll.u32 v3, $0x5  }
0x104: {  	v27 =	vor.u32 v0, v3  }
0x105: {  	v3 =	vor.u32 v2, v3;
	_ =	sdelay $0x3  }
0x106: {  	v4 =	vld.idx.msk [tilespmem:v27+s3+$0x0], $0xffff  }
0x107: {  	v3 =	vld.idx.msk [tilespmem:v3+s3+$0x0], $0xffff  }
0x108: {  	v28 =	vadd.s32 $0x194, v5;
	_ =	sdelay $0x2  }
0x109: {  	[tilespmem:s19+$0xFFFFFE00] =	vst v4  }
0x10a: {  	[tilespmem:s19+$0xFFFFFE10] =	vst v3  }
0x10b: {  	v3 =	vld.idx.msk [tilespmem:v28+s8+$0x0], $0xffff;
	_ =	sdelay $0x4  }
0x10c: {  	v3 =	vshll.u32 v3, $0x5  }
0x10d: {  	v29 =	vor.u32 v0, v3  }
0x10e: {  	v3 =	vor.u32 v2, v3;
	_ =	sdelay $0x3  }
0x10f: {  	v4 =	vld.idx.msk [tilespmem:v29+s26+$0x0], $0xffff  }
0x110: {  	v3 =	vld.idx.msk [tilespmem:v3+s26+$0x0], $0xffff  }
0x111: {  	v30 =	vadd.s32 $0x324, v5;
	_ =	sdelay $0x2  }
0x112: {  	[tilespmem:s19+$0xFFFFFE20] =	vst v4  }
0x113: {  	[tilespmem:s19+$0xFFFFFE30] =	vst v3  }
0x114: {  	v3 =	vld.idx.msk [tilespmem:v30+s8+$0x0], $0xffff;
	_ =	sdelay $0x4  }
0x115: {  	v3 =	vshll.u32 v3, $0x5  }
0x116: {  	v31 =	vor.u32 v0, v3  }
0x117: {  	v3 =	vor.u32 v2, v3;
	_ =	sdelay $0x3  }
0x118: {  	v4 =	vld.idx.msk [tilespmem:v31+s28+$0x0], $0xffff  }
0x119: {  	v3 =	vld.idx.msk [tilespmem:v3+s28+$0x0], $0xffff  }
0x11a: {  	v5 =	vadd.s32 $0x4B4, v5;
	_ =	sdelay $0x2  }
0x11b: {  	[tilespmem:s19+$0xFFFFFE40] =	vst v4  }
0x11c: {  	[tilespmem:s19+$0xFFFFFE50] =	vst v3  }
0x11d: {  	v3 =	vld.idx.msk [tilespmem:v5+s8+$0x0], $0xffff;
	_ =	sdelay $0x4  }
0x11e: {  	v3 =	vshll.u32 v3, $0x5  }
0x11f: {  	v32 =	vor.u32 v0, v3  }
0x120: {  	s30 =	sadd.s32 $0xFFFFFFF6, s17;
	v3 =	vor.u32 v2, v3  }
0x121: {  	v33 =	vmov s30  }
0x122: {  	v5 =	vshrl.u32 v33, $0x3  }
0x123: {  	v5 =	vshll.u32 v5, v1  }
0x124: {  	v5 =	vbroadcast v5, $0x0;
	v4 =	vld.idx.msk [tilespmem:v32+s29+$0x0], $0xffff  }
0x125: {  	v3 =	vld.idx.msk [tilespmem:v3+s29+$0x0], $0xffff  }
0x126: {  	v34 =	vor.u32 $0x5, v5;
	_ =	sdelay $0x2  }
0x127: {  	[tilespmem:s19+$0xFFFFFE60] =	vst v4  }
0x128: {  	[tilespmem:s19+$0xFFFFFE70] =	vst v3  }
0x129: {  	v3 =	vld.idx.msk [tilespmem:v34+s8+$0x0], $0xffff;
	_ =	sdelay $0x4  }
0x12a: {  	v3 =	vshll.u32 v3, $0x5  }
0x12b: {  	v35 =	vor.u32 v0, v3  }
0x12c: {  	v3 =	vor.u32 v2, v3;
	_ =	sdelay $0x3  }
0x12d: {  	v4 =	vld.idx.msk [tilespmem:v35+s3+$0x0], $0xffff  }
0x12e: {  	v3 =	vld.idx.msk [tilespmem:v3+s3+$0x0], $0xffff  }
0x12f: {  	v36 =	vadd.s32 $0x195, v5;
	_ =	sdelay $0x2  }
0x130: {  	[tilespmem:s19+$0xFFFFFE80] =	vst v4  }
0x131: {  	[tilespmem:s19+$0xFFFFFE90] =	vst v3  }
0x132: {  	v3 =	vld.idx.msk [tilespmem:v36+s8+$0x0], $0xffff;
	_ =	sdelay $0x4  }
0x133: {  	v3 =	vshll.u32 v3, $0x5  }
0x134: {  	v37 =	vor.u32 v0, v3  }
0x135: {  	v3 =	vor.u32 v2, v3;
	_ =	sdelay $0x3  }
0x136: {  	v4 =	vld.idx.msk [tilespmem:v37+s26+$0x0], $0xffff  }
0x137: {  	v3 =	vld.idx.msk [tilespmem:v3+s26+$0x0], $0xffff  }
0x138: {  	v38 =	vadd.s32 $0x325, v5;
	_ =	sdelay $0x2  }
0x139: {  	[tilespmem:s19+$0xFFFFFEA0] =	vst v4  }
0x13a: {  	[tilespmem:s19+$0xFFFFFEB0] =	vst v3  }
0x13b: {  	v3 =	vld.idx.msk [tilespmem:v38+s8+$0x0], $0xffff;
	_ =	sdelay $0x4  }
0x13c: {  	v3 =	vshll.u32 v3, $0x5  }
0x13d: {  	v39 =	vor.u32 v0, v3  }
0x13e: {  	v3 =	vor.u32 v2, v3;
	_ =	sdelay $0x3  }
0x13f: {  	v4 =	vld.idx.msk [tilespmem:v39+s28+$0x0], $0xffff  }
0x140: {  	v3 =	vld.idx.msk [tilespmem:v3+s28+$0x0], $0xffff  }
0x141: {  	v5 =	vadd.s32 $0x4B5, v5;
	_ =	sdelay $0x2  }
0x142: {  	[tilespmem:s19+$0xFFFFFEC0] =	vst v4  }
0x143: {  	[tilespmem:s19+$0xFFFFFED0] =	vst v3  }
0x144: {  	v3 =	vld.idx.msk [tilespmem:v5+s8+$0x0], $0xffff;
	_ =	sdelay $0x4  }
0x145: {  	v3 =	vshll.u32 v3, $0x5  }
0x146: {  	v40 =	vor.u32 v0, v3  }
0x147: {  	s30 =	sadd.s32 $0xFFFFFFF7, s17;
	v3 =	vor.u32 v2, v3  }
0x148: {  	v41 =	vmov s30  }
0x149: {  	v5 =	vshrl.u32 v41, $0x3  }
0x14a: {  	v5 =	vshll.u32 v5, v1  }
0x14b: {  	v5 =	vbroadcast v5, $0x0;
	v4 =	vld.idx.msk [tilespmem:v40+s29+$0x0], $0xffff  }
0x14c: {  	v3 =	vld.idx.msk [tilespmem:v3+s29+$0x0], $0xffff  }
0x14d: {  	v42 =	vor.u32 $0x6, v5;
	_ =	sdelay $0x2  }
0x14e: {  	[tilespmem:s19+$0xFFFFFEE0] =	vst v4  }
0x14f: {  	[tilespmem:s19+$0xFFFFFEF0] =	vst v3  }
0x150: {  	v3 =	vld.idx.msk [tilespmem:v42+s8+$0x0], $0xffff;
	_ =	sdelay $0x4  }
0x151: {  	v3 =	vshll.u32 v3, $0x5  }
0x152: {  	v43 =	vor.u32 v0, v3  }
0x153: {  	v3 =	vor.u32 v2, v3;
	_ =	sdelay $0x3  }
0x154: {  	v4 =	vld.idx.msk [tilespmem:v43+s3+$0x0], $0xffff  }
0x155: {  	v3 =	vld.idx.msk [tilespmem:v3+s3+$0x0], $0xffff  }
0x156: {  	v44 =	vadd.s32 $0x196, v5;
	_ =	sdelay $0x2  }
0x157: {  	[tilespmem:s19+$0xFFFFFF00] =	vst v4  }
0x158: {  	[tilespmem:s19+$0xFFFFFF10] =	vst v3  }
0x159: {  	v3 =	vld.idx.msk [tilespmem:v44+s8+$0x0], $0xffff;
	_ =	sdelay $0x4  }
0x15a: {  	v3 =	vshll.u32 v3, $0x5  }
0x15b: {  	v45 =	vor.u32 v0, v3  }
0x15c: {  	v3 =	vor.u32 v2, v3;
	_ =	sdelay $0x3  }
0x15d: {  	v4 =	vld.idx.msk [tilespmem:v45+s26+$0x0], $0xffff  }
0x15e: {  	v3 =	vld.idx.msk [tilespmem:v3+s26+$0x0], $0xffff  }
0x15f: {  	v46 =	vadd.s32 $0x326, v5;
	_ =	sdelay $0x2  }
0x160: {  	[tilespmem:s19+$0xFFFFFF20] =	vst v4  }
0x161: {  	[tilespmem:s19+$0xFFFFFF30] =	vst v3  }
0x162: {  	v3 =	vld.idx.msk [tilespmem:v46+s8+$0x0], $0xffff;
	_ =	sdelay $0x4  }
0x163: {  	v3 =	vshll.u32 v3, $0x5  }
0x164: {  	v47 =	vor.u32 v0, v3  }
0x165: {  	v3 =	vor.u32 v2, v3;
	_ =	sdelay $0x3  }
0x166: {  	v4 =	vld.idx.msk [tilespmem:v47+s28+$0x0], $0xffff  }
0x167: {  	v3 =	vld.idx.msk [tilespmem:v3+s28+$0x0], $0xffff  }
0x168: {  	v5 =	vadd.s32 $0x4B6, v5;
	_ =	sdelay $0x2  }
0x169: {  	[tilespmem:s19+$0xFFFFFF40] =	vst v4  }
0x16a: {  	[tilespmem:s19+$0xFFFFFF50] =	vst v3  }
0x16b: {  	v3 =	vld.idx.msk [tilespmem:v5+s8+$0x0], $0xffff;
	_ =	sdelay $0x4  }
0x16c: {  	v3 =	vshll.u32 v3, $0x5  }
0x16d: {  	v48 =	vor.u32 v0, v3  }
0x16e: {  	s30 =	sadd.s32 $0xFFFFFFF8, s17;
	v3 =	vor.u32 v2, v3  }
0x16f: {  	v49 =	vmov s30  }
0x170: {  	v5 =	vshrl.u32 v49, $0x3  }
0x171: {  	v5 =	vshll.u32 v5, v1  }
0x172: {  	v5 =	vbroadcast v5, $0x0;
	v4 =	vld.idx.msk [tilespmem:v48+s29+$0x0], $0xffff  }
0x173: {  	v3 =	vld.idx.msk [tilespmem:v3+s29+$0x0], $0xffff  }
0x174: {  	v50 =	vor.u32 $0x7, v5;
	_ =	sdelay $0x2  }
0x175: {  	[tilespmem:s19+$0xFFFFFF60] =	vst v4  }
0x176: {  	[tilespmem:s19+$0xFFFFFF70] =	vst v3  }
0x177: {  	v3 =	vld.idx.msk [tilespmem:v50+s8+$0x0], $0xffff;
	_ =	sdelay $0x4  }
0x178: {  	v3 =	vshll.u32 v3, $0x5  }
0x179: {  	v51 =	vor.u32 v0, v3  }
0x17a: {  	v3 =	vor.u32 v2, v3;
	_ =	sdelay $0x3  }
0x17b: {  	v4 =	vld.idx.msk [tilespmem:v51+s3+$0x0], $0xffff  }
0x17c: {  	v3 =	vld.idx.msk [tilespmem:v3+s3+$0x0], $0xffff  }
0x17d: {  	v52 =	vadd.s32 $0x197, v5;
	_ =	sdelay $0x2  }
0x17e: {  	[tilespmem:s19+$0xFFFFFF80] =	vst v4  }
0x17f: {  	[tilespmem:s19+$0xFFFFFF90] =	vst v3  }
0x180: {  	v3 =	vld.idx.msk [tilespmem:v52+s8+$0x0], $0xffff;
	_ =	sdelay $0x4  }
0x181: {  	v3 =	vshll.u32 v3, $0x5  }
0x182: {  	v53 =	vor.u32 v0, v3  }
0x183: {  	v3 =	vor.u32 v2, v3;
	_ =	sdelay $0x3  }
0x184: {  	v4 =	vld.idx.msk [tilespmem:v53+s26+$0x0], $0xffff  }
0x185: {  	v3 =	vld.idx.msk [tilespmem:v3+s26+$0x0], $0xffff  }
0x186: {  	v54 =	vadd.s32 $0x327, v5;
	_ =	sdelay $0x2  }
0x187: {  	[tilespmem:s19+$0xFFFFFFA0] =	vst v4  }
0x188: {  	[tilespmem:s19+$0xFFFFFFB0] =	vst v3  }
0x189: {  	v3 =	vld.idx.msk [tilespmem:v54+s8+$0x0], $0xffff;
	_ =	sdelay $0x4  }
0x18a: {  	v3 =	vshll.u32 v3, $0x5  }
0x18b: {  	v55 =	vor.u32 v0, v3  }
0x18c: {  	v3 =	vor.u32 v2, v3;
	_ =	sdelay $0x3  }
0x18d: {  	v4 =	vld.idx.msk [tilespmem:v55+s28+$0x0], $0xffff  }
0x18e: {  	v3 =	vld.idx.msk [tilespmem:v3+s28+$0x0], $0xffff  }
0x18f: {  	v5 =	vadd.s32 $0x4B7, v5;
	_ =	sdelay $0x2  }
0x190: {  	[tilespmem:s19+$0xFFFFFFC0] =	vst v4  }
0x191: {  	[tilespmem:s19+$0xFFFFFFD0] =	vst v3  }
0x192: {  	v3 =	vld.idx.msk [tilespmem:v5+s8+$0x0], $0xffff;
	_ =	sdelay $0x4  }
0x193: {  	v3 =	vshll.u32 v3, $0x5  }
0x194: {  	v56 =	vor.u32 v0, v3  }
0x195: {  	v3 =	vor.u32 v2, v3  }
0x196: {  	s30 =	sadd.s32 $0xFFFFFFF9, s17  }
0x197: {  	v57 =	vmov s30  }
0x198: {  	v5 =	vshrl.u32 v57, $0x3  }
0x199: {  	v5 =	vshll.u32 v5, v1;
	v4 =	vld.idx.msk [tilespmem:v56+s29+$0x0], $0xffff  }
0x19a: {  	v5 =	vbroadcast v5, $0x0;
	v3 =	vld.idx.msk [tilespmem:v3+s29+$0x0], $0xffff;
	_ =	sdelay $0x3  }
0x19b: {  	[tilespmem:s19+$0xFFFFFFE0] =	vst v4  }
0x19c: {  	[tilespmem:s19+$0xFFFFFFF0] =	vst v3  }
0x19d: {  	v3 =	vld.idx.msk [tilespmem:v5+s8+$0x0], $0xffff;
	_ =	sdelay $0x4  }
0x19e: {  	v3 =	vshll.u32 v3, $0x5  }
0x19f: {  	v58 =	vor.u32 v0, v3  }
0x1a0: {  	v3 =	vor.u32 v2, v3;
	_ =	sdelay $0x3  }
0x1a1: {  	v4 =	vld.idx.msk [tilespmem:v58+s3+$0x0], $0xffff  }
0x1a2: {  	v3 =	vld.idx.msk [tilespmem:v3+s3+$0x0], $0xffff  }
0x1a3: {  	v59 =	vadd.s32 $0x190, v5;
	_ =	sdelay $0x2  }
0x1a4: {  	[tilespmem:s19+$0x0] =	vst v4  }
0x1a5: {  	[tilespmem:s19+$0x10] =	vst v3  }
0x1a6: {  	v3 =	vld.idx.msk [tilespmem:v59+s8+$0x0], $0xffff;
	_ =	sdelay $0x4  }
0x1a7: {  	v3 =	vshll.u32 v3, $0x5  }
0x1a8: {  	v60 =	vor.u32 v0, v3  }
0x1a9: {  	v3 =	vor.u32 v2, v3;
	_ =	sdelay $0x3  }
0x1aa: {  	v4 =	vld.idx.msk [tilespmem:v60+s26+$0x0], $0xffff  }
0x1ab: {  	v3 =	vld.idx.msk [tilespmem:v3+s26+$0x0], $0xffff  }
0x1ac: {  	v61 =	vadd.s32 $0x320, v5;
	_ =	sdelay $0x2  }
0x1ad: {  	[tilespmem:s19+$0x20] =	vst v4  }
0x1ae: {  	[tilespmem:s19+$0x30] =	vst v3  }
0x1af: {  	v3 =	vld.idx.msk [tilespmem:v61+s8+$0x0], $0xffff;
	_ =	sdelay $0x4  }
0x1b0: {  	v3 =	vshll.u32 v3, $0x5  }
0x1b1: {  	v62 =	vor.u32 v0, v3  }
0x1b2: {  	v3 =	vor.u32 v2, v3;
	_ =	sdelay $0x3  }
0x1b3: {  	v4 =	vld.idx.msk [tilespmem:v62+s28+$0x0], $0xffff  }
0x1b4: {  	v3 =	vld.idx.msk [tilespmem:v3+s28+$0x0], $0xffff  }
0x1b5: {  	v5 =	vadd.s32 $0x4B0, v5;
	_ =	sdelay $0x2  }
0x1b6: {  	[tilespmem:s19+$0x40] =	vst v4  }
0x1b7: {  	[tilespmem:s19+$0x50] =	vst v3  }
0x1b8: {  	v3 =	vld.idx.msk [tilespmem:v5+s8+$0x0], $0xffff;
	_ =	sdelay $0x4  }
0x1b9: {  	v3 =	vshll.u32 v3, $0x5  }
0x1ba: {  	v63 =	vor.u32 v0, v3  }
0x1bb: {  	s30 =	sadd.s32 $0xFFFFFFFA, s17;
	v3 =	vor.u32 v2, v3  }
0x1bc: {  	v8 =	vmov s30  }
0x1bd: {  	v5 =	vshrl.u32 v8, $0x3  }
0x1be: {  	v5 =	vshll.u32 v5, v1  }
0x1bf: {  	v5 =	vbroadcast v5, $0x0;
	v4 =	vld.idx.msk [tilespmem:v63+s29+$0x0], $0xffff  }
0x1c0: {  	v3 =	vld.idx.msk [tilespmem:v3+s29+$0x0], $0xffff  }
0x1c1: {  	v9 =	vor.u32 $0x1, v5;
	_ =	sdelay $0x2  }
0x1c2: {  	[tilespmem:s19+$0x60] =	vst v4  }
0x1c3: {  	[tilespmem:s19+$0x70] =	vst v3  }
0x1c4: {  	v3 =	vld.idx.msk [tilespmem:v9+s8+$0x0], $0xffff;
	_ =	sdelay $0x4  }
0x1c5: {  	v3 =	vshll.u32 v3, $0x5  }
0x1c6: {  	v10 =	vor.u32 v0, v3  }
0x1c7: {  	v3 =	vor.u32 v2, v3;
	_ =	sdelay $0x3  }
0x1c8: {  	v4 =	vld.idx.msk [tilespmem:v10+s3+$0x0], $0xffff  }
0x1c9: {  	v3 =	vld.idx.msk [tilespmem:v3+s3+$0x0], $0xffff  }
0x1ca: {  	v11 =	vadd.s32 $0x191, v5;
	_ =	sdelay $0x2  }
0x1cb: {  	[tilespmem:s19+$0x80] =	vst v4  }
0x1cc: {  	[tilespmem:s19+$0x90] =	vst v3  }
0x1cd: {  	v3 =	vld.idx.msk [tilespmem:v11+s8+$0x0], $0xffff;
	_ =	sdelay $0x4  }
0x1ce: {  	v3 =	vshll.u32 v3, $0x5  }
0x1cf: {  	v12 =	vor.u32 v0, v3  }
0x1d0: {  	v3 =	vor.u32 v2, v3;
	_ =	sdelay $0x3  }
0x1d1: {  	v4 =	vld.idx.msk [tilespmem:v12+s26+$0x0], $0xffff  }
0x1d2: {  	v3 =	vld.idx.msk [tilespmem:v3+s26+$0x0], $0xffff  }
0x1d3: {  	v13 =	vadd.s32 $0x321, v5;
	_ =	sdelay $0x2  }
0x1d4: {  	[tilespmem:s19+$0xA0] =	vst v4  }
0x1d5: {  	[tilespmem:s19+$0xB0] =	vst v3  }
0x1d6: {  	v3 =	vld.idx.msk [tilespmem:v13+s8+$0x0], $0xffff;
	_ =	sdelay $0x4  }
0x1d7: {  	v3 =	vshll.u32 v3, $0x5  }
0x1d8: {  	v14 =	vor.u32 v0, v3  }
0x1d9: {  	v3 =	vor.u32 v2, v3;
	_ =	sdelay $0x3  }
0x1da: {  	v4 =	vld.idx.msk [tilespmem:v14+s28+$0x0], $0xffff  }
0x1db: {  	v3 =	vld.idx.msk [tilespmem:v3+s28+$0x0], $0xffff  }
0x1dc: {  	v5 =	vadd.s32 $0x4B1, v5;
	_ =	sdelay $0x2  }
0x1dd: {  	[tilespmem:s19+$0xC0] =	vst v4  }
0x1de: {  	[tilespmem:s19+$0xD0] =	vst v3  }
0x1df: {  	v3 =	vld.idx.msk [tilespmem:v5+s8+$0x0], $0xffff;
	_ =	sdelay $0x4  }
0x1e0: {  	v3 =	vshll.u32 v3, $0x5  }
0x1e1: {  	v15 =	vor.u32 v0, v3  }
0x1e2: {  	s30 =	sadd.s32 $0xFFFFFFFB, s17;
	v3 =	vor.u32 v2, v3  }
0x1e3: {  	v16 =	vmov s30  }
0x1e4: {  	v5 =	vshrl.u32 v16, $0x3  }
0x1e5: {  	v5 =	vshll.u32 v5, v1  }
0x1e6: {  	v5 =	vbroadcast v5, $0x0;
	v4 =	vld.idx.msk [tilespmem:v15+s29+$0x0], $0xffff  }
0x1e7: {  	v3 =	vld.idx.msk [tilespmem:v3+s29+$0x0], $0xffff  }
0x1e8: {  	v17 =	vor.u32 $0x2, v5;
	_ =	sdelay $0x2  }
0x1e9: {  	[tilespmem:s19+$0xE0] =	vst v4  }
0x1ea: {  	[tilespmem:s19+$0xF0] =	vst v3  }
0x1eb: {  	v3 =	vld.idx.msk [tilespmem:v17+s8+$0x0], $0xffff;
	_ =	sdelay $0x4  }
0x1ec: {  	v3 =	vshll.u32 v3, $0x5  }
0x1ed: {  	v18 =	vor.u32 v0, v3  }
0x1ee: {  	v3 =	vor.u32 v2, v3;
	_ =	sdelay $0x3  }
0x1ef: {  	v4 =	vld.idx.msk [tilespmem:v18+s3+$0x0], $0xffff  }
0x1f0: {  	v3 =	vld.idx.msk [tilespmem:v3+s3+$0x0], $0xffff  }
0x1f1: {  	v19 =	vadd.s32 $0x192, v5;
	_ =	sdelay $0x2  }
0x1f2: {  	[tilespmem:s19+$0x100] =	vst v4  }
0x1f3: {  	[tilespmem:s19+$0x110] =	vst v3  }
0x1f4: {  	v3 =	vld.idx.msk [tilespmem:v19+s8+$0x0], $0xffff;
	_ =	sdelay $0x4  }
0x1f5: {  	v3 =	vshll.u32 v3, $0x5  }
0x1f6: {  	v20 =	vor.u32 v0, v3  }
0x1f7: {  	v3 =	vor.u32 v2, v3;
	_ =	sdelay $0x3  }
0x1f8: {  	v4 =	vld.idx.msk [tilespmem:v20+s26+$0x0], $0xffff  }
0x1f9: {  	v3 =	vld.idx.msk [tilespmem:v3+s26+$0x0], $0xffff  }
0x1fa: {  	v21 =	vadd.s32 $0x322, v5;
	_ =	sdelay $0x2  }
0x1fb: {  	[tilespmem:s19+$0x120] =	vst v4  }
0x1fc: {  	[tilespmem:s19+$0x130] =	vst v3  }
0x1fd: {  	v3 =	vld.idx.msk [tilespmem:v21+s8+$0x0], $0xffff;
	_ =	sdelay $0x4  }
0x1fe: {  	v3 =	vshll.u32 v3, $0x5  }
0x1ff: {  	v22 =	vor.u32 v0, v3  }
0x200: {  	v3 =	vor.u32 v2, v3;
	_ =	sdelay $0x3  }
0x201: {  	v4 =	vld.idx.msk [tilespmem:v22+s28+$0x0], $0xffff  }
0x202: {  	v3 =	vld.idx.msk [tilespmem:v3+s28+$0x0], $0xffff  }
0x203: {  	v5 =	vadd.s32 $0x4B2, v5;
	_ =	sdelay $0x2  }
0x204: {  	[tilespmem:s19+$0x140] =	vst v4  }
0x205: {  	[tilespmem:s19+$0x150] =	vst v3  }
0x206: {  	v3 =	vld.idx.msk [tilespmem:v5+s8+$0x0], $0xffff;
	_ =	sdelay $0x4  }
0x207: {  	v3 =	vshll.u32 v3, $0x5  }
0x208: {  	v23 =	vor.u32 v0, v3  }
0x209: {  	s30 =	sadd.s32 $0xFFFFFFFC, s17;
	v3 =	vor.u32 v2, v3  }
0x20a: {  	v24 =	vmov s30  }
0x20b: {  	v5 =	vshrl.u32 v24, $0x3  }
0x20c: {  	v5 =	vshll.u32 v5, v1  }
0x20d: {  	v5 =	vbroadcast v5, $0x0;
	v4 =	vld.idx.msk [tilespmem:v23+s29+$0x0], $0xffff  }
0x20e: {  	v3 =	vld.idx.msk [tilespmem:v3+s29+$0x0], $0xffff  }
0x20f: {  	v25 =	vor.u32 $0x3, v5;
	_ =	sdelay $0x2  }
0x210: {  	[tilespmem:s19+$0x160] =	vst v4  }
0x211: {  	[tilespmem:s19+$0x170] =	vst v3  }
0x212: {  	v3 =	vld.idx.msk [tilespmem:v25+s8+$0x0], $0xffff;
	_ =	sdelay $0x4  }
0x213: {  	v3 =	vshll.u32 v3, $0x5  }
0x214: {  	v26 =	vor.u32 v0, v3  }
0x215: {  	v3 =	vor.u32 v2, v3;
	_ =	sdelay $0x3  }
0x216: {  	v4 =	vld.idx.msk [tilespmem:v26+s3+$0x0], $0xffff  }
0x217: {  	v3 =	vld.idx.msk [tilespmem:v3+s3+$0x0], $0xffff  }
0x218: {  	v27 =	vadd.s32 $0x193, v5;
	_ =	sdelay $0x2  }
0x219: {  	[tilespmem:s19+$0x180] =	vst v4  }
0x21a: {  	[tilespmem:s19+$0x190] =	vst v3  }
0x21b: {  	v3 =	vld.idx.msk [tilespmem:v27+s8+$0x0], $0xffff;
	_ =	sdelay $0x4  }
0x21c: {  	v3 =	vshll.u32 v3, $0x5  }
0x21d: {  	v28 =	vor.u32 v0, v3  }
0x21e: {  	v3 =	vor.u32 v2, v3;
	_ =	sdelay $0x3  }
0x21f: {  	v4 =	vld.idx.msk [tilespmem:v28+s26+$0x0], $0xffff  }
0x220: {  	v3 =	vld.idx.msk [tilespmem:v3+s26+$0x0], $0xffff  }
0x221: {  	v29 =	vadd.s32 $0x323, v5;
	_ =	sdelay $0x2  }
0x222: {  	[tilespmem:s19+$0x1A0] =	vst v4  }
0x223: {  	[tilespmem:s19+$0x1B0] =	vst v3  }
0x224: {  	v3 =	vld.idx.msk [tilespmem:v29+s8+$0x0], $0xffff;
	_ =	sdelay $0x4  }
0x225: {  	v3 =	vshll.u32 v3, $0x5  }
0x226: {  	v30 =	vor.u32 v0, v3  }
0x227: {  	v3 =	vor.u32 v2, v3;
	_ =	sdelay $0x3  }
0x228: {  	v4 =	vld.idx.msk [tilespmem:v30+s28+$0x0], $0xffff  }
0x229: {  	v3 =	vld.idx.msk [tilespmem:v3+s28+$0x0], $0xffff  }
0x22a: {  	v5 =	vadd.s32 $0x4B3, v5;
	_ =	sdelay $0x2  }
0x22b: {  	[tilespmem:s19+$0x1C0] =	vst v4  }
0x22c: {  	[tilespmem:s19+$0x1D0] =	vst v3  }
0x22d: {  	v3 =	vld.idx.msk [tilespmem:v5+s8+$0x0], $0xffff;
	_ =	sdelay $0x4  }
0x22e: {  	v3 =	vshll.u32 v3, $0x5  }
0x22f: {  	v31 =	vor.u32 v0, v3  }
0x230: {  	s30 =	sadd.s32 $0xFFFFFFFD, s17;
	v3 =	vor.u32 v2, v3  }
0x231: {  	v32 =	vmov s30  }
0x232: {  	v5 =	vshrl.u32 v32, $0x3  }
0x233: {  	v5 =	vshll.u32 v5, v1  }
0x234: {  	v5 =	vbroadcast v5, $0x0;
	v4 =	vld.idx.msk [tilespmem:v31+s29+$0x0], $0xffff  }
0x235: {  	v3 =	vld.idx.msk [tilespmem:v3+s29+$0x0], $0xffff  }
0x236: {  	v33 =	vor.u32 $0x4, v5;
	_ =	sdelay $0x2  }
0x237: {  	[tilespmem:s19+$0x1E0] =	vst v4  }
0x238: {  	[tilespmem:s19+$0x1F0] =	vst v3  }
0x239: {  	v3 =	vld.idx.msk [tilespmem:v33+s8+$0x0], $0xffff;
	_ =	sdelay $0x4  }
0x23a: {  	v3 =	vshll.u32 v3, $0x5  }
0x23b: {  	v34 =	vor.u32 v0, v3  }
0x23c: {  	v3 =	vor.u32 v2, v3;
	_ =	sdelay $0x3  }
0x23d: {  	v4 =	vld.idx.msk [tilespmem:v34+s3+$0x0], $0xffff  }
0x23e: {  	v3 =	vld.idx.msk [tilespmem:v3+s3+$0x0], $0xffff  }
0x23f: {  	v35 =	vadd.s32 $0x194, v5;
	_ =	sdelay $0x2  }
0x240: {  	[tilespmem:s19+$0x200] =	vst v4  }
0x241: {  	[tilespmem:s19+$0x210] =	vst v3  }
0x242: {  	v3 =	vld.idx.msk [tilespmem:v35+s8+$0x0], $0xffff;
	_ =	sdelay $0x4  }
0x243: {  	v3 =	vshll.u32 v3, $0x5  }
0x244: {  	v36 =	vor.u32 v0, v3  }
0x245: {  	v3 =	vor.u32 v2, v3;
	_ =	sdelay $0x3  }
0x246: {  	v4 =	vld.idx.msk [tilespmem:v36+s26+$0x0], $0xffff  }
0x247: {  	v3 =	vld.idx.msk [tilespmem:v3+s26+$0x0], $0xffff  }
0x248: {  	v37 =	vadd.s32 $0x324, v5;
	_ =	sdelay $0x2  }
0x249: {  	[tilespmem:s19+$0x220] =	vst v4  }
0x24a: {  	[tilespmem:s19+$0x230] =	vst v3  }
0x24b: {  	v3 =	vld.idx.msk [tilespmem:v37+s8+$0x0], $0xffff;
	_ =	sdelay $0x4  }
0x24c: {  	v3 =	vshll.u32 v3, $0x5  }
0x24d: {  	v38 =	vor.u32 v0, v3  }
0x24e: {  	v3 =	vor.u32 v2, v3;
	_ =	sdelay $0x3  }
0x24f: {  	v4 =	vld.idx.msk [tilespmem:v38+s28+$0x0], $0xffff  }
0x250: {  	v3 =	vld.idx.msk [tilespmem:v3+s28+$0x0], $0xffff  }
0x251: {  	v5 =	vadd.s32 $0x4B4, v5;
	_ =	sdelay $0x2  }
0x252: {  	[tilespmem:s19+$0x240] =	vst v4  }
0x253: {  	[tilespmem:s19+$0x250] =	vst v3  }
0x254: {  	v3 =	vld.idx.msk [tilespmem:v5+s8+$0x0], $0xffff;
	_ =	sdelay $0x4  }
0x255: {  	v3 =	vshll.u32 v3, $0x5  }
0x256: {  	v39 =	vor.u32 v0, v3  }
0x257: {  	s30 =	sadd.s32 $0xFFFFFFFE, s17;
	v3 =	vor.u32 v2, v3  }
0x258: {  	v40 =	vmov s30  }
0x259: {  	v5 =	vshrl.u32 v40, $0x3  }
0x25a: {  	v5 =	vshll.u32 v5, v1  }
0x25b: {  	v5 =	vbroadcast v5, $0x0;
	v4 =	vld.idx.msk [tilespmem:v39+s29+$0x0], $0xffff  }
0x25c: {  	v3 =	vld.idx.msk [tilespmem:v3+s29+$0x0], $0xffff  }
0x25d: {  	v41 =	vor.u32 $0x5, v5;
	_ =	sdelay $0x2  }
0x25e: {  	[tilespmem:s19+$0x260] =	vst v4  }
0x25f: {  	[tilespmem:s19+$0x270] =	vst v3  }
0x260: {  	v3 =	vld.idx.msk [tilespmem:v41+s8+$0x0], $0xffff;
	_ =	sdelay $0x4  }
0x261: {  	v3 =	vshll.u32 v3, $0x5  }
0x262: {  	v42 =	vor.u32 v0, v3  }
0x263: {  	v3 =	vor.u32 v2, v3;
	_ =	sdelay $0x3  }
0x264: {  	v4 =	vld.idx.msk [tilespmem:v42+s3+$0x0], $0xffff  }
0x265: {  	v3 =	vld.idx.msk [tilespmem:v3+s3+$0x0], $0xffff  }
0x266: {  	v43 =	vadd.s32 $0x195, v5;
	_ =	sdelay $0x2  }
0x267: {  	[tilespmem:s19+$0x280] =	vst v4  }
0x268: {  	[tilespmem:s19+$0x290] =	vst v3  }
0x269: {  	v3 =	vld.idx.msk [tilespmem:v43+s8+$0x0], $0xffff;
	_ =	sdelay $0x4  }
0x26a: {  	v3 =	vshll.u32 v3, $0x5  }
0x26b: {  	v44 =	vor.u32 v0, v3  }
0x26c: {  	v3 =	vor.u32 v2, v3;
	_ =	sdelay $0x3  }
0x26d: {  	v4 =	vld.idx.msk [tilespmem:v44+s26+$0x0], $0xffff  }
0x26e: {  	v3 =	vld.idx.msk [tilespmem:v3+s26+$0x0], $0xffff  }
0x26f: {  	v45 =	vadd.s32 $0x325, v5;
	_ =	sdelay $0x2  }
0x270: {  	[tilespmem:s19+$0x2A0] =	vst v4  }
0x271: {  	[tilespmem:s19+$0x2B0] =	vst v3  }
0x272: {  	v3 =	vld.idx.msk [tilespmem:v45+s8+$0x0], $0xffff;
	_ =	sdelay $0x4  }
0x273: {  	v3 =	vshll.u32 v3, $0x5  }
0x274: {  	v46 =	vor.u32 v0, v3  }
0x275: {  	v3 =	vor.u32 v2, v3;
	_ =	sdelay $0x3  }
0x276: {  	v4 =	vld.idx.msk [tilespmem:v46+s28+$0x0], $0xffff  }
0x277: {  	v3 =	vld.idx.msk [tilespmem:v3+s28+$0x0], $0xffff  }
0x278: {  	v5 =	vadd.s32 $0x4B5, v5;
	_ =	sdelay $0x2  }
0x279: {  	[tilespmem:s19+$0x2C0] =	vst v4  }
0x27a: {  	[tilespmem:s19+$0x2D0] =	vst v3  }
0x27b: {  	v3 =	vld.idx.msk [tilespmem:v5+s8+$0x0], $0xffff;
	_ =	sdelay $0x4  }
0x27c: {  	v3 =	vshll.u32 v3, $0x5  }
0x27d: {  	v47 =	vor.u32 v0, v3  }
0x27e: {  	s30 =	sadd.s32 $0xFFFFFFFF, s17;
	v3 =	vor.u32 v2, v3  }
0x27f: {  	v48 =	vmov s30  }
0x280: {  	v5 =	vshrl.u32 v48, $0x3  }
0x281: {  	v5 =	vshll.u32 v5, v1  }
0x282: {  	v5 =	vbroadcast v5, $0x0;
	v4 =	vld.idx.msk [tilespmem:v47+s29+$0x0], $0xffff  }
0x283: {  	v3 =	vld.idx.msk [tilespmem:v3+s29+$0x0], $0xffff  }
0x284: {  	v49 =	vor.u32 $0x6, v5;
	_ =	sdelay $0x2  }
0x285: {  	[tilespmem:s19+$0x2E0] =	vst v4  }
0x286: {  	[tilespmem:s19+$0x2F0] =	vst v3  }
0x287: {  	v3 =	vld.idx.msk [tilespmem:v49+s8+$0x0], $0xffff;
	_ =	sdelay $0x4  }
0x288: {  	v3 =	vshll.u32 v3, $0x5  }
0x289: {  	v50 =	vor.u32 v0, v3  }
0x28a: {  	v3 =	vor.u32 v2, v3;
	_ =	sdelay $0x3  }
0x28b: {  	v4 =	vld.idx.msk [tilespmem:v50+s3+$0x0], $0xffff  }
0x28c: {  	v3 =	vld.idx.msk [tilespmem:v3+s3+$0x0], $0xffff  }
0x28d: {  	v51 =	vadd.s32 $0x196, v5;
	_ =	sdelay $0x2  }
0x28e: {  	[tilespmem:s19+$0x300] =	vst v4  }
0x28f: {  	[tilespmem:s19+$0x310] =	vst v3  }
0x290: {  	v3 =	vld.idx.msk [tilespmem:v51+s8+$0x0], $0xffff;
	_ =	sdelay $0x4  }
0x291: {  	v3 =	vshll.u32 v3, $0x5  }
0x292: {  	v52 =	vor.u32 v0, v3  }
0x293: {  	v3 =	vor.u32 v2, v3;
	_ =	sdelay $0x3  }
0x294: {  	v4 =	vld.idx.msk [tilespmem:v52+s26+$0x0], $0xffff  }
0x295: {  	v3 =	vld.idx.msk [tilespmem:v3+s26+$0x0], $0xffff  }
0x296: {  	v53 =	vadd.s32 $0x326, v5;
	_ =	sdelay $0x2  }
0x297: {  	[tilespmem:s19+$0x320] =	vst v4  }
0x298: {  	[tilespmem:s19+$0x330] =	vst v3  }
0x299: {  	v3 =	vld.idx.msk [tilespmem:v53+s8+$0x0], $0xffff;
	_ =	sdelay $0x4  }
0x29a: {  	v3 =	vshll.u32 v3, $0x5  }
0x29b: {  	v54 =	vor.u32 v0, v3  }
0x29c: {  	v3 =	vor.u32 v2, v3;
	_ =	sdelay $0x3  }
0x29d: {  	v4 =	vld.idx.msk [tilespmem:v54+s28+$0x0], $0xffff  }
0x29e: {  	v3 =	vld.idx.msk [tilespmem:v3+s28+$0x0], $0xffff  }
0x29f: {  	v5 =	vadd.s32 $0x4B6, v5;
	_ =	sdelay $0x2  }
0x2a0: {  	[tilespmem:s19+$0x340] =	vst v4  }
0x2a1: {  	[tilespmem:s19+$0x350] =	vst v3  }
0x2a2: {  	v3 =	vld.idx.msk [tilespmem:v5+s8+$0x0], $0xffff;
	_ =	sdelay $0x4  }
0x2a3: {  	v3 =	vshll.u32 v3, $0x5  }
0x2a4: {  	v55 =	vor.u32 v0, v3  }
0x2a5: {  	v3 =	vor.u32 v2, v3  }
0x2a6: {  	v56 =	vmov s17  }
0x2a7: {  	v5 =	vshrl.u32 v56, $0x3  }
0x2a8: {  	v5 =	vshll.u32 v5, v1  }
0x2a9: {  	v5 =	vbroadcast v5, $0x0;
	v4 =	vld.idx.msk [tilespmem:v55+s29+$0x0], $0xffff  }
0x2aa: {  	v3 =	vld.idx.msk [tilespmem:v3+s29+$0x0], $0xffff  }
0x2ab: {  	v57 =	vor.u32 $0x7, v5;
	_ =	sdelay $0x2  }
0x2ac: {  	[tilespmem:s19+$0x360] =	vst v4  }
0x2ad: {  	[tilespmem:s19+$0x370] =	vst v3  }
0x2ae: {  	v3 =	vld.idx.msk [tilespmem:v57+s8+$0x0], $0xffff;
	_ =	sdelay $0x4  }
0x2af: {  	v3 =	vshll.u32 v3, $0x5  }
0x2b0: {  	v58 =	vor.u32 v0, v3  }
0x2b1: {  	v3 =	vor.u32 v2, v3;
	_ =	sdelay $0x3  }
0x2b2: {  	v4 =	vld.idx.msk [tilespmem:v58+s3+$0x0], $0xffff  }
0x2b3: {  	v3 =	vld.idx.msk [tilespmem:v3+s3+$0x0], $0xffff  }
0x2b4: {  	v59 =	vadd.s32 $0x197, v5;
	_ =	sdelay $0x2  }
0x2b5: {  	[tilespmem:s19+$0x380] =	vst v4  }
0x2b6: {  	[tilespmem:s19+$0x390] =	vst v3  }
0x2b7: {  	v3 =	vld.idx.msk [tilespmem:v59+s8+$0x0], $0xffff;
	_ =	sdelay $0x4  }
0x2b8: {  	v3 =	vshll.u32 v3, $0x5  }
0x2b9: {  	v60 =	vor.u32 v0, v3  }
0x2ba: {  	v3 =	vor.u32 v2, v3;
	_ =	sdelay $0x3  }
0x2bb: {  	v4 =	vld.idx.msk [tilespmem:v60+s26+$0x0], $0xffff  }
0x2bc: {  	v3 =	vld.idx.msk [tilespmem:v3+s26+$0x0], $0xffff  }
0x2bd: {  	v61 =	vadd.s32 $0x327, v5;
	_ =	sdelay $0x2  }
0x2be: {  	[tilespmem:s19+$0x3A0] =	vst v4  }
0x2bf: {  	[tilespmem:s19+$0x3B0] =	vst v3  }
0x2c0: {  	v3 =	vld.idx.msk [tilespmem:v61+s8+$0x0], $0xffff;
	_ =	sdelay $0x4  }
0x2c1: {  	v3 =	vshll.u32 v3, $0x5  }
0x2c2: {  	v62 =	vor.u32 v0, v3  }
0x2c3: {  	v3 =	vor.u32 v2, v3;
	_ =	sdelay $0x3  }
0x2c4: {  	v4 =	vld.idx.msk [tilespmem:v62+s28+$0x0], $0xffff  }
0x2c5: {  	v3 =	vld.idx.msk [tilespmem:v3+s28+$0x0], $0xffff  }
0x2c6: {  	v5 =	vadd.s32 $0x4B7, v5;
	_ =	sdelay $0x2  }
0x2c7: {  	[tilespmem:s19+$0x3C0] =	vst v4  }
0x2c8: {  	[tilespmem:s19+$0x3D0] =	vst v3  }
0x2c9: {  	v3 =	vld.idx.msk [tilespmem:v5+s8+$0x0], $0xffff;
	_ =	sdelay $0x4  }
0x2ca: {  	v3 =	vshll.u32 v3, $0x5  }
0x2cb: {  	v63 =	vor.u32 v0, v3  }
0x2cc: {  	v3 =	vor.u32 v2, v3;
	_ =	sdelay $0x3  }
0x2cd: {  	v4 =	vld.idx.msk [tilespmem:v63+s29+$0x0], $0xffff  }
0x2ce: {  	p1 =	sne.s32 s17, $0x18F;
	v3 =	vld.idx.msk [tilespmem:v3+s29+$0x0], $0xffff  }
.Ltmp2:
0x2cf: {  	_ = 	snop;
	(pc) =	sbr.rel @p1 .LBB2_3-.Ltmp2, $3  }
0x2d0: {  	_ =	sdelay $0x1  }
0x2d1: {  	s25 =	sadd.s32 $0x10, s25;
	[tilespmem:s19+$0x3E0] =	vst v4  }
0x2d2: {  	s18 =	sadd.s32 $0x10, s18;
	s17 =	sadd.s32 $0x10, s17;
	[tilespmem:s19+$0x3F0] =	vst v3;
	s19 =	sadd.s32 $0x800, s19  }
0x2d3: {  	s17 =	sshll.u32 s24, $0x5  }
0x2d4: {  	p1 =	seq.s32 s20, $0x18;
	s17 =	sadd.s32 s12, s17  }
0x2d5: {  	[hbm4b:s17+s10] =	stream.strided.scatter [tilespmem:s13], [sflag:$0x3], $0xC800, s11, s10, $0x38;
	[tilespmem:$0x1E900] =	vst v63  }
0x2d6: {  	s17 =	sadd.s32 @!p1 s21, s22  }
0x2d7: {  	s17 =	sshrl.u32 @!p1 s17, $0x3  }
0x2d8: {  	s19 =	simm.s32 @!p1 $0x0;
	s24 =	simm.s32 @!p1 $0x4640;
	s18 =	sadd.s32 @!p1 s4, s17  }
0x2d9: {  	[tilespmem:s24], [sflag:$0x1] =	stream.linear.gather @!p1 [hbm4b:s18+s19], $0x190, $0x38;
	[tilespmem:$0x1E900] =	vst v63  }
0x2da: {  	s18 =	sadd.s32 @!p1 s5, s17;
	s24 =	simm.s32 @!p1 $0x47D0  }
0x2db: {  	[tilespmem:s24], [sflag:$0x1] =	stream.linear.gather @!p1 [hbm4b:s18+s19], $0x190, $0x38;
	[tilespmem:$0x1E900] =	vst v63  }
0x2dc: {  	s18 =	sadd.s32 @!p1 s6, s17;
	s24 =	simm.s32 @!p1 $0x4960  }
0x2dd: {  	[tilespmem:s24], [sflag:$0x1] =	stream.linear.gather @!p1 [hbm4b:s18+s19], $0x190, $0x38;
	[tilespmem:$0x1E900] =	vst v63  }
0x2de: {  	s17 =	sadd.s32 @!p1 s1, s17;
	s18 =	simm.s32 @!p1 $0x4AF0  }
0x2df: {  	[tilespmem:s18], [sflag:$0x1] =	stream.linear.gather @!p1 [hbm4b:s17+s19], $0x190, $0x38;
	[tilespmem:$0x1E900] =	vst v63  }
0x2e0: {  	_ =	swait.ge [sflag:s15], $0x190  }
0x2e1: {  	[sflag:s15] =	ssyncset.done $0x0  }
0x2e2: {  	[sflag:s15] =	ssyncadd.s32 $0xFFFFFE70  }
0x2e3: {  	_ =	swait.ge [sflag:s15], $0x190  }
0x2e4: {  	[sflag:s15] =	ssyncset.done $0x0  }
0x2e5: {  	[sflag:s15] =	ssyncadd.s32 $0xFFFFFE70  }
0x2e6: {  	_ =	swait.ge [sflag:s15], $0x190  }
0x2e7: {  	[sflag:s15] =	ssyncset.done $0x0  }
0x2e8: {  	[sflag:s15] =	ssyncadd.s32 $0xFFFFFE70  }
0x2e9: {  	_ =	swait.ge [sflag:s15], $0x190  }
0x2ea: {  	[sflag:s15] =	ssyncset.done $0x0  }
0x2eb: {  	s17 =	simm.s32 @!p0 $0x4;
	[sflag:s15] =	ssyncadd.s32 $0xFFFFFE70  }
0x2ec: {  	s25 =	simm.s32 $0x4FA0;
	_ =	swait.ge @!p0 [sflag:s17], $0xC800  }
0x2ed: {  	s24 =	sadd.s32 s21, s14;
	s18 =	simm.s32 $0x55E0;
	[sflag:s17] =	ssyncset.done @!p0 $0x0  }
0x2ee: {  	s19 =	simm.s32 $0x12500;
	[sflag:s17] =	ssyncadd.s32 @!p0 $0xFFFF3800;
	s17 =	simm.s32 $0xF  }
.LBB2_5:
0x2ef: {  	v3 =	vld [tilespmem:s25+$0xFFFFFCE0];
	_ =	sdelay $0x4  }
0x2f0: {  	v3 =	vtrunc.f32 v3  }
0x2f1: {  	v3 =	vcvt.f32.s32 v3;
	_ =	sdelay $0x1  }
0x2f2: {  	[tilespmem:s18+$0xFFFFFCE0] =	vst v3  }
0x2f3: {  	v3 =	vld [tilespmem:s25+$0xFFFFFE70];
	_ =	sdelay $0x4  }
0x2f4: {  	v3 =	vtrunc.f32 v3  }
0x2f5: {  	v3 =	vcvt.f32.s32 v3;
	_ =	sdelay $0x1  }
0x2f6: {  	[tilespmem:s18+$0xFFFFFE70] =	vst v3  }
0x2f7: {  	v3 =	vld [tilespmem:s25+$0x0];
	_ =	sdelay $0x4  }
0x2f8: {  	v3 =	vtrunc.f32 v3  }
0x2f9: {  	v3 =	vcvt.f32.s32 v3;
	_ =	sdelay $0x1  }
0x2fa: {  	s30 =	sadd.s32 $0xFFFFFFF1, s17;
	[tilespmem:s18+$0x0] =	vst v3  }
0x2fb: {  	v4 =	vmov s30;
	v3 =	vld [tilespmem:s25+$0x190]  }
0x2fc: {  	v4 =	vshrl.u32 v4, $0x3  }
0x2fd: {  	v4 =	vshll.u32 v4, v1  }
0x2fe: {  	v4 =	vbroadcast v4, $0x0;
	_ =	sdelay $0x1  }
0x2ff: {  	v3 =	vtrunc.f32 v3  }
0x300: {  	v3 =	vcvt.f32.s32 v3;
	_ =	sdelay $0x1  }
0x301: {  	[tilespmem:s18+$0x190] =	vst v3  }
0x302: {  	v3 =	vld.idx.msk [tilespmem:v4+s8+$0x0], $0xffff;
	_ =	sdelay $0x4  }
0x303: {  	v3 =	vshll.u32 v3, $0x5  }
0x304: {  	v5 =	vor.u32 v0, v3  }
0x305: {  	v3 =	vor.u32 v2, v3;
	_ =	sdelay $0x3  }
0x306: {  	v5 =	vld.idx.msk [tilespmem:v5+s3+$0x0], $0xffff  }
0x307: {  	v3 =	vld.idx.msk [tilespmem:v3+s3+$0x0], $0xffff  }
0x308: {  	v6 =	vadd.s32 $0x190, v4;
	_ =	sdelay $0x2  }
0x309: {  	[tilespmem:s19+$0xFFFFFC00] =	vst v5  }
0x30a: {  	[tilespmem:s19+$0xFFFFFC10] =	vst v3  }
0x30b: {  	v3 =	vld.idx.msk [tilespmem:v6+s8+$0x0], $0xffff;
	_ =	sdelay $0x4  }
0x30c: {  	v3 =	vshll.u32 v3, $0x5  }
0x30d: {  	v53 =	vor.u32 v0, v3  }
0x30e: {  	v3 =	vor.u32 v2, v3;
	_ =	sdelay $0x3  }
0x30f: {  	v5 =	vld.idx.msk [tilespmem:v53+s26+$0x0], $0xffff  }
0x310: {  	v3 =	vld.idx.msk [tilespmem:v3+s26+$0x0], $0xffff  }
0x311: {  	v54 =	vadd.s32 $0x320, v4;
	_ =	sdelay $0x2  }
0x312: {  	[tilespmem:s19+$0xFFFFFC20] =	vst v5  }
0x313: {  	[tilespmem:s19+$0xFFFFFC30] =	vst v3  }
0x314: {  	v3 =	vld.idx.msk [tilespmem:v54+s8+$0x0], $0xffff;
	_ =	sdelay $0x4  }
0x315: {  	v3 =	vshll.u32 v3, $0x5  }
0x316: {  	v55 =	vor.u32 v0, v3  }
0x317: {  	v3 =	vor.u32 v2, v3;
	_ =	sdelay $0x3  }
0x318: {  	v5 =	vld.idx.msk [tilespmem:v55+s28+$0x0], $0xffff  }
0x319: {  	v3 =	vld.idx.msk [tilespmem:v3+s28+$0x0], $0xffff  }
0x31a: {  	v4 =	vadd.s32 $0x4B0, v4;
	_ =	sdelay $0x2  }
0x31b: {  	[tilespmem:s19+$0xFFFFFC40] =	vst v5  }
0x31c: {  	[tilespmem:s19+$0xFFFFFC50] =	vst v3  }
0x31d: {  	v3 =	vld.idx.msk [tilespmem:v4+s8+$0x0], $0xffff;
	_ =	sdelay $0x4  }
0x31e: {  	v3 =	vshll.u32 v3, $0x5  }
0x31f: {  	v56 =	vor.u32 v0, v3  }
0x320: {  	s30 =	sadd.s32 $0xFFFFFFF2, s17;
	v3 =	vor.u32 v2, v3  }
0x321: {  	v57 =	vmov s30  }
0x322: {  	v5 =	vshrl.u32 v57, $0x3  }
0x323: {  	v5 =	vshll.u32 v5, v1  }
0x324: {  	v5 =	vbroadcast v5, $0x0;
	v4 =	vld.idx.msk [tilespmem:v56+s29+$0x0], $0xffff  }
0x325: {  	v3 =	vld.idx.msk [tilespmem:v3+s29+$0x0], $0xffff  }
0x326: {  	v58 =	vor.u32 $0x1, v5;
	_ =	sdelay $0x2  }
0x327: {  	[tilespmem:s19+$0xFFFFFC60] =	vst v4  }
0x328: {  	[tilespmem:s19+$0xFFFFFC70] =	vst v3  }
0x329: {  	v3 =	vld.idx.msk [tilespmem:v58+s8+$0x0], $0xffff;
	_ =	sdelay $0x4  }
0x32a: {  	v3 =	vshll.u32 v3, $0x5  }
0x32b: {  	v59 =	vor.u32 v0, v3  }
0x32c: {  	v3 =	vor.u32 v2, v3;
	_ =	sdelay $0x3  }
0x32d: {  	v4 =	vld.idx.msk [tilespmem:v59+s3+$0x0], $0xffff  }
0x32e: {  	v3 =	vld.idx.msk [tilespmem:v3+s3+$0x0], $0xffff  }
0x32f: {  	v60 =	vadd.s32 $0x191, v5;
	_ =	sdelay $0x2  }
0x330: {  	[tilespmem:s19+$0xFFFFFC80] =	vst v4  }
0x331: {  	[tilespmem:s19+$0xFFFFFC90] =	vst v3  }
0x332: {  	v3 =	vld.idx.msk [tilespmem:v60+s8+$0x0], $0xffff;
	_ =	sdelay $0x4  }
0x333: {  	v3 =	vshll.u32 v3, $0x5  }
0x334: {  	v61 =	vor.u32 v0, v3  }
0x335: {  	v3 =	vor.u32 v2, v3;
	_ =	sdelay $0x3  }
0x336: {  	v4 =	vld.idx.msk [tilespmem:v61+s26+$0x0], $0xffff  }
0x337: {  	v3 =	vld.idx.msk [tilespmem:v3+s26+$0x0], $0xffff  }
0x338: {  	v62 =	vadd.s32 $0x321, v5;
	_ =	sdelay $0x2  }
0x339: {  	[tilespmem:s19+$0xFFFFFCA0] =	vst v4  }
0x33a: {  	[tilespmem:s19+$0xFFFFFCB0] =	vst v3  }
0x33b: {  	v3 =	vld.idx.msk [tilespmem:v62+s8+$0x0], $0xffff;
	_ =	sdelay $0x4  }
0x33c: {  	v3 =	vshll.u32 v3, $0x5  }
0x33d: {  	v63 =	vor.u32 v0, v3  }
0x33e: {  	v3 =	vor.u32 v2, v3;
	_ =	sdelay $0x3  }
0x33f: {  	v4 =	vld.idx.msk [tilespmem:v63+s28+$0x0], $0xffff  }
0x340: {  	v3 =	vld.idx.msk [tilespmem:v3+s28+$0x0], $0xffff  }
0x341: {  	v5 =	vadd.s32 $0x4B1, v5;
	_ =	sdelay $0x2  }
0x342: {  	[tilespmem:s19+$0xFFFFFCC0] =	vst v4  }
0x343: {  	[tilespmem:s19+$0xFFFFFCD0] =	vst v3  }
0x344: {  	v3 =	vld.idx.msk [tilespmem:v5+s8+$0x0], $0xffff;
	_ =	sdelay $0x4  }
0x345: {  	v3 =	vshll.u32 v3, $0x5  }
0x346: {  	v8 =	vor.u32 v0, v3  }
0x347: {  	s30 =	sadd.s32 $0xFFFFFFF3, s17;
	v3 =	vor.u32 v2, v3  }
0x348: {  	v9 =	vmov s30  }
0x349: {  	v5 =	vshrl.u32 v9, $0x3  }
0x34a: {  	v5 =	vshll.u32 v5, v1  }
0x34b: {  	v5 =	vbroadcast v5, $0x0;
	v4 =	vld.idx.msk [tilespmem:v8+s29+$0x0], $0xffff  }
0x34c: {  	v3 =	vld.idx.msk [tilespmem:v3+s29+$0x0], $0xffff  }
0x34d: {  	v10 =	vor.u32 $0x2, v5;
	_ =	sdelay $0x2  }
0x34e: {  	[tilespmem:s19+$0xFFFFFCE0] =	vst v4  }
0x34f: {  	[tilespmem:s19+$0xFFFFFCF0] =	vst v3  }
0x350: {  	v3 =	vld.idx.msk [tilespmem:v10+s8+$0x0], $0xffff;
	_ =	sdelay $0x4  }
0x351: {  	v3 =	vshll.u32 v3, $0x5  }
0x352: {  	v11 =	vor.u32 v0, v3  }
0x353: {  	v3 =	vor.u32 v2, v3;
	_ =	sdelay $0x3  }
0x354: {  	v4 =	vld.idx.msk [tilespmem:v11+s3+$0x0], $0xffff  }
0x355: {  	v3 =	vld.idx.msk [tilespmem:v3+s3+$0x0], $0xffff  }
0x356: {  	v12 =	vadd.s32 $0x192, v5;
	_ =	sdelay $0x2  }
0x357: {  	[tilespmem:s19+$0xFFFFFD00] =	vst v4  }
0x358: {  	[tilespmem:s19+$0xFFFFFD10] =	vst v3  }
0x359: {  	v3 =	vld.idx.msk [tilespmem:v12+s8+$0x0], $0xffff;
	_ =	sdelay $0x4  }
0x35a: {  	v3 =	vshll.u32 v3, $0x5  }
0x35b: {  	v13 =	vor.u32 v0, v3  }
0x35c: {  	v3 =	vor.u32 v2, v3;
	_ =	sdelay $0x3  }
0x35d: {  	v4 =	vld.idx.msk [tilespmem:v13+s26+$0x0], $0xffff  }
0x35e: {  	v3 =	vld.idx.msk [tilespmem:v3+s26+$0x0], $0xffff  }
0x35f: {  	v14 =	vadd.s32 $0x322, v5;
	_ =	sdelay $0x2  }
0x360: {  	[tilespmem:s19+$0xFFFFFD20] =	vst v4  }
0x361: {  	[tilespmem:s19+$0xFFFFFD30] =	vst v3  }
0x362: {  	v3 =	vld.idx.msk [tilespmem:v14+s8+$0x0], $0xffff;
	_ =	sdelay $0x4  }
0x363: {  	v3 =	vshll.u32 v3, $0x5  }
0x364: {  	v15 =	vor.u32 v0, v3  }
0x365: {  	v3 =	vor.u32 v2, v3;
	_ =	sdelay $0x3  }
0x366: {  	v4 =	vld.idx.msk [tilespmem:v15+s28+$0x0], $0xffff  }
0x367: {  	v3 =	vld.idx.msk [tilespmem:v3+s28+$0x0], $0xffff  }
0x368: {  	v5 =	vadd.s32 $0x4B2, v5;
	_ =	sdelay $0x2  }
0x369: {  	[tilespmem:s19+$0xFFFFFD40] =	vst v4  }
0x36a: {  	[tilespmem:s19+$0xFFFFFD50] =	vst v3  }
0x36b: {  	v3 =	vld.idx.msk [tilespmem:v5+s8+$0x0], $0xffff;
	_ =	sdelay $0x4  }
0x36c: {  	v3 =	vshll.u32 v3, $0x5  }
0x36d: {  	v16 =	vor.u32 v0, v3  }
0x36e: {  	s30 =	sadd.s32 $0xFFFFFFF4, s17;
	v3 =	vor.u32 v2, v3  }
0x36f: {  	v17 =	vmov s30  }
0x370: {  	v5 =	vshrl.u32 v17, $0x3  }
0x371: {  	v5 =	vshll.u32 v5, v1  }
0x372: {  	v5 =	vbroadcast v5, $0x0;
	v4 =	vld.idx.msk [tilespmem:v16+s29+$0x0], $0xffff  }
0x373: {  	v3 =	vld.idx.msk [tilespmem:v3+s29+$0x0], $0xffff  }
0x374: {  	v18 =	vor.u32 $0x3, v5;
	_ =	sdelay $0x2  }
0x375: {  	[tilespmem:s19+$0xFFFFFD60] =	vst v4  }
0x376: {  	[tilespmem:s19+$0xFFFFFD70] =	vst v3  }
0x377: {  	v3 =	vld.idx.msk [tilespmem:v18+s8+$0x0], $0xffff;
	_ =	sdelay $0x4  }
0x378: {  	v3 =	vshll.u32 v3, $0x5  }
0x379: {  	v19 =	vor.u32 v0, v3  }
0x37a: {  	v3 =	vor.u32 v2, v3;
	_ =	sdelay $0x3  }
0x37b: {  	v4 =	vld.idx.msk [tilespmem:v19+s3+$0x0], $0xffff  }
0x37c: {  	v3 =	vld.idx.msk [tilespmem:v3+s3+$0x0], $0xffff  }
0x37d: {  	v20 =	vadd.s32 $0x193, v5;
	_ =	sdelay $0x2  }
0x37e: {  	[tilespmem:s19+$0xFFFFFD80] =	vst v4  }
0x37f: {  	[tilespmem:s19+$0xFFFFFD90] =	vst v3  }
0x380: {  	v3 =	vld.idx.msk [tilespmem:v20+s8+$0x0], $0xffff;
	_ =	sdelay $0x4  }
0x381: {  	v3 =	vshll.u32 v3, $0x5  }
0x382: {  	v21 =	vor.u32 v0, v3  }
0x383: {  	v3 =	vor.u32 v2, v3;
	_ =	sdelay $0x3  }
0x384: {  	v4 =	vld.idx.msk [tilespmem:v21+s26+$0x0], $0xffff  }
0x385: {  	v3 =	vld.idx.msk [tilespmem:v3+s26+$0x0], $0xffff  }
0x386: {  	v22 =	vadd.s32 $0x323, v5;
	_ =	sdelay $0x2  }
0x387: {  	[tilespmem:s19+$0xFFFFFDA0] =	vst v4  }
0x388: {  	[tilespmem:s19+$0xFFFFFDB0] =	vst v3  }
0x389: {  	v3 =	vld.idx.msk [tilespmem:v22+s8+$0x0], $0xffff;
	_ =	sdelay $0x4  }
0x38a: {  	v3 =	vshll.u32 v3, $0x5  }
0x38b: {  	v23 =	vor.u32 v0, v3  }
0x38c: {  	v3 =	vor.u32 v2, v3;
	_ =	sdelay $0x3  }
0x38d: {  	v4 =	vld.idx.msk [tilespmem:v23+s28+$0x0], $0xffff  }
0x38e: {  	v3 =	vld.idx.msk [tilespmem:v3+s28+$0x0], $0xffff  }
0x38f: {  	v5 =	vadd.s32 $0x4B3, v5;
	_ =	sdelay $0x2  }
0x390: {  	[tilespmem:s19+$0xFFFFFDC0] =	vst v4  }
0x391: {  	[tilespmem:s19+$0xFFFFFDD0] =	vst v3  }
0x392: {  	v3 =	vld.idx.msk [tilespmem:v5+s8+$0x0], $0xffff;
	_ =	sdelay $0x4  }
0x393: {  	v3 =	vshll.u32 v3, $0x5  }
0x394: {  	v24 =	vor.u32 v0, v3  }
0x395: {  	s30 =	sadd.s32 $0xFFFFFFF5, s17;
	v3 =	vor.u32 v2, v3  }
0x396: {  	v25 =	vmov s30  }
0x397: {  	v5 =	vshrl.u32 v25, $0x3  }
0x398: {  	v5 =	vshll.u32 v5, v1  }
0x399: {  	v5 =	vbroadcast v5, $0x0;
	v4 =	vld.idx.msk [tilespmem:v24+s29+$0x0], $0xffff  }
0x39a: {  	v3 =	vld.idx.msk [tilespmem:v3+s29+$0x0], $0xffff  }
0x39b: {  	v26 =	vor.u32 $0x4, v5;
	_ =	sdelay $0x2  }
0x39c: {  	[tilespmem:s19+$0xFFFFFDE0] =	vst v4  }
0x39d: {  	[tilespmem:s19+$0xFFFFFDF0] =	vst v3  }
0x39e: {  	v3 =	vld.idx.msk [tilespmem:v26+s8+$0x0], $0xffff;
	_ =	sdelay $0x4  }
0x39f: {  	v3 =	vshll.u32 v3, $0x5  }
0x3a0: {  	v27 =	vor.u32 v0, v3  }
0x3a1: {  	v3 =	vor.u32 v2, v3;
	_ =	sdelay $0x3  }
0x3a2: {  	v4 =	vld.idx.msk [tilespmem:v27+s3+$0x0], $0xffff  }
0x3a3: {  	v3 =	vld.idx.msk [tilespmem:v3+s3+$0x0], $0xffff  }
0x3a4: {  	v28 =	vadd.s32 $0x194, v5;
	_ =	sdelay $0x2  }
0x3a5: {  	[tilespmem:s19+$0xFFFFFE00] =	vst v4  }
0x3a6: {  	[tilespmem:s19+$0xFFFFFE10] =	vst v3  }
0x3a7: {  	v3 =	vld.idx.msk [tilespmem:v28+s8+$0x0], $0xffff;
	_ =	sdelay $0x4  }
0x3a8: {  	v3 =	vshll.u32 v3, $0x5  }
0x3a9: {  	v29 =	vor.u32 v0, v3  }
0x3aa: {  	v3 =	vor.u32 v2, v3;
	_ =	sdelay $0x3  }
0x3ab: {  	v4 =	vld.idx.msk [tilespmem:v29+s26+$0x0], $0xffff  }
0x3ac: {  	v3 =	vld.idx.msk [tilespmem:v3+s26+$0x0], $0xffff  }
0x3ad: {  	v30 =	vadd.s32 $0x324, v5;
	_ =	sdelay $0x2  }
0x3ae: {  	[tilespmem:s19+$0xFFFFFE20] =	vst v4  }
0x3af: {  	[tilespmem:s19+$0xFFFFFE30] =	vst v3  }
0x3b0: {  	v3 =	vld.idx.msk [tilespmem:v30+s8+$0x0], $0xffff;
	_ =	sdelay $0x4  }
0x3b1: {  	v3 =	vshll.u32 v3, $0x5  }
0x3b2: {  	v31 =	vor.u32 v0, v3  }
0x3b3: {  	v3 =	vor.u32 v2, v3;
	_ =	sdelay $0x3  }
0x3b4: {  	v4 =	vld.idx.msk [tilespmem:v31+s28+$0x0], $0xffff  }
0x3b5: {  	v3 =	vld.idx.msk [tilespmem:v3+s28+$0x0], $0xffff  }
0x3b6: {  	v5 =	vadd.s32 $0x4B4, v5;
	_ =	sdelay $0x2  }
0x3b7: {  	[tilespmem:s19+$0xFFFFFE40] =	vst v4  }
0x3b8: {  	[tilespmem:s19+$0xFFFFFE50] =	vst v3  }
0x3b9: {  	v3 =	vld.idx.msk [tilespmem:v5+s8+$0x0], $0xffff;
	_ =	sdelay $0x4  }
0x3ba: {  	v3 =	vshll.u32 v3, $0x5  }
0x3bb: {  	v32 =	vor.u32 v0, v3  }
0x3bc: {  	s30 =	sadd.s32 $0xFFFFFFF6, s17;
	v3 =	vor.u32 v2, v3  }
0x3bd: {  	v33 =	vmov s30  }
0x3be: {  	v5 =	vshrl.u32 v33, $0x3  }
0x3bf: {  	v5 =	vshll.u32 v5, v1  }
0x3c0: {  	v5 =	vbroadcast v5, $0x0;
	v4 =	vld.idx.msk [tilespmem:v32+s29+$0x0], $0xffff  }
0x3c1: {  	v3 =	vld.idx.msk [tilespmem:v3+s29+$0x0], $0xffff  }
0x3c2: {  	v34 =	vor.u32 $0x5, v5;
	_ =	sdelay $0x2  }
0x3c3: {  	[tilespmem:s19+$0xFFFFFE60] =	vst v4  }
0x3c4: {  	[tilespmem:s19+$0xFFFFFE70] =	vst v3  }
0x3c5: {  	v3 =	vld.idx.msk [tilespmem:v34+s8+$0x0], $0xffff;
	_ =	sdelay $0x4  }
0x3c6: {  	v3 =	vshll.u32 v3, $0x5  }
0x3c7: {  	v35 =	vor.u32 v0, v3  }
0x3c8: {  	v3 =	vor.u32 v2, v3;
	_ =	sdelay $0x3  }
0x3c9: {  	v4 =	vld.idx.msk [tilespmem:v35+s3+$0x0], $0xffff  }
0x3ca: {  	v3 =	vld.idx.msk [tilespmem:v3+s3+$0x0], $0xffff  }
0x3cb: {  	v36 =	vadd.s32 $0x195, v5;
	_ =	sdelay $0x2  }
0x3cc: {  	[tilespmem:s19+$0xFFFFFE80] =	vst v4  }
0x3cd: {  	[tilespmem:s19+$0xFFFFFE90] =	vst v3  }
0x3ce: {  	v3 =	vld.idx.msk [tilespmem:v36+s8+$0x0], $0xffff;
	_ =	sdelay $0x4  }
0x3cf: {  	v3 =	vshll.u32 v3, $0x5  }
0x3d0: {  	v37 =	vor.u32 v0, v3  }
0x3d1: {  	v3 =	vor.u32 v2, v3;
	_ =	sdelay $0x3  }
0x3d2: {  	v4 =	vld.idx.msk [tilespmem:v37+s26+$0x0], $0xffff  }
0x3d3: {  	v3 =	vld.idx.msk [tilespmem:v3+s26+$0x0], $0xffff  }
0x3d4: {  	v38 =	vadd.s32 $0x325, v5;
	_ =	sdelay $0x2  }
0x3d5: {  	[tilespmem:s19+$0xFFFFFEA0] =	vst v4  }
0x3d6: {  	[tilespmem:s19+$0xFFFFFEB0] =	vst v3  }
0x3d7: {  	v3 =	vld.idx.msk [tilespmem:v38+s8+$0x0], $0xffff;
	_ =	sdelay $0x4  }
0x3d8: {  	v3 =	vshll.u32 v3, $0x5  }
0x3d9: {  	v39 =	vor.u32 v0, v3  }
0x3da: {  	v3 =	vor.u32 v2, v3;
	_ =	sdelay $0x3  }
0x3db: {  	v4 =	vld.idx.msk [tilespmem:v39+s28+$0x0], $0xffff  }
0x3dc: {  	v3 =	vld.idx.msk [tilespmem:v3+s28+$0x0], $0xffff  }
0x3dd: {  	v5 =	vadd.s32 $0x4B5, v5;
	_ =	sdelay $0x2  }
0x3de: {  	[tilespmem:s19+$0xFFFFFEC0] =	vst v4  }
0x3df: {  	[tilespmem:s19+$0xFFFFFED0] =	vst v3  }
0x3e0: {  	v3 =	vld.idx.msk [tilespmem:v5+s8+$0x0], $0xffff;
	_ =	sdelay $0x4  }
0x3e1: {  	v3 =	vshll.u32 v3, $0x5  }
0x3e2: {  	v40 =	vor.u32 v0, v3  }
0x3e3: {  	s30 =	sadd.s32 $0xFFFFFFF7, s17;
	v3 =	vor.u32 v2, v3  }
0x3e4: {  	v41 =	vmov s30  }
0x3e5: {  	v5 =	vshrl.u32 v41, $0x3  }
0x3e6: {  	v5 =	vshll.u32 v5, v1  }
0x3e7: {  	v5 =	vbroadcast v5, $0x0;
	v4 =	vld.idx.msk [tilespmem:v40+s29+$0x0], $0xffff  }
0x3e8: {  	v3 =	vld.idx.msk [tilespmem:v3+s29+$0x0], $0xffff  }
0x3e9: {  	v42 =	vor.u32 $0x6, v5;
	_ =	sdelay $0x2  }
0x3ea: {  	[tilespmem:s19+$0xFFFFFEE0] =	vst v4  }
0x3eb: {  	[tilespmem:s19+$0xFFFFFEF0] =	vst v3  }
0x3ec: {  	v3 =	vld.idx.msk [tilespmem:v42+s8+$0x0], $0xffff;
	_ =	sdelay $0x4  }
0x3ed: {  	v3 =	vshll.u32 v3, $0x5  }
0x3ee: {  	v43 =	vor.u32 v0, v3  }
0x3ef: {  	v3 =	vor.u32 v2, v3;
	_ =	sdelay $0x3  }
0x3f0: {  	v4 =	vld.idx.msk [tilespmem:v43+s3+$0x0], $0xffff  }
0x3f1: {  	v3 =	vld.idx.msk [tilespmem:v3+s3+$0x0], $0xffff  }
0x3f2: {  	v44 =	vadd.s32 $0x196, v5;
	_ =	sdelay $0x2  }
0x3f3: {  	[tilespmem:s19+$0xFFFFFF00] =	vst v4  }
0x3f4: {  	[tilespmem:s19+$0xFFFFFF10] =	vst v3  }
0x3f5: {  	v3 =	vld.idx.msk [tilespmem:v44+s8+$0x0], $0xffff;
	_ =	sdelay $0x4  }
0x3f6: {  	v3 =	vshll.u32 v3, $0x5  }
0x3f7: {  	v45 =	vor.u32 v0, v3  }
0x3f8: {  	v3 =	vor.u32 v2, v3;
	_ =	sdelay $0x3  }
0x3f9: {  	v4 =	vld.idx.msk [tilespmem:v45+s26+$0x0], $0xffff  }
0x3fa: {  	v3 =	vld.idx.msk [tilespmem:v3+s26+$0x0], $0xffff  }
0x3fb: {  	v46 =	vadd.s32 $0x326, v5;
	_ =	sdelay $0x2  }
0x3fc: {  	[tilespmem:s19+$0xFFFFFF20] =	vst v4  }
0x3fd: {  	[tilespmem:s19+$0xFFFFFF30] =	vst v3  }
0x3fe: {  	v3 =	vld.idx.msk [tilespmem:v46+s8+$0x0], $0xffff;
	_ =	sdelay $0x4  }
0x3ff: {  	v3 =	vshll.u32 v3, $0x5  }
0x400: {  	v47 =	vor.u32 v0, v3  }
0x401: {  	v3 =	vor.u32 v2, v3;
	_ =	sdelay $0x3  }
0x402: {  	v4 =	vld.idx.msk [tilespmem:v47+s28+$0x0], $0xffff  }
0x403: {  	v3 =	vld.idx.msk [tilespmem:v3+s28+$0x0], $0xffff  }
0x404: {  	v5 =	vadd.s32 $0x4B6, v5;
	_ =	sdelay $0x2  }
0x405: {  	[tilespmem:s19+$0xFFFFFF40] =	vst v4  }
0x406: {  	[tilespmem:s19+$0xFFFFFF50] =	vst v3  }
0x407: {  	v3 =	vld.idx.msk [tilespmem:v5+s8+$0x0], $0xffff;
	_ =	sdelay $0x4  }
0x408: {  	v3 =	vshll.u32 v3, $0x5  }
0x409: {  	v48 =	vor.u32 v0, v3  }
0x40a: {  	s30 =	sadd.s32 $0xFFFFFFF8, s17;
	v3 =	vor.u32 v2, v3  }
0x40b: {  	v49 =	vmov s30  }
0x40c: {  	v5 =	vshrl.u32 v49, $0x3  }
0x40d: {  	v5 =	vshll.u32 v5, v1  }
0x40e: {  	v5 =	vbroadcast v5, $0x0;
	v4 =	vld.idx.msk [tilespmem:v48+s29+$0x0], $0xffff  }
0x40f: {  	v3 =	vld.idx.msk [tilespmem:v3+s29+$0x0], $0xffff  }
0x410: {  	v50 =	vor.u32 $0x7, v5;
	_ =	sdelay $0x2  }
0x411: {  	[tilespmem:s19+$0xFFFFFF60] =	vst v4  }
0x412: {  	[tilespmem:s19+$0xFFFFFF70] =	vst v3  }
0x413: {  	v3 =	vld.idx.msk [tilespmem:v50+s8+$0x0], $0xffff;
	_ =	sdelay $0x4  }
0x414: {  	v3 =	vshll.u32 v3, $0x5  }
0x415: {  	v51 =	vor.u32 v0, v3  }
0x416: {  	v3 =	vor.u32 v2, v3;
	_ =	sdelay $0x3  }
0x417: {  	v4 =	vld.idx.msk [tilespmem:v51+s3+$0x0], $0xffff  }
0x418: {  	v3 =	vld.idx.msk [tilespmem:v3+s3+$0x0], $0xffff  }
0x419: {  	v52 =	vadd.s32 $0x197, v5;
	_ =	sdelay $0x2  }
0x41a: {  	[tilespmem:s19+$0xFFFFFF80] =	vst v4  }
0x41b: {  	[tilespmem:s19+$0xFFFFFF90] =	vst v3  }
0x41c: {  	v3 =	vld.idx.msk [tilespmem:v52+s8+$0x0], $0xffff;
	_ =	sdelay $0x4  }
0x41d: {  	v3 =	vshll.u32 v3, $0x5  }
0x41e: {  	v53 =	vor.u32 v0, v3  }
0x41f: {  	v3 =	vor.u32 v2, v3;
	_ =	sdelay $0x3  }
0x420: {  	v4 =	vld.idx.msk [tilespmem:v53+s26+$0x0], $0xffff  }
0x421: {  	v3 =	vld.idx.msk [tilespmem:v3+s26+$0x0], $0xffff  }
0x422: {  	v54 =	vadd.s32 $0x327, v5;
	_ =	sdelay $0x2  }
0x423: {  	[tilespmem:s19+$0xFFFFFFA0] =	vst v4  }
0x424: {  	[tilespmem:s19+$0xFFFFFFB0] =	vst v3  }
0x425: {  	v3 =	vld.idx.msk [tilespmem:v54+s8+$0x0], $0xffff;
	_ =	sdelay $0x4  }
0x426: {  	v3 =	vshll.u32 v3, $0x5  }
0x427: {  	v55 =	vor.u32 v0, v3  }
0x428: {  	v3 =	vor.u32 v2, v3;
	_ =	sdelay $0x3  }
0x429: {  	v4 =	vld.idx.msk [tilespmem:v55+s28+$0x0], $0xffff  }
0x42a: {  	v3 =	vld.idx.msk [tilespmem:v3+s28+$0x0], $0xffff  }
0x42b: {  	v5 =	vadd.s32 $0x4B7, v5;
	_ =	sdelay $0x2  }
0x42c: {  	[tilespmem:s19+$0xFFFFFFC0] =	vst v4  }
0x42d: {  	[tilespmem:s19+$0xFFFFFFD0] =	vst v3  }
0x42e: {  	v3 =	vld.idx.msk [tilespmem:v5+s8+$0x0], $0xffff;
	_ =	sdelay $0x4  }
0x42f: {  	v3 =	vshll.u32 v3, $0x5  }
0x430: {  	v56 =	vor.u32 v0, v3  }
0x431: {  	v3 =	vor.u32 v2, v3  }
0x432: {  	s30 =	sadd.s32 $0xFFFFFFF9, s17  }
0x433: {  	v57 =	vmov s30  }
0x434: {  	v5 =	vshrl.u32 v57, $0x3  }
0x435: {  	v5 =	vshll.u32 v5, v1;
	v4 =	vld.idx.msk [tilespmem:v56+s29+$0x0], $0xffff  }
0x436: {  	v5 =	vbroadcast v5, $0x0;
	v3 =	vld.idx.msk [tilespmem:v3+s29+$0x0], $0xffff;
	_ =	sdelay $0x3  }
0x437: {  	[tilespmem:s19+$0xFFFFFFE0] =	vst v4  }
0x438: {  	[tilespmem:s19+$0xFFFFFFF0] =	vst v3  }
0x439: {  	v3 =	vld.idx.msk [tilespmem:v5+s8+$0x0], $0xffff;
	_ =	sdelay $0x4  }
0x43a: {  	v3 =	vshll.u32 v3, $0x5  }
0x43b: {  	v58 =	vor.u32 v0, v3  }
0x43c: {  	v3 =	vor.u32 v2, v3;
	_ =	sdelay $0x3  }
0x43d: {  	v4 =	vld.idx.msk [tilespmem:v58+s3+$0x0], $0xffff  }
0x43e: {  	v3 =	vld.idx.msk [tilespmem:v3+s3+$0x0], $0xffff  }
0x43f: {  	v59 =	vadd.s32 $0x190, v5;
	_ =	sdelay $0x2  }
0x440: {  	[tilespmem:s19+$0x0] =	vst v4  }
0x441: {  	[tilespmem:s19+$0x10] =	vst v3  }
0x442: {  	v3 =	vld.idx.msk [tilespmem:v59+s8+$0x0], $0xffff;
	_ =	sdelay $0x4  }
0x443: {  	v3 =	vshll.u32 v3, $0x5  }
0x444: {  	v60 =	vor.u32 v0, v3  }
0x445: {  	v3 =	vor.u32 v2, v3;
	_ =	sdelay $0x3  }
0x446: {  	v4 =	vld.idx.msk [tilespmem:v60+s26+$0x0], $0xffff  }
0x447: {  	v3 =	vld.idx.msk [tilespmem:v3+s26+$0x0], $0xffff  }
0x448: {  	v61 =	vadd.s32 $0x320, v5;
	_ =	sdelay $0x2  }
0x449: {  	[tilespmem:s19+$0x20] =	vst v4  }
0x44a: {  	[tilespmem:s19+$0x30] =	vst v3  }
0x44b: {  	v3 =	vld.idx.msk [tilespmem:v61+s8+$0x0], $0xffff;
	_ =	sdelay $0x4  }
0x44c: {  	v3 =	vshll.u32 v3, $0x5  }
0x44d: {  	v62 =	vor.u32 v0, v3  }
0x44e: {  	v3 =	vor.u32 v2, v3;
	_ =	sdelay $0x3  }
0x44f: {  	v4 =	vld.idx.msk [tilespmem:v62+s28+$0x0], $0xffff  }
0x450: {  	v3 =	vld.idx.msk [tilespmem:v3+s28+$0x0], $0xffff  }
0x451: {  	v5 =	vadd.s32 $0x4B0, v5;
	_ =	sdelay $0x2  }
0x452: {  	[tilespmem:s19+$0x40] =	vst v4  }
0x453: {  	[tilespmem:s19+$0x50] =	vst v3  }
0x454: {  	v3 =	vld.idx.msk [tilespmem:v5+s8+$0x0], $0xffff;
	_ =	sdelay $0x4  }
0x455: {  	v3 =	vshll.u32 v3, $0x5  }
0x456: {  	v63 =	vor.u32 v0, v3  }
0x457: {  	s30 =	sadd.s32 $0xFFFFFFFA, s17;
	v3 =	vor.u32 v2, v3  }
0x458: {  	v8 =	vmov s30  }
0x459: {  	v5 =	vshrl.u32 v8, $0x3  }
0x45a: {  	v5 =	vshll.u32 v5, v1  }
0x45b: {  	v5 =	vbroadcast v5, $0x0;
	v4 =	vld.idx.msk [tilespmem:v63+s29+$0x0], $0xffff  }
0x45c: {  	v3 =	vld.idx.msk [tilespmem:v3+s29+$0x0], $0xffff  }
0x45d: {  	v9 =	vor.u32 $0x1, v5;
	_ =	sdelay $0x2  }
0x45e: {  	[tilespmem:s19+$0x60] =	vst v4  }
0x45f: {  	[tilespmem:s19+$0x70] =	vst v3  }
0x460: {  	v3 =	vld.idx.msk [tilespmem:v9+s8+$0x0], $0xffff;
	_ =	sdelay $0x4  }
0x461: {  	v3 =	vshll.u32 v3, $0x5  }
0x462: {  	v10 =	vor.u32 v0, v3  }
0x463: {  	v3 =	vor.u32 v2, v3;
	_ =	sdelay $0x3  }
0x464: {  	v4 =	vld.idx.msk [tilespmem:v10+s3+$0x0], $0xffff  }
0x465: {  	v3 =	vld.idx.msk [tilespmem:v3+s3+$0x0], $0xffff  }
0x466: {  	v11 =	vadd.s32 $0x191, v5;
	_ =	sdelay $0x2  }
0x467: {  	[tilespmem:s19+$0x80] =	vst v4  }
0x468: {  	[tilespmem:s19+$0x90] =	vst v3  }
0x469: {  	v3 =	vld.idx.msk [tilespmem:v11+s8+$0x0], $0xffff;
	_ =	sdelay $0x4  }
0x46a: {  	v3 =	vshll.u32 v3, $0x5  }
0x46b: {  	v12 =	vor.u32 v0, v3  }
0x46c: {  	v3 =	vor.u32 v2, v3;
	_ =	sdelay $0x3  }
0x46d: {  	v4 =	vld.idx.msk [tilespmem:v12+s26+$0x0], $0xffff  }
0x46e: {  	v3 =	vld.idx.msk [tilespmem:v3+s26+$0x0], $0xffff  }
0x46f: {  	v13 =	vadd.s32 $0x321, v5;
	_ =	sdelay $0x2  }
0x470: {  	[tilespmem:s19+$0xA0] =	vst v4  }
0x471: {  	[tilespmem:s19+$0xB0] =	vst v3  }
0x472: {  	v3 =	vld.idx.msk [tilespmem:v13+s8+$0x0], $0xffff;
	_ =	sdelay $0x4  }
0x473: {  	v3 =	vshll.u32 v3, $0x5  }
0x474: {  	v14 =	vor.u32 v0, v3  }
0x475: {  	v3 =	vor.u32 v2, v3;
	_ =	sdelay $0x3  }
0x476: {  	v4 =	vld.idx.msk [tilespmem:v14+s28+$0x0], $0xffff  }
0x477: {  	v3 =	vld.idx.msk [tilespmem:v3+s28+$0x0], $0xffff  }
0x478: {  	v5 =	vadd.s32 $0x4B1, v5;
	_ =	sdelay $0x2  }
0x479: {  	[tilespmem:s19+$0xC0] =	vst v4  }
0x47a: {  	[tilespmem:s19+$0xD0] =	vst v3  }
0x47b: {  	v3 =	vld.idx.msk [tilespmem:v5+s8+$0x0], $0xffff;
	_ =	sdelay $0x4  }
0x47c: {  	v3 =	vshll.u32 v3, $0x5  }
0x47d: {  	v15 =	vor.u32 v0, v3  }
0x47e: {  	s30 =	sadd.s32 $0xFFFFFFFB, s17;
	v3 =	vor.u32 v2, v3  }
0x47f: {  	v16 =	vmov s30  }
0x480: {  	v5 =	vshrl.u32 v16, $0x3  }
0x481: {  	v5 =	vshll.u32 v5, v1  }
0x482: {  	v5 =	vbroadcast v5, $0x0;
	v4 =	vld.idx.msk [tilespmem:v15+s29+$0x0], $0xffff  }
0x483: {  	v3 =	vld.idx.msk [tilespmem:v3+s29+$0x0], $0xffff  }
0x484: {  	v17 =	vor.u32 $0x2, v5;
	_ =	sdelay $0x2  }
0x485: {  	[tilespmem:s19+$0xE0] =	vst v4  }
0x486: {  	[tilespmem:s19+$0xF0] =	vst v3  }
0x487: {  	v3 =	vld.idx.msk [tilespmem:v17+s8+$0x0], $0xffff;
	_ =	sdelay $0x4  }
0x488: {  	v3 =	vshll.u32 v3, $0x5  }
0x489: {  	v18 =	vor.u32 v0, v3  }
0x48a: {  	v3 =	vor.u32 v2, v3;
	_ =	sdelay $0x3  }
0x48b: {  	v4 =	vld.idx.msk [tilespmem:v18+s3+$0x0], $0xffff  }
0x48c: {  	v3 =	vld.idx.msk [tilespmem:v3+s3+$0x0], $0xffff  }
0x48d: {  	v19 =	vadd.s32 $0x192, v5;
	_ =	sdelay $0x2  }
0x48e: {  	[tilespmem:s19+$0x100] =	vst v4  }
0x48f: {  	[tilespmem:s19+$0x110] =	vst v3  }
0x490: {  	v3 =	vld.idx.msk [tilespmem:v19+s8+$0x0], $0xffff;
	_ =	sdelay $0x4  }
0x491: {  	v3 =	vshll.u32 v3, $0x5  }
0x492: {  	v20 =	vor.u32 v0, v3  }
0x493: {  	v3 =	vor.u32 v2, v3;
	_ =	sdelay $0x3  }
0x494: {  	v4 =	vld.idx.msk [tilespmem:v20+s26+$0x0], $0xffff  }
0x495: {  	v3 =	vld.idx.msk [tilespmem:v3+s26+$0x0], $0xffff  }
0x496: {  	v21 =	vadd.s32 $0x322, v5;
	_ =	sdelay $0x2  }
0x497: {  	[tilespmem:s19+$0x120] =	vst v4  }
0x498: {  	[tilespmem:s19+$0x130] =	vst v3  }
0x499: {  	v3 =	vld.idx.msk [tilespmem:v21+s8+$0x0], $0xffff;
	_ =	sdelay $0x4  }
0x49a: {  	v3 =	vshll.u32 v3, $0x5  }
0x49b: {  	v22 =	vor.u32 v0, v3  }
0x49c: {  	v3 =	vor.u32 v2, v3;
	_ =	sdelay $0x3  }
0x49d: {  	v4 =	vld.idx.msk [tilespmem:v22+s28+$0x0], $0xffff  }
0x49e: {  	v3 =	vld.idx.msk [tilespmem:v3+s28+$0x0], $0xffff  }
0x49f: {  	v5 =	vadd.s32 $0x4B2, v5;
	_ =	sdelay $0x2  }
0x4a0: {  	[tilespmem:s19+$0x140] =	vst v4  }
0x4a1: {  	[tilespmem:s19+$0x150] =	vst v3  }
0x4a2: {  	v3 =	vld.idx.msk [tilespmem:v5+s8+$0x0], $0xffff;
	_ =	sdelay $0x4  }
0x4a3: {  	v3 =	vshll.u32 v3, $0x5  }
0x4a4: {  	v23 =	vor.u32 v0, v3  }
0x4a5: {  	s30 =	sadd.s32 $0xFFFFFFFC, s17;
	v3 =	vor.u32 v2, v3  }
0x4a6: {  	v24 =	vmov s30  }
0x4a7: {  	v5 =	vshrl.u32 v24, $0x3  }
0x4a8: {  	v5 =	vshll.u32 v5, v1  }
0x4a9: {  	v5 =	vbroadcast v5, $0x0;
	v4 =	vld.idx.msk [tilespmem:v23+s29+$0x0], $0xffff  }
0x4aa: {  	v3 =	vld.idx.msk [tilespmem:v3+s29+$0x0], $0xffff  }
0x4ab: {  	v25 =	vor.u32 $0x3, v5;
	_ =	sdelay $0x2  }
0x4ac: {  	[tilespmem:s19+$0x160] =	vst v4  }
0x4ad: {  	[tilespmem:s19+$0x170] =	vst v3  }
0x4ae: {  	v3 =	vld.idx.msk [tilespmem:v25+s8+$0x0], $0xffff;
	_ =	sdelay $0x4  }
0x4af: {  	v3 =	vshll.u32 v3, $0x5  }
0x4b0: {  	v26 =	vor.u32 v0, v3  }
0x4b1: {  	v3 =	vor.u32 v2, v3;
	_ =	sdelay $0x3  }
0x4b2: {  	v4 =	vld.idx.msk [tilespmem:v26+s3+$0x0], $0xffff  }
0x4b3: {  	v3 =	vld.idx.msk [tilespmem:v3+s3+$0x0], $0xffff  }
0x4b4: {  	v27 =	vadd.s32 $0x193, v5;
	_ =	sdelay $0x2  }
0x4b5: {  	[tilespmem:s19+$0x180] =	vst v4  }
0x4b6: {  	[tilespmem:s19+$0x190] =	vst v3  }
0x4b7: {  	v3 =	vld.idx.msk [tilespmem:v27+s8+$0x0], $0xffff;
	_ =	sdelay $0x4  }
0x4b8: {  	v3 =	vshll.u32 v3, $0x5  }
0x4b9: {  	v28 =	vor.u32 v0, v3  }
0x4ba: {  	v3 =	vor.u32 v2, v3;
	_ =	sdelay $0x3  }
0x4bb: {  	v4 =	vld.idx.msk [tilespmem:v28+s26+$0x0], $0xffff  }
0x4bc: {  	v3 =	vld.idx.msk [tilespmem:v3+s26+$0x0], $0xffff  }
0x4bd: {  	v29 =	vadd.s32 $0x323, v5;
	_ =	sdelay $0x2  }
0x4be: {  	[tilespmem:s19+$0x1A0] =	vst v4  }
0x4bf: {  	[tilespmem:s19+$0x1B0] =	vst v3  }
0x4c0: {  	v3 =	vld.idx.msk [tilespmem:v29+s8+$0x0], $0xffff;
	_ =	sdelay $0x4  }
0x4c1: {  	v3 =	vshll.u32 v3, $0x5  }
0x4c2: {  	v30 =	vor.u32 v0, v3  }
0x4c3: {  	v3 =	vor.u32 v2, v3;
	_ =	sdelay $0x3  }
0x4c4: {  	v4 =	vld.idx.msk [tilespmem:v30+s28+$0x0], $0xffff  }
0x4c5: {  	v3 =	vld.idx.msk [tilespmem:v3+s28+$0x0], $0xffff  }
0x4c6: {  	v5 =	vadd.s32 $0x4B3, v5;
	_ =	sdelay $0x2  }
0x4c7: {  	[tilespmem:s19+$0x1C0] =	vst v4  }
0x4c8: {  	[tilespmem:s19+$0x1D0] =	vst v3  }
0x4c9: {  	v3 =	vld.idx.msk [tilespmem:v5+s8+$0x0], $0xffff;
	_ =	sdelay $0x4  }
0x4ca: {  	v3 =	vshll.u32 v3, $0x5  }
0x4cb: {  	v31 =	vor.u32 v0, v3  }
0x4cc: {  	s30 =	sadd.s32 $0xFFFFFFFD, s17;
	v3 =	vor.u32 v2, v3  }
0x4cd: {  	v32 =	vmov s30  }
0x4ce: {  	v5 =	vshrl.u32 v32, $0x3  }
0x4cf: {  	v5 =	vshll.u32 v5, v1  }
0x4d0: {  	v5 =	vbroadcast v5, $0x0;
	v4 =	vld.idx.msk [tilespmem:v31+s29+$0x0], $0xffff  }
0x4d1: {  	v3 =	vld.idx.msk [tilespmem:v3+s29+$0x0], $0xffff  }
0x4d2: {  	v33 =	vor.u32 $0x4, v5;
	_ =	sdelay $0x2  }
0x4d3: {  	[tilespmem:s19+$0x1E0] =	vst v4  }
0x4d4: {  	[tilespmem:s19+$0x1F0] =	vst v3  }
0x4d5: {  	v3 =	vld.idx.msk [tilespmem:v33+s8+$0x0], $0xffff;
	_ =	sdelay $0x4  }
0x4d6: {  	v3 =	vshll.u32 v3, $0x5  }
0x4d7: {  	v34 =	vor.u32 v0, v3  }
0x4d8: {  	v3 =	vor.u32 v2, v3;
	_ =	sdelay $0x3  }
0x4d9: {  	v4 =	vld.idx.msk [tilespmem:v34+s3+$0x0], $0xffff  }
0x4da: {  	v3 =	vld.idx.msk [tilespmem:v3+s3+$0x0], $0xffff  }
0x4db: {  	v35 =	vadd.s32 $0x194, v5;
	_ =	sdelay $0x2  }
0x4dc: {  	[tilespmem:s19+$0x200] =	vst v4  }
0x4dd: {  	[tilespmem:s19+$0x210] =	vst v3  }
0x4de: {  	v3 =	vld.idx.msk [tilespmem:v35+s8+$0x0], $0xffff;
	_ =	sdelay $0x4  }
0x4df: {  	v3 =	vshll.u32 v3, $0x5  }
0x4e0: {  	v36 =	vor.u32 v0, v3  }
0x4e1: {  	v3 =	vor.u32 v2, v3;
	_ =	sdelay $0x3  }
0x4e2: {  	v4 =	vld.idx.msk [tilespmem:v36+s26+$0x0], $0xffff  }
0x4e3: {  	v3 =	vld.idx.msk [tilespmem:v3+s26+$0x0], $0xffff  }
0x4e4: {  	v37 =	vadd.s32 $0x324, v5;
	_ =	sdelay $0x2  }
0x4e5: {  	[tilespmem:s19+$0x220] =	vst v4  }
0x4e6: {  	[tilespmem:s19+$0x230] =	vst v3  }
0x4e7: {  	v3 =	vld.idx.msk [tilespmem:v37+s8+$0x0], $0xffff;
	_ =	sdelay $0x4  }
0x4e8: {  	v3 =	vshll.u32 v3, $0x5  }
0x4e9: {  	v38 =	vor.u32 v0, v3  }
0x4ea: {  	v3 =	vor.u32 v2, v3;
	_ =	sdelay $0x3  }
0x4eb: {  	v4 =	vld.idx.msk [tilespmem:v38+s28+$0x0], $0xffff  }
0x4ec: {  	v3 =	vld.idx.msk [tilespmem:v3+s28+$0x0], $0xffff  }
0x4ed: {  	v5 =	vadd.s32 $0x4B4, v5;
	_ =	sdelay $0x2  }
0x4ee: {  	[tilespmem:s19+$0x240] =	vst v4  }
0x4ef: {  	[tilespmem:s19+$0x250] =	vst v3  }
0x4f0: {  	v3 =	vld.idx.msk [tilespmem:v5+s8+$0x0], $0xffff;
	_ =	sdelay $0x4  }
0x4f1: {  	v3 =	vshll.u32 v3, $0x5  }
0x4f2: {  	v39 =	vor.u32 v0, v3  }
0x4f3: {  	s30 =	sadd.s32 $0xFFFFFFFE, s17;
	v3 =	vor.u32 v2, v3  }
0x4f4: {  	v40 =	vmov s30  }
0x4f5: {  	v5 =	vshrl.u32 v40, $0x3  }
0x4f6: {  	v5 =	vshll.u32 v5, v1  }
0x4f7: {  	v5 =	vbroadcast v5, $0x0;
	v4 =	vld.idx.msk [tilespmem:v39+s29+$0x0], $0xffff  }
0x4f8: {  	v3 =	vld.idx.msk [tilespmem:v3+s29+$0x0], $0xffff  }
0x4f9: {  	v41 =	vor.u32 $0x5, v5;
	_ =	sdelay $0x2  }
0x4fa: {  	[tilespmem:s19+$0x260] =	vst v4  }
0x4fb: {  	[tilespmem:s19+$0x270] =	vst v3  }
0x4fc: {  	v3 =	vld.idx.msk [tilespmem:v41+s8+$0x0], $0xffff;
	_ =	sdelay $0x4  }
0x4fd: {  	v3 =	vshll.u32 v3, $0x5  }
0x4fe: {  	v42 =	vor.u32 v0, v3  }
0x4ff: {  	v3 =	vor.u32 v2, v3;
	_ =	sdelay $0x3  }
0x500: {  	v4 =	vld.idx.msk [tilespmem:v42+s3+$0x0], $0xffff  }
0x501: {  	v3 =	vld.idx.msk [tilespmem:v3+s3+$0x0], $0xffff  }
0x502: {  	v43 =	vadd.s32 $0x195, v5;
	_ =	sdelay $0x2  }
0x503: {  	[tilespmem:s19+$0x280] =	vst v4  }
0x504: {  	[tilespmem:s19+$0x290] =	vst v3  }
0x505: {  	v3 =	vld.idx.msk [tilespmem:v43+s8+$0x0], $0xffff;
	_ =	sdelay $0x4  }
0x506: {  	v3 =	vshll.u32 v3, $0x5  }
0x507: {  	v44 =	vor.u32 v0, v3  }
0x508: {  	v3 =	vor.u32 v2, v3;
	_ =	sdelay $0x3  }
0x509: {  	v4 =	vld.idx.msk [tilespmem:v44+s26+$0x0], $0xffff  }
0x50a: {  	v3 =	vld.idx.msk [tilespmem:v3+s26+$0x0], $0xffff  }
0x50b: {  	v45 =	vadd.s32 $0x325, v5;
	_ =	sdelay $0x2  }
0x50c: {  	[tilespmem:s19+$0x2A0] =	vst v4  }
0x50d: {  	[tilespmem:s19+$0x2B0] =	vst v3  }
0x50e: {  	v3 =	vld.idx.msk [tilespmem:v45+s8+$0x0], $0xffff;
	_ =	sdelay $0x4  }
0x50f: {  	v3 =	vshll.u32 v3, $0x5  }
0x510: {  	v46 =	vor.u32 v0, v3  }
0x511: {  	v3 =	vor.u32 v2, v3;
	_ =	sdelay $0x3  }
0x512: {  	v4 =	vld.idx.msk [tilespmem:v46+s28+$0x0], $0xffff  }
0x513: {  	v3 =	vld.idx.msk [tilespmem:v3+s28+$0x0], $0xffff  }
0x514: {  	v5 =	vadd.s32 $0x4B5, v5;
	_ =	sdelay $0x2  }
0x515: {  	[tilespmem:s19+$0x2C0] =	vst v4  }
0x516: {  	[tilespmem:s19+$0x2D0] =	vst v3  }
0x517: {  	v3 =	vld.idx.msk [tilespmem:v5+s8+$0x0], $0xffff;
	_ =	sdelay $0x4  }
0x518: {  	v3 =	vshll.u32 v3, $0x5  }
0x519: {  	v47 =	vor.u32 v0, v3  }
0x51a: {  	s30 =	sadd.s32 $0xFFFFFFFF, s17;
	v3 =	vor.u32 v2, v3  }
0x51b: {  	v48 =	vmov s30  }
0x51c: {  	v5 =	vshrl.u32 v48, $0x3  }
0x51d: {  	v5 =	vshll.u32 v5, v1  }
0x51e: {  	v5 =	vbroadcast v5, $0x0;
	v4 =	vld.idx.msk [tilespmem:v47+s29+$0x0], $0xffff  }
0x51f: {  	v3 =	vld.idx.msk [tilespmem:v3+s29+$0x0], $0xffff  }
0x520: {  	v49 =	vor.u32 $0x6, v5;
	_ =	sdelay $0x2  }
0x521: {  	[tilespmem:s19+$0x2E0] =	vst v4  }
0x522: {  	[tilespmem:s19+$0x2F0] =	vst v3  }
0x523: {  	v3 =	vld.idx.msk [tilespmem:v49+s8+$0x0], $0xffff;
	_ =	sdelay $0x4  }
0x524: {  	v3 =	vshll.u32 v3, $0x5  }
0x525: {  	v50 =	vor.u32 v0, v3  }
0x526: {  	v3 =	vor.u32 v2, v3;
	_ =	sdelay $0x3  }
0x527: {  	v4 =	vld.idx.msk [tilespmem:v50+s3+$0x0], $0xffff  }
0x528: {  	v3 =	vld.idx.msk [tilespmem:v3+s3+$0x0], $0xffff  }
0x529: {  	v51 =	vadd.s32 $0x196, v5;
	_ =	sdelay $0x2  }
0x52a: {  	[tilespmem:s19+$0x300] =	vst v4  }
0x52b: {  	[tilespmem:s19+$0x310] =	vst v3  }
0x52c: {  	v3 =	vld.idx.msk [tilespmem:v51+s8+$0x0], $0xffff;
	_ =	sdelay $0x4  }
0x52d: {  	v3 =	vshll.u32 v3, $0x5  }
0x52e: {  	v52 =	vor.u32 v0, v3  }
0x52f: {  	v3 =	vor.u32 v2, v3;
	_ =	sdelay $0x3  }
0x530: {  	v4 =	vld.idx.msk [tilespmem:v52+s26+$0x0], $0xffff  }
0x531: {  	v3 =	vld.idx.msk [tilespmem:v3+s26+$0x0], $0xffff  }
0x532: {  	v53 =	vadd.s32 $0x326, v5;
	_ =	sdelay $0x2  }
0x533: {  	[tilespmem:s19+$0x320] =	vst v4  }
0x534: {  	[tilespmem:s19+$0x330] =	vst v3  }
0x535: {  	v3 =	vld.idx.msk [tilespmem:v53+s8+$0x0], $0xffff;
	_ =	sdelay $0x4  }
0x536: {  	v3 =	vshll.u32 v3, $0x5  }
0x537: {  	v54 =	vor.u32 v0, v3  }
0x538: {  	v3 =	vor.u32 v2, v3;
	_ =	sdelay $0x3  }
0x539: {  	v4 =	vld.idx.msk [tilespmem:v54+s28+$0x0], $0xffff  }
0x53a: {  	v3 =	vld.idx.msk [tilespmem:v3+s28+$0x0], $0xffff  }
0x53b: {  	v5 =	vadd.s32 $0x4B6, v5;
	_ =	sdelay $0x2  }
0x53c: {  	[tilespmem:s19+$0x340] =	vst v4  }
0x53d: {  	[tilespmem:s19+$0x350] =	vst v3  }
0x53e: {  	v3 =	vld.idx.msk [tilespmem:v5+s8+$0x0], $0xffff;
	_ =	sdelay $0x4  }
0x53f: {  	v3 =	vshll.u32 v3, $0x5  }
0x540: {  	v55 =	vor.u32 v0, v3  }
0x541: {  	v3 =	vor.u32 v2, v3  }
0x542: {  	v56 =	vmov s17  }
0x543: {  	v5 =	vshrl.u32 v56, $0x3  }
0x544: {  	v5 =	vshll.u32 v5, v1  }
0x545: {  	v5 =	vbroadcast v5, $0x0;
	v4 =	vld.idx.msk [tilespmem:v55+s29+$0x0], $0xffff  }
0x546: {  	v3 =	vld.idx.msk [tilespmem:v3+s29+$0x0], $0xffff  }
0x547: {  	v57 =	vor.u32 $0x7, v5;
	_ =	sdelay $0x2  }
0x548: {  	[tilespmem:s19+$0x360] =	vst v4  }
0x549: {  	[tilespmem:s19+$0x370] =	vst v3  }
0x54a: {  	v3 =	vld.idx.msk [tilespmem:v57+s8+$0x0], $0xffff;
	_ =	sdelay $0x4  }
0x54b: {  	v3 =	vshll.u32 v3, $0x5  }
0x54c: {  	v58 =	vor.u32 v0, v3  }
0x54d: {  	v3 =	vor.u32 v2, v3;
	_ =	sdelay $0x3  }
0x54e: {  	v4 =	vld.idx.msk [tilespmem:v58+s3+$0x0], $0xffff  }
0x54f: {  	v3 =	vld.idx.msk [tilespmem:v3+s3+$0x0], $0xffff  }
0x550: {  	v59 =	vadd.s32 $0x197, v5;
	_ =	sdelay $0x2  }
0x551: {  	[tilespmem:s19+$0x380] =	vst v4  }
0x552: {  	[tilespmem:s19+$0x390] =	vst v3  }
0x553: {  	v3 =	vld.idx.msk [tilespmem:v59+s8+$0x0], $0xffff;
	_ =	sdelay $0x4  }
0x554: {  	v3 =	vshll.u32 v3, $0x5  }
0x555: {  	v60 =	vor.u32 v0, v3  }
0x556: {  	v3 =	vor.u32 v2, v3;
	_ =	sdelay $0x3  }
0x557: {  	v4 =	vld.idx.msk [tilespmem:v60+s26+$0x0], $0xffff  }
0x558: {  	v3 =	vld.idx.msk [tilespmem:v3+s26+$0x0], $0xffff  }
0x559: {  	v61 =	vadd.s32 $0x327, v5;
	_ =	sdelay $0x2  }
0x55a: {  	[tilespmem:s19+$0x3A0] =	vst v4  }
0x55b: {  	[tilespmem:s19+$0x3B0] =	vst v3  }
0x55c: {  	v3 =	vld.idx.msk [tilespmem:v61+s8+$0x0], $0xffff;
	_ =	sdelay $0x4  }
0x55d: {  	v3 =	vshll.u32 v3, $0x5  }
0x55e: {  	v62 =	vor.u32 v0, v3  }
0x55f: {  	v3 =	vor.u32 v2, v3;
	_ =	sdelay $0x3  }
0x560: {  	v4 =	vld.idx.msk [tilespmem:v62+s28+$0x0], $0xffff  }
0x561: {  	v3 =	vld.idx.msk [tilespmem:v3+s28+$0x0], $0xffff  }
0x562: {  	v5 =	vadd.s32 $0x4B7, v5;
	_ =	sdelay $0x2  }
0x563: {  	[tilespmem:s19+$0x3C0] =	vst v4  }
0x564: {  	[tilespmem:s19+$0x3D0] =	vst v3  }
0x565: {  	v3 =	vld.idx.msk [tilespmem:v5+s8+$0x0], $0xffff;
	_ =	sdelay $0x4  }
0x566: {  	v3 =	vshll.u32 v3, $0x5  }
0x567: {  	v63 =	vor.u32 v0, v3  }
0x568: {  	v3 =	vor.u32 v2, v3;
	_ =	sdelay $0x3  }
0x569: {  	v4 =	vld.idx.msk [tilespmem:v63+s29+$0x0], $0xffff  }
0x56a: {  	p0 =	sne.s32 s17, $0x18F;
	v3 =	vld.idx.msk [tilespmem:v3+s29+$0x0], $0xffff  }
.Ltmp3:
0x56b: {  	_ = 	snop;
	(pc) =	sbr.rel @p0 .LBB2_5-.Ltmp3, $3  }
0x56c: {  	_ =	sdelay $0x1  }
0x56d: {  	s25 =	sadd.s32 $0x10, s25;
	[tilespmem:s19+$0x3E0] =	vst v4  }
0x56e: {  	s18 =	sadd.s32 $0x10, s18;
	s17 =	sadd.s32 $0x10, s17;
	[tilespmem:s19+$0x3F0] =	vst v3;
	s19 =	sadd.s32 $0x800, s19  }
.Ltmp4:
0x56f: {  	(pc) =	sbr.rel @p1 .LBB2_8-.Ltmp4, $4  }
0x570: {  	s17 =	sshll.u32 s24, $0x5  }
0x571: {  	s17 =	sand.u32 $0x1FFFFE00, s17  }
0x572: {  	s17 =	sadd.s32 s12, s17  }
0x573: {  	[hbm4b:s17+s10] =	stream.strided.scatter [tilespmem:s16], [sflag:$0x4], $0xC800, s11, s10, $0x38;
	[tilespmem:$0x1E900] =	vst v63  }
0x574: {  	s17 =	sadd.s32 s21, s23  }
0x575: {  	s17 =	sshrl.u32 s17, $0x3  }
0x576: {  	s19 =	simm.s32 $0x4C80;
	s18 =	sadd.s32 s4, s17  }
0x577: {  	[tilespmem:s19], [sflag:$0x2] =	stream.linear.gather [hbm4b:s18+s3], $0x190, $0x38;
	[tilespmem:$0x1E900] =	vst v63  }
0x578: {  	s25 =	sadd.s32 s5, s17  }
0x579: {  	[tilespmem:s31], [sflag:$0x2] =	stream.linear.gather [hbm4b:s25+s3], $0x190, $0x38;
	[tilespmem:$0x1E900] =	vst v63  }
.Ltmp5:
0x57a: {  	_ = 	snop;
	(pc) =	sbr.rel .LBB2_2-.Ltmp5, $4  }
0x57b: {  	s30 =	sadd.s32 s6, s17  }
0x57c: {  	[tilespmem:s0], [sflag:$0x2] =	stream.linear.gather [hbm4b:s30+s3], $0x190, $0x38;
	[tilespmem:$0x1E900] =	vst v63  }
0x57d: {  	s20 =	sadd.s32 $0x1, s20;
	s17 =	sadd.s32 s1, s17  }
0x57e: {  	[tilespmem:s2], [sflag:$0x2] =	stream.linear.gather [hbm4b:s17+s3], $0x190, $0x38;
	[tilespmem:$0x1E900] =	vst v63  }
.LBB2_9:
0x57f: {  	_ =	sfence.sel $0x180000  }
0x580: {  	[bflag:$0x0] =	sbarrier.arrive $0xFFFF  }
0x581: {  	_ =	strace $0x90000047  }
0x582: {  	s0 =	stileid.u32;
	[bflag:$0x2] =	sbarrier.arrive $0xFFFF  }
0x583: {  	p0 =	sne.s32 s0, $0x0;
	s0 =	rddreg [dreg:$0x2]  }
0x584: {  	s0 =	sadd.s32 @!p0 $0x100000, s0  }
0x585: {  	[sflag:s0] =	ssyncadd.tile.s32 @!p0 $0x1;
	_ =	shalt  }
.Lfunc_end2:
_tile_overlayer_lowered:
.L_overlay_start_2:
0x586: {  	(tag) =	ssettag $0x2  }
0x587: {  	s0 =	rddreg [dreg:$0x0];
	s2 =	stileid.u32  }
0x588: {  	s1 =	rddreg [dreg:$0x1];
	p0 =	sne.s32 s2, $0x0  }
0x589: {  	s3 =	rddreg [dreg:$0x2];
	[bflag:$0x3] =	sbarrier.arrive $0xFFFF;
	s2 =	simm.s32 @!p0 $0x1C05  }
0x58a: {  	[timem:s3], [sflag:s2] =	dma.local @!p0 [hbm:s0], s1  }
0x58b: {  	s0 =	simm.s32 @!p0 $0x5  }
0x58c: {  	_ =	swait.ge @!p0 [sflag:s0], s1  }
0x58d: {  	s1 =	ssub.s32 @!p0 $0x0, s1;
	[sflag:s0] =	ssyncset.done @!p0 $0x0  }
0x58e: {  	[sflag:s0] =	ssyncadd.s32 @!p0 s1  }
0x58f: {  	[bflag:$0x3] =	sbarrier.arrive $0xFFFF  }
0x590: {  	_ =	shalt  }

</sc_bundles>
